<compile_context>
chip_gen: v7x
topology: tpu7x:2x2x1
jax: 0.10.2.dev20260603
libtpu: 0.0.44.dev20260713+nightly
codegen_flags: <defaults>
</compile_context>

<pallas_src>
import functools

import jax
import jax.numpy as jnp
from jax import lax
from jax.experimental import pallas as pl
from jax.experimental.pallas import tpu as pltpu
from jax.experimental.pallas import tpu_sc as plsc

B = 4096
S = 50
E = 128
NTAB = 3
NC = 2
NS = 16
NW = NC * NS
BT = B // NW
GROUP = 2
IDXW = GROUP * S
ROUNDS = BT // GROUP
NCH = E // 16
HID = 256
NLAB = 10


NBUF = 6
UNROLL = 2
TOTAL_ROUNDS = NTAB * ROUNDS


def _pool_body(text_r, bi_r, tri_r, w_word, w_bi, w_tri, out_hbm,
               idx_w, idx_bi, idx_tr, bufs, stage, sems, osems):
    wid = lax.axis_index("s") * NC + lax.axis_index("c")
    rbase = wid * ROUNDS
    gbase = wid * BT

    cp_w = pltpu.make_async_copy(text_r.at[pl.ds(rbase, ROUNDS)], idx_w,
                                 osems.at[0])
    cp_b = pltpu.make_async_copy(bi_r.at[pl.ds(rbase, ROUNDS)], idx_bi,
                                 osems.at[1])
    cp_t = pltpu.make_async_copy(tri_r.at[pl.ds(rbase, ROUNDS)], idx_tr,
                                 osems.at[2])
    cp_w.start()
    cp_b.start()
    cp_t.start()
    cp_w.wait()
    cp_b.wait()
    cp_t.wait()

    tables = ((w_word, idx_w), (w_bi, idx_bi), (w_tri, idx_tr))

    def start_round(k_tab, k_row, slot):
        tbl, idx = tables[k_tab]
        pltpu.make_async_copy(
            tbl.at[idx.at[k_row]], bufs.at[slot], sems.at[slot]).start()

    def out_copy(t, j, slot):
        return pltpu.make_async_copy(
            stage.at[pl.ds(slot * GROUP, GROUP)],
            out_hbm.at[pl.ds(gbase + j * GROUP, GROUP), pl.ds(t * E, E)],
            osems.at[slot],
        )

    for p in range(NBUF - 1):
        start_round(p % NTAB, p // NTAB, p)

    def outer(kk, carry):
        for b in range(NBUF):
            k = kk * NBUF + b
            t = b % NTAB
            j = kk * (NBUF // NTAB) + b // NTAB

            nb = (b + NBUF - 1) % NBUF
            nj = kk * (NBUF // NTAB) + (b + NBUF - 1) // NTAB

            @pl.when(k + NBUF - 1 < TOTAL_ROUNDS)
            def _start_next():
                start_round(nb % NTAB, nj, nb)

            pltpu.make_async_copy(
                tables[t][0].at[tables[t][1].at[j]],
                bufs.at[b], sems.at[b]).wait()

            def inner(i, vecs, b=b):
                new = []
                for q in range(GROUP):
                    for c in range(NCH):
                        v = vecs[q * NCH + c]
                        for u in range(UNROLL):
                            v = v + bufs[b, q * S + UNROLL * i + u,
                                         pl.ds(c * 16, 16)]
                        new.append(v)
                return tuple(new)

            vecs = lax.fori_loop(
                0, S // UNROLL, inner,
                tuple(jnp.zeros((16,), jnp.float32)
                      for _ in range(GROUP * NCH)),
            )

            @pl.when(k >= NBUF)
            def _wait_out():
                out_copy(t, j - NBUF // NTAB, b).wait()

            for q in range(GROUP):
                for c in range(NCH):
                    stage[b * GROUP + q, pl.ds(c * 16, 16)] = (
                        vecs[q * NCH + c] * (1.0 / S))
            out_copy(t, j, b).start()
        return carry

    lax.fori_loop(0, TOTAL_ROUNDS // NBUF, outer, 0)

    for b in range(NBUF):
        out_copy(b % NTAB, ROUNDS - NBUF // NTAB + b // NTAB, b).wait()


_pool = functools.partial(
    pl.kernel,
    mesh=plsc.VectorSubcoreMesh(core_axis_name="c", subcore_axis_name="s"),
    out_type=jax.ShapeDtypeStruct((B, NTAB * E), jnp.float32),
    scratch_types=[
        pltpu.VMEM((ROUNDS, IDXW), jnp.int32),
        pltpu.VMEM((ROUNDS, IDXW), jnp.int32),
        pltpu.VMEM((ROUNDS, IDXW), jnp.int32),
        pltpu.VMEM((NBUF, IDXW, E), jnp.float32),
        pltpu.VMEM((NBUF * GROUP, E), jnp.float32),
        pltpu.SemaphoreType.DMA((NBUF,)),
        pltpu.SemaphoreType.DMA((NBUF,)),
    ],
)(_pool_body)


def _mlp_body(x_ref, w1_ref, b1_ref, w2_ref, b2_ref, out_ref, prob_ref):
    x = x_ref[...]
    tdot = functools.partial(
        lax.dot_general,
        dimension_numbers=(((1,), (1,)), ((), ())),
        preferred_element_type=jnp.float32,
    )
    h = jnp.maximum(tdot(x, w1_ref[...]) + b1_ref[...][None, :], 0.0)
    logits = tdot(h, w2_ref[...]) + b2_ref[...][None, :]
    out_ref[...] = logits
    m = jnp.max(logits, axis=-1, keepdims=True)
    e = jnp.exp(logits - m)
    prob_ref[...] = e / jnp.sum(e, axis=-1, keepdims=True)


_mlp = pl.pallas_call(
    _mlp_body,
    out_shape=(
        jax.ShapeDtypeStruct((B, NLAB), jnp.float32),
        jax.ShapeDtypeStruct((B, NLAB), jnp.float32),
    ),
)


def kernel(text, bigram, trigram, W_word, W_bi, W_tri, fc1_w, fc1_b, fc2_w, fc2_b):
    text2 = text.astype(jnp.int32).reshape(-1, IDXW)
    bi2 = bigram.astype(jnp.int32).reshape(-1, IDXW)
    tri2 = trigram.astype(jnp.int32).reshape(-1, IDXW)
    pooled = _pool(text2, bi2, tri2, W_word, W_bi, W_tri)
    out, prob = _mlp(pooled, fc1_w, fc1_b, fc2_w, fc2_b)
    return (out, prob)

# --- scband reference (transcript-rebuilt; emitter-appended) ---
"""Pipeline reference for scband-fast-text-50474455662842 (READ-ONLY COPY).

The authoritative reference and input builder live on the scoring server;
editing this copy changes nothing except your own understanding.
"""

import jax, jax.numpy as jnp
import numpy as np

VOCAB = 100000
NGRAM = 100000
EMBED = 128
HIDDEN = 256
LABELS = 10
BATCH = 4096
SEQ = 50


def setup_inputs(seed: int = 0) -> dict:
    key = jax.random.key(seed)
    ks = jax.random.split(key, 12)
    text = jax.random.randint(ks[0], (BATCH, SEQ), 0, VOCAB, dtype=jnp.int64 if jax.config.jax_enable_x64 else jnp.int32)
    bigram = jax.random.randint(ks[1], (BATCH, SEQ), 0, NGRAM, dtype=text.dtype)
    trigram = jax.random.randint(ks[2], (BATCH, SEQ), 0, NGRAM, dtype=text.dtype)
    W_word = jax.random.normal(ks[3], (VOCAB, EMBED), dtype=jnp.float32) * 0.02
    W_bi = jax.random.normal(ks[4], (NGRAM, EMBED), dtype=jnp.float32) * 0.02
    W_tri = jax.random.normal(ks[5], (NGRAM, EMBED), dtype=jnp.float32) * 0.02
    fc1_w = jax.random.normal(ks[6], (HIDDEN, EMBED * 3), dtype=jnp.float32) * (1.0 / np.sqrt(EMBED * 3))
    fc1_b = jnp.zeros((HIDDEN,), dtype=jnp.float32)
    fc2_w = jax.random.normal(ks[7], (LABELS, HIDDEN), dtype=jnp.float32) * (1.0 / np.sqrt(HIDDEN))
    fc2_b = jnp.zeros((LABELS,), dtype=jnp.float32)
    return {
        "text": text, "bigram": bigram, "trigram": trigram,
        "W_word": W_word, "W_bi": W_bi, "W_tri": W_tri,
        "fc1_w": fc1_w, "fc1_b": fc1_b, "fc2_w": fc2_w, "fc2_b": fc2_b,
    }


def reference(text, bigram, trigram, W_word, W_bi, W_tri, fc1_w, fc1_b, fc2_w, fc2_b):
    # Embedding lookups (gather)
    out_word = jnp.take(W_word, text, axis=0)      # [B, S, E]
    out_bigram = jnp.take(W_bi, bigram, axis=0)    # [B, S, E]
    out_trigram = jnp.take(W_tri, trigram, axis=0) # [B, S, E]
    out = jnp.concatenate((out_word, out_bigram, out_trigram), axis=-1)  # [B, S, 3E]
    out = out.mean(axis=1)                         # [B, 3E]
    # Dropout is identity in eval mode
    out = out @ fc1_w.T + fc1_b                    # [B, H]
    out = jax.nn.relu(out)
    out = out @ fc2_w.T + fc2_b                    # [B, L]
    prob = jax.nn.softmax(out, axis=-1)
    return (out, prob)

if __name__ == "__main__":
    import jax
    _d = setup_inputs()
    print(jax.jit(kernel)(*tuple(_d.values())))

</pallas_src>

<mosaic_0001>
#map = affine_map<(d0, d1) -> (0, 0)>
module attributes {stable_mosaic.version = 14 : i64} {
  func.func @_pool_body(%arg0: i32, %arg1: i32, %arg2: memref<2048x100xi32, #tpu.memory_space<hbm>>, %arg3: memref<2048x100xi32, #tpu.memory_space<hbm>>, %arg4: memref<2048x100xi32, #tpu.memory_space<hbm>>, %arg5: memref<100000x128xf32, #tpu.memory_space<hbm>>, %arg6: memref<100000x128xf32, #tpu.memory_space<hbm>>, %arg7: memref<100000x128xf32, #tpu.memory_space<hbm>>, %arg8: memref<4096x384xf32, #tpu.memory_space<hbm>>, %arg9: memref<64x100xi32, #tpu.memory_space<vmem>>, %arg10: memref<64x100xi32, #tpu.memory_space<vmem>>, %arg11: memref<64x100xi32, #tpu.memory_space<vmem>>, %arg12: memref<6x100x128xf32, #tpu.memory_space<vmem>>, %arg13: memref<12x128xf32, #tpu.memory_space<vmem>>, %arg14: memref<6x!tpu.dma_semaphore, #tpu.memory_space<semaphore_mem>>, %arg15: memref<6x!tpu.dma_semaphore, #tpu.memory_space<semaphore_mem>>) attributes {dimension_semantics = [#tpu.dimension_semantics<core_parallel>, #tpu.dimension_semantics<subcore_parallel>], iteration_bounds = array<i64: 2, 16>, scalar_prefetch = 0 : i64, scratch_operands = 7 : i64, tpu.core_type = #tpu.core_type<sc_vector_subcore>, window_params = [{transform_indices = #map}, {transform_indices = #map}, {transform_indices = #map}, {transform_indices = #map}, {transform_indices = #map}, {transform_indices = #map}, {transform_indices = #map}]} {
    %mul3A = arith.constant 2 : i32
    %mul3A_0 = arith.muli %arg1, %mul3A : i32
    %add3A = arith.addi %mul3A_0, %arg0 : i32
    %mul3A_1 = arith.constant 64 : i32
    %mul3A_2 = arith.muli %add3A, %mul3A_1 : i32
    %mul3A_3 = arith.constant 128 : i32
    %mul3A_4 = arith.muli %add3A, %mul3A_3 : i32
    %dma_start3A = arith.constant 0 : i32
    %dma_start3A_5 = arith.constant 0 : i32
    %dma_start3A_6 = tpu.memref_slice %arg2[%mul3A_2, %dma_start3A_5] : memref<2048x100xi32, #tpu.memory_space<hbm>> -> memref<64x100xi32, #tpu.memory_space<hbm>>
    %dma_start3A_7 = tpu.memref_slice %arg15[%dma_start3A] : memref<6x!tpu.dma_semaphore, #tpu.memory_space<semaphore_mem>> -> memref<1x!tpu.dma_semaphore, #tpu.memory_space<semaphore_mem>>
    %dma_start3A_8 = tpu.memref_squeeze %dma_start3A_7 : memref<1x!tpu.dma_semaphore, #tpu.memory_space<semaphore_mem>> -> memref<!tpu.dma_semaphore, #tpu.memory_space<semaphore_mem>>
    %dma_start3A_9 = arith.constant 0 : i32
    %dma_start3A_10 = tpu.memref_slice %arg2[%mul3A_2, %dma_start3A_9] : memref<2048x100xi32, #tpu.memory_space<hbm>> -> memref<64x100xi32, #tpu.memory_space<hbm>>
    tpu.enqueue_dma source(%dma_start3A_10 : memref<64x100xi32, #tpu.memory_space<hbm>>) target(%arg9 : memref<64x100xi32, #tpu.memory_space<vmem>>) target_semaphore(%dma_start3A_8 : memref<!tpu.dma_semaphore, #tpu.memory_space<semaphore_mem>>)
    %dma_start3A_11 = arith.constant 1 : i32
    %dma_start3A_12 = arith.constant 0 : i32
    %dma_start3A_13 = tpu.memref_slice %arg3[%mul3A_2, %dma_start3A_12] : memref<2048x100xi32, #tpu.memory_space<hbm>> -> memref<64x100xi32, #tpu.memory_space<hbm>>
    %dma_start3A_14 = tpu.memref_slice %arg15[%dma_start3A_11] : memref<6x!tpu.dma_semaphore, #tpu.memory_space<semaphore_mem>> -> memref<1x!tpu.dma_semaphore, #tpu.memory_space<semaphore_mem>>
    %dma_start3A_15 = tpu.memref_squeeze %dma_start3A_14 : memref<1x!tpu.dma_semaphore, #tpu.memory_space<semaphore_mem>> -> memref<!tpu.dma_semaphore, #tpu.memory_space<semaphore_mem>>
    %dma_start3A_16 = arith.constant 0 : i32
    %dma_start3A_17 = tpu.memref_slice %arg3[%mul3A_2, %dma_start3A_16] : memref<2048x100xi32, #tpu.memory_space<hbm>> -> memref<64x100xi32, #tpu.memory_space<hbm>>
    tpu.enqueue_dma source(%dma_start3A_17 : memref<64x100xi32, #tpu.memory_space<hbm>>) target(%arg10 : memref<64x100xi32, #tpu.memory_space<vmem>>) target_semaphore(%dma_start3A_15 : memref<!tpu.dma_semaphore, #tpu.memory_space<semaphore_mem>>)
    %dma_start3A_18 = arith.constant 2 : i32
    %dma_start3A_19 = arith.constant 0 : i32
    %dma_start3A_20 = tpu.memref_slice %arg4[%mul3A_2, %dma_start3A_19] : memref<2048x100xi32, #tpu.memory_space<hbm>> -> memref<64x100xi32, #tpu.memory_space<hbm>>
    %dma_start3A_21 = tpu.memref_slice %arg15[%dma_start3A_18] : memref<6x!tpu.dma_semaphore, #tpu.memory_space<semaphore_mem>> -> memref<1x!tpu.dma_semaphore, #tpu.memory_space<semaphore_mem>>
    %dma_start3A_22 = tpu.memref_squeeze %dma_start3A_21 : memref<1x!tpu.dma_semaphore, #tpu.memory_space<semaphore_mem>> -> memref<!tpu.dma_semaphore, #tpu.memory_space<semaphore_mem>>
    %dma_start3A_23 = arith.constant 0 : i32
    %dma_start3A_24 = tpu.memref_slice %arg4[%mul3A_2, %dma_start3A_23] : memref<2048x100xi32, #tpu.memory_space<hbm>> -> memref<64x100xi32, #tpu.memory_space<hbm>>
    tpu.enqueue_dma source(%dma_start3A_24 : memref<64x100xi32, #tpu.memory_space<hbm>>) target(%arg11 : memref<64x100xi32, #tpu.memory_space<vmem>>) target_semaphore(%dma_start3A_22 : memref<!tpu.dma_semaphore, #tpu.memory_space<semaphore_mem>>)
    %dma_wait3A = arith.constant 0 : i32
    %dma_wait3A_25 = arith.constant 0 : i32
    %dma_wait3A_26 = tpu.memref_slice %arg2[%mul3A_2, %dma_wait3A_25] : memref<2048x100xi32, #tpu.memory_space<hbm>> -> memref<64x100xi32, #tpu.memory_space<hbm>>
    %dma_wait3A_27 = tpu.memref_slice %arg15[%dma_wait3A] : memref<6x!tpu.dma_semaphore, #tpu.memory_space<semaphore_mem>> -> memref<1x!tpu.dma_semaphore, #tpu.memory_space<semaphore_mem>>
    %dma_wait3A_28 = tpu.memref_squeeze %dma_wait3A_27 : memref<1x!tpu.dma_semaphore, #tpu.memory_space<semaphore_mem>> -> memref<!tpu.dma_semaphore, #tpu.memory_space<semaphore_mem>>
    %dma_wait3A_29 = arith.constant 0 : i32
    %dma_wait3A_30 = tpu.memref_slice %arg2[%mul3A_2, %dma_wait3A_29] : memref<2048x100xi32, #tpu.memory_space<hbm>> -> memref<64x100xi32, #tpu.memory_space<hbm>>
    tpu.wait_dma2 semaphore(%dma_wait3A_28 : memref<!tpu.dma_semaphore, #tpu.memory_space<semaphore_mem>>) src(%dma_wait3A_30 : memref<64x100xi32, #tpu.memory_space<hbm>>) dst(%arg9 : memref<64x100xi32, #tpu.memory_space<vmem>>)
    %dma_wait3A_31 = arith.constant 1 : i32
    %dma_wait3A_32 = arith.constant 0 : i32
    %dma_wait3A_33 = tpu.memref_slice %arg3[%mul3A_2, %dma_wait3A_32] : memref<2048x100xi32, #tpu.memory_space<hbm>> -> memref<64x100xi32, #tpu.memory_space<hbm>>
    %dma_wait3A_34 = tpu.memref_slice %arg15[%dma_wait3A_31] : memref<6x!tpu.dma_semaphore, #tpu.memory_space<semaphore_mem>> -> memref<1x!tpu.dma_semaphore, #tpu.memory_space<semaphore_mem>>
    %dma_wait3A_35 = tpu.memref_squeeze %dma_wait3A_34 : memref<1x!tpu.dma_semaphore, #tpu.memory_space<semaphore_mem>> -> memref<!tpu.dma_semaphore, #tpu.memory_space<semaphore_mem>>
    %dma_wait3A_36 = arith.constant 0 : i32
    %dma_wait3A_37 = tpu.memref_slice %arg3[%mul3A_2, %dma_wait3A_36] : memref<2048x100xi32, #tpu.memory_space<hbm>> -> memref<64x100xi32, #tpu.memory_space<hbm>>
    tpu.wait_dma2 semaphore(%dma_wait3A_35 : memref<!tpu.dma_semaphore, #tpu.memory_space<semaphore_mem>>) src(%dma_wait3A_37 : memref<64x100xi32, #tpu.memory_space<hbm>>) dst(%arg10 : memref<64x100xi32, #tpu.memory_space<vmem>>)
    %dma_wait3A_38 = arith.constant 2 : i32
    %dma_wait3A_39 = arith.constant 0 : i32
    %dma_wait3A_40 = tpu.memref_slice %arg4[%mul3A_2, %dma_wait3A_39] : memref<2048x100xi32, #tpu.memory_space<hbm>> -> memref<64x100xi32, #tpu.memory_space<hbm>>
    %dma_wait3A_41 = tpu.memref_slice %arg15[%dma_wait3A_38] : memref<6x!tpu.dma_semaphore, #tpu.memory_space<semaphore_mem>> -> memref<1x!tpu.dma_semaphore, #tpu.memory_space<semaphore_mem>>
    %dma_wait3A_42 = tpu.memref_squeeze %dma_wait3A_41 : memref<1x!tpu.dma_semaphore, #tpu.memory_space<semaphore_mem>> -> memref<!tpu.dma_semaphore, #tpu.memory_space<semaphore_mem>>
    %dma_wait3A_43 = arith.constant 0 : i32
    %dma_wait3A_44 = tpu.memref_slice %arg4[%mul3A_2, %dma_wait3A_43] : memref<2048x100xi32, #tpu.memory_space<hbm>> -> memref<64x100xi32, #tpu.memory_space<hbm>>
    tpu.wait_dma2 semaphore(%dma_wait3A_42 : memref<!tpu.dma_semaphore, #tpu.memory_space<semaphore_mem>>) src(%dma_wait3A_44 : memref<64x100xi32, #tpu.memory_space<hbm>>) dst(%arg11 : memref<64x100xi32, #tpu.memory_space<vmem>>)
    %dma_start3A_45 = arith.constant 0 : i32
    %dma_start3A_46 = arith.constant 0 : i32
    %dma_start3A_47 = arith.constant 0 : i32
    %dma_start3A_48 = arith.constant 0 : i32
    %dma_start3A_49 = arith.constant 0 : i32
    %dma_start3A_50 = tpu.memref_slice %arg12[%dma_start3A_46, %dma_start3A_48, %dma_start3A_49] : memref<6x100x128xf32, #tpu.memory_space<vmem>> -> memref<1x100x128xf32, #tpu.memory_space<vmem>>
    %dma_start3A_51 = tpu.memref_squeeze %dma_start3A_50 : memref<1x100x128xf32, #tpu.memory_space<vmem>> -> memref<100x128xf32, #tpu.memory_space<vmem>>
    %dma_start3A_52 = arith.constant 0 : i32
    %dma_start3A_53 = tpu.memref_slice %arg9[%dma_start3A_45, %dma_start3A_52] : memref<64x100xi32, #tpu.memory_space<vmem>> -> memref<1x100xi32, #tpu.memory_space<vmem>>
    %dma_start3A_54 = tpu.memref_squeeze %dma_start3A_53 : memref<1x100xi32, #tpu.memory_space<vmem>> -> memref<100xi32, #tpu.memory_space<vmem>>
    %dma_start3A_55 = arith.constant 0 : i32
    %dma_start3A_56 = arith.constant 0 : i32
    %dma_start3A_57 = tpu.memref_slice %arg5[%dma_start3A_55, %dma_start3A_56] : memref<100000x128xf32, #tpu.memory_space<hbm>> -> memref<100000x128xf32, #tpu.memory_space<hbm>>
    %dma_start3A_58 = tpu.memref_slice %arg14[%dma_start3A_47] : memref<6x!tpu.dma_semaphore, #tpu.memory_space<semaphore_mem>> -> memref<1x!tpu.dma_semaphore, #tpu.memory_space<semaphore_mem>>
    %dma_start3A_59 = tpu.memref_squeeze %dma_start3A_58 : memref<1x!tpu.dma_semaphore, #tpu.memory_space<semaphore_mem>> -> memref<!tpu.dma_semaphore, #tpu.memory_space<semaphore_mem>>
    tpu.enqueue_indirect_dma source(%dma_start3A_57 : memref<100000x128xf32, #tpu.memory_space<hbm>>) target(%dma_start3A_51 : memref<100x128xf32, #tpu.memory_space<vmem>>) offsets(%dma_start3A_54 : memref<100xi32, #tpu.memory_space<vmem>>) semaphore(%dma_start3A_59 : memref<!tpu.dma_semaphore, #tpu.memory_space<semaphore_mem>>)
    %dma_start3A_60 = arith.constant 0 : i32
    %dma_start3A_61 = arith.constant 1 : i32
    %dma_start3A_62 = arith.constant 1 : i32
    %dma_start3A_63 = arith.constant 0 : i32
    %dma_start3A_64 = arith.constant 0 : i32
    %dma_start3A_65 = tpu.memref_slice %arg12[%dma_start3A_61, %dma_start3A_63, %dma_start3A_64] : memref<6x100x128xf32, #tpu.memory_space<vmem>> -> memref<1x100x128xf32, #tpu.memory_space<vmem>>
    %dma_start3A_66 = tpu.memref_squeeze %dma_start3A_65 : memref<1x100x128xf32, #tpu.memory_space<vmem>> -> memref<100x128xf32, #tpu.memory_space<vmem>>
    %dma_start3A_67 = arith.constant 0 : i32
    %dma_start3A_68 = tpu.memref_slice %arg10[%dma_start3A_60, %dma_start3A_67] : memref<64x100xi32, #tpu.memory_space<vmem>> -> memref<1x100xi32, #tpu.memory_space<vmem>>
    %dma_start3A_69 = tpu.memref_squeeze %dma_start3A_68 : memref<1x100xi32, #tpu.memory_space<vmem>> -> memref<100xi32, #tpu.memory_space<vmem>>
    %dma_start3A_70 = arith.constant 0 : i32
    %dma_start3A_71 = arith.constant 0 : i32
    %dma_start3A_72 = tpu.memref_slice %arg6[%dma_start3A_70, %dma_start3A_71] : memref<100000x128xf32, #tpu.memory_space<hbm>> -> memref<100000x128xf32, #tpu.memory_space<hbm>>
    %dma_start3A_73 = tpu.memref_slice %arg14[%dma_start3A_62] : memref<6x!tpu.dma_semaphore, #tpu.memory_space<semaphore_mem>> -> memref<1x!tpu.dma_semaphore, #tpu.memory_space<semaphore_mem>>
    %dma_start3A_74 = tpu.memref_squeeze %dma_start3A_73 : memref<1x!tpu.dma_semaphore, #tpu.memory_space<semaphore_mem>> -> memref<!tpu.dma_semaphore, #tpu.memory_space<semaphore_mem>>
    tpu.enqueue_indirect_dma source(%dma_start3A_72 : memref<100000x128xf32, #tpu.memory_space<hbm>>) target(%dma_start3A_66 : memref<100x128xf32, #tpu.memory_space<vmem>>) offsets(%dma_start3A_69 : memref<100xi32, #tpu.memory_space<vmem>>) semaphore(%dma_start3A_74 : memref<!tpu.dma_semaphore, #tpu.memory_space<semaphore_mem>>)
    %dma_start3A_75 = arith.constant 0 : i32
    %dma_start3A_76 = arith.constant 2 : i32
    %dma_start3A_77 = arith.constant 2 : i32
    %dma_start3A_78 = arith.constant 0 : i32
    %dma_start3A_79 = arith.constant 0 : i32
    %dma_start3A_80 = tpu.memref_slice %arg12[%dma_start3A_76, %dma_start3A_78, %dma_start3A_79] : memref<6x100x128xf32, #tpu.memory_space<vmem>> -> memref<1x100x128xf32, #tpu.memory_space<vmem>>
    %dma_start3A_81 = tpu.memref_squeeze %dma_start3A_80 : memref<1x100x128xf32, #tpu.memory_space<vmem>> -> memref<100x128xf32, #tpu.memory_space<vmem>>
    %dma_start3A_82 = arith.constant 0 : i32
    %dma_start3A_83 = tpu.memref_slice %arg11[%dma_start3A_75, %dma_start3A_82] : memref<64x100xi32, #tpu.memory_space<vmem>> -> memref<1x100xi32, #tpu.memory_space<vmem>>
    %dma_start3A_84 = tpu.memref_squeeze %dma_start3A_83 : memref<1x100xi32, #tpu.memory_space<vmem>> -> memref<100xi32, #tpu.memory_space<vmem>>
    %dma_start3A_85 = arith.constant 0 : i32
    %dma_start3A_86 = arith.constant 0 : i32
    %dma_start3A_87 = tpu.memref_slice %arg7[%dma_start3A_85, %dma_start3A_86] : memref<100000x128xf32, #tpu.memory_space<hbm>> -> memref<100000x128xf32, #tpu.memory_space<hbm>>
    %dma_start3A_88 = tpu.memref_slice %arg14[%dma_start3A_77] : memref<6x!tpu.dma_semaphore, #tpu.memory_space<semaphore_mem>> -> memref<1x!tpu.dma_semaphore, #tpu.memory_space<semaphore_mem>>
    %dma_start3A_89 = tpu.memref_squeeze %dma_start3A_88 : memref<1x!tpu.dma_semaphore, #tpu.memory_space<semaphore_mem>> -> memref<!tpu.dma_semaphore, #tpu.memory_space<semaphore_mem>>
    tpu.enqueue_indirect_dma source(%dma_start3A_87 : memref<100000x128xf32, #tpu.memory_space<hbm>>) target(%dma_start3A_81 : memref<100x128xf32, #tpu.memory_space<vmem>>) offsets(%dma_start3A_84 : memref<100xi32, #tpu.memory_space<vmem>>) semaphore(%dma_start3A_89 : memref<!tpu.dma_semaphore, #tpu.memory_space<semaphore_mem>>)
    %dma_start3A_90 = arith.constant 1 : i32
    %dma_start3A_91 = arith.constant 3 : i32
    %dma_start3A_92 = arith.constant 3 : i32
    %dma_start3A_93 = arith.constant 0 : i32
    %dma_start3A_94 = arith.constant 0 : i32
    %dma_start3A_95 = tpu.memref_slice %arg12[%dma_start3A_91, %dma_start3A_93, %dma_start3A_94] : memref<6x100x128xf32, #tpu.memory_space<vmem>> -> memref<1x100x128xf32, #tpu.memory_space<vmem>>
    %dma_start3A_96 = tpu.memref_squeeze %dma_start3A_95 : memref<1x100x128xf32, #tpu.memory_space<vmem>> -> memref<100x128xf32, #tpu.memory_space<vmem>>
    %dma_start3A_97 = arith.constant 0 : i32
    %dma_start3A_98 = tpu.memref_slice %arg9[%dma_start3A_90, %dma_start3A_97] : memref<64x100xi32, #tpu.memory_space<vmem>> -> memref<1x100xi32, #tpu.memory_space<vmem>>
    %dma_start3A_99 = tpu.memref_squeeze %dma_start3A_98 : memref<1x100xi32, #tpu.memory_space<vmem>> -> memref<100xi32, #tpu.memory_space<vmem>>
    %dma_start3A_100 = arith.constant 0 : i32
    %dma_start3A_101 = arith.constant 0 : i32
    %dma_start3A_102 = tpu.memref_slice %arg5[%dma_start3A_100, %dma_start3A_101] : memref<100000x128xf32, #tpu.memory_space<hbm>> -> memref<100000x128xf32, #tpu.memory_space<hbm>>
    %dma_start3A_103 = tpu.memref_slice %arg14[%dma_start3A_92] : memref<6x!tpu.dma_semaphore, #tpu.memory_space<semaphore_mem>> -> memref<1x!tpu.dma_semaphore, #tpu.memory_space<semaphore_mem>>
    %dma_start3A_104 = tpu.memref_squeeze %dma_start3A_103 : memref<1x!tpu.dma_semaphore, #tpu.memory_space<semaphore_mem>> -> memref<!tpu.dma_semaphore, #tpu.memory_space<semaphore_mem>>
    tpu.enqueue_indirect_dma source(%dma_start3A_102 : memref<100000x128xf32, #tpu.memory_space<hbm>>) target(%dma_start3A_96 : memref<100x128xf32, #tpu.memory_space<vmem>>) offsets(%dma_start3A_99 : memref<100xi32, #tpu.memory_space<vmem>>) semaphore(%dma_start3A_104 : memref<!tpu.dma_semaphore, #tpu.memory_space<semaphore_mem>>)
    %dma_start3A_105 = arith.constant 1 : i32
    %dma_start3A_106 = arith.constant 4 : i32
    %dma_start3A_107 = arith.constant 4 : i32
    %dma_start3A_108 = arith.constant 0 : i32
    %dma_start3A_109 = arith.constant 0 : i32
    %dma_start3A_110 = tpu.memref_slice %arg12[%dma_start3A_106, %dma_start3A_108, %dma_start3A_109] : memref<6x100x128xf32, #tpu.memory_space<vmem>> -> memref<1x100x128xf32, #tpu.memory_space<vmem>>
    %dma_start3A_111 = tpu.memref_squeeze %dma_start3A_110 : memref<1x100x128xf32, #tpu.memory_space<vmem>> -> memref<100x128xf32, #tpu.memory_space<vmem>>
    %dma_start3A_112 = arith.constant 0 : i32
    %dma_start3A_113 = tpu.memref_slice %arg10[%dma_start3A_105, %dma_start3A_112] : memref<64x100xi32, #tpu.memory_space<vmem>> -> memref<1x100xi32, #tpu.memory_space<vmem>>
    %dma_start3A_114 = tpu.memref_squeeze %dma_start3A_113 : memref<1x100xi32, #tpu.memory_space<vmem>> -> memref<100xi32, #tpu.memory_space<vmem>>
    %dma_start3A_115 = arith.constant 0 : i32
    %dma_start3A_116 = arith.constant 0 : i32
    %dma_start3A_117 = tpu.memref_slice %arg6[%dma_start3A_115, %dma_start3A_116] : memref<100000x128xf32, #tpu.memory_space<hbm>> -> memref<100000x128xf32, #tpu.memory_space<hbm>>
    %dma_start3A_118 = tpu.memref_slice %arg14[%dma_start3A_107] : memref<6x!tpu.dma_semaphore, #tpu.memory_space<semaphore_mem>> -> memref<1x!tpu.dma_semaphore, #tpu.memory_space<semaphore_mem>>
    %dma_start3A_119 = tpu.memref_squeeze %dma_start3A_118 : memref<1x!tpu.dma_semaphore, #tpu.memory_space<semaphore_mem>> -> memref<!tpu.dma_semaphore, #tpu.memory_space<semaphore_mem>>
    tpu.enqueue_indirect_dma source(%dma_start3A_117 : memref<100000x128xf32, #tpu.memory_space<hbm>>) target(%dma_start3A_111 : memref<100x128xf32, #tpu.memory_space<vmem>>) offsets(%dma_start3A_114 : memref<100xi32, #tpu.memory_space<vmem>>) semaphore(%dma_start3A_119 : memref<!tpu.dma_semaphore, #tpu.memory_space<semaphore_mem>>)
    %scan3A = arith.constant 0 : i32
    %scan3A_120 = arith.constant 0 : i32
    %scan3A_121 = arith.constant 32 : i32
    %scan3A_122 = arith.addi %scan3A_120, %scan3A_121 : i32
    %scan3A_123 = arith.constant 1 : i32
    scf.for %scan3A_215 = %scan3A_120 to %scan3A_122 step %scan3A_123  : i32 {
      %mul3A_216 = arith.constant 6 : i32
      %mul3A_217 = arith.muli %scan3A_215, %mul3A_216 : i32
      %add3A_218 = arith.constant 0 : i32
      %add3A_219 = arith.addi %mul3A_217, %add3A_218 : i32
      %mul3A_220 = arith.constant 2 : i32
      %mul3A_221 = arith.muli %scan3A_215, %mul3A_220 : i32
      %add3A_222 = arith.constant 0 : i32
      %add3A_223 = arith.addi %mul3A_221, %add3A_222 : i32
      %mul3A_224 = arith.constant 2 : i32
      %mul3A_225 = arith.muli %scan3A_215, %mul3A_224 : i32
      %add3A_226 = arith.constant 1 : i32
      %add3A_227 = arith.addi %mul3A_225, %add3A_226 : i32
      %add3A_228 = arith.constant 6 : i32
      %add3A_229 = arith.addi %add3A_219, %add3A_228 : i32
      %sub3A = arith.constant 1 : i32
      %sub3A_230 = arith.subi %add3A_229, %sub3A : i32
      %lt3A = arith.constant 192 : i32
      %lt3A_231 = arith.cmpi slt, %sub3A_230, %lt3A : i32
      %convert_element_type3A = arith.extui %lt3A_231 : i1 to i32
      %cond3A = arith.constant 0 : i32
      %cond3A_232 = arith.cmpi ne, %convert_element_type3A, %cond3A : i32
      scf.if %cond3A_232 {
        %dma_start3A_1637 = arith.constant 5 : i32
        %dma_start3A_1638 = arith.constant 5 : i32
        %dma_start3A_1639 = arith.constant 0 : i32
        %dma_start3A_1640 = arith.constant 0 : i32
        %dma_start3A_1641 = tpu.memref_slice %arg12[%dma_start3A_1637, %dma_start3A_1639, %dma_start3A_1640] : memref<6x100x128xf32, #tpu.memory_space<vmem>> -> memref<1x100x128xf32, #tpu.memory_space<vmem>>
        %dma_start3A_1642 = tpu.memref_squeeze %dma_start3A_1641 : memref<1x100x128xf32, #tpu.memory_space<vmem>> -> memref<100x128xf32, #tpu.memory_space<vmem>>
        %dma_start3A_1643 = arith.constant 0 : i32
        %dma_start3A_1644 = tpu.memref_slice %arg11[%add3A_227, %dma_start3A_1643] : memref<64x100xi32, #tpu.memory_space<vmem>> -> memref<1x100xi32, #tpu.memory_space<vmem>>
        %dma_start3A_1645 = tpu.memref_squeeze %dma_start3A_1644 : memref<1x100xi32, #tpu.memory_space<vmem>> -> memref<100xi32, #tpu.memory_space<vmem>>
        %dma_start3A_1646 = arith.constant 0 : i32
        %dma_start3A_1647 = arith.constant 0 : i32
        %dma_start3A_1648 = tpu.memref_slice %arg7[%dma_start3A_1646, %dma_start3A_1647] : memref<100000x128xf32, #tpu.memory_space<hbm>> -> memref<100000x128xf32, #tpu.memory_space<hbm>>
        %dma_start3A_1649 = tpu.memref_slice %arg14[%dma_start3A_1638] : memref<6x!tpu.dma_semaphore, #tpu.memory_space<semaphore_mem>> -> memref<1x!tpu.dma_semaphore, #tpu.memory_space<semaphore_mem>>
        %dma_start3A_1650 = tpu.memref_squeeze %dma_start3A_1649 : memref<1x!tpu.dma_semaphore, #tpu.memory_space<semaphore_mem>> -> memref<!tpu.dma_semaphore, #tpu.memory_space<semaphore_mem>>
        tpu.enqueue_indirect_dma source(%dma_start3A_1648 : memref<100000x128xf32, #tpu.memory_space<hbm>>) target(%dma_start3A_1642 : memref<100x128xf32, #tpu.memory_space<vmem>>) offsets(%dma_start3A_1645 : memref<100xi32, #tpu.memory_space<vmem>>) semaphore(%dma_start3A_1650 : memref<!tpu.dma_semaphore, #tpu.memory_space<semaphore_mem>>)
      } else {
      }
      %dma_wait3A_233 = arith.constant 0 : i32
      %dma_wait3A_234 = arith.constant 0 : i32
      %dma_wait3A_235 = arith.constant 0 : i32
      %dma_wait3A_236 = arith.constant 0 : i32
      %dma_wait3A_237 = tpu.memref_slice %arg12[%dma_wait3A_233, %dma_wait3A_235, %dma_wait3A_236] : memref<6x100x128xf32, #tpu.memory_space<vmem>> -> memref<1x100x128xf32, #tpu.memory_space<vmem>>
      %dma_wait3A_238 = tpu.memref_squeeze %dma_wait3A_237 : memref<1x100x128xf32, #tpu.memory_space<vmem>> -> memref<100x128xf32, #tpu.memory_space<vmem>>
      %dma_wait3A_239 = arith.constant 0 : i32
      %dma_wait3A_240 = tpu.memref_slice %arg9[%add3A_223, %dma_wait3A_239] : memref<64x100xi32, #tpu.memory_space<vmem>> -> memref<1x100xi32, #tpu.memory_space<vmem>>
      %dma_wait3A_241 = tpu.memref_squeeze %dma_wait3A_240 : memref<1x100xi32, #tpu.memory_space<vmem>> -> memref<100xi32, #tpu.memory_space<vmem>>
      %dma_wait3A_242 = arith.constant 0 : i32
      %dma_wait3A_243 = arith.constant 0 : i32
      %dma_wait3A_244 = tpu.memref_slice %arg5[%dma_wait3A_242, %dma_wait3A_243] : memref<100000x128xf32, #tpu.memory_space<hbm>> -> memref<100000x128xf32, #tpu.memory_space<hbm>>
      %dma_wait3A_245 = tpu.memref_slice %arg14[%dma_wait3A_234] : memref<6x!tpu.dma_semaphore, #tpu.memory_space<semaphore_mem>> -> memref<1x!tpu.dma_semaphore, #tpu.memory_space<semaphore_mem>>
      %dma_wait3A_246 = tpu.memref_squeeze %dma_wait3A_245 : memref<1x!tpu.dma_semaphore, #tpu.memory_space<semaphore_mem>> -> memref<!tpu.dma_semaphore, #tpu.memory_space<semaphore_mem>>
      tpu.wait_indirect_dma semaphore(%dma_wait3A_246 : memref<!tpu.dma_semaphore, #tpu.memory_space<semaphore_mem>>) src(%dma_wait3A_244 : memref<100000x128xf32, #tpu.memory_space<hbm>>) dst(%dma_wait3A_238 : memref<100x128xf32, #tpu.memory_space<vmem>>)
      %broadcast_in_dim3A = arith.constant 0.000000e+00 : f32
      %broadcast_in_dim3A_247 = vector.broadcast %broadcast_in_dim3A : f32 to vector<16xf32>
      %broadcast_in_dim3A_248 = arith.constant 0.000000e+00 : f32
      %broadcast_in_dim3A_249 = vector.broadcast %broadcast_in_dim3A_248 : f32 to vector<16xf32>
      %broadcast_in_dim3A_250 = arith.constant 0.000000e+00 : f32
      %broadcast_in_dim3A_251 = vector.broadcast %broadcast_in_dim3A_250 : f32 to vector<16xf32>
      %broadcast_in_dim3A_252 = arith.constant 0.000000e+00 : f32
      %broadcast_in_dim3A_253 = vector.broadcast %broadcast_in_dim3A_252 : f32 to vector<16xf32>
      %broadcast_in_dim3A_254 = arith.constant 0.000000e+00 : f32
      %broadcast_in_dim3A_255 = vector.broadcast %broadcast_in_dim3A_254 : f32 to vector<16xf32>
      %broadcast_in_dim3A_256 = arith.constant 0.000000e+00 : f32
      %broadcast_in_dim3A_257 = vector.broadcast %broadcast_in_dim3A_256 : f32 to vector<16xf32>
      %broadcast_in_dim3A_258 = arith.constant 0.000000e+00 : f32
      %broadcast_in_dim3A_259 = vector.broadcast %broadcast_in_dim3A_258 : f32 to vector<16xf32>
      %broadcast_in_dim3A_260 = arith.constant 0.000000e+00 : f32
      %broadcast_in_dim3A_261 = vector.broadcast %broadcast_in_dim3A_260 : f32 to vector<16xf32>
      %broadcast_in_dim3A_262 = arith.constant 0.000000e+00 : f32
      %broadcast_in_dim3A_263 = vector.broadcast %broadcast_in_dim3A_262 : f32 to vector<16xf32>
      %broadcast_in_dim3A_264 = arith.constant 0.000000e+00 : f32
      %broadcast_in_dim3A_265 = vector.broadcast %broadcast_in_dim3A_264 : f32 to vector<16xf32>
      %broadcast_in_dim3A_266 = arith.constant 0.000000e+00 : f32
      %broadcast_in_dim3A_267 = vector.broadcast %broadcast_in_dim3A_266 : f32 to vector<16xf32>
      %broadcast_in_dim3A_268 = arith.constant 0.000000e+00 : f32
      %broadcast_in_dim3A_269 = vector.broadcast %broadcast_in_dim3A_268 : f32 to vector<16xf32>
      %broadcast_in_dim3A_270 = arith.constant 0.000000e+00 : f32
      %broadcast_in_dim3A_271 = vector.broadcast %broadcast_in_dim3A_270 : f32 to vector<16xf32>
      %broadcast_in_dim3A_272 = arith.constant 0.000000e+00 : f32
      %broadcast_in_dim3A_273 = vector.broadcast %broadcast_in_dim3A_272 : f32 to vector<16xf32>
      %broadcast_in_dim3A_274 = arith.constant 0.000000e+00 : f32
      %broadcast_in_dim3A_275 = vector.broadcast %broadcast_in_dim3A_274 : f32 to vector<16xf32>
      %broadcast_in_dim3A_276 = arith.constant 0.000000e+00 : f32
      %broadcast_in_dim3A_277 = vector.broadcast %broadcast_in_dim3A_276 : f32 to vector<16xf32>
      %scan3A_278 = arith.constant 0 : i32
      %scan3A_279 = arith.constant 25 : i32
      %scan3A_280 = arith.addi %scan3A_278, %scan3A_279 : i32
      %scan3A_281 = arith.constant 1 : i32
      %scan3A_282:16 = scf.for %scan3A_1637 = %scan3A_278 to %scan3A_280 step %scan3A_281 iter_args(%scan3A_1638 = %broadcast_in_dim3A_247, %scan3A_1639 = %broadcast_in_dim3A_249, %scan3A_1640 = %broadcast_in_dim3A_251, %scan3A_1641 = %broadcast_in_dim3A_253, %scan3A_1642 = %broadcast_in_dim3A_255, %scan3A_1643 = %broadcast_in_dim3A_257, %scan3A_1644 = %broadcast_in_dim3A_259, %scan3A_1645 = %broadcast_in_dim3A_261, %scan3A_1646 = %broadcast_in_dim3A_263, %scan3A_1647 = %broadcast_in_dim3A_265, %scan3A_1648 = %broadcast_in_dim3A_267, %scan3A_1649 = %broadcast_in_dim3A_269, %scan3A_1650 = %broadcast_in_dim3A_271, %scan3A_1651 = %broadcast_in_dim3A_273, %scan3A_1652 = %broadcast_in_dim3A_275, %scan3A_1653 = %broadcast_in_dim3A_277) -> (vector<16xf32>, vector<16xf32>, vector<16xf32>, vector<16xf32>, vector<16xf32>, vector<16xf32>, vector<16xf32>, vector<16xf32>, vector<16xf32>, vector<16xf32>, vector<16xf32>, vector<16xf32>, vector<16xf32>, vector<16xf32>, vector<16xf32>, vector<16xf32>)  : i32 {
        %mul3A_1654 = arith.constant 2 : i32
        %mul3A_1655 = arith.muli %mul3A_1654, %scan3A_1637 : i32
        %add3A_1656 = arith.constant 0 : i32
        %add3A_1657 = arith.addi %add3A_1656, %mul3A_1655 : i32
        %add3A_1658 = arith.constant 0 : i32
        %add3A_1659 = arith.addi %add3A_1657, %add3A_1658 : i32
        %get3A = arith.constant 0 : i32
        %get3A_1660 = arith.index_cast %get3A : i32 to index
        %get3A_1661 = arith.index_cast %add3A_1659 : i32 to index
        %get3A_1662 = arith.constant 0 : index
        %get3A_1663 = tpu.vector_load %arg12[%get3A_1660, %get3A_1661, %get3A_1662] {strides = array<i32>} : memref<6x100x128xf32, #tpu.memory_space<vmem>>, vector<1x1x16xf32>,
        %get3A_1664 = vector.shape_cast %get3A_1663 : vector<1x1x16xf32> to vector<16xf32>
        %add3A_1665 = arith.addf %scan3A_1638, %get3A_1664 : vector<16xf32>
        %mul3A_1666 = arith.constant 2 : i32
        %mul3A_1667 = arith.muli %mul3A_1666, %scan3A_1637 : i32
        %add3A_1668 = arith.constant 0 : i32
        %add3A_1669 = arith.addi %add3A_1668, %mul3A_1667 : i32
        %add3A_1670 = arith.constant 1 : i32
        %add3A_1671 = arith.addi %add3A_1669, %add3A_1670 : i32
        %get3A_1672 = arith.constant 0 : i32
        %get3A_1673 = arith.index_cast %get3A_1672 : i32 to index
        %get3A_1674 = arith.index_cast %add3A_1671 : i32 to index
        %get3A_1675 = arith.constant 0 : index
        %get3A_1676 = tpu.vector_load %arg12[%get3A_1673, %get3A_1674, %get3A_1675] {strides = array<i32>} : memref<6x100x128xf32, #tpu.memory_space<vmem>>, vector<1x1x16xf32>,
        %get3A_1677 = vector.shape_cast %get3A_1676 : vector<1x1x16xf32> to vector<16xf32>
        %add3A_1678 = arith.addf %add3A_1665, %get3A_1677 : vector<16xf32>
        %mul3A_1679 = arith.constant 2 : i32
        %mul3A_1680 = arith.muli %mul3A_1679, %scan3A_1637 : i32
        %add3A_1681 = arith.constant 0 : i32
        %add3A_1682 = arith.addi %add3A_1681, %mul3A_1680 : i32
        %add3A_1683 = arith.constant 0 : i32
        %add3A_1684 = arith.addi %add3A_1682, %add3A_1683 : i32
        %get3A_1685 = arith.constant 0 : i32
        %get3A_1686 = arith.index_cast %get3A_1685 : i32 to index
        %get3A_1687 = arith.index_cast %add3A_1684 : i32 to index
        %get3A_1688 = arith.constant 16 : index
        %get3A_1689 = tpu.vector_load %arg12[%get3A_1686, %get3A_1687, %get3A_1688] {strides = array<i32>} : memref<6x100x128xf32, #tpu.memory_space<vmem>>, vector<1x1x16xf32>,
        %get3A_1690 = vector.shape_cast %get3A_1689 : vector<1x1x16xf32> to vector<16xf32>
        %add3A_1691 = arith.addf %scan3A_1639, %get3A_1690 : vector<16xf32>
        %mul3A_1692 = arith.constant 2 : i32
        %mul3A_1693 = arith.muli %mul3A_1692, %scan3A_1637 : i32
        %add3A_1694 = arith.constant 0 : i32
        %add3A_1695 = arith.addi %add3A_1694, %mul3A_1693 : i32
        %add3A_1696 = arith.constant 1 : i32
        %add3A_1697 = arith.addi %add3A_1695, %add3A_1696 : i32
        %get3A_1698 = arith.constant 0 : i32
        %get3A_1699 = arith.index_cast %get3A_1698 : i32 to index
        %get3A_1700 = arith.index_cast %add3A_1697 : i32 to index
        %get3A_1701 = arith.constant 16 : index
        %get3A_1702 = tpu.vector_load %arg12[%get3A_1699, %get3A_1700, %get3A_1701] {strides = array<i32>} : memref<6x100x128xf32, #tpu.memory_space<vmem>>, vector<1x1x16xf32>,
        %get3A_1703 = vector.shape_cast %get3A_1702 : vector<1x1x16xf32> to vector<16xf32>
        %add3A_1704 = arith.addf %add3A_1691, %get3A_1703 : vector<16xf32>
        %mul3A_1705 = arith.constant 2 : i32
        %mul3A_1706 = arith.muli %mul3A_1705, %scan3A_1637 : i32
        %add3A_1707 = arith.constant 0 : i32
        %add3A_1708 = arith.addi %add3A_1707, %mul3A_1706 : i32
        %add3A_1709 = arith.constant 0 : i32
        %add3A_1710 = arith.addi %add3A_1708, %add3A_1709 : i32
        %get3A_1711 = arith.constant 0 : i32
        %get3A_1712 = arith.index_cast %get3A_1711 : i32 to index
        %get3A_1713 = arith.index_cast %add3A_1710 : i32 to index
        %get3A_1714 = arith.constant 32 : index
        %get3A_1715 = tpu.vector_load %arg12[%get3A_1712, %get3A_1713, %get3A_1714] {strides = array<i32>} : memref<6x100x128xf32, #tpu.memory_space<vmem>>, vector<1x1x16xf32>,
        %get3A_1716 = vector.shape_cast %get3A_1715 : vector<1x1x16xf32> to vector<16xf32>
        %add3A_1717 = arith.addf %scan3A_1640, %get3A_1716 : vector<16xf32>
        %mul3A_1718 = arith.constant 2 : i32
        %mul3A_1719 = arith.muli %mul3A_1718, %scan3A_1637 : i32
        %add3A_1720 = arith.constant 0 : i32
        %add3A_1721 = arith.addi %add3A_1720, %mul3A_1719 : i32
        %add3A_1722 = arith.constant 1 : i32
        %add3A_1723 = arith.addi %add3A_1721, %add3A_1722 : i32
        %get3A_1724 = arith.constant 0 : i32
        %get3A_1725 = arith.index_cast %get3A_1724 : i32 to index
        %get3A_1726 = arith.index_cast %add3A_1723 : i32 to index
        %get3A_1727 = arith.constant 32 : index
        %get3A_1728 = tpu.vector_load %arg12[%get3A_1725, %get3A_1726, %get3A_1727] {strides = array<i32>} : memref<6x100x128xf32, #tpu.memory_space<vmem>>, vector<1x1x16xf32>,
        %get3A_1729 = vector.shape_cast %get3A_1728 : vector<1x1x16xf32> to vector<16xf32>
        %add3A_1730 = arith.addf %add3A_1717, %get3A_1729 : vector<16xf32>
        %mul3A_1731 = arith.constant 2 : i32
        %mul3A_1732 = arith.muli %mul3A_1731, %scan3A_1637 : i32
        %add3A_1733 = arith.constant 0 : i32
        %add3A_1734 = arith.addi %add3A_1733, %mul3A_1732 : i32
        %add3A_1735 = arith.constant 0 : i32
        %add3A_1736 = arith.addi %add3A_1734, %add3A_1735 : i32
        %get3A_1737 = arith.constant 0 : i32
        %get3A_1738 = arith.index_cast %get3A_1737 : i32 to index
        %get3A_1739 = arith.index_cast %add3A_1736 : i32 to index
        %get3A_1740 = arith.constant 48 : index
        %get3A_1741 = tpu.vector_load %arg12[%get3A_1738, %get3A_1739, %get3A_1740] {strides = array<i32>} : memref<6x100x128xf32, #tpu.memory_space<vmem>>, vector<1x1x16xf32>,
        %get3A_1742 = vector.shape_cast %get3A_1741 : vector<1x1x16xf32> to vector<16xf32>
        %add3A_1743 = arith.addf %scan3A_1641, %get3A_1742 : vector<16xf32>
        %mul3A_1744 = arith.constant 2 : i32
        %mul3A_1745 = arith.muli %mul3A_1744, %scan3A_1637 : i32
        %add3A_1746 = arith.constant 0 : i32
        %add3A_1747 = arith.addi %add3A_1746, %mul3A_1745 : i32
        %add3A_1748 = arith.constant 1 : i32
        %add3A_1749 = arith.addi %add3A_1747, %add3A_1748 : i32
        %get3A_1750 = arith.constant 0 : i32
        %get3A_1751 = arith.index_cast %get3A_1750 : i32 to index
        %get3A_1752 = arith.index_cast %add3A_1749 : i32 to index
        %get3A_1753 = arith.constant 48 : index
        %get3A_1754 = tpu.vector_load %arg12[%get3A_1751, %get3A_1752, %get3A_1753] {strides = array<i32>} : memref<6x100x128xf32, #tpu.memory_space<vmem>>, vector<1x1x16xf32>,
        %get3A_1755 = vector.shape_cast %get3A_1754 : vector<1x1x16xf32> to vector<16xf32>
        %add3A_1756 = arith.addf %add3A_1743, %get3A_1755 : vector<16xf32>
        %mul3A_1757 = arith.constant 2 : i32
        %mul3A_1758 = arith.muli %mul3A_1757, %scan3A_1637 : i32
        %add3A_1759 = arith.constant 0 : i32
        %add3A_1760 = arith.addi %add3A_1759, %mul3A_1758 : i32
        %add3A_1761 = arith.constant 0 : i32
        %add3A_1762 = arith.addi %add3A_1760, %add3A_1761 : i32
        %get3A_1763 = arith.constant 0 : i32
        %get3A_1764 = arith.index_cast %get3A_1763 : i32 to index
        %get3A_1765 = arith.index_cast %add3A_1762 : i32 to index
        %get3A_1766 = arith.constant 64 : index
        %get3A_1767 = tpu.vector_load %arg12[%get3A_1764, %get3A_1765, %get3A_1766] {strides = array<i32>} : memref<6x100x128xf32, #tpu.memory_space<vmem>>, vector<1x1x16xf32>,
        %get3A_1768 = vector.shape_cast %get3A_1767 : vector<1x1x16xf32> to vector<16xf32>
        %add3A_1769 = arith.addf %scan3A_1642, %get3A_1768 : vector<16xf32>
        %mul3A_1770 = arith.constant 2 : i32
        %mul3A_1771 = arith.muli %mul3A_1770, %scan3A_1637 : i32
        %add3A_1772 = arith.constant 0 : i32
        %add3A_1773 = arith.addi %add3A_1772, %mul3A_1771 : i32
        %add3A_1774 = arith.constant 1 : i32
        %add3A_1775 = arith.addi %add3A_1773, %add3A_1774 : i32
        %get3A_1776 = arith.constant 0 : i32
        %get3A_1777 = arith.index_cast %get3A_1776 : i32 to index
        %get3A_1778 = arith.index_cast %add3A_1775 : i32 to index
        %get3A_1779 = arith.constant 64 : index
        %get3A_1780 = tpu.vector_load %arg12[%get3A_1777, %get3A_1778, %get3A_1779] {strides = array<i32>} : memref<6x100x128xf32, #tpu.memory_space<vmem>>, vector<1x1x16xf32>,
        %get3A_1781 = vector.shape_cast %get3A_1780 : vector<1x1x16xf32> to vector<16xf32>
        %add3A_1782 = arith.addf %add3A_1769, %get3A_1781 : vector<16xf32>
        %mul3A_1783 = arith.constant 2 : i32
        %mul3A_1784 = arith.muli %mul3A_1783, %scan3A_1637 : i32
        %add3A_1785 = arith.constant 0 : i32
        %add3A_1786 = arith.addi %add3A_1785, %mul3A_1784 : i32
        %add3A_1787 = arith.constant 0 : i32
        %add3A_1788 = arith.addi %add3A_1786, %add3A_1787 : i32
        %get3A_1789 = arith.constant 0 : i32
        %get3A_1790 = arith.index_cast %get3A_1789 : i32 to index
        %get3A_1791 = arith.index_cast %add3A_1788 : i32 to index
        %get3A_1792 = arith.constant 80 : index
        %get3A_1793 = tpu.vector_load %arg12[%get3A_1790, %get3A_1791, %get3A_1792] {strides = array<i32>} : memref<6x100x128xf32, #tpu.memory_space<vmem>>, vector<1x1x16xf32>,
        %get3A_1794 = vector.shape_cast %get3A_1793 : vector<1x1x16xf32> to vector<16xf32>
        %add3A_1795 = arith.addf %scan3A_1643, %get3A_1794 : vector<16xf32>
        %mul3A_1796 = arith.constant 2 : i32
        %mul3A_1797 = arith.muli %mul3A_1796, %scan3A_1637 : i32
        %add3A_1798 = arith.constant 0 : i32
        %add3A_1799 = arith.addi %add3A_1798, %mul3A_1797 : i32
        %add3A_1800 = arith.constant 1 : i32
        %add3A_1801 = arith.addi %add3A_1799, %add3A_1800 : i32
        %get3A_1802 = arith.constant 0 : i32
        %get3A_1803 = arith.index_cast %get3A_1802 : i32 to index
        %get3A_1804 = arith.index_cast %add3A_1801 : i32 to index
        %get3A_1805 = arith.constant 80 : index
        %get3A_1806 = tpu.vector_load %arg12[%get3A_1803, %get3A_1804, %get3A_1805] {strides = array<i32>} : memref<6x100x128xf32, #tpu.memory_space<vmem>>, vector<1x1x16xf32>,
        %get3A_1807 = vector.shape_cast %get3A_1806 : vector<1x1x16xf32> to vector<16xf32>
        %add3A_1808 = arith.addf %add3A_1795, %get3A_1807 : vector<16xf32>
        %mul3A_1809 = arith.constant 2 : i32
        %mul3A_1810 = arith.muli %mul3A_1809, %scan3A_1637 : i32
        %add3A_1811 = arith.constant 0 : i32
        %add3A_1812 = arith.addi %add3A_1811, %mul3A_1810 : i32
        %add3A_1813 = arith.constant 0 : i32
        %add3A_1814 = arith.addi %add3A_1812, %add3A_1813 : i32
        %get3A_1815 = arith.constant 0 : i32
        %get3A_1816 = arith.index_cast %get3A_1815 : i32 to index
        %get3A_1817 = arith.index_cast %add3A_1814 : i32 to index
        %get3A_1818 = arith.constant 96 : index
        %get3A_1819 = tpu.vector_load %arg12[%get3A_1816, %get3A_1817, %get3A_1818] {strides = array<i32>} : memref<6x100x128xf32, #tpu.memory_space<vmem>>, vector<1x1x16xf32>,
        %get3A_1820 = vector.shape_cast %get3A_1819 : vector<1x1x16xf32> to vector<16xf32>
        %add3A_1821 = arith.addf %scan3A_1644, %get3A_1820 : vector<16xf32>
        %mul3A_1822 = arith.constant 2 : i32
        %mul3A_1823 = arith.muli %mul3A_1822, %scan3A_1637 : i32
        %add3A_1824 = arith.constant 0 : i32
        %add3A_1825 = arith.addi %add3A_1824, %mul3A_1823 : i32
        %add3A_1826 = arith.constant 1 : i32
        %add3A_1827 = arith.addi %add3A_1825, %add3A_1826 : i32
        %get3A_1828 = arith.constant 0 : i32
        %get3A_1829 = arith.index_cast %get3A_1828 : i32 to index
        %get3A_1830 = arith.index_cast %add3A_1827 : i32 to index
        %get3A_1831 = arith.constant 96 : index
        %get3A_1832 = tpu.vector_load %arg12[%get3A_1829, %get3A_1830, %get3A_1831] {strides = array<i32>} : memref<6x100x128xf32, #tpu.memory_space<vmem>>, vector<1x1x16xf32>,
        %get3A_1833 = vector.shape_cast %get3A_1832 : vector<1x1x16xf32> to vector<16xf32>
        %add3A_1834 = arith.addf %add3A_1821, %get3A_1833 : vector<16xf32>
        %mul3A_1835 = arith.constant 2 : i32
        %mul3A_1836 = arith.muli %mul3A_1835, %scan3A_1637 : i32
        %add3A_1837 = arith.constant 0 : i32
        %add3A_1838 = arith.addi %add3A_1837, %mul3A_1836 : i32
        %add3A_1839 = arith.constant 0 : i32
        %add3A_1840 = arith.addi %add3A_1838, %add3A_1839 : i32
        %get3A_1841 = arith.constant 0 : i32
        %get3A_1842 = arith.index_cast %get3A_1841 : i32 to index
        %get3A_1843 = arith.index_cast %add3A_1840 : i32 to index
        %get3A_1844 = arith.constant 112 : index
        %get3A_1845 = tpu.vector_load %arg12[%get3A_1842, %get3A_1843, %get3A_1844] {strides = array<i32>} : memref<6x100x128xf32, #tpu.memory_space<vmem>>, vector<1x1x16xf32>,
        %get3A_1846 = vector.shape_cast %get3A_1845 : vector<1x1x16xf32> to vector<16xf32>
        %add3A_1847 = arith.addf %scan3A_1645, %get3A_1846 : vector<16xf32>
        %mul3A_1848 = arith.constant 2 : i32
        %mul3A_1849 = arith.muli %mul3A_1848, %scan3A_1637 : i32
        %add3A_1850 = arith.constant 0 : i32
        %add3A_1851 = arith.addi %add3A_1850, %mul3A_1849 : i32
        %add3A_1852 = arith.constant 1 : i32
        %add3A_1853 = arith.addi %add3A_1851, %add3A_1852 : i32
        %get3A_1854 = arith.constant 0 : i32
        %get3A_1855 = arith.index_cast %get3A_1854 : i32 to index
        %get3A_1856 = arith.index_cast %add3A_1853 : i32 to index
        %get3A_1857 = arith.constant 112 : index
        %get3A_1858 = tpu.vector_load %arg12[%get3A_1855, %get3A_1856, %get3A_1857] {strides = array<i32>} : memref<6x100x128xf32, #tpu.memory_space<vmem>>, vector<1x1x16xf32>,
        %get3A_1859 = vector.shape_cast %get3A_1858 : vector<1x1x16xf32> to vector<16xf32>
        %add3A_1860 = arith.addf %add3A_1847, %get3A_1859 : vector<16xf32>
        %mul3A_1861 = arith.constant 2 : i32
        %mul3A_1862 = arith.muli %mul3A_1861, %scan3A_1637 : i32
        %add3A_1863 = arith.constant 50 : i32
        %add3A_1864 = arith.addi %add3A_1863, %mul3A_1862 : i32
        %add3A_1865 = arith.constant 0 : i32
        %add3A_1866 = arith.addi %add3A_1864, %add3A_1865 : i32
        %get3A_1867 = arith.constant 0 : i32
        %get3A_1868 = arith.index_cast %get3A_1867 : i32 to index
        %get3A_1869 = arith.index_cast %add3A_1866 : i32 to index
        %get3A_1870 = arith.constant 0 : index
        %get3A_1871 = tpu.vector_load %arg12[%get3A_1868, %get3A_1869, %get3A_1870] {strides = array<i32>} : memref<6x100x128xf32, #tpu.memory_space<vmem>>, vector<1x1x16xf32>,
        %get3A_1872 = vector.shape_cast %get3A_1871 : vector<1x1x16xf32> to vector<16xf32>
        %add3A_1873 = arith.addf %scan3A_1646, %get3A_1872 : vector<16xf32>
        %mul3A_1874 = arith.constant 2 : i32
        %mul3A_1875 = arith.muli %mul3A_1874, %scan3A_1637 : i32
        %add3A_1876 = arith.constant 50 : i32
        %add3A_1877 = arith.addi %add3A_1876, %mul3A_1875 : i32
        %add3A_1878 = arith.constant 1 : i32
        %add3A_1879 = arith.addi %add3A_1877, %add3A_1878 : i32
        %get3A_1880 = arith.constant 0 : i32
        %get3A_1881 = arith.index_cast %get3A_1880 : i32 to index
        %get3A_1882 = arith.index_cast %add3A_1879 : i32 to index
        %get3A_1883 = arith.constant 0 : index
        %get3A_1884 = tpu.vector_load %arg12[%get3A_1881, %get3A_1882, %get3A_1883] {strides = array<i32>} : memref<6x100x128xf32, #tpu.memory_space<vmem>>, vector<1x1x16xf32>,
        %get3A_1885 = vector.shape_cast %get3A_1884 : vector<1x1x16xf32> to vector<16xf32>
        %add3A_1886 = arith.addf %add3A_1873, %get3A_1885 : vector<16xf32>
        %mul3A_1887 = arith.constant 2 : i32
        %mul3A_1888 = arith.muli %mul3A_1887, %scan3A_1637 : i32
        %add3A_1889 = arith.constant 50 : i32
        %add3A_1890 = arith.addi %add3A_1889, %mul3A_1888 : i32
        %add3A_1891 = arith.constant 0 : i32
        %add3A_1892 = arith.addi %add3A_1890, %add3A_1891 : i32
        %get3A_1893 = arith.constant 0 : i32
        %get3A_1894 = arith.index_cast %get3A_1893 : i32 to index
        %get3A_1895 = arith.index_cast %add3A_1892 : i32 to index
        %get3A_1896 = arith.constant 16 : index
        %get3A_1897 = tpu.vector_load %arg12[%get3A_1894, %get3A_1895, %get3A_1896] {strides = array<i32>} : memref<6x100x128xf32, #tpu.memory_space<vmem>>, vector<1x1x16xf32>,
        %get3A_1898 = vector.shape_cast %get3A_1897 : vector<1x1x16xf32> to vector<16xf32>
        %add3A_1899 = arith.addf %scan3A_1647, %get3A_1898 : vector<16xf32>
        %mul3A_1900 = arith.constant 2 : i32
        %mul3A_1901 = arith.muli %mul3A_1900, %scan3A_1637 : i32
        %add3A_1902 = arith.constant 50 : i32
        %add3A_1903 = arith.addi %add3A_1902, %mul3A_1901 : i32
        %add3A_1904 = arith.constant 1 : i32
        %add3A_1905 = arith.addi %add3A_1903, %add3A_1904 : i32
        %get3A_1906 = arith.constant 0 : i32
        %get3A_1907 = arith.index_cast %get3A_1906 : i32 to index
        %get3A_1908 = arith.index_cast %add3A_1905 : i32 to index
        %get3A_1909 = arith.constant 16 : index
        %get3A_1910 = tpu.vector_load %arg12[%get3A_1907, %get3A_1908, %get3A_1909] {strides = array<i32>} : memref<6x100x128xf32, #tpu.memory_space<vmem>>, vector<1x1x16xf32>,
        %get3A_1911 = vector.shape_cast %get3A_1910 : vector<1x1x16xf32> to vector<16xf32>
        %add3A_1912 = arith.addf %add3A_1899, %get3A_1911 : vector<16xf32>
        %mul3A_1913 = arith.constant 2 : i32
        %mul3A_1914 = arith.muli %mul3A_1913, %scan3A_1637 : i32
        %add3A_1915 = arith.constant 50 : i32
        %add3A_1916 = arith.addi %add3A_1915, %mul3A_1914 : i32
        %add3A_1917 = arith.constant 0 : i32
        %add3A_1918 = arith.addi %add3A_1916, %add3A_1917 : i32
        %get3A_1919 = arith.constant 0 : i32
        %get3A_1920 = arith.index_cast %get3A_1919 : i32 to index
        %get3A_1921 = arith.index_cast %add3A_1918 : i32 to index
        %get3A_1922 = arith.constant 32 : index
        %get3A_1923 = tpu.vector_load %arg12[%get3A_1920, %get3A_1921, %get3A_1922] {strides = array<i32>} : memref<6x100x128xf32, #tpu.memory_space<vmem>>, vector<1x1x16xf32>,
        %get3A_1924 = vector.shape_cast %get3A_1923 : vector<1x1x16xf32> to vector<16xf32>
        %add3A_1925 = arith.addf %scan3A_1648, %get3A_1924 : vector<16xf32>
        %mul3A_1926 = arith.constant 2 : i32
        %mul3A_1927 = arith.muli %mul3A_1926, %scan3A_1637 : i32
        %add3A_1928 = arith.constant 50 : i32
        %add3A_1929 = arith.addi %add3A_1928, %mul3A_1927 : i32
        %add3A_1930 = arith.constant 1 : i32
        %add3A_1931 = arith.addi %add3A_1929, %add3A_1930 : i32
        %get3A_1932 = arith.constant 0 : i32
        %get3A_1933 = arith.index_cast %get3A_1932 : i32 to index
        %get3A_1934 = arith.index_cast %add3A_1931 : i32 to index
        %get3A_1935 = arith.constant 32 : index
        %get3A_1936 = tpu.vector_load %arg12[%get3A_1933, %get3A_1934, %get3A_1935] {strides = array<i32>} : memref<6x100x128xf32, #tpu.memory_space<vmem>>, vector<1x1x16xf32>,
        %get3A_1937 = vector.shape_cast %get3A_1936 : vector<1x1x16xf32> to vector<16xf32>
        %add3A_1938 = arith.addf %add3A_1925, %get3A_1937 : vector<16xf32>
        %mul3A_1939 = arith.constant 2 : i32
        %mul3A_1940 = arith.muli %mul3A_1939, %scan3A_1637 : i32
        %add3A_1941 = arith.constant 50 : i32
        %add3A_1942 = arith.addi %add3A_1941, %mul3A_1940 : i32
        %add3A_1943 = arith.constant 0 : i32
        %add3A_1944 = arith.addi %add3A_1942, %add3A_1943 : i32
        %get3A_1945 = arith.constant 0 : i32
        %get3A_1946 = arith.index_cast %get3A_1945 : i32 to index
        %get3A_1947 = arith.index_cast %add3A_1944 : i32 to index
        %get3A_1948 = arith.constant 48 : index
        %get3A_1949 = tpu.vector_load %arg12[%get3A_1946, %get3A_1947, %get3A_1948] {strides = array<i32>} : memref<6x100x128xf32, #tpu.memory_space<vmem>>, vector<1x1x16xf32>,
        %get3A_1950 = vector.shape_cast %get3A_1949 : vector<1x1x16xf32> to vector<16xf32>
        %add3A_1951 = arith.addf %scan3A_1649, %get3A_1950 : vector<16xf32>
        %mul3A_1952 = arith.constant 2 : i32
        %mul3A_1953 = arith.muli %mul3A_1952, %scan3A_1637 : i32
        %add3A_1954 = arith.constant 50 : i32
        %add3A_1955 = arith.addi %add3A_1954, %mul3A_1953 : i32
        %add3A_1956 = arith.constant 1 : i32
        %add3A_1957 = arith.addi %add3A_1955, %add3A_1956 : i32
        %get3A_1958 = arith.constant 0 : i32
        %get3A_1959 = arith.index_cast %get3A_1958 : i32 to index
        %get3A_1960 = arith.index_cast %add3A_1957 : i32 to index
        %get3A_1961 = arith.constant 48 : index
        %get3A_1962 = tpu.vector_load %arg12[%get3A_1959, %get3A_1960, %get3A_1961] {strides = array<i32>} : memref<6x100x128xf32, #tpu.memory_space<vmem>>, vector<1x1x16xf32>,
        %get3A_1963 = vector.shape_cast %get3A_1962 : vector<1x1x16xf32> to vector<16xf32>
        %add3A_1964 = arith.addf %add3A_1951, %get3A_1963 : vector<16xf32>
        %mul3A_1965 = arith.constant 2 : i32
        %mul3A_1966 = arith.muli %mul3A_1965, %scan3A_1637 : i32
        %add3A_1967 = arith.constant 50 : i32
        %add3A_1968 = arith.addi %add3A_1967, %mul3A_1966 : i32
        %add3A_1969 = arith.constant 0 : i32
        %add3A_1970 = arith.addi %add3A_1968, %add3A_1969 : i32
        %get3A_1971 = arith.constant 0 : i32
        %get3A_1972 = arith.index_cast %get3A_1971 : i32 to index
        %get3A_1973 = arith.index_cast %add3A_1970 : i32 to index
        %get3A_1974 = arith.constant 64 : index
        %get3A_1975 = tpu.vector_load %arg12[%get3A_1972, %get3A_1973, %get3A_1974] {strides = array<i32>} : memref<6x100x128xf32, #tpu.memory_space<vmem>>, vector<1x1x16xf32>,
        %get3A_1976 = vector.shape_cast %get3A_1975 : vector<1x1x16xf32> to vector<16xf32>
        %add3A_1977 = arith.addf %scan3A_1650, %get3A_1976 : vector<16xf32>
        %mul3A_1978 = arith.constant 2 : i32
        %mul3A_1979 = arith.muli %mul3A_1978, %scan3A_1637 : i32
        %add3A_1980 = arith.constant 50 : i32
        %add3A_1981 = arith.addi %add3A_1980, %mul3A_1979 : i32
        %add3A_1982 = arith.constant 1 : i32
        %add3A_1983 = arith.addi %add3A_1981, %add3A_1982 : i32
        %get3A_1984 = arith.constant 0 : i32
        %get3A_1985 = arith.index_cast %get3A_1984 : i32 to index
        %get3A_1986 = arith.index_cast %add3A_1983 : i32 to index
        %get3A_1987 = arith.constant 64 : index
        %get3A_1988 = tpu.vector_load %arg12[%get3A_1985, %get3A_1986, %get3A_1987] {strides = array<i32>} : memref<6x100x128xf32, #tpu.memory_space<vmem>>, vector<1x1x16xf32>,
        %get3A_1989 = vector.shape_cast %get3A_1988 : vector<1x1x16xf32> to vector<16xf32>
        %add3A_1990 = arith.addf %add3A_1977, %get3A_1989 : vector<16xf32>
        %mul3A_1991 = arith.constant 2 : i32
        %mul3A_1992 = arith.muli %mul3A_1991, %scan3A_1637 : i32
        %add3A_1993 = arith.constant 50 : i32
        %add3A_1994 = arith.addi %add3A_1993, %mul3A_1992 : i32
        %add3A_1995 = arith.constant 0 : i32
        %add3A_1996 = arith.addi %add3A_1994, %add3A_1995 : i32
        %get3A_1997 = arith.constant 0 : i32
        %get3A_1998 = arith.index_cast %get3A_1997 : i32 to index
        %get3A_1999 = arith.index_cast %add3A_1996 : i32 to index
        %get3A_2000 = arith.constant 80 : index
        %get3A_2001 = tpu.vector_load %arg12[%get3A_1998, %get3A_1999, %get3A_2000] {strides = array<i32>} : memref<6x100x128xf32, #tpu.memory_space<vmem>>, vector<1x1x16xf32>,
        %get3A_2002 = vector.shape_cast %get3A_2001 : vector<1x1x16xf32> to vector<16xf32>
        %add3A_2003 = arith.addf %scan3A_1651, %get3A_2002 : vector<16xf32>
        %mul3A_2004 = arith.constant 2 : i32
        %mul3A_2005 = arith.muli %mul3A_2004, %scan3A_1637 : i32
        %add3A_2006 = arith.constant 50 : i32
        %add3A_2007 = arith.addi %add3A_2006, %mul3A_2005 : i32
        %add3A_2008 = arith.constant 1 : i32
        %add3A_2009 = arith.addi %add3A_2007, %add3A_2008 : i32
        %get3A_2010 = arith.constant 0 : i32
        %get3A_2011 = arith.index_cast %get3A_2010 : i32 to index
        %get3A_2012 = arith.index_cast %add3A_2009 : i32 to index
        %get3A_2013 = arith.constant 80 : index
        %get3A_2014 = tpu.vector_load %arg12[%get3A_2011, %get3A_2012, %get3A_2013] {strides = array<i32>} : memref<6x100x128xf32, #tpu.memory_space<vmem>>, vector<1x1x16xf32>,
        %get3A_2015 = vector.shape_cast %get3A_2014 : vector<1x1x16xf32> to vector<16xf32>
        %add3A_2016 = arith.addf %add3A_2003, %get3A_2015 : vector<16xf32>
        %mul3A_2017 = arith.constant 2 : i32
        %mul3A_2018 = arith.muli %mul3A_2017, %scan3A_1637 : i32
        %add3A_2019 = arith.constant 50 : i32
        %add3A_2020 = arith.addi %add3A_2019, %mul3A_2018 : i32
        %add3A_2021 = arith.constant 0 : i32
        %add3A_2022 = arith.addi %add3A_2020, %add3A_2021 : i32
        %get3A_2023 = arith.constant 0 : i32
        %get3A_2024 = arith.index_cast %get3A_2023 : i32 to index
        %get3A_2025 = arith.index_cast %add3A_2022 : i32 to index
        %get3A_2026 = arith.constant 96 : index
        %get3A_2027 = tpu.vector_load %arg12[%get3A_2024, %get3A_2025, %get3A_2026] {strides = array<i32>} : memref<6x100x128xf32, #tpu.memory_space<vmem>>, vector<1x1x16xf32>,
        %get3A_2028 = vector.shape_cast %get3A_2027 : vector<1x1x16xf32> to vector<16xf32>
        %add3A_2029 = arith.addf %scan3A_1652, %get3A_2028 : vector<16xf32>
        %mul3A_2030 = arith.constant 2 : i32
        %mul3A_2031 = arith.muli %mul3A_2030, %scan3A_1637 : i32
        %add3A_2032 = arith.constant 50 : i32
        %add3A_2033 = arith.addi %add3A_2032, %mul3A_2031 : i32
        %add3A_2034 = arith.constant 1 : i32
        %add3A_2035 = arith.addi %add3A_2033, %add3A_2034 : i32
        %get3A_2036 = arith.constant 0 : i32
        %get3A_2037 = arith.index_cast %get3A_2036 : i32 to index
        %get3A_2038 = arith.index_cast %add3A_2035 : i32 to index
        %get3A_2039 = arith.constant 96 : index
        %get3A_2040 = tpu.vector_load %arg12[%get3A_2037, %get3A_2038, %get3A_2039] {strides = array<i32>} : memref<6x100x128xf32, #tpu.memory_space<vmem>>, vector<1x1x16xf32>,
        %get3A_2041 = vector.shape_cast %get3A_2040 : vector<1x1x16xf32> to vector<16xf32>
        %add3A_2042 = arith.addf %add3A_2029, %get3A_2041 : vector<16xf32>
        %mul3A_2043 = arith.constant 2 : i32
        %mul3A_2044 = arith.muli %mul3A_2043, %scan3A_1637 : i32
        %add3A_2045 = arith.constant 50 : i32
        %add3A_2046 = arith.addi %add3A_2045, %mul3A_2044 : i32
        %add3A_2047 = arith.constant 0 : i32
        %add3A_2048 = arith.addi %add3A_2046, %add3A_2047 : i32
        %get3A_2049 = arith.constant 0 : i32
        %get3A_2050 = arith.index_cast %get3A_2049 : i32 to index
        %get3A_2051 = arith.index_cast %add3A_2048 : i32 to index
        %get3A_2052 = arith.constant 112 : index
        %get3A_2053 = tpu.vector_load %arg12[%get3A_2050, %get3A_2051, %get3A_2052] {strides = array<i32>} : memref<6x100x128xf32, #tpu.memory_space<vmem>>, vector<1x1x16xf32>,
        %get3A_2054 = vector.shape_cast %get3A_2053 : vector<1x1x16xf32> to vector<16xf32>
        %add3A_2055 = arith.addf %scan3A_1653, %get3A_2054 : vector<16xf32>
        %mul3A_2056 = arith.constant 2 : i32
        %mul3A_2057 = arith.muli %mul3A_2056, %scan3A_1637 : i32
        %add3A_2058 = arith.constant 50 : i32
        %add3A_2059 = arith.addi %add3A_2058, %mul3A_2057 : i32
        %add3A_2060 = arith.constant 1 : i32
        %add3A_2061 = arith.addi %add3A_2059, %add3A_2060 : i32
        %get3A_2062 = arith.constant 0 : i32
        %get3A_2063 = arith.index_cast %get3A_2062 : i32 to index
        %get3A_2064 = arith.index_cast %add3A_2061 : i32 to index
        %get3A_2065 = arith.constant 112 : index
        %get3A_2066 = tpu.vector_load %arg12[%get3A_2063, %get3A_2064, %get3A_2065] {strides = array<i32>} : memref<6x100x128xf32, #tpu.memory_space<vmem>>, vector<1x1x16xf32>,
        %get3A_2067 = vector.shape_cast %get3A_2066 : vector<1x1x16xf32> to vector<16xf32>
        %add3A_2068 = arith.addf %add3A_2055, %get3A_2067 : vector<16xf32>
        scf.yield %add3A_1678, %add3A_1704, %add3A_1730, %add3A_1756, %add3A_1782, %add3A_1808, %add3A_1834, %add3A_1860, %add3A_1886, %add3A_1912, %add3A_1938, %add3A_1964, %add3A_1990, %add3A_2016, %add3A_2042, %add3A_2068 : vector<16xf32>, vector<16xf32>, vector<16xf32>, vector<16xf32>, vector<16xf32>, vector<16xf32>, vector<16xf32>, vector<16xf32>, vector<16xf32>, vector<16xf32>, vector<16xf32>, vector<16xf32>, vector<16xf32>, vector<16xf32>, vector<16xf32>, vector<16xf32>
      }
      %scan3A_283 = arith.constant 25 : i32
      %ge3A = arith.constant 6 : i32
      %ge3A_284 = arith.cmpi sge, %add3A_219, %ge3A : i32
      %convert_element_type3A_285 = arith.extui %ge3A_284 : i1 to i32
      %cond3A_286 = arith.constant 0 : i32
      %cond3A_287 = arith.cmpi ne, %convert_element_type3A_285, %cond3A_286 : i32
      scf.if %cond3A_287 {
        %sub3A_1637 = arith.constant 2 : i32
        %sub3A_1638 = arith.subi %add3A_223, %sub3A_1637 : i32
        %mul3A_1639 = arith.constant 2 : i32
        %mul3A_1640 = arith.muli %sub3A_1638, %mul3A_1639 : i32
        %add3A_1641 = arith.addi %mul3A_4, %mul3A_1640 : i32
        %dma_wait3A_1642 = arith.constant 0 : i32
        %dma_wait3A_1643 = arith.constant 0 : i32
        %dma_wait3A_1644 = arith.constant 0 : i32
        %dma_wait3A_1645 = tpu.memref_slice %arg13[%dma_wait3A_1643, %dma_wait3A_1644] : memref<12x128xf32, #tpu.memory_space<vmem>> -> memref<2x128xf32, #tpu.memory_space<vmem>>
        %dma_wait3A_1646 = arith.constant 0 : i32
        %dma_wait3A_1647 = tpu.memref_slice %arg8[%add3A_1641, %dma_wait3A_1646] : memref<4096x384xf32, #tpu.memory_space<hbm>> -> memref<2x128xf32, #tpu.memory_space<hbm>>
        %dma_wait3A_1648 = tpu.memref_slice %arg15[%dma_wait3A_1642] : memref<6x!tpu.dma_semaphore, #tpu.memory_space<semaphore_mem>> -> memref<1x!tpu.dma_semaphore, #tpu.memory_space<semaphore_mem>>
        %dma_wait3A_1649 = tpu.memref_squeeze %dma_wait3A_1648 : memref<1x!tpu.dma_semaphore, #tpu.memory_space<semaphore_mem>> -> memref<!tpu.dma_semaphore, #tpu.memory_space<semaphore_mem>>
        %dma_wait3A_1650 = arith.constant 0 : i32
        %dma_wait3A_1651 = tpu.memref_slice %arg8[%add3A_1641, %dma_wait3A_1650] : memref<4096x384xf32, #tpu.memory_space<hbm>> -> memref<2x128xf32, #tpu.memory_space<hbm>>
        %dma_wait3A_1652 = arith.constant 0 : i32
        %dma_wait3A_1653 = arith.constant 0 : i32
        %dma_wait3A_1654 = tpu.memref_slice %arg13[%dma_wait3A_1652, %dma_wait3A_1653] : memref<12x128xf32, #tpu.memory_space<vmem>> -> memref<2x128xf32, #tpu.memory_space<vmem>>
        tpu.wait_dma2 semaphore(%dma_wait3A_1649 : memref<!tpu.dma_semaphore, #tpu.memory_space<semaphore_mem>>) src(%dma_wait3A_1654 : memref<2x128xf32, #tpu.memory_space<vmem>>) dst(%dma_wait3A_1651 : memref<2x128xf32, #tpu.memory_space<hbm>>)
      } else {
      }
      %mul3A_288 = arith.constant 2.000000e-02 : f32
      %mul3A_289 = vector.broadcast %mul3A_288 : f32 to vector<16xf32>
      %mul3A_290 = arith.mulf %scan3A_282#0, %mul3A_289 : vector<16xf32>
      %swap3A = arith.constant 0 : i32
      %swap3A_291 = arith.index_cast %swap3A : i32 to index
      %swap3A_292 = arith.constant 0 : index
      %swap3A_293 = tpu.vector_load %arg13[%swap3A_291, %swap3A_292] {strides = array<i32>} : memref<12x128xf32, #tpu.memory_space<vmem>>, vector<1x16xf32>,
      %swap3A_294 = vector.shape_cast %swap3A_293 : vector<1x16xf32> to vector<16xf32>
      %swap3A_295 = vector.shape_cast %mul3A_290 : vector<16xf32> to vector<1x16xf32>
      tpu.vector_store %arg13[%swap3A_291, %swap3A_292], %swap3A_295 {strides = array<i32>} : memref<12x128xf32, #tpu.memory_space<vmem>>, vector<1x16xf32>,
      %mul3A_296 = arith.constant 2.000000e-02 : f32
      %mul3A_297 = vector.broadcast %mul3A_296 : f32 to vector<16xf32>
      %mul3A_298 = arith.mulf %scan3A_282#1, %mul3A_297 : vector<16xf32>
      %swap3A_299 = arith.constant 0 : i32
      %swap3A_300 = arith.index_cast %swap3A_299 : i32 to index
      %swap3A_301 = arith.constant 16 : index
      %swap3A_302 = tpu.vector_load %arg13[%swap3A_300, %swap3A_301] {strides = array<i32>} : memref<12x128xf32, #tpu.memory_space<vmem>>, vector<1x16xf32>,
      %swap3A_303 = vector.shape_cast %swap3A_302 : vector<1x16xf32> to vector<16xf32>
      %swap3A_304 = vector.shape_cast %mul3A_298 : vector<16xf32> to vector<1x16xf32>
      tpu.vector_store %arg13[%swap3A_300, %swap3A_301], %swap3A_304 {strides = array<i32>} : memref<12x128xf32, #tpu.memory_space<vmem>>, vector<1x16xf32>,
      %mul3A_305 = arith.constant 2.000000e-02 : f32
      %mul3A_306 = vector.broadcast %mul3A_305 : f32 to vector<16xf32>
      %mul3A_307 = arith.mulf %scan3A_282#2, %mul3A_306 : vector<16xf32>
      %swap3A_308 = arith.constant 0 : i32
      %swap3A_309 = arith.index_cast %swap3A_308 : i32 to index
      %swap3A_310 = arith.constant 32 : index
      %swap3A_311 = tpu.vector_load %arg13[%swap3A_309, %swap3A_310] {strides = array<i32>} : memref<12x128xf32, #tpu.memory_space<vmem>>, vector<1x16xf32>,
      %swap3A_312 = vector.shape_cast %swap3A_311 : vector<1x16xf32> to vector<16xf32>
      %swap3A_313 = vector.shape_cast %mul3A_307 : vector<16xf32> to vector<1x16xf32>
      tpu.vector_store %arg13[%swap3A_309, %swap3A_310], %swap3A_313 {strides = array<i32>} : memref<12x128xf32, #tpu.memory_space<vmem>>, vector<1x16xf32>,
      %mul3A_314 = arith.constant 2.000000e-02 : f32
      %mul3A_315 = vector.broadcast %mul3A_314 : f32 to vector<16xf32>
      %mul3A_316 = arith.mulf %scan3A_282#3, %mul3A_315 : vector<16xf32>
      %swap3A_317 = arith.constant 0 : i32
      %swap3A_318 = arith.index_cast %swap3A_317 : i32 to index
      %swap3A_319 = arith.constant 48 : index
      %swap3A_320 = tpu.vector_load %arg13[%swap3A_318, %swap3A_319] {strides = array<i32>} : memref<12x128xf32, #tpu.memory_space<vmem>>, vector<1x16xf32>,
      %swap3A_321 = vector.shape_cast %swap3A_320 : vector<1x16xf32> to vector<16xf32>
      %swap3A_322 = vector.shape_cast %mul3A_316 : vector<16xf32> to vector<1x16xf32>
      tpu.vector_store %arg13[%swap3A_318, %swap3A_319], %swap3A_322 {strides = array<i32>} : memref<12x128xf32, #tpu.memory_space<vmem>>, vector<1x16xf32>,
      %mul3A_323 = arith.constant 2.000000e-02 : f32
      %mul3A_324 = vector.broadcast %mul3A_323 : f32 to vector<16xf32>
      %mul3A_325 = arith.mulf %scan3A_282#4, %mul3A_324 : vector<16xf32>
      %swap3A_326 = arith.constant 0 : i32
      %swap3A_327 = arith.index_cast %swap3A_326 : i32 to index
      %swap3A_328 = arith.constant 64 : index
      %swap3A_329 = tpu.vector_load %arg13[%swap3A_327, %swap3A_328] {strides = array<i32>} : memref<12x128xf32, #tpu.memory_space<vmem>>, vector<1x16xf32>,
      %swap3A_330 = vector.shape_cast %swap3A_329 : vector<1x16xf32> to vector<16xf32>
      %swap3A_331 = vector.shape_cast %mul3A_325 : vector<16xf32> to vector<1x16xf32>
      tpu.vector_store %arg13[%swap3A_327, %swap3A_328], %swap3A_331 {strides = array<i32>} : memref<12x128xf32, #tpu.memory_space<vmem>>, vector<1x16xf32>,
      %mul3A_332 = arith.constant 2.000000e-02 : f32
      %mul3A_333 = vector.broadcast %mul3A_332 : f32 to vector<16xf32>
      %mul3A_334 = arith.mulf %scan3A_282#5, %mul3A_333 : vector<16xf32>
      %swap3A_335 = arith.constant 0 : i32
      %swap3A_336 = arith.index_cast %swap3A_335 : i32 to index
      %swap3A_337 = arith.constant 80 : index
      %swap3A_338 = tpu.vector_load %arg13[%swap3A_336, %swap3A_337] {strides = array<i32>} : memref<12x128xf32, #tpu.memory_space<vmem>>, vector<1x16xf32>,
      %swap3A_339 = vector.shape_cast %swap3A_338 : vector<1x16xf32> to vector<16xf32>
      %swap3A_340 = vector.shape_cast %mul3A_334 : vector<16xf32> to vector<1x16xf32>
      tpu.vector_store %arg13[%swap3A_336, %swap3A_337], %swap3A_340 {strides = array<i32>} : memref<12x128xf32, #tpu.memory_space<vmem>>, vector<1x16xf32>,
      %mul3A_341 = arith.constant 2.000000e-02 : f32
      %mul3A_342 = vector.broadcast %mul3A_341 : f32 to vector<16xf32>
      %mul3A_343 = arith.mulf %scan3A_282#6, %mul3A_342 : vector<16xf32>
      %swap3A_344 = arith.constant 0 : i32
      %swap3A_345 = arith.index_cast %swap3A_344 : i32 to index
      %swap3A_346 = arith.constant 96 : index
      %swap3A_347 = tpu.vector_load %arg13[%swap3A_345, %swap3A_346] {strides = array<i32>} : memref<12x128xf32, #tpu.memory_space<vmem>>, vector<1x16xf32>,
      %swap3A_348 = vector.shape_cast %swap3A_347 : vector<1x16xf32> to vector<16xf32>
      %swap3A_349 = vector.shape_cast %mul3A_343 : vector<16xf32> to vector<1x16xf32>
      tpu.vector_store %arg13[%swap3A_345, %swap3A_346], %swap3A_349 {strides = array<i32>} : memref<12x128xf32, #tpu.memory_space<vmem>>, vector<1x16xf32>,
      %mul3A_350 = arith.constant 2.000000e-02 : f32
      %mul3A_351 = vector.broadcast %mul3A_350 : f32 to vector<16xf32>
      %mul3A_352 = arith.mulf %scan3A_282#7, %mul3A_351 : vector<16xf32>
      %swap3A_353 = arith.constant 0 : i32
      %swap3A_354 = arith.index_cast %swap3A_353 : i32 to index
      %swap3A_355 = arith.constant 112 : index
      %swap3A_356 = tpu.vector_load %arg13[%swap3A_354, %swap3A_355] {strides = array<i32>} : memref<12x128xf32, #tpu.memory_space<vmem>>, vector<1x16xf32>,
      %swap3A_357 = vector.shape_cast %swap3A_356 : vector<1x16xf32> to vector<16xf32>
      %swap3A_358 = vector.shape_cast %mul3A_352 : vector<16xf32> to vector<1x16xf32>
      tpu.vector_store %arg13[%swap3A_354, %swap3A_355], %swap3A_358 {strides = array<i32>} : memref<12x128xf32, #tpu.memory_space<vmem>>, vector<1x16xf32>,
      %mul3A_359 = arith.constant 2.000000e-02 : f32
      %mul3A_360 = vector.broadcast %mul3A_359 : f32 to vector<16xf32>
      %mul3A_361 = arith.mulf %scan3A_282#8, %mul3A_360 : vector<16xf32>
      %swap3A_362 = arith.constant 1 : i32
      %swap3A_363 = arith.index_cast %swap3A_362 : i32 to index
      %swap3A_364 = arith.constant 0 : index
      %swap3A_365 = tpu.vector_load %arg13[%swap3A_363, %swap3A_364] {strides = array<i32>} : memref<12x128xf32, #tpu.memory_space<vmem>>, vector<1x16xf32>,
      %swap3A_366 = vector.shape_cast %swap3A_365 : vector<1x16xf32> to vector<16xf32>
      %swap3A_367 = vector.shape_cast %mul3A_361 : vector<16xf32> to vector<1x16xf32>
      tpu.vector_store %arg13[%swap3A_363, %swap3A_364], %swap3A_367 {strides = array<i32>} : memref<12x128xf32, #tpu.memory_space<vmem>>, vector<1x16xf32>,
      %mul3A_368 = arith.constant 2.000000e-02 : f32
      %mul3A_369 = vector.broadcast %mul3A_368 : f32 to vector<16xf32>
      %mul3A_370 = arith.mulf %scan3A_282#9, %mul3A_369 : vector<16xf32>
      %swap3A_371 = arith.constant 1 : i32
      %swap3A_372 = arith.index_cast %swap3A_371 : i32 to index
      %swap3A_373 = arith.constant 16 : index
      %swap3A_374 = tpu.vector_load %arg13[%swap3A_372, %swap3A_373] {strides = array<i32>} : memref<12x128xf32, #tpu.memory_space<vmem>>, vector<1x16xf32>,
      %swap3A_375 = vector.shape_cast %swap3A_374 : vector<1x16xf32> to vector<16xf32>
      %swap3A_376 = vector.shape_cast %mul3A_370 : vector<16xf32> to vector<1x16xf32>
      tpu.vector_store %arg13[%swap3A_372, %swap3A_373], %swap3A_376 {strides = array<i32>} : memref<12x128xf32, #tpu.memory_space<vmem>>, vector<1x16xf32>,
      %mul3A_377 = arith.constant 2.000000e-02 : f32
      %mul3A_378 = vector.broadcast %mul3A_377 : f32 to vector<16xf32>
      %mul3A_379 = arith.mulf %scan3A_282#10, %mul3A_378 : vector<16xf32>
      %swap3A_380 = arith.constant 1 : i32
      %swap3A_381 = arith.index_cast %swap3A_380 : i32 to index
      %swap3A_382 = arith.constant 32 : index
      %swap3A_383 = tpu.vector_load %arg13[%swap3A_381, %swap3A_382] {strides = array<i32>} : memref<12x128xf32, #tpu.memory_space<vmem>>, vector<1x16xf32>,
      %swap3A_384 = vector.shape_cast %swap3A_383 : vector<1x16xf32> to vector<16xf32>
      %swap3A_385 = vector.shape_cast %mul3A_379 : vector<16xf32> to vector<1x16xf32>
      tpu.vector_store %arg13[%swap3A_381, %swap3A_382], %swap3A_385 {strides = array<i32>} : memref<12x128xf32, #tpu.memory_space<vmem>>, vector<1x16xf32>,
      %mul3A_386 = arith.constant 2.000000e-02 : f32
      %mul3A_387 = vector.broadcast %mul3A_386 : f32 to vector<16xf32>
      %mul3A_388 = arith.mulf %scan3A_282#11, %mul3A_387 : vector<16xf32>
      %swap3A_389 = arith.constant 1 : i32
      %swap3A_390 = arith.index_cast %swap3A_389 : i32 to index
      %swap3A_391 = arith.constant 48 : index
      %swap3A_392 = tpu.vector_load %arg13[%swap3A_390, %swap3A_391] {strides = array<i32>} : memref<12x128xf32, #tpu.memory_space<vmem>>, vector<1x16xf32>,
      %swap3A_393 = vector.shape_cast %swap3A_392 : vector<1x16xf32> to vector<16xf32>
      %swap3A_394 = vector.shape_cast %mul3A_388 : vector<16xf32> to vector<1x16xf32>
      tpu.vector_store %arg13[%swap3A_390, %swap3A_391], %swap3A_394 {strides = array<i32>} : memref<12x128xf32, #tpu.memory_space<vmem>>, vector<1x16xf32>,
      %mul3A_395 = arith.constant 2.000000e-02 : f32
      %mul3A_396 = vector.broadcast %mul3A_395 : f32 to vector<16xf32>
      %mul3A_397 = arith.mulf %scan3A_282#12, %mul3A_396 : vector<16xf32>
      %swap3A_398 = arith.constant 1 : i32
      %swap3A_399 = arith.index_cast %swap3A_398 : i32 to index
      %swap3A_400 = arith.constant 64 : index
      %swap3A_401 = tpu.vector_load %arg13[%swap3A_399, %swap3A_400] {strides = array<i32>} : memref<12x128xf32, #tpu.memory_space<vmem>>, vector<1x16xf32>,
      %swap3A_402 = vector.shape_cast %swap3A_401 : vector<1x16xf32> to vector<16xf32>
      %swap3A_403 = vector.shape_cast %mul3A_397 : vector<16xf32> to vector<1x16xf32>
      tpu.vector_store %arg13[%swap3A_399, %swap3A_400], %swap3A_403 {strides = array<i32>} : memref<12x128xf32, #tpu.memory_space<vmem>>, vector<1x16xf32>,
      %mul3A_404 = arith.constant 2.000000e-02 : f32
      %mul3A_405 = vector.broadcast %mul3A_404 : f32 to vector<16xf32>
      %mul3A_406 = arith.mulf %scan3A_282#13, %mul3A_405 : vector<16xf32>
      %swap3A_407 = arith.constant 1 : i32
      %swap3A_408 = arith.index_cast %swap3A_407 : i32 to index
      %swap3A_409 = arith.constant 80 : index
      %swap3A_410 = tpu.vector_load %arg13[%swap3A_408, %swap3A_409] {strides = array<i32>} : memref<12x128xf32, #tpu.memory_space<vmem>>, vector<1x16xf32>,
      %swap3A_411 = vector.shape_cast %swap3A_410 : vector<1x16xf32> to vector<16xf32>
      %swap3A_412 = vector.shape_cast %mul3A_406 : vector<16xf32> to vector<1x16xf32>
      tpu.vector_store %arg13[%swap3A_408, %swap3A_409], %swap3A_412 {strides = array<i32>} : memref<12x128xf32, #tpu.memory_space<vmem>>, vector<1x16xf32>,
      %mul3A_413 = arith.constant 2.000000e-02 : f32
      %mul3A_414 = vector.broadcast %mul3A_413 : f32 to vector<16xf32>
      %mul3A_415 = arith.mulf %scan3A_282#14, %mul3A_414 : vector<16xf32>
      %swap3A_416 = arith.constant 1 : i32
      %swap3A_417 = arith.index_cast %swap3A_416 : i32 to index
      %swap3A_418 = arith.constant 96 : index
      %swap3A_419 = tpu.vector_load %arg13[%swap3A_417, %swap3A_418] {strides = array<i32>} : memref<12x128xf32, #tpu.memory_space<vmem>>, vector<1x16xf32>,
      %swap3A_420 = vector.shape_cast %swap3A_419 : vector<1x16xf32> to vector<16xf32>
      %swap3A_421 = vector.shape_cast %mul3A_415 : vector<16xf32> to vector<1x16xf32>
      tpu.vector_store %arg13[%swap3A_417, %swap3A_418], %swap3A_421 {strides = array<i32>} : memref<12x128xf32, #tpu.memory_space<vmem>>, vector<1x16xf32>,
      %mul3A_422 = arith.constant 2.000000e-02 : f32
      %mul3A_423 = vector.broadcast %mul3A_422 : f32 to vector<16xf32>
      %mul3A_424 = arith.mulf %scan3A_282#15, %mul3A_423 : vector<16xf32>
      %swap3A_425 = arith.constant 1 : i32
      %swap3A_426 = arith.index_cast %swap3A_425 : i32 to index
      %swap3A_427 = arith.constant 112 : index
      %swap3A_428 = tpu.vector_load %arg13[%swap3A_426, %swap3A_427] {strides = array<i32>} : memref<12x128xf32, #tpu.memory_space<vmem>>, vector<1x16xf32>,
      %swap3A_429 = vector.shape_cast %swap3A_428 : vector<1x16xf32> to vector<16xf32>
      %swap3A_430 = vector.shape_cast %mul3A_424 : vector<16xf32> to vector<1x16xf32>
      tpu.vector_store %arg13[%swap3A_426, %swap3A_427], %swap3A_430 {strides = array<i32>} : memref<12x128xf32, #tpu.memory_space<vmem>>, vector<1x16xf32>,
      %mul3A_431 = arith.constant 2 : i32
      %mul3A_432 = arith.muli %add3A_223, %mul3A_431 : i32
      %add3A_433 = arith.addi %mul3A_4, %mul3A_432 : i32
      %dma_start3A_434 = arith.constant 0 : i32
      %dma_start3A_435 = arith.constant 0 : i32
      %dma_start3A_436 = arith.constant 0 : i32
      %dma_start3A_437 = tpu.memref_slice %arg13[%dma_start3A_435, %dma_start3A_436] : memref<12x128xf32, #tpu.memory_space<vmem>> -> memref<2x128xf32, #tpu.memory_space<vmem>>
      %dma_start3A_438 = arith.constant 0 : i32
      %dma_start3A_439 = tpu.memref_slice %arg8[%add3A_433, %dma_start3A_438] : memref<4096x384xf32, #tpu.memory_space<hbm>> -> memref<2x128xf32, #tpu.memory_space<hbm>>
      %dma_start3A_440 = tpu.memref_slice %arg15[%dma_start3A_434] : memref<6x!tpu.dma_semaphore, #tpu.memory_space<semaphore_mem>> -> memref<1x!tpu.dma_semaphore, #tpu.memory_space<semaphore_mem>>
      %dma_start3A_441 = tpu.memref_squeeze %dma_start3A_440 : memref<1x!tpu.dma_semaphore, #tpu.memory_space<semaphore_mem>> -> memref<!tpu.dma_semaphore, #tpu.memory_space<semaphore_mem>>
      %dma_start3A_442 = arith.constant 0 : i32
      %dma_start3A_443 = tpu.memref_slice %arg8[%add3A_433, %dma_start3A_442] : memref<4096x384xf32, #tpu.memory_space<hbm>> -> memref<2x128xf32, #tpu.memory_space<hbm>>
      %dma_start3A_444 = arith.constant 0 : i32
      %dma_start3A_445 = arith.constant 0 : i32
      %dma_start3A_446 = tpu.memref_slice %arg13[%dma_start3A_444, %dma_start3A_445] : memref<12x128xf32, #tpu.memory_space<vmem>> -> memref<2x128xf32, #tpu.memory_space<vmem>>
      tpu.enqueue_dma source(%dma_start3A_446 : memref<2x128xf32, #tpu.memory_space<vmem>>) target(%dma_start3A_443 : memref<2x128xf32, #tpu.memory_space<hbm>>) target_semaphore(%dma_start3A_441 : memref<!tpu.dma_semaphore, #tpu.memory_space<semaphore_mem>>)
      %mul3A_447 = arith.constant 6 : i32
      %mul3A_448 = arith.muli %scan3A_215, %mul3A_447 : i32
      %add3A_449 = arith.constant 1 : i32
      %add3A_450 = arith.addi %mul3A_448, %add3A_449 : i32
      %mul3A_451 = arith.constant 2 : i32
      %mul3A_452 = arith.muli %scan3A_215, %mul3A_451 : i32
      %add3A_453 = arith.constant 0 : i32
      %add3A_454 = arith.addi %mul3A_452, %add3A_453 : i32
      %mul3A_455 = arith.constant 2 : i32
      %mul3A_456 = arith.muli %scan3A_215, %mul3A_455 : i32
      %add3A_457 = arith.constant 2 : i32
      %add3A_458 = arith.addi %mul3A_456, %add3A_457 : i32
      %add3A_459 = arith.constant 6 : i32
      %add3A_460 = arith.addi %add3A_450, %add3A_459 : i32
      %sub3A_461 = arith.constant 1 : i32
      %sub3A_462 = arith.subi %add3A_460, %sub3A_461 : i32
      %lt3A_463 = arith.constant 192 : i32
      %lt3A_464 = arith.cmpi slt, %sub3A_462, %lt3A_463 : i32
      %convert_element_type3A_465 = arith.extui %lt3A_464 : i1 to i32
      %cond3A_466 = arith.constant 0 : i32
      %cond3A_467 = arith.cmpi ne, %convert_element_type3A_465, %cond3A_466 : i32
      scf.if %cond3A_467 {
        %dma_start3A_1637 = arith.constant 0 : i32
        %dma_start3A_1638 = arith.constant 0 : i32
        %dma_start3A_1639 = arith.constant 0 : i32
        %dma_start3A_1640 = arith.constant 0 : i32
        %dma_start3A_1641 = tpu.memref_slice %arg12[%dma_start3A_1637, %dma_start3A_1639, %dma_start3A_1640] : memref<6x100x128xf32, #tpu.memory_space<vmem>> -> memref<1x100x128xf32, #tpu.memory_space<vmem>>
        %dma_start3A_1642 = tpu.memref_squeeze %dma_start3A_1641 : memref<1x100x128xf32, #tpu.memory_space<vmem>> -> memref<100x128xf32, #tpu.memory_space<vmem>>
        %dma_start3A_1643 = arith.constant 0 : i32
        %dma_start3A_1644 = tpu.memref_slice %arg9[%add3A_458, %dma_start3A_1643] : memref<64x100xi32, #tpu.memory_space<vmem>> -> memref<1x100xi32, #tpu.memory_space<vmem>>
        %dma_start3A_1645 = tpu.memref_squeeze %dma_start3A_1644 : memref<1x100xi32, #tpu.memory_space<vmem>> -> memref<100xi32, #tpu.memory_space<vmem>>
        %dma_start3A_1646 = arith.constant 0 : i32
        %dma_start3A_1647 = arith.constant 0 : i32
        %dma_start3A_1648 = tpu.memref_slice %arg5[%dma_start3A_1646, %dma_start3A_1647] : memref<100000x128xf32, #tpu.memory_space<hbm>> -> memref<100000x128xf32, #tpu.memory_space<hbm>>
        %dma_start3A_1649 = tpu.memref_slice %arg14[%dma_start3A_1638] : memref<6x!tpu.dma_semaphore, #tpu.memory_space<semaphore_mem>> -> memref<1x!tpu.dma_semaphore, #tpu.memory_space<semaphore_mem>>
        %dma_start3A_1650 = tpu.memref_squeeze %dma_start3A_1649 : memref<1x!tpu.dma_semaphore, #tpu.memory_space<semaphore_mem>> -> memref<!tpu.dma_semaphore, #tpu.memory_space<semaphore_mem>>
        tpu.enqueue_indirect_dma source(%dma_start3A_1648 : memref<100000x128xf32, #tpu.memory_space<hbm>>) target(%dma_start3A_1642 : memref<100x128xf32, #tpu.memory_space<vmem>>) offsets(%dma_start3A_1645 : memref<100xi32, #tpu.memory_space<vmem>>) semaphore(%dma_start3A_1650 : memref<!tpu.dma_semaphore, #tpu.memory_space<semaphore_mem>>)
      } else {
      }
      %dma_wait3A_468 = arith.constant 1 : i32
      %dma_wait3A_469 = arith.constant 1 : i32
      %dma_wait3A_470 = arith.constant 0 : i32
      %dma_wait3A_471 = arith.constant 0 : i32
      %dma_wait3A_472 = tpu.memref_slice %arg12[%dma_wait3A_468, %dma_wait3A_470, %dma_wait3A_471] : memref<6x100x128xf32, #tpu.memory_space<vmem>> -> memref<1x100x128xf32, #tpu.memory_space<vmem>>
      %dma_wait3A_473 = tpu.memref_squeeze %dma_wait3A_472 : memref<1x100x128xf32, #tpu.memory_space<vmem>> -> memref<100x128xf32, #tpu.memory_space<vmem>>
      %dma_wait3A_474 = arith.constant 0 : i32
      %dma_wait3A_475 = tpu.memref_slice %arg10[%add3A_454, %dma_wait3A_474] : memref<64x100xi32, #tpu.memory_space<vmem>> -> memref<1x100xi32, #tpu.memory_space<vmem>>
      %dma_wait3A_476 = tpu.memref_squeeze %dma_wait3A_475 : memref<1x100xi32, #tpu.memory_space<vmem>> -> memref<100xi32, #tpu.memory_space<vmem>>
      %dma_wait3A_477 = arith.constant 0 : i32
      %dma_wait3A_478 = arith.constant 0 : i32
      %dma_wait3A_479 = tpu.memref_slice %arg6[%dma_wait3A_477, %dma_wait3A_478] : memref<100000x128xf32, #tpu.memory_space<hbm>> -> memref<100000x128xf32, #tpu.memory_space<hbm>>
      %dma_wait3A_480 = tpu.memref_slice %arg14[%dma_wait3A_469] : memref<6x!tpu.dma_semaphore, #tpu.memory_space<semaphore_mem>> -> memref<1x!tpu.dma_semaphore, #tpu.memory_space<semaphore_mem>>
      %dma_wait3A_481 = tpu.memref_squeeze %dma_wait3A_480 : memref<1x!tpu.dma_semaphore, #tpu.memory_space<semaphore_mem>> -> memref<!tpu.dma_semaphore, #tpu.memory_space<semaphore_mem>>
      tpu.wait_indirect_dma semaphore(%dma_wait3A_481 : memref<!tpu.dma_semaphore, #tpu.memory_space<semaphore_mem>>) src(%dma_wait3A_479 : memref<100000x128xf32, #tpu.memory_space<hbm>>) dst(%dma_wait3A_473 : memref<100x128xf32, #tpu.memory_space<vmem>>)
      %broadcast_in_dim3A_482 = arith.constant 0.000000e+00 : f32
      %broadcast_in_dim3A_483 = vector.broadcast %broadcast_in_dim3A_482 : f32 to vector<16xf32>
      %broadcast_in_dim3A_484 = arith.constant 0.000000e+00 : f32
      %broadcast_in_dim3A_485 = vector.broadcast %broadcast_in_dim3A_484 : f32 to vector<16xf32>
      %broadcast_in_dim3A_486 = arith.constant 0.000000e+00 : f32
      %broadcast_in_dim3A_487 = vector.broadcast %broadcast_in_dim3A_486 : f32 to vector<16xf32>
      %broadcast_in_dim3A_488 = arith.constant 0.000000e+00 : f32
      %broadcast_in_dim3A_489 = vector.broadcast %broadcast_in_dim3A_488 : f32 to vector<16xf32>
      %broadcast_in_dim3A_490 = arith.constant 0.000000e+00 : f32
      %broadcast_in_dim3A_491 = vector.broadcast %broadcast_in_dim3A_490 : f32 to vector<16xf32>
      %broadcast_in_dim3A_492 = arith.constant 0.000000e+00 : f32
      %broadcast_in_dim3A_493 = vector.broadcast %broadcast_in_dim3A_492 : f32 to vector<16xf32>
      %broadcast_in_dim3A_494 = arith.constant 0.000000e+00 : f32
      %broadcast_in_dim3A_495 = vector.broadcast %broadcast_in_dim3A_494 : f32 to vector<16xf32>
      %broadcast_in_dim3A_496 = arith.constant 0.000000e+00 : f32
      %broadcast_in_dim3A_497 = vector.broadcast %broadcast_in_dim3A_496 : f32 to vector<16xf32>
      %broadcast_in_dim3A_498 = arith.constant 0.000000e+00 : f32
      %broadcast_in_dim3A_499 = vector.broadcast %broadcast_in_dim3A_498 : f32 to vector<16xf32>
      %broadcast_in_dim3A_500 = arith.constant 0.000000e+00 : f32
      %broadcast_in_dim3A_501 = vector.broadcast %broadcast_in_dim3A_500 : f32 to vector<16xf32>
      %broadcast_in_dim3A_502 = arith.constant 0.000000e+00 : f32
      %broadcast_in_dim3A_503 = vector.broadcast %broadcast_in_dim3A_502 : f32 to vector<16xf32>
      %broadcast_in_dim3A_504 = arith.constant 0.000000e+00 : f32
      %broadcast_in_dim3A_505 = vector.broadcast %broadcast_in_dim3A_504 : f32 to vector<16xf32>
      %broadcast_in_dim3A_506 = arith.constant 0.000000e+00 : f32
      %broadcast_in_dim3A_507 = vector.broadcast %broadcast_in_dim3A_506 : f32 to vector<16xf32>
      %broadcast_in_dim3A_508 = arith.constant 0.000000e+00 : f32
      %broadcast_in_dim3A_509 = vector.broadcast %broadcast_in_dim3A_508 : f32 to vector<16xf32>
      %broadcast_in_dim3A_510 = arith.constant 0.000000e+00 : f32
      %broadcast_in_dim3A_511 = vector.broadcast %broadcast_in_dim3A_510 : f32 to vector<16xf32>
      %broadcast_in_dim3A_512 = arith.constant 0.000000e+00 : f32
      %broadcast_in_dim3A_513 = vector.broadcast %broadcast_in_dim3A_512 : f32 to vector<16xf32>
      %scan3A_514 = arith.constant 0 : i32
      %scan3A_515 = arith.constant 25 : i32
      %scan3A_516 = arith.addi %scan3A_514, %scan3A_515 : i32
      %scan3A_517 = arith.constant 1 : i32
      %scan3A_518:16 = scf.for %scan3A_1637 = %scan3A_514 to %scan3A_516 step %scan3A_517 iter_args(%scan3A_1638 = %broadcast_in_dim3A_483, %scan3A_1639 = %broadcast_in_dim3A_485, %scan3A_1640 = %broadcast_in_dim3A_487, %scan3A_1641 = %broadcast_in_dim3A_489, %scan3A_1642 = %broadcast_in_dim3A_491, %scan3A_1643 = %broadcast_in_dim3A_493, %scan3A_1644 = %broadcast_in_dim3A_495, %scan3A_1645 = %broadcast_in_dim3A_497, %scan3A_1646 = %broadcast_in_dim3A_499, %scan3A_1647 = %broadcast_in_dim3A_501, %scan3A_1648 = %broadcast_in_dim3A_503, %scan3A_1649 = %broadcast_in_dim3A_505, %scan3A_1650 = %broadcast_in_dim3A_507, %scan3A_1651 = %broadcast_in_dim3A_509, %scan3A_1652 = %broadcast_in_dim3A_511, %scan3A_1653 = %broadcast_in_dim3A_513) -> (vector<16xf32>, vector<16xf32>, vector<16xf32>, vector<16xf32>, vector<16xf32>, vector<16xf32>, vector<16xf32>, vector<16xf32>, vector<16xf32>, vector<16xf32>, vector<16xf32>, vector<16xf32>, vector<16xf32>, vector<16xf32>, vector<16xf32>, vector<16xf32>)  : i32 {
        %mul3A_1654 = arith.constant 2 : i32
        %mul3A_1655 = arith.muli %mul3A_1654, %scan3A_1637 : i32
        %add3A_1656 = arith.constant 0 : i32
        %add3A_1657 = arith.addi %add3A_1656, %mul3A_1655 : i32
        %add3A_1658 = arith.constant 0 : i32
        %add3A_1659 = arith.addi %add3A_1657, %add3A_1658 : i32
        %get3A = arith.constant 1 : i32
        %get3A_1660 = arith.index_cast %get3A : i32 to index
        %get3A_1661 = arith.index_cast %add3A_1659 : i32 to index
        %get3A_1662 = arith.constant 0 : index
        %get3A_1663 = tpu.vector_load %arg12[%get3A_1660, %get3A_1661, %get3A_1662] {strides = array<i32>} : memref<6x100x128xf32, #tpu.memory_space<vmem>>, vector<1x1x16xf32>,
        %get3A_1664 = vector.shape_cast %get3A_1663 : vector<1x1x16xf32> to vector<16xf32>
        %add3A_1665 = arith.addf %scan3A_1638, %get3A_1664 : vector<16xf32>
        %mul3A_1666 = arith.constant 2 : i32
        %mul3A_1667 = arith.muli %mul3A_1666, %scan3A_1637 : i32
        %add3A_1668 = arith.constant 0 : i32
        %add3A_1669 = arith.addi %add3A_1668, %mul3A_1667 : i32
        %add3A_1670 = arith.constant 1 : i32
        %add3A_1671 = arith.addi %add3A_1669, %add3A_1670 : i32
        %get3A_1672 = arith.constant 1 : i32
        %get3A_1673 = arith.index_cast %get3A_1672 : i32 to index
        %get3A_1674 = arith.index_cast %add3A_1671 : i32 to index
        %get3A_1675 = arith.constant 0 : index
        %get3A_1676 = tpu.vector_load %arg12[%get3A_1673, %get3A_1674, %get3A_1675] {strides = array<i32>} : memref<6x100x128xf32, #tpu.memory_space<vmem>>, vector<1x1x16xf32>,
        %get3A_1677 = vector.shape_cast %get3A_1676 : vector<1x1x16xf32> to vector<16xf32>
        %add3A_1678 = arith.addf %add3A_1665, %get3A_1677 : vector<16xf32>
        %mul3A_1679 = arith.constant 2 : i32
        %mul3A_1680 = arith.muli %mul3A_1679, %scan3A_1637 : i32
        %add3A_1681 = arith.constant 0 : i32
        %add3A_1682 = arith.addi %add3A_1681, %mul3A_1680 : i32
        %add3A_1683 = arith.constant 0 : i32
        %add3A_1684 = arith.addi %add3A_1682, %add3A_1683 : i32
        %get3A_1685 = arith.constant 1 : i32
        %get3A_1686 = arith.index_cast %get3A_1685 : i32 to index
        %get3A_1687 = arith.index_cast %add3A_1684 : i32 to index
        %get3A_1688 = arith.constant 16 : index
        %get3A_1689 = tpu.vector_load %arg12[%get3A_1686, %get3A_1687, %get3A_1688] {strides = array<i32>} : memref<6x100x128xf32, #tpu.memory_space<vmem>>, vector<1x1x16xf32>,
        %get3A_1690 = vector.shape_cast %get3A_1689 : vector<1x1x16xf32> to vector<16xf32>
        %add3A_1691 = arith.addf %scan3A_1639, %get3A_1690 : vector<16xf32>
        %mul3A_1692 = arith.constant 2 : i32
        %mul3A_1693 = arith.muli %mul3A_1692, %scan3A_1637 : i32
        %add3A_1694 = arith.constant 0 : i32
        %add3A_1695 = arith.addi %add3A_1694, %mul3A_1693 : i32
        %add3A_1696 = arith.constant 1 : i32
        %add3A_1697 = arith.addi %add3A_1695, %add3A_1696 : i32
        %get3A_1698 = arith.constant 1 : i32
        %get3A_1699 = arith.index_cast %get3A_1698 : i32 to index
        %get3A_1700 = arith.index_cast %add3A_1697 : i32 to index
        %get3A_1701 = arith.constant 16 : index
        %get3A_1702 = tpu.vector_load %arg12[%get3A_1699, %get3A_1700, %get3A_1701] {strides = array<i32>} : memref<6x100x128xf32, #tpu.memory_space<vmem>>, vector<1x1x16xf32>,
        %get3A_1703 = vector.shape_cast %get3A_1702 : vector<1x1x16xf32> to vector<16xf32>
        %add3A_1704 = arith.addf %add3A_1691, %get3A_1703 : vector<16xf32>
        %mul3A_1705 = arith.constant 2 : i32
        %mul3A_1706 = arith.muli %mul3A_1705, %scan3A_1637 : i32
        %add3A_1707 = arith.constant 0 : i32
        %add3A_1708 = arith.addi %add3A_1707, %mul3A_1706 : i32
        %add3A_1709 = arith.constant 0 : i32
        %add3A_1710 = arith.addi %add3A_1708, %add3A_1709 : i32
        %get3A_1711 = arith.constant 1 : i32
        %get3A_1712 = arith.index_cast %get3A_1711 : i32 to index
        %get3A_1713 = arith.index_cast %add3A_1710 : i32 to index
        %get3A_1714 = arith.constant 32 : index
        %get3A_1715 = tpu.vector_load %arg12[%get3A_1712, %get3A_1713, %get3A_1714] {strides = array<i32>} : memref<6x100x128xf32, #tpu.memory_space<vmem>>, vector<1x1x16xf32>,
        %get3A_1716 = vector.shape_cast %get3A_1715 : vector<1x1x16xf32> to vector<16xf32>
        %add3A_1717 = arith.addf %scan3A_1640, %get3A_1716 : vector<16xf32>
        %mul3A_1718 = arith.constant 2 : i32
        %mul3A_1719 = arith.muli %mul3A_1718, %scan3A_1637 : i32
        %add3A_1720 = arith.constant 0 : i32
        %add3A_1721 = arith.addi %add3A_1720, %mul3A_1719 : i32
        %add3A_1722 = arith.constant 1 : i32
        %add3A_1723 = arith.addi %add3A_1721, %add3A_1722 : i32
        %get3A_1724 = arith.constant 1 : i32
        %get3A_1725 = arith.index_cast %get3A_1724 : i32 to index
        %get3A_1726 = arith.index_cast %add3A_1723 : i32 to index
        %get3A_1727 = arith.constant 32 : index
        %get3A_1728 = tpu.vector_load %arg12[%get3A_1725, %get3A_1726, %get3A_1727] {strides = array<i32>} : memref<6x100x128xf32, #tpu.memory_space<vmem>>, vector<1x1x16xf32>,
        %get3A_1729 = vector.shape_cast %get3A_1728 : vector<1x1x16xf32> to vector<16xf32>
        %add3A_1730 = arith.addf %add3A_1717, %get3A_1729 : vector<16xf32>
        %mul3A_1731 = arith.constant 2 : i32
        %mul3A_1732 = arith.muli %mul3A_1731, %scan3A_1637 : i32
        %add3A_1733 = arith.constant 0 : i32
        %add3A_1734 = arith.addi %add3A_1733, %mul3A_1732 : i32
        %add3A_1735 = arith.constant 0 : i32
        %add3A_1736 = arith.addi %add3A_1734, %add3A_1735 : i32
        %get3A_1737 = arith.constant 1 : i32
        %get3A_1738 = arith.index_cast %get3A_1737 : i32 to index
        %get3A_1739 = arith.index_cast %add3A_1736 : i32 to index
        %get3A_1740 = arith.constant 48 : index
        %get3A_1741 = tpu.vector_load %arg12[%get3A_1738, %get3A_1739, %get3A_1740] {strides = array<i32>} : memref<6x100x128xf32, #tpu.memory_space<vmem>>, vector<1x1x16xf32>,
        %get3A_1742 = vector.shape_cast %get3A_1741 : vector<1x1x16xf32> to vector<16xf32>
        %add3A_1743 = arith.addf %scan3A_1641, %get3A_1742 : vector<16xf32>
        %mul3A_1744 = arith.constant 2 : i32
        %mul3A_1745 = arith.muli %mul3A_1744, %scan3A_1637 : i32
        %add3A_1746 = arith.constant 0 : i32
        %add3A_1747 = arith.addi %add3A_1746, %mul3A_1745 : i32
        %add3A_1748 = arith.constant 1 : i32
        %add3A_1749 = arith.addi %add3A_1747, %add3A_1748 : i32
        %get3A_1750 = arith.constant 1 : i32
        %get3A_1751 = arith.index_cast %get3A_1750 : i32 to index
        %get3A_1752 = arith.index_cast %add3A_1749 : i32 to index
        %get3A_1753 = arith.constant 48 : index
        %get3A_1754 = tpu.vector_load %arg12[%get3A_1751, %get3A_1752, %get3A_1753] {strides = array<i32>} : memref<6x100x128xf32, #tpu.memory_space<vmem>>, vector<1x1x16xf32>,
        %get3A_1755 = vector.shape_cast %get3A_1754 : vector<1x1x16xf32> to vector<16xf32>
        %add3A_1756 = arith.addf %add3A_1743, %get3A_1755 : vector<16xf32>
        %mul3A_1757 = arith.constant 2 : i32
        %mul3A_1758 = arith.muli %mul3A_1757, %scan3A_1637 : i32
        %add3A_1759 = arith.constant 0 : i32
        %add3A_1760 = arith.addi %add3A_1759, %mul3A_1758 : i32
        %add3A_1761 = arith.constant 0 : i32
        %add3A_1762 = arith.addi %add3A_1760, %add3A_1761 : i32
        %get3A_1763 = arith.constant 1 : i32
        %get3A_1764 = arith.index_cast %get3A_1763 : i32 to index
        %get3A_1765 = arith.index_cast %add3A_1762 : i32 to index
        %get3A_1766 = arith.constant 64 : index
        %get3A_1767 = tpu.vector_load %arg12[%get3A_1764, %get3A_1765, %get3A_1766] {strides = array<i32>} : memref<6x100x128xf32, #tpu.memory_space<vmem>>, vector<1x1x16xf32>,
        %get3A_1768 = vector.shape_cast %get3A_1767 : vector<1x1x16xf32> to vector<16xf32>
        %add3A_1769 = arith.addf %scan3A_1642, %get3A_1768 : vector<16xf32>
        %mul3A_1770 = arith.constant 2 : i32
        %mul3A_1771 = arith.muli %mul3A_1770, %scan3A_1637 : i32
        %add3A_1772 = arith.constant 0 : i32
        %add3A_1773 = arith.addi %add3A_1772, %mul3A_1771 : i32
        %add3A_1774 = arith.constant 1 : i32
        %add3A_1775 = arith.addi %add3A_1773, %add3A_1774 : i32
        %get3A_1776 = arith.constant 1 : i32
        %get3A_1777 = arith.index_cast %get3A_1776 : i32 to index
        %get3A_1778 = arith.index_cast %add3A_1775 : i32 to index
        %get3A_1779 = arith.constant 64 : index
        %get3A_1780 = tpu.vector_load %arg12[%get3A_1777, %get3A_1778, %get3A_1779] {strides = array<i32>} : memref<6x100x128xf32, #tpu.memory_space<vmem>>, vector<1x1x16xf32>,
        %get3A_1781 = vector.shape_cast %get3A_1780 : vector<1x1x16xf32> to vector<16xf32>
        %add3A_1782 = arith.addf %add3A_1769, %get3A_1781 : vector<16xf32>
        %mul3A_1783 = arith.constant 2 : i32
        %mul3A_1784 = arith.muli %mul3A_1783, %scan3A_1637 : i32
        %add3A_1785 = arith.constant 0 : i32
        %add3A_1786 = arith.addi %add3A_1785, %mul3A_1784 : i32
        %add3A_1787 = arith.constant 0 : i32
        %add3A_1788 = arith.addi %add3A_1786, %add3A_1787 : i32
        %get3A_1789 = arith.constant 1 : i32
        %get3A_1790 = arith.index_cast %get3A_1789 : i32 to index
        %get3A_1791 = arith.index_cast %add3A_1788 : i32 to index
        %get3A_1792 = arith.constant 80 : index
        %get3A_1793 = tpu.vector_load %arg12[%get3A_1790, %get3A_1791, %get3A_1792] {strides = array<i32>} : memref<6x100x128xf32, #tpu.memory_space<vmem>>, vector<1x1x16xf32>,
        %get3A_1794 = vector.shape_cast %get3A_1793 : vector<1x1x16xf32> to vector<16xf32>
        %add3A_1795 = arith.addf %scan3A_1643, %get3A_1794 : vector<16xf32>
        %mul3A_1796 = arith.constant 2 : i32
        %mul3A_1797 = arith.muli %mul3A_1796, %scan3A_1637 : i32
        %add3A_1798 = arith.constant 0 : i32
        %add3A_1799 = arith.addi %add3A_1798, %mul3A_1797 : i32
        %add3A_1800 = arith.constant 1 : i32
        %add3A_1801 = arith.addi %add3A_1799, %add3A_1800 : i32
        %get3A_1802 = arith.constant 1 : i32
        %get3A_1803 = arith.index_cast %get3A_1802 : i32 to index
        %get3A_1804 = arith.index_cast %add3A_1801 : i32 to index
        %get3A_1805 = arith.constant 80 : index
        %get3A_1806 = tpu.vector_load %arg12[%get3A_1803, %get3A_1804, %get3A_1805] {strides = array<i32>} : memref<6x100x128xf32, #tpu.memory_space<vmem>>, vector<1x1x16xf32>,
        %get3A_1807 = vector.shape_cast %get3A_1806 : vector<1x1x16xf32> to vector<16xf32>
        %add3A_1808 = arith.addf %add3A_1795, %get3A_1807 : vector<16xf32>
        %mul3A_1809 = arith.constant 2 : i32
        %mul3A_1810 = arith.muli %mul3A_1809, %scan3A_1637 : i32
        %add3A_1811 = arith.constant 0 : i32
        %add3A_1812 = arith.addi %add3A_1811, %mul3A_1810 : i32
        %add3A_1813 = arith.constant 0 : i32
        %add3A_1814 = arith.addi %add3A_1812, %add3A_1813 : i32
        %get3A_1815 = arith.constant 1 : i32
        %get3A_1816 = arith.index_cast %get3A_1815 : i32 to index
        %get3A_1817 = arith.index_cast %add3A_1814 : i32 to index
        %get3A_1818 = arith.constant 96 : index
        %get3A_1819 = tpu.vector_load %arg12[%get3A_1816, %get3A_1817, %get3A_1818] {strides = array<i32>} : memref<6x100x128xf32, #tpu.memory_space<vmem>>, vector<1x1x16xf32>,
        %get3A_1820 = vector.shape_cast %get3A_1819 : vector<1x1x16xf32> to vector<16xf32>
        %add3A_1821 = arith.addf %scan3A_1644, %get3A_1820 : vector<16xf32>
        %mul3A_1822 = arith.constant 2 : i32
        %mul3A_1823 = arith.muli %mul3A_1822, %scan3A_1637 : i32
        %add3A_1824 = arith.constant 0 : i32
        %add3A_1825 = arith.addi %add3A_1824, %mul3A_1823 : i32
        %add3A_1826 = arith.constant 1 : i32
        %add3A_1827 = arith.addi %add3A_1825, %add3A_1826 : i32
        %get3A_1828 = arith.constant 1 : i32
        %get3A_1829 = arith.index_cast %get3A_1828 : i32 to index
        %get3A_1830 = arith.index_cast %add3A_1827 : i32 to index
        %get3A_1831 = arith.constant 96 : index
        %get3A_1832 = tpu.vector_load %arg12[%get3A_1829, %get3A_1830, %get3A_1831] {strides = array<i32>} : memref<6x100x128xf32, #tpu.memory_space<vmem>>, vector<1x1x16xf32>,
        %get3A_1833 = vector.shape_cast %get3A_1832 : vector<1x1x16xf32> to vector<16xf32>
        %add3A_1834 = arith.addf %add3A_1821, %get3A_1833 : vector<16xf32>
        %mul3A_1835 = arith.constant 2 : i32
        %mul3A_1836 = arith.muli %mul3A_1835, %scan3A_1637 : i32
        %add3A_1837 = arith.constant 0 : i32
        %add3A_1838 = arith.addi %add3A_1837, %mul3A_1836 : i32
        %add3A_1839 = arith.constant 0 : i32
        %add3A_1840 = arith.addi %add3A_1838, %add3A_1839 : i32
        %get3A_1841 = arith.constant 1 : i32
        %get3A_1842 = arith.index_cast %get3A_1841 : i32 to index
        %get3A_1843 = arith.index_cast %add3A_1840 : i32 to index
        %get3A_1844 = arith.constant 112 : index
        %get3A_1845 = tpu.vector_load %arg12[%get3A_1842, %get3A_1843, %get3A_1844] {strides = array<i32>} : memref<6x100x128xf32, #tpu.memory_space<vmem>>, vector<1x1x16xf32>,
        %get3A_1846 = vector.shape_cast %get3A_1845 : vector<1x1x16xf32> to vector<16xf32>
        %add3A_1847 = arith.addf %scan3A_1645, %get3A_1846 : vector<16xf32>
        %mul3A_1848 = arith.constant 2 : i32
        %mul3A_1849 = arith.muli %mul3A_1848, %scan3A_1637 : i32
        %add3A_1850 = arith.constant 0 : i32
        %add3A_1851 = arith.addi %add3A_1850, %mul3A_1849 : i32
        %add3A_1852 = arith.constant 1 : i32
        %add3A_1853 = arith.addi %add3A_1851, %add3A_1852 : i32
        %get3A_1854 = arith.constant 1 : i32
        %get3A_1855 = arith.index_cast %get3A_1854 : i32 to index
        %get3A_1856 = arith.index_cast %add3A_1853 : i32 to index
        %get3A_1857 = arith.constant 112 : index
        %get3A_1858 = tpu.vector_load %arg12[%get3A_1855, %get3A_1856, %get3A_1857] {strides = array<i32>} : memref<6x100x128xf32, #tpu.memory_space<vmem>>, vector<1x1x16xf32>,
        %get3A_1859 = vector.shape_cast %get3A_1858 : vector<1x1x16xf32> to vector<16xf32>
        %add3A_1860 = arith.addf %add3A_1847, %get3A_1859 : vector<16xf32>
        %mul3A_1861 = arith.constant 2 : i32
        %mul3A_1862 = arith.muli %mul3A_1861, %scan3A_1637 : i32
        %add3A_1863 = arith.constant 50 : i32
        %add3A_1864 = arith.addi %add3A_1863, %mul3A_1862 : i32
        %add3A_1865 = arith.constant 0 : i32
        %add3A_1866 = arith.addi %add3A_1864, %add3A_1865 : i32
        %get3A_1867 = arith.constant 1 : i32
        %get3A_1868 = arith.index_cast %get3A_1867 : i32 to index
        %get3A_1869 = arith.index_cast %add3A_1866 : i32 to index
        %get3A_1870 = arith.constant 0 : index
        %get3A_1871 = tpu.vector_load %arg12[%get3A_1868, %get3A_1869, %get3A_1870] {strides = array<i32>} : memref<6x100x128xf32, #tpu.memory_space<vmem>>, vector<1x1x16xf32>,
        %get3A_1872 = vector.shape_cast %get3A_1871 : vector<1x1x16xf32> to vector<16xf32>
        %add3A_1873 = arith.addf %scan3A_1646, %get3A_1872 : vector<16xf32>
        %mul3A_1874 = arith.constant 2 : i32
        %mul3A_1875 = arith.muli %mul3A_1874, %scan3A_1637 : i32
        %add3A_1876 = arith.constant 50 : i32
        %add3A_1877 = arith.addi %add3A_1876, %mul3A_1875 : i32
        %add3A_1878 = arith.constant 1 : i32
        %add3A_1879 = arith.addi %add3A_1877, %add3A_1878 : i32
        %get3A_1880 = arith.constant 1 : i32
        %get3A_1881 = arith.index_cast %get3A_1880 : i32 to index
        %get3A_1882 = arith.index_cast %add3A_1879 : i32 to index
        %get3A_1883 = arith.constant 0 : index
        %get3A_1884 = tpu.vector_load %arg12[%get3A_1881, %get3A_1882, %get3A_1883] {strides = array<i32>} : memref<6x100x128xf32, #tpu.memory_space<vmem>>, vector<1x1x16xf32>,
        %get3A_1885 = vector.shape_cast %get3A_1884 : vector<1x1x16xf32> to vector<16xf32>
        %add3A_1886 = arith.addf %add3A_1873, %get3A_1885 : vector<16xf32>
        %mul3A_1887 = arith.constant 2 : i32
        %mul3A_1888 = arith.muli %mul3A_1887, %scan3A_1637 : i32
        %add3A_1889 = arith.constant 50 : i32
        %add3A_1890 = arith.addi %add3A_1889, %mul3A_1888 : i32
        %add3A_1891 = arith.constant 0 : i32
        %add3A_1892 = arith.addi %add3A_1890, %add3A_1891 : i32
        %get3A_1893 = arith.constant 1 : i32
        %get3A_1894 = arith.index_cast %get3A_1893 : i32 to index
        %get3A_1895 = arith.index_cast %add3A_1892 : i32 to index
        %get3A_1896 = arith.constant 16 : index
        %get3A_1897 = tpu.vector_load %arg12[%get3A_1894, %get3A_1895, %get3A_1896] {strides = array<i32>} : memref<6x100x128xf32, #tpu.memory_space<vmem>>, vector<1x1x16xf32>,
        %get3A_1898 = vector.shape_cast %get3A_1897 : vector<1x1x16xf32> to vector<16xf32>
        %add3A_1899 = arith.addf %scan3A_1647, %get3A_1898 : vector<16xf32>
        %mul3A_1900 = arith.constant 2 : i32
        %mul3A_1901 = arith.muli %mul3A_1900, %scan3A_1637 : i32
        %add3A_1902 = arith.constant 50 : i32
        %add3A_1903 = arith.addi %add3A_1902, %mul3A_1901 : i32
        %add3A_1904 = arith.constant 1 : i32
        %add3A_1905 = arith.addi %add3A_1903, %add3A_1904 : i32
        %get3A_1906 = arith.constant 1 : i32
        %get3A_1907 = arith.index_cast %get3A_1906 : i32 to index
        %get3A_1908 = arith.index_cast %add3A_1905 : i32 to index
        %get3A_1909 = arith.constant 16 : index
        %get3A_1910 = tpu.vector_load %arg12[%get3A_1907, %get3A_1908, %get3A_1909] {strides = array<i32>} : memref<6x100x128xf32, #tpu.memory_space<vmem>>, vector<1x1x16xf32>,
        %get3A_1911 = vector.shape_cast %get3A_1910 : vector<1x1x16xf32> to vector<16xf32>
        %add3A_1912 = arith.addf %add3A_1899, %get3A_1911 : vector<16xf32>
        %mul3A_1913 = arith.constant 2 : i32
        %mul3A_1914 = arith.muli %mul3A_1913, %scan3A_1637 : i32
        %add3A_1915 = arith.constant 50 : i32
        %add3A_1916 = arith.addi %add3A_1915, %mul3A_1914 : i32
        %add3A_1917 = arith.constant 0 : i32
        %add3A_1918 = arith.addi %add3A_1916, %add3A_1917 : i32
        %get3A_1919 = arith.constant 1 : i32
        %get3A_1920 = arith.index_cast %get3A_1919 : i32 to index
        %get3A_1921 = arith.index_cast %add3A_1918 : i32 to index
        %get3A_1922 = arith.constant 32 : index
        %get3A_1923 = tpu.vector_load %arg12[%get3A_1920, %get3A_1921, %get3A_1922] {strides = array<i32>} : memref<6x100x128xf32, #tpu.memory_space<vmem>>, vector<1x1x16xf32>,
        %get3A_1924 = vector.shape_cast %get3A_1923 : vector<1x1x16xf32> to vector<16xf32>
        %add3A_1925 = arith.addf %scan3A_1648, %get3A_1924 : vector<16xf32>
        %mul3A_1926 = arith.constant 2 : i32
        %mul3A_1927 = arith.muli %mul3A_1926, %scan3A_1637 : i32
        %add3A_1928 = arith.constant 50 : i32
        %add3A_1929 = arith.addi %add3A_1928, %mul3A_1927 : i32
        %add3A_1930 = arith.constant 1 : i32
        %add3A_1931 = arith.addi %add3A_1929, %add3A_1930 : i32
        %get3A_1932 = arith.constant 1 : i32
        %get3A_1933 = arith.index_cast %get3A_1932 : i32 to index
        %get3A_1934 = arith.index_cast %add3A_1931 : i32 to index
        %get3A_1935 = arith.constant 32 : index
        %get3A_1936 = tpu.vector_load %arg12[%get3A_1933, %get3A_1934, %get3A_1935] {strides = array<i32>} : memref<6x100x128xf32, #tpu.memory_space<vmem>>, vector<1x1x16xf32>,
        %get3A_1937 = vector.shape_cast %get3A_1936 : vector<1x1x16xf32> to vector<16xf32>
        %add3A_1938 = arith.addf %add3A_1925, %get3A_1937 : vector<16xf32>
        %mul3A_1939 = arith.constant 2 : i32
        %mul3A_1940 = arith.muli %mul3A_1939, %scan3A_1637 : i32
        %add3A_1941 = arith.constant 50 : i32
        %add3A_1942 = arith.addi %add3A_1941, %mul3A_1940 : i32
        %add3A_1943 = arith.constant 0 : i32
        %add3A_1944 = arith.addi %add3A_1942, %add3A_1943 : i32
        %get3A_1945 = arith.constant 1 : i32
        %get3A_1946 = arith.index_cast %get3A_1945 : i32 to index
        %get3A_1947 = arith.index_cast %add3A_1944 : i32 to index
        %get3A_1948 = arith.constant 48 : index
        %get3A_1949 = tpu.vector_load %arg12[%get3A_1946, %get3A_1947, %get3A_1948] {strides = array<i32>} : memref<6x100x128xf32, #tpu.memory_space<vmem>>, vector<1x1x16xf32>,
        %get3A_1950 = vector.shape_cast %get3A_1949 : vector<1x1x16xf32> to vector<16xf32>
        %add3A_1951 = arith.addf %scan3A_1649, %get3A_1950 : vector<16xf32>
        %mul3A_1952 = arith.constant 2 : i32
        %mul3A_1953 = arith.muli %mul3A_1952, %scan3A_1637 : i32
        %add3A_1954 = arith.constant 50 : i32
        %add3A_1955 = arith.addi %add3A_1954, %mul3A_1953 : i32
        %add3A_1956 = arith.constant 1 : i32
        %add3A_1957 = arith.addi %add3A_1955, %add3A_1956 : i32
        %get3A_1958 = arith.constant 1 : i32
        %get3A_1959 = arith.index_cast %get3A_1958 : i32 to index
        %get3A_1960 = arith.index_cast %add3A_1957 : i32 to index
        %get3A_1961 = arith.constant 48 : index
        %get3A_1962 = tpu.vector_load %arg12[%get3A_1959, %get3A_1960, %get3A_1961] {strides = array<i32>} : memref<6x100x128xf32, #tpu.memory_space<vmem>>, vector<1x1x16xf32>,
        %get3A_1963 = vector.shape_cast %get3A_1962 : vector<1x1x16xf32> to vector<16xf32>
        %add3A_1964 = arith.addf %add3A_1951, %get3A_1963 : vector<16xf32>
        %mul3A_1965 = arith.constant 2 : i32
        %mul3A_1966 = arith.muli %mul3A_1965, %scan3A_1637 : i32
        %add3A_1967 = arith.constant 50 : i32
        %add3A_1968 = arith.addi %add3A_1967, %mul3A_1966 : i32
        %add3A_1969 = arith.constant 0 : i32
        %add3A_1970 = arith.addi %add3A_1968, %add3A_1969 : i32
        %get3A_1971 = arith.constant 1 : i32
        %get3A_1972 = arith.index_cast %get3A_1971 : i32 to index
        %get3A_1973 = arith.index_cast %add3A_1970 : i32 to index
        %get3A_1974 = arith.constant 64 : index
        %get3A_1975 = tpu.vector_load %arg12[%get3A_1972, %get3A_1973, %get3A_1974] {strides = array<i32>} : memref<6x100x128xf32, #tpu.memory_space<vmem>>, vector<1x1x16xf32>,
        %get3A_1976 = vector.shape_cast %get3A_1975 : vector<1x1x16xf32> to vector<16xf32>
        %add3A_1977 = arith.addf %scan3A_1650, %get3A_1976 : vector<16xf32>
        %mul3A_1978 = arith.constant 2 : i32
        %mul3A_1979 = arith.muli %mul3A_1978, %scan3A_1637 : i32
        %add3A_1980 = arith.constant 50 : i32
        %add3A_1981 = arith.addi %add3A_1980, %mul3A_1979 : i32
        %add3A_1982 = arith.constant 1 : i32
        %add3A_1983 = arith.addi %add3A_1981, %add3A_1982 : i32
        %get3A_1984 = arith.constant 1 : i32
        %get3A_1985 = arith.index_cast %get3A_1984 : i32 to index
        %get3A_1986 = arith.index_cast %add3A_1983 : i32 to index
        %get3A_1987 = arith.constant 64 : index
        %get3A_1988 = tpu.vector_load %arg12[%get3A_1985, %get3A_1986, %get3A_1987] {strides = array<i32>} : memref<6x100x128xf32, #tpu.memory_space<vmem>>, vector<1x1x16xf32>,
        %get3A_1989 = vector.shape_cast %get3A_1988 : vector<1x1x16xf32> to vector<16xf32>
        %add3A_1990 = arith.addf %add3A_1977, %get3A_1989 : vector<16xf32>
        %mul3A_1991 = arith.constant 2 : i32
        %mul3A_1992 = arith.muli %mul3A_1991, %scan3A_1637 : i32
        %add3A_1993 = arith.constant 50 : i32
        %add3A_1994 = arith.addi %add3A_1993, %mul3A_1992 : i32
        %add3A_1995 = arith.constant 0 : i32
        %add3A_1996 = arith.addi %add3A_1994, %add3A_1995 : i32
        %get3A_1997 = arith.constant 1 : i32
        %get3A_1998 = arith.index_cast %get3A_1997 : i32 to index
        %get3A_1999 = arith.index_cast %add3A_1996 : i32 to index
        %get3A_2000 = arith.constant 80 : index
        %get3A_2001 = tpu.vector_load %arg12[%get3A_1998, %get3A_1999, %get3A_2000] {strides = array<i32>} : memref<6x100x128xf32, #tpu.memory_space<vmem>>, vector<1x1x16xf32>,
        %get3A_2002 = vector.shape_cast %get3A_2001 : vector<1x1x16xf32> to vector<16xf32>
        %add3A_2003 = arith.addf %scan3A_1651, %get3A_2002 : vector<16xf32>
        %mul3A_2004 = arith.constant 2 : i32
        %mul3A_2005 = arith.muli %mul3A_2004, %scan3A_1637 : i32
        %add3A_2006 = arith.constant 50 : i32
        %add3A_2007 = arith.addi %add3A_2006, %mul3A_2005 : i32
        %add3A_2008 = arith.constant 1 : i32
        %add3A_2009 = arith.addi %add3A_2007, %add3A_2008 : i32
        %get3A_2010 = arith.constant 1 : i32
        %get3A_2011 = arith.index_cast %get3A_2010 : i32 to index
        %get3A_2012 = arith.index_cast %add3A_2009 : i32 to index
        %get3A_2013 = arith.constant 80 : index
        %get3A_2014 = tpu.vector_load %arg12[%get3A_2011, %get3A_2012, %get3A_2013] {strides = array<i32>} : memref<6x100x128xf32, #tpu.memory_space<vmem>>, vector<1x1x16xf32>,
        %get3A_2015 = vector.shape_cast %get3A_2014 : vector<1x1x16xf32> to vector<16xf32>
        %add3A_2016 = arith.addf %add3A_2003, %get3A_2015 : vector<16xf32>
        %mul3A_2017 = arith.constant 2 : i32
        %mul3A_2018 = arith.muli %mul3A_2017, %scan3A_1637 : i32
        %add3A_2019 = arith.constant 50 : i32
        %add3A_2020 = arith.addi %add3A_2019, %mul3A_2018 : i32
        %add3A_2021 = arith.constant 0 : i32
        %add3A_2022 = arith.addi %add3A_2020, %add3A_2021 : i32
        %get3A_2023 = arith.constant 1 : i32
        %get3A_2024 = arith.index_cast %get3A_2023 : i32 to index
        %get3A_2025 = arith.index_cast %add3A_2022 : i32 to index
        %get3A_2026 = arith.constant 96 : index
        %get3A_2027 = tpu.vector_load %arg12[%get3A_2024, %get3A_2025, %get3A_2026] {strides = array<i32>} : memref<6x100x128xf32, #tpu.memory_space<vmem>>, vector<1x1x16xf32>,
        %get3A_2028 = vector.shape_cast %get3A_2027 : vector<1x1x16xf32> to vector<16xf32>
        %add3A_2029 = arith.addf %scan3A_1652, %get3A_2028 : vector<16xf32>
        %mul3A_2030 = arith.constant 2 : i32
        %mul3A_2031 = arith.muli %mul3A_2030, %scan3A_1637 : i32
        %add3A_2032 = arith.constant 50 : i32
        %add3A_2033 = arith.addi %add3A_2032, %mul3A_2031 : i32
        %add3A_2034 = arith.constant 1 : i32
        %add3A_2035 = arith.addi %add3A_2033, %add3A_2034 : i32
        %get3A_2036 = arith.constant 1 : i32
        %get3A_2037 = arith.index_cast %get3A_2036 : i32 to index
        %get3A_2038 = arith.index_cast %add3A_2035 : i32 to index
        %get3A_2039 = arith.constant 96 : index
        %get3A_2040 = tpu.vector_load %arg12[%get3A_2037, %get3A_2038, %get3A_2039] {strides = array<i32>} : memref<6x100x128xf32, #tpu.memory_space<vmem>>, vector<1x1x16xf32>,
        %get3A_2041 = vector.shape_cast %get3A_2040 : vector<1x1x16xf32> to vector<16xf32>
        %add3A_2042 = arith.addf %add3A_2029, %get3A_2041 : vector<16xf32>
        %mul3A_2043 = arith.constant 2 : i32
        %mul3A_2044 = arith.muli %mul3A_2043, %scan3A_1637 : i32
        %add3A_2045 = arith.constant 50 : i32
        %add3A_2046 = arith.addi %add3A_2045, %mul3A_2044 : i32
        %add3A_2047 = arith.constant 0 : i32
        %add3A_2048 = arith.addi %add3A_2046, %add3A_2047 : i32
        %get3A_2049 = arith.constant 1 : i32
        %get3A_2050 = arith.index_cast %get3A_2049 : i32 to index
        %get3A_2051 = arith.index_cast %add3A_2048 : i32 to index
        %get3A_2052 = arith.constant 112 : index
        %get3A_2053 = tpu.vector_load %arg12[%get3A_2050, %get3A_2051, %get3A_2052] {strides = array<i32>} : memref<6x100x128xf32, #tpu.memory_space<vmem>>, vector<1x1x16xf32>,
        %get3A_2054 = vector.shape_cast %get3A_2053 : vector<1x1x16xf32> to vector<16xf32>
        %add3A_2055 = arith.addf %scan3A_1653, %get3A_2054 : vector<16xf32>
        %mul3A_2056 = arith.constant 2 : i32
        %mul3A_2057 = arith.muli %mul3A_2056, %scan3A_1637 : i32
        %add3A_2058 = arith.constant 50 : i32
        %add3A_2059 = arith.addi %add3A_2058, %mul3A_2057 : i32
        %add3A_2060 = arith.constant 1 : i32
        %add3A_2061 = arith.addi %add3A_2059, %add3A_2060 : i32
        %get3A_2062 = arith.constant 1 : i32
        %get3A_2063 = arith.index_cast %get3A_2062 : i32 to index
        %get3A_2064 = arith.index_cast %add3A_2061 : i32 to index
        %get3A_2065 = arith.constant 112 : index
        %get3A_2066 = tpu.vector_load %arg12[%get3A_2063, %get3A_2064, %get3A_2065] {strides = array<i32>} : memref<6x100x128xf32, #tpu.memory_space<vmem>>, vector<1x1x16xf32>,
        %get3A_2067 = vector.shape_cast %get3A_2066 : vector<1x1x16xf32> to vector<16xf32>
        %add3A_2068 = arith.addf %add3A_2055, %get3A_2067 : vector<16xf32>
        scf.yield %add3A_1678, %add3A_1704, %add3A_1730, %add3A_1756, %add3A_1782, %add3A_1808, %add3A_1834, %add3A_1860, %add3A_1886, %add3A_1912, %add3A_1938, %add3A_1964, %add3A_1990, %add3A_2016, %add3A_2042, %add3A_2068 : vector<16xf32>, vector<16xf32>, vector<16xf32>, vector<16xf32>, vector<16xf32>, vector<16xf32>, vector<16xf32>, vector<16xf32>, vector<16xf32>, vector<16xf32>, vector<16xf32>, vector<16xf32>, vector<16xf32>, vector<16xf32>, vector<16xf32>, vector<16xf32>
      }
      %scan3A_519 = arith.constant 25 : i32
      %ge3A_520 = arith.constant 6 : i32
      %ge3A_521 = arith.cmpi sge, %add3A_450, %ge3A_520 : i32
      %convert_element_type3A_522 = arith.extui %ge3A_521 : i1 to i32
      %cond3A_523 = arith.constant 0 : i32
      %cond3A_524 = arith.cmpi ne, %convert_element_type3A_522, %cond3A_523 : i32
      scf.if %cond3A_524 {
        %sub3A_1637 = arith.constant 2 : i32
        %sub3A_1638 = arith.subi %add3A_454, %sub3A_1637 : i32
        %mul3A_1639 = arith.constant 2 : i32
        %mul3A_1640 = arith.muli %sub3A_1638, %mul3A_1639 : i32
        %add3A_1641 = arith.addi %mul3A_4, %mul3A_1640 : i32
        %dma_wait3A_1642 = arith.constant 1 : i32
        %dma_wait3A_1643 = arith.constant 2 : i32
        %dma_wait3A_1644 = arith.constant 0 : i32
        %dma_wait3A_1645 = tpu.memref_slice %arg13[%dma_wait3A_1643, %dma_wait3A_1644] : memref<12x128xf32, #tpu.memory_space<vmem>> -> memref<2x128xf32, #tpu.memory_space<vmem>>
        %dma_wait3A_1646 = arith.constant 128 : i32
        %dma_wait3A_1647 = tpu.memref_slice %arg8[%add3A_1641, %dma_wait3A_1646] : memref<4096x384xf32, #tpu.memory_space<hbm>> -> memref<2x128xf32, #tpu.memory_space<hbm>>
        %dma_wait3A_1648 = tpu.memref_slice %arg15[%dma_wait3A_1642] : memref<6x!tpu.dma_semaphore, #tpu.memory_space<semaphore_mem>> -> memref<1x!tpu.dma_semaphore, #tpu.memory_space<semaphore_mem>>
        %dma_wait3A_1649 = tpu.memref_squeeze %dma_wait3A_1648 : memref<1x!tpu.dma_semaphore, #tpu.memory_space<semaphore_mem>> -> memref<!tpu.dma_semaphore, #tpu.memory_space<semaphore_mem>>
        %dma_wait3A_1650 = arith.constant 128 : i32
        %dma_wait3A_1651 = tpu.memref_slice %arg8[%add3A_1641, %dma_wait3A_1650] : memref<4096x384xf32, #tpu.memory_space<hbm>> -> memref<2x128xf32, #tpu.memory_space<hbm>>
        %dma_wait3A_1652 = arith.constant 2 : i32
        %dma_wait3A_1653 = arith.constant 0 : i32
        %dma_wait3A_1654 = tpu.memref_slice %arg13[%dma_wait3A_1652, %dma_wait3A_1653] : memref<12x128xf32, #tpu.memory_space<vmem>> -> memref<2x128xf32, #tpu.memory_space<vmem>>
        tpu.wait_dma2 semaphore(%dma_wait3A_1649 : memref<!tpu.dma_semaphore, #tpu.memory_space<semaphore_mem>>) src(%dma_wait3A_1654 : memref<2x128xf32, #tpu.memory_space<vmem>>) dst(%dma_wait3A_1651 : memref<2x128xf32, #tpu.memory_space<hbm>>)
      } else {
      }
      %mul3A_525 = arith.constant 2.000000e-02 : f32
      %mul3A_526 = vector.broadcast %mul3A_525 : f32 to vector<16xf32>
      %mul3A_527 = arith.mulf %scan3A_518#0, %mul3A_526 : vector<16xf32>
      %swap3A_528 = arith.constant 2 : i32
      %swap3A_529 = arith.index_cast %swap3A_528 : i32 to index
      %swap3A_530 = arith.constant 0 : index
      %swap3A_531 = tpu.vector_load %arg13[%swap3A_529, %swap3A_530] {strides = array<i32>} : memref<12x128xf32, #tpu.memory_space<vmem>>, vector<1x16xf32>,
      %swap3A_532 = vector.shape_cast %swap3A_531 : vector<1x16xf32> to vector<16xf32>
      %swap3A_533 = vector.shape_cast %mul3A_527 : vector<16xf32> to vector<1x16xf32>
      tpu.vector_store %arg13[%swap3A_529, %swap3A_530], %swap3A_533 {strides = array<i32>} : memref<12x128xf32, #tpu.memory_space<vmem>>, vector<1x16xf32>,
      %mul3A_534 = arith.constant 2.000000e-02 : f32
      %mul3A_535 = vector.broadcast %mul3A_534 : f32 to vector<16xf32>
      %mul3A_536 = arith.mulf %scan3A_518#1, %mul3A_535 : vector<16xf32>
      %swap3A_537 = arith.constant 2 : i32
      %swap3A_538 = arith.index_cast %swap3A_537 : i32 to index
      %swap3A_539 = arith.constant 16 : index
      %swap3A_540 = tpu.vector_load %arg13[%swap3A_538, %swap3A_539] {strides = array<i32>} : memref<12x128xf32, #tpu.memory_space<vmem>>, vector<1x16xf32>,
      %swap3A_541 = vector.shape_cast %swap3A_540 : vector<1x16xf32> to vector<16xf32>
      %swap3A_542 = vector.shape_cast %mul3A_536 : vector<16xf32> to vector<1x16xf32>
      tpu.vector_store %arg13[%swap3A_538, %swap3A_539], %swap3A_542 {strides = array<i32>} : memref<12x128xf32, #tpu.memory_space<vmem>>, vector<1x16xf32>,
      %mul3A_543 = arith.constant 2.000000e-02 : f32
      %mul3A_544 = vector.broadcast %mul3A_543 : f32 to vector<16xf32>
      %mul3A_545 = arith.mulf %scan3A_518#2, %mul3A_544 : vector<16xf32>
      %swap3A_546 = arith.constant 2 : i32
      %swap3A_547 = arith.index_cast %swap3A_546 : i32 to index
      %swap3A_548 = arith.constant 32 : index
      %swap3A_549 = tpu.vector_load %arg13[%swap3A_547, %swap3A_548] {strides = array<i32>} : memref<12x128xf32, #tpu.memory_space<vmem>>, vector<1x16xf32>,
      %swap3A_550 = vector.shape_cast %swap3A_549 : vector<1x16xf32> to vector<16xf32>
      %swap3A_551 = vector.shape_cast %mul3A_545 : vector<16xf32> to vector<1x16xf32>
      tpu.vector_store %arg13[%swap3A_547, %swap3A_548], %swap3A_551 {strides = array<i32>} : memref<12x128xf32, #tpu.memory_space<vmem>>, vector<1x16xf32>,
      %mul3A_552 = arith.constant 2.000000e-02 : f32
      %mul3A_553 = vector.broadcast %mul3A_552 : f32 to vector<16xf32>
      %mul3A_554 = arith.mulf %scan3A_518#3, %mul3A_553 : vector<16xf32>
      %swap3A_555 = arith.constant 2 : i32
      %swap3A_556 = arith.index_cast %swap3A_555 : i32 to index
      %swap3A_557 = arith.constant 48 : index
      %swap3A_558 = tpu.vector_load %arg13[%swap3A_556, %swap3A_557] {strides = array<i32>} : memref<12x128xf32, #tpu.memory_space<vmem>>, vector<1x16xf32>,
      %swap3A_559 = vector.shape_cast %swap3A_558 : vector<1x16xf32> to vector<16xf32>
      %swap3A_560 = vector.shape_cast %mul3A_554 : vector<16xf32> to vector<1x16xf32>
      tpu.vector_store %arg13[%swap3A_556, %swap3A_557], %swap3A_560 {strides = array<i32>} : memref<12x128xf32, #tpu.memory_space<vmem>>, vector<1x16xf32>,
      %mul3A_561 = arith.constant 2.000000e-02 : f32
      %mul3A_562 = vector.broadcast %mul3A_561 : f32 to vector<16xf32>
      %mul3A_563 = arith.mulf %scan3A_518#4, %mul3A_562 : vector<16xf32>
      %swap3A_564 = arith.constant 2 : i32
      %swap3A_565 = arith.index_cast %swap3A_564 : i32 to index
      %swap3A_566 = arith.constant 64 : index
      %swap3A_567 = tpu.vector_load %arg13[%swap3A_565, %swap3A_566] {strides = array<i32>} : memref<12x128xf32, #tpu.memory_space<vmem>>, vector<1x16xf32>,
      %swap3A_568 = vector.shape_cast %swap3A_567 : vector<1x16xf32> to vector<16xf32>
      %swap3A_569 = vector.shape_cast %mul3A_563 : vector<16xf32> to vector<1x16xf32>
      tpu.vector_store %arg13[%swap3A_565, %swap3A_566], %swap3A_569 {strides = array<i32>} : memref<12x128xf32, #tpu.memory_space<vmem>>, vector<1x16xf32>,
      %mul3A_570 = arith.constant 2.000000e-02 : f32
      %mul3A_571 = vector.broadcast %mul3A_570 : f32 to vector<16xf32>
      %mul3A_572 = arith.mulf %scan3A_518#5, %mul3A_571 : vector<16xf32>
      %swap3A_573 = arith.constant 2 : i32
      %swap3A_574 = arith.index_cast %swap3A_573 : i32 to index
      %swap3A_575 = arith.constant 80 : index
      %swap3A_576 = tpu.vector_load %arg13[%swap3A_574, %swap3A_575] {strides = array<i32>} : memref<12x128xf32, #tpu.memory_space<vmem>>, vector<1x16xf32>,
      %swap3A_577 = vector.shape_cast %swap3A_576 : vector<1x16xf32> to vector<16xf32>
      %swap3A_578 = vector.shape_cast %mul3A_572 : vector<16xf32> to vector<1x16xf32>
      tpu.vector_store %arg13[%swap3A_574, %swap3A_575], %swap3A_578 {strides = array<i32>} : memref<12x128xf32, #tpu.memory_space<vmem>>, vector<1x16xf32>,
      %mul3A_579 = arith.constant 2.000000e-02 : f32
      %mul3A_580 = vector.broadcast %mul3A_579 : f32 to vector<16xf32>
      %mul3A_581 = arith.mulf %scan3A_518#6, %mul3A_580 : vector<16xf32>
      %swap3A_582 = arith.constant 2 : i32
      %swap3A_583 = arith.index_cast %swap3A_582 : i32 to index
      %swap3A_584 = arith.constant 96 : index
      %swap3A_585 = tpu.vector_load %arg13[%swap3A_583, %swap3A_584] {strides = array<i32>} : memref<12x128xf32, #tpu.memory_space<vmem>>, vector<1x16xf32>,
      %swap3A_586 = vector.shape_cast %swap3A_585 : vector<1x16xf32> to vector<16xf32>
      %swap3A_587 = vector.shape_cast %mul3A_581 : vector<16xf32> to vector<1x16xf32>
      tpu.vector_store %arg13[%swap3A_583, %swap3A_584], %swap3A_587 {strides = array<i32>} : memref<12x128xf32, #tpu.memory_space<vmem>>, vector<1x16xf32>,
      %mul3A_588 = arith.constant 2.000000e-02 : f32
      %mul3A_589 = vector.broadcast %mul3A_588 : f32 to vector<16xf32>
      %mul3A_590 = arith.mulf %scan3A_518#7, %mul3A_589 : vector<16xf32>
      %swap3A_591 = arith.constant 2 : i32
      %swap3A_592 = arith.index_cast %swap3A_591 : i32 to index
      %swap3A_593 = arith.constant 112 : index
      %swap3A_594 = tpu.vector_load %arg13[%swap3A_592, %swap3A_593] {strides = array<i32>} : memref<12x128xf32, #tpu.memory_space<vmem>>, vector<1x16xf32>,
      %swap3A_595 = vector.shape_cast %swap3A_594 : vector<1x16xf32> to vector<16xf32>
      %swap3A_596 = vector.shape_cast %mul3A_590 : vector<16xf32> to vector<1x16xf32>
      tpu.vector_store %arg13[%swap3A_592, %swap3A_593], %swap3A_596 {strides = array<i32>} : memref<12x128xf32, #tpu.memory_space<vmem>>, vector<1x16xf32>,
      %mul3A_597 = arith.constant 2.000000e-02 : f32
      %mul3A_598 = vector.broadcast %mul3A_597 : f32 to vector<16xf32>
      %mul3A_599 = arith.mulf %scan3A_518#8, %mul3A_598 : vector<16xf32>
      %swap3A_600 = arith.constant 3 : i32
      %swap3A_601 = arith.index_cast %swap3A_600 : i32 to index
      %swap3A_602 = arith.constant 0 : index
      %swap3A_603 = tpu.vector_load %arg13[%swap3A_601, %swap3A_602] {strides = array<i32>} : memref<12x128xf32, #tpu.memory_space<vmem>>, vector<1x16xf32>,
      %swap3A_604 = vector.shape_cast %swap3A_603 : vector<1x16xf32> to vector<16xf32>
      %swap3A_605 = vector.shape_cast %mul3A_599 : vector<16xf32> to vector<1x16xf32>
      tpu.vector_store %arg13[%swap3A_601, %swap3A_602], %swap3A_605 {strides = array<i32>} : memref<12x128xf32, #tpu.memory_space<vmem>>, vector<1x16xf32>,
      %mul3A_606 = arith.constant 2.000000e-02 : f32
      %mul3A_607 = vector.broadcast %mul3A_606 : f32 to vector<16xf32>
      %mul3A_608 = arith.mulf %scan3A_518#9, %mul3A_607 : vector<16xf32>
      %swap3A_609 = arith.constant 3 : i32
      %swap3A_610 = arith.index_cast %swap3A_609 : i32 to index
      %swap3A_611 = arith.constant 16 : index
      %swap3A_612 = tpu.vector_load %arg13[%swap3A_610, %swap3A_611] {strides = array<i32>} : memref<12x128xf32, #tpu.memory_space<vmem>>, vector<1x16xf32>,
      %swap3A_613 = vector.shape_cast %swap3A_612 : vector<1x16xf32> to vector<16xf32>
      %swap3A_614 = vector.shape_cast %mul3A_608 : vector<16xf32> to vector<1x16xf32>
      tpu.vector_store %arg13[%swap3A_610, %swap3A_611], %swap3A_614 {strides = array<i32>} : memref<12x128xf32, #tpu.memory_space<vmem>>, vector<1x16xf32>,
      %mul3A_615 = arith.constant 2.000000e-02 : f32
      %mul3A_616 = vector.broadcast %mul3A_615 : f32 to vector<16xf32>
      %mul3A_617 = arith.mulf %scan3A_518#10, %mul3A_616 : vector<16xf32>
      %swap3A_618 = arith.constant 3 : i32
      %swap3A_619 = arith.index_cast %swap3A_618 : i32 to index
      %swap3A_620 = arith.constant 32 : index
      %swap3A_621 = tpu.vector_load %arg13[%swap3A_619, %swap3A_620] {strides = array<i32>} : memref<12x128xf32, #tpu.memory_space<vmem>>, vector<1x16xf32>,
      %swap3A_622 = vector.shape_cast %swap3A_621 : vector<1x16xf32> to vector<16xf32>
      %swap3A_623 = vector.shape_cast %mul3A_617 : vector<16xf32> to vector<1x16xf32>
      tpu.vector_store %arg13[%swap3A_619, %swap3A_620], %swap3A_623 {strides = array<i32>} : memref<12x128xf32, #tpu.memory_space<vmem>>, vector<1x16xf32>,
      %mul3A_624 = arith.constant 2.000000e-02 : f32
      %mul3A_625 = vector.broadcast %mul3A_624 : f32 to vector<16xf32>
      %mul3A_626 = arith.mulf %scan3A_518#11, %mul3A_625 : vector<16xf32>
      %swap3A_627 = arith.constant 3 : i32
      %swap3A_628 = arith.index_cast %swap3A_627 : i32 to index
      %swap3A_629 = arith.constant 48 : index
      %swap3A_630 = tpu.vector_load %arg13[%swap3A_628, %swap3A_629] {strides = array<i32>} : memref<12x128xf32, #tpu.memory_space<vmem>>, vector<1x16xf32>,
      %swap3A_631 = vector.shape_cast %swap3A_630 : vector<1x16xf32> to vector<16xf32>
      %swap3A_632 = vector.shape_cast %mul3A_626 : vector<16xf32> to vector<1x16xf32>
      tpu.vector_store %arg13[%swap3A_628, %swap3A_629], %swap3A_632 {strides = array<i32>} : memref<12x128xf32, #tpu.memory_space<vmem>>, vector<1x16xf32>,
      %mul3A_633 = arith.constant 2.000000e-02 : f32
      %mul3A_634 = vector.broadcast %mul3A_633 : f32 to vector<16xf32>
      %mul3A_635 = arith.mulf %scan3A_518#12, %mul3A_634 : vector<16xf32>
      %swap3A_636 = arith.constant 3 : i32
      %swap3A_637 = arith.index_cast %swap3A_636 : i32 to index
      %swap3A_638 = arith.constant 64 : index
      %swap3A_639 = tpu.vector_load %arg13[%swap3A_637, %swap3A_638] {strides = array<i32>} : memref<12x128xf32, #tpu.memory_space<vmem>>, vector<1x16xf32>,
      %swap3A_640 = vector.shape_cast %swap3A_639 : vector<1x16xf32> to vector<16xf32>
      %swap3A_641 = vector.shape_cast %mul3A_635 : vector<16xf32> to vector<1x16xf32>
      tpu.vector_store %arg13[%swap3A_637, %swap3A_638], %swap3A_641 {strides = array<i32>} : memref<12x128xf32, #tpu.memory_space<vmem>>, vector<1x16xf32>,
      %mul3A_642 = arith.constant 2.000000e-02 : f32
      %mul3A_643 = vector.broadcast %mul3A_642 : f32 to vector<16xf32>
      %mul3A_644 = arith.mulf %scan3A_518#13, %mul3A_643 : vector<16xf32>
      %swap3A_645 = arith.constant 3 : i32
      %swap3A_646 = arith.index_cast %swap3A_645 : i32 to index
      %swap3A_647 = arith.constant 80 : index
      %swap3A_648 = tpu.vector_load %arg13[%swap3A_646, %swap3A_647] {strides = array<i32>} : memref<12x128xf32, #tpu.memory_space<vmem>>, vector<1x16xf32>,
      %swap3A_649 = vector.shape_cast %swap3A_648 : vector<1x16xf32> to vector<16xf32>
      %swap3A_650 = vector.shape_cast %mul3A_644 : vector<16xf32> to vector<1x16xf32>
      tpu.vector_store %arg13[%swap3A_646, %swap3A_647], %swap3A_650 {strides = array<i32>} : memref<12x128xf32, #tpu.memory_space<vmem>>, vector<1x16xf32>,
      %mul3A_651 = arith.constant 2.000000e-02 : f32
      %mul3A_652 = vector.broadcast %mul3A_651 : f32 to vector<16xf32>
      %mul3A_653 = arith.mulf %scan3A_518#14, %mul3A_652 : vector<16xf32>
      %swap3A_654 = arith.constant 3 : i32
      %swap3A_655 = arith.index_cast %swap3A_654 : i32 to index
      %swap3A_656 = arith.constant 96 : index
      %swap3A_657 = tpu.vector_load %arg13[%swap3A_655, %swap3A_656] {strides = array<i32>} : memref<12x128xf32, #tpu.memory_space<vmem>>, vector<1x16xf32>,
      %swap3A_658 = vector.shape_cast %swap3A_657 : vector<1x16xf32> to vector<16xf32>
      %swap3A_659 = vector.shape_cast %mul3A_653 : vector<16xf32> to vector<1x16xf32>
      tpu.vector_store %arg13[%swap3A_655, %swap3A_656], %swap3A_659 {strides = array<i32>} : memref<12x128xf32, #tpu.memory_space<vmem>>, vector<1x16xf32>,
      %mul3A_660 = arith.constant 2.000000e-02 : f32
      %mul3A_661 = vector.broadcast %mul3A_660 : f32 to vector<16xf32>
      %mul3A_662 = arith.mulf %scan3A_518#15, %mul3A_661 : vector<16xf32>
      %swap3A_663 = arith.constant 3 : i32
      %swap3A_664 = arith.index_cast %swap3A_663 : i32 to index
      %swap3A_665 = arith.constant 112 : index
      %swap3A_666 = tpu.vector_load %arg13[%swap3A_664, %swap3A_665] {strides = array<i32>} : memref<12x128xf32, #tpu.memory_space<vmem>>, vector<1x16xf32>,
      %swap3A_667 = vector.shape_cast %swap3A_666 : vector<1x16xf32> to vector<16xf32>
      %swap3A_668 = vector.shape_cast %mul3A_662 : vector<16xf32> to vector<1x16xf32>
      tpu.vector_store %arg13[%swap3A_664, %swap3A_665], %swap3A_668 {strides = array<i32>} : memref<12x128xf32, #tpu.memory_space<vmem>>, vector<1x16xf32>,
      %mul3A_669 = arith.constant 2 : i32
      %mul3A_670 = arith.muli %add3A_454, %mul3A_669 : i32
      %add3A_671 = arith.addi %mul3A_4, %mul3A_670 : i32
      %dma_start3A_672 = arith.constant 1 : i32
      %dma_start3A_673 = arith.constant 2 : i32
      %dma_start3A_674 = arith.constant 0 : i32
      %dma_start3A_675 = tpu.memref_slice %arg13[%dma_start3A_673, %dma_start3A_674] : memref<12x128xf32, #tpu.memory_space<vmem>> -> memref<2x128xf32, #tpu.memory_space<vmem>>
      %dma_start3A_676 = arith.constant 128 : i32
      %dma_start3A_677 = tpu.memref_slice %arg8[%add3A_671, %dma_start3A_676] : memref<4096x384xf32, #tpu.memory_space<hbm>> -> memref<2x128xf32, #tpu.memory_space<hbm>>
      %dma_start3A_678 = tpu.memref_slice %arg15[%dma_start3A_672] : memref<6x!tpu.dma_semaphore, #tpu.memory_space<semaphore_mem>> -> memref<1x!tpu.dma_semaphore, #tpu.memory_space<semaphore_mem>>
      %dma_start3A_679 = tpu.memref_squeeze %dma_start3A_678 : memref<1x!tpu.dma_semaphore, #tpu.memory_space<semaphore_mem>> -> memref<!tpu.dma_semaphore, #tpu.memory_space<semaphore_mem>>
      %dma_start3A_680 = arith.constant 128 : i32
      %dma_start3A_681 = tpu.memref_slice %arg8[%add3A_671, %dma_start3A_680] : memref<4096x384xf32, #tpu.memory_space<hbm>> -> memref<2x128xf32, #tpu.memory_space<hbm>>
      %dma_start3A_682 = arith.constant 2 : i32
      %dma_start3A_683 = arith.constant 0 : i32
      %dma_start3A_684 = tpu.memref_slice %arg13[%dma_start3A_682, %dma_start3A_683] : memref<12x128xf32, #tpu.memory_space<vmem>> -> memref<2x128xf32, #tpu.memory_space<vmem>>
      tpu.enqueue_dma source(%dma_start3A_684 : memref<2x128xf32, #tpu.memory_space<vmem>>) target(%dma_start3A_681 : memref<2x128xf32, #tpu.memory_space<hbm>>) target_semaphore(%dma_start3A_679 : memref<!tpu.dma_semaphore, #tpu.memory_space<semaphore_mem>>)
      %mul3A_685 = arith.constant 6 : i32
      %mul3A_686 = arith.muli %scan3A_215, %mul3A_685 : i32
      %add3A_687 = arith.constant 2 : i32
      %add3A_688 = arith.addi %mul3A_686, %add3A_687 : i32
      %mul3A_689 = arith.constant 2 : i32
      %mul3A_690 = arith.muli %scan3A_215, %mul3A_689 : i32
      %add3A_691 = arith.constant 0 : i32
      %add3A_692 = arith.addi %mul3A_690, %add3A_691 : i32
      %mul3A_693 = arith.constant 2 : i32
      %mul3A_694 = arith.muli %scan3A_215, %mul3A_693 : i32
      %add3A_695 = arith.constant 2 : i32
      %add3A_696 = arith.addi %mul3A_694, %add3A_695 : i32
      %add3A_697 = arith.constant 6 : i32
      %add3A_698 = arith.addi %add3A_688, %add3A_697 : i32
      %sub3A_699 = arith.constant 1 : i32
      %sub3A_700 = arith.subi %add3A_698, %sub3A_699 : i32
      %lt3A_701 = arith.constant 192 : i32
      %lt3A_702 = arith.cmpi slt, %sub3A_700, %lt3A_701 : i32
      %convert_element_type3A_703 = arith.extui %lt3A_702 : i1 to i32
      %cond3A_704 = arith.constant 0 : i32
      %cond3A_705 = arith.cmpi ne, %convert_element_type3A_703, %cond3A_704 : i32
      scf.if %cond3A_705 {
        %dma_start3A_1637 = arith.constant 1 : i32
        %dma_start3A_1638 = arith.constant 1 : i32
        %dma_start3A_1639 = arith.constant 0 : i32
        %dma_start3A_1640 = arith.constant 0 : i32
        %dma_start3A_1641 = tpu.memref_slice %arg12[%dma_start3A_1637, %dma_start3A_1639, %dma_start3A_1640] : memref<6x100x128xf32, #tpu.memory_space<vmem>> -> memref<1x100x128xf32, #tpu.memory_space<vmem>>
        %dma_start3A_1642 = tpu.memref_squeeze %dma_start3A_1641 : memref<1x100x128xf32, #tpu.memory_space<vmem>> -> memref<100x128xf32, #tpu.memory_space<vmem>>
        %dma_start3A_1643 = arith.constant 0 : i32
        %dma_start3A_1644 = tpu.memref_slice %arg10[%add3A_696, %dma_start3A_1643] : memref<64x100xi32, #tpu.memory_space<vmem>> -> memref<1x100xi32, #tpu.memory_space<vmem>>
        %dma_start3A_1645 = tpu.memref_squeeze %dma_start3A_1644 : memref<1x100xi32, #tpu.memory_space<vmem>> -> memref<100xi32, #tpu.memory_space<vmem>>
        %dma_start3A_1646 = arith.constant 0 : i32
        %dma_start3A_1647 = arith.constant 0 : i32
        %dma_start3A_1648 = tpu.memref_slice %arg6[%dma_start3A_1646, %dma_start3A_1647] : memref<100000x128xf32, #tpu.memory_space<hbm>> -> memref<100000x128xf32, #tpu.memory_space<hbm>>
        %dma_start3A_1649 = tpu.memref_slice %arg14[%dma_start3A_1638] : memref<6x!tpu.dma_semaphore, #tpu.memory_space<semaphore_mem>> -> memref<1x!tpu.dma_semaphore, #tpu.memory_space<semaphore_mem>>
        %dma_start3A_1650 = tpu.memref_squeeze %dma_start3A_1649 : memref<1x!tpu.dma_semaphore, #tpu.memory_space<semaphore_mem>> -> memref<!tpu.dma_semaphore, #tpu.memory_space<semaphore_mem>>
        tpu.enqueue_indirect_dma source(%dma_start3A_1648 : memref<100000x128xf32, #tpu.memory_space<hbm>>) target(%dma_start3A_1642 : memref<100x128xf32, #tpu.memory_space<vmem>>) offsets(%dma_start3A_1645 : memref<100xi32, #tpu.memory_space<vmem>>) semaphore(%dma_start3A_1650 : memref<!tpu.dma_semaphore, #tpu.memory_space<semaphore_mem>>)
      } else {
      }
      %dma_wait3A_706 = arith.constant 2 : i32
      %dma_wait3A_707 = arith.constant 2 : i32
      %dma_wait3A_708 = arith.constant 0 : i32
      %dma_wait3A_709 = arith.constant 0 : i32
      %dma_wait3A_710 = tpu.memref_slice %arg12[%dma_wait3A_706, %dma_wait3A_708, %dma_wait3A_709] : memref<6x100x128xf32, #tpu.memory_space<vmem>> -> memref<1x100x128xf32, #tpu.memory_space<vmem>>
      %dma_wait3A_711 = tpu.memref_squeeze %dma_wait3A_710 : memref<1x100x128xf32, #tpu.memory_space<vmem>> -> memref<100x128xf32, #tpu.memory_space<vmem>>
      %dma_wait3A_712 = arith.constant 0 : i32
      %dma_wait3A_713 = tpu.memref_slice %arg11[%add3A_692, %dma_wait3A_712] : memref<64x100xi32, #tpu.memory_space<vmem>> -> memref<1x100xi32, #tpu.memory_space<vmem>>
      %dma_wait3A_714 = tpu.memref_squeeze %dma_wait3A_713 : memref<1x100xi32, #tpu.memory_space<vmem>> -> memref<100xi32, #tpu.memory_space<vmem>>
      %dma_wait3A_715 = arith.constant 0 : i32
      %dma_wait3A_716 = arith.constant 0 : i32
      %dma_wait3A_717 = tpu.memref_slice %arg7[%dma_wait3A_715, %dma_wait3A_716] : memref<100000x128xf32, #tpu.memory_space<hbm>> -> memref<100000x128xf32, #tpu.memory_space<hbm>>
      %dma_wait3A_718 = tpu.memref_slice %arg14[%dma_wait3A_707] : memref<6x!tpu.dma_semaphore, #tpu.memory_space<semaphore_mem>> -> memref<1x!tpu.dma_semaphore, #tpu.memory_space<semaphore_mem>>
      %dma_wait3A_719 = tpu.memref_squeeze %dma_wait3A_718 : memref<1x!tpu.dma_semaphore, #tpu.memory_space<semaphore_mem>> -> memref<!tpu.dma_semaphore, #tpu.memory_space<semaphore_mem>>
      tpu.wait_indirect_dma semaphore(%dma_wait3A_719 : memref<!tpu.dma_semaphore, #tpu.memory_space<semaphore_mem>>) src(%dma_wait3A_717 : memref<100000x128xf32, #tpu.memory_space<hbm>>) dst(%dma_wait3A_711 : memref<100x128xf32, #tpu.memory_space<vmem>>)
      %broadcast_in_dim3A_720 = arith.constant 0.000000e+00 : f32
      %broadcast_in_dim3A_721 = vector.broadcast %broadcast_in_dim3A_720 : f32 to vector<16xf32>
      %broadcast_in_dim3A_722 = arith.constant 0.000000e+00 : f32
      %broadcast_in_dim3A_723 = vector.broadcast %broadcast_in_dim3A_722 : f32 to vector<16xf32>
      %broadcast_in_dim3A_724 = arith.constant 0.000000e+00 : f32
      %broadcast_in_dim3A_725 = vector.broadcast %broadcast_in_dim3A_724 : f32 to vector<16xf32>
      %broadcast_in_dim3A_726 = arith.constant 0.000000e+00 : f32
      %broadcast_in_dim3A_727 = vector.broadcast %broadcast_in_dim3A_726 : f32 to vector<16xf32>
      %broadcast_in_dim3A_728 = arith.constant 0.000000e+00 : f32
      %broadcast_in_dim3A_729 = vector.broadcast %broadcast_in_dim3A_728 : f32 to vector<16xf32>
      %broadcast_in_dim3A_730 = arith.constant 0.000000e+00 : f32
      %broadcast_in_dim3A_731 = vector.broadcast %broadcast_in_dim3A_730 : f32 to vector<16xf32>
      %broadcast_in_dim3A_732 = arith.constant 0.000000e+00 : f32
      %broadcast_in_dim3A_733 = vector.broadcast %broadcast_in_dim3A_732 : f32 to vector<16xf32>
      %broadcast_in_dim3A_734 = arith.constant 0.000000e+00 : f32
      %broadcast_in_dim3A_735 = vector.broadcast %broadcast_in_dim3A_734 : f32 to vector<16xf32>
      %broadcast_in_dim3A_736 = arith.constant 0.000000e+00 : f32
      %broadcast_in_dim3A_737 = vector.broadcast %broadcast_in_dim3A_736 : f32 to vector<16xf32>
      %broadcast_in_dim3A_738 = arith.constant 0.000000e+00 : f32
      %broadcast_in_dim3A_739 = vector.broadcast %broadcast_in_dim3A_738 : f32 to vector<16xf32>
      %broadcast_in_dim3A_740 = arith.constant 0.000000e+00 : f32
      %broadcast_in_dim3A_741 = vector.broadcast %broadcast_in_dim3A_740 : f32 to vector<16xf32>
      %broadcast_in_dim3A_742 = arith.constant 0.000000e+00 : f32
      %broadcast_in_dim3A_743 = vector.broadcast %broadcast_in_dim3A_742 : f32 to vector<16xf32>
      %broadcast_in_dim3A_744 = arith.constant 0.000000e+00 : f32
      %broadcast_in_dim3A_745 = vector.broadcast %broadcast_in_dim3A_744 : f32 to vector<16xf32>
      %broadcast_in_dim3A_746 = arith.constant 0.000000e+00 : f32
      %broadcast_in_dim3A_747 = vector.broadcast %broadcast_in_dim3A_746 : f32 to vector<16xf32>
      %broadcast_in_dim3A_748 = arith.constant 0.000000e+00 : f32
      %broadcast_in_dim3A_749 = vector.broadcast %broadcast_in_dim3A_748 : f32 to vector<16xf32>
      %broadcast_in_dim3A_750 = arith.constant 0.000000e+00 : f32
      %broadcast_in_dim3A_751 = vector.broadcast %broadcast_in_dim3A_750 : f32 to vector<16xf32>
      %scan3A_752 = arith.constant 0 : i32
      %scan3A_753 = arith.constant 25 : i32
      %scan3A_754 = arith.addi %scan3A_752, %scan3A_753 : i32
      %scan3A_755 = arith.constant 1 : i32
      %scan3A_756:16 = scf.for %scan3A_1637 = %scan3A_752 to %scan3A_754 step %scan3A_755 iter_args(%scan3A_1638 = %broadcast_in_dim3A_721, %scan3A_1639 = %broadcast_in_dim3A_723, %scan3A_1640 = %broadcast_in_dim3A_725, %scan3A_1641 = %broadcast_in_dim3A_727, %scan3A_1642 = %broadcast_in_dim3A_729, %scan3A_1643 = %broadcast_in_dim3A_731, %scan3A_1644 = %broadcast_in_dim3A_733, %scan3A_1645 = %broadcast_in_dim3A_735, %scan3A_1646 = %broadcast_in_dim3A_737, %scan3A_1647 = %broadcast_in_dim3A_739, %scan3A_1648 = %broadcast_in_dim3A_741, %scan3A_1649 = %broadcast_in_dim3A_743, %scan3A_1650 = %broadcast_in_dim3A_745, %scan3A_1651 = %broadcast_in_dim3A_747, %scan3A_1652 = %broadcast_in_dim3A_749, %scan3A_1653 = %broadcast_in_dim3A_751) -> (vector<16xf32>, vector<16xf32>, vector<16xf32>, vector<16xf32>, vector<16xf32>, vector<16xf32>, vector<16xf32>, vector<16xf32>, vector<16xf32>, vector<16xf32>, vector<16xf32>, vector<16xf32>, vector<16xf32>, vector<16xf32>, vector<16xf32>, vector<16xf32>)  : i32 {
        %mul3A_1654 = arith.constant 2 : i32
        %mul3A_1655 = arith.muli %mul3A_1654, %scan3A_1637 : i32
        %add3A_1656 = arith.constant 0 : i32
        %add3A_1657 = arith.addi %add3A_1656, %mul3A_1655 : i32
        %add3A_1658 = arith.constant 0 : i32
        %add3A_1659 = arith.addi %add3A_1657, %add3A_1658 : i32
        %get3A = arith.constant 2 : i32
        %get3A_1660 = arith.index_cast %get3A : i32 to index
        %get3A_1661 = arith.index_cast %add3A_1659 : i32 to index
        %get3A_1662 = arith.constant 0 : index
        %get3A_1663 = tpu.vector_load %arg12[%get3A_1660, %get3A_1661, %get3A_1662] {strides = array<i32>} : memref<6x100x128xf32, #tpu.memory_space<vmem>>, vector<1x1x16xf32>,
        %get3A_1664 = vector.shape_cast %get3A_1663 : vector<1x1x16xf32> to vector<16xf32>
        %add3A_1665 = arith.addf %scan3A_1638, %get3A_1664 : vector<16xf32>
        %mul3A_1666 = arith.constant 2 : i32
        %mul3A_1667 = arith.muli %mul3A_1666, %scan3A_1637 : i32
        %add3A_1668 = arith.constant 0 : i32
        %add3A_1669 = arith.addi %add3A_1668, %mul3A_1667 : i32
        %add3A_1670 = arith.constant 1 : i32
        %add3A_1671 = arith.addi %add3A_1669, %add3A_1670 : i32
        %get3A_1672 = arith.constant 2 : i32
        %get3A_1673 = arith.index_cast %get3A_1672 : i32 to index
        %get3A_1674 = arith.index_cast %add3A_1671 : i32 to index
        %get3A_1675 = arith.constant 0 : index
        %get3A_1676 = tpu.vector_load %arg12[%get3A_1673, %get3A_1674, %get3A_1675] {strides = array<i32>} : memref<6x100x128xf32, #tpu.memory_space<vmem>>, vector<1x1x16xf32>,
        %get3A_1677 = vector.shape_cast %get3A_1676 : vector<1x1x16xf32> to vector<16xf32>
        %add3A_1678 = arith.addf %add3A_1665, %get3A_1677 : vector<16xf32>
        %mul3A_1679 = arith.constant 2 : i32
        %mul3A_1680 = arith.muli %mul3A_1679, %scan3A_1637 : i32
        %add3A_1681 = arith.constant 0 : i32
        %add3A_1682 = arith.addi %add3A_1681, %mul3A_1680 : i32
        %add3A_1683 = arith.constant 0 : i32
        %add3A_1684 = arith.addi %add3A_1682, %add3A_1683 : i32
        %get3A_1685 = arith.constant 2 : i32
        %get3A_1686 = arith.index_cast %get3A_1685 : i32 to index
        %get3A_1687 = arith.index_cast %add3A_1684 : i32 to index
        %get3A_1688 = arith.constant 16 : index
        %get3A_1689 = tpu.vector_load %arg12[%get3A_1686, %get3A_1687, %get3A_1688] {strides = array<i32>} : memref<6x100x128xf32, #tpu.memory_space<vmem>>, vector<1x1x16xf32>,
        %get3A_1690 = vector.shape_cast %get3A_1689 : vector<1x1x16xf32> to vector<16xf32>
        %add3A_1691 = arith.addf %scan3A_1639, %get3A_1690 : vector<16xf32>
        %mul3A_1692 = arith.constant 2 : i32
        %mul3A_1693 = arith.muli %mul3A_1692, %scan3A_1637 : i32
        %add3A_1694 = arith.constant 0 : i32
        %add3A_1695 = arith.addi %add3A_1694, %mul3A_1693 : i32
        %add3A_1696 = arith.constant 1 : i32
        %add3A_1697 = arith.addi %add3A_1695, %add3A_1696 : i32
        %get3A_1698 = arith.constant 2 : i32
        %get3A_1699 = arith.index_cast %get3A_1698 : i32 to index
        %get3A_1700 = arith.index_cast %add3A_1697 : i32 to index
        %get3A_1701 = arith.constant 16 : index
        %get3A_1702 = tpu.vector_load %arg12[%get3A_1699, %get3A_1700, %get3A_1701] {strides = array<i32>} : memref<6x100x128xf32, #tpu.memory_space<vmem>>, vector<1x1x16xf32>,
        %get3A_1703 = vector.shape_cast %get3A_1702 : vector<1x1x16xf32> to vector<16xf32>
        %add3A_1704 = arith.addf %add3A_1691, %get3A_1703 : vector<16xf32>
        %mul3A_1705 = arith.constant 2 : i32
        %mul3A_1706 = arith.muli %mul3A_1705, %scan3A_1637 : i32
        %add3A_1707 = arith.constant 0 : i32
        %add3A_1708 = arith.addi %add3A_1707, %mul3A_1706 : i32
        %add3A_1709 = arith.constant 0 : i32
        %add3A_1710 = arith.addi %add3A_1708, %add3A_1709 : i32
        %get3A_1711 = arith.constant 2 : i32
        %get3A_1712 = arith.index_cast %get3A_1711 : i32 to index
        %get3A_1713 = arith.index_cast %add3A_1710 : i32 to index
        %get3A_1714 = arith.constant 32 : index
        %get3A_1715 = tpu.vector_load %arg12[%get3A_1712, %get3A_1713, %get3A_1714] {strides = array<i32>} : memref<6x100x128xf32, #tpu.memory_space<vmem>>, vector<1x1x16xf32>,
        %get3A_1716 = vector.shape_cast %get3A_1715 : vector<1x1x16xf32> to vector<16xf32>
        %add3A_1717 = arith.addf %scan3A_1640, %get3A_1716 : vector<16xf32>
        %mul3A_1718 = arith.constant 2 : i32
        %mul3A_1719 = arith.muli %mul3A_1718, %scan3A_1637 : i32
        %add3A_1720 = arith.constant 0 : i32
        %add3A_1721 = arith.addi %add3A_1720, %mul3A_1719 : i32
        %add3A_1722 = arith.constant 1 : i32
        %add3A_1723 = arith.addi %add3A_1721, %add3A_1722 : i32
        %get3A_1724 = arith.constant 2 : i32
        %get3A_1725 = arith.index_cast %get3A_1724 : i32 to index
        %get3A_1726 = arith.index_cast %add3A_1723 : i32 to index
        %get3A_1727 = arith.constant 32 : index
        %get3A_1728 = tpu.vector_load %arg12[%get3A_1725, %get3A_1726, %get3A_1727] {strides = array<i32>} : memref<6x100x128xf32, #tpu.memory_space<vmem>>, vector<1x1x16xf32>,
        %get3A_1729 = vector.shape_cast %get3A_1728 : vector<1x1x16xf32> to vector<16xf32>
        %add3A_1730 = arith.addf %add3A_1717, %get3A_1729 : vector<16xf32>
        %mul3A_1731 = arith.constant 2 : i32
        %mul3A_1732 = arith.muli %mul3A_1731, %scan3A_1637 : i32
        %add3A_1733 = arith.constant 0 : i32
        %add3A_1734 = arith.addi %add3A_1733, %mul3A_1732 : i32
        %add3A_1735 = arith.constant 0 : i32
        %add3A_1736 = arith.addi %add3A_1734, %add3A_1735 : i32
        %get3A_1737 = arith.constant 2 : i32
        %get3A_1738 = arith.index_cast %get3A_1737 : i32 to index
        %get3A_1739 = arith.index_cast %add3A_1736 : i32 to index
        %get3A_1740 = arith.constant 48 : index
        %get3A_1741 = tpu.vector_load %arg12[%get3A_1738, %get3A_1739, %get3A_1740] {strides = array<i32>} : memref<6x100x128xf32, #tpu.memory_space<vmem>>, vector<1x1x16xf32>,
        %get3A_1742 = vector.shape_cast %get3A_1741 : vector<1x1x16xf32> to vector<16xf32>
        %add3A_1743 = arith.addf %scan3A_1641, %get3A_1742 : vector<16xf32>
        %mul3A_1744 = arith.constant 2 : i32
        %mul3A_1745 = arith.muli %mul3A_1744, %scan3A_1637 : i32
        %add3A_1746 = arith.constant 0 : i32
        %add3A_1747 = arith.addi %add3A_1746, %mul3A_1745 : i32
        %add3A_1748 = arith.constant 1 : i32
        %add3A_1749 = arith.addi %add3A_1747, %add3A_1748 : i32
        %get3A_1750 = arith.constant 2 : i32
        %get3A_1751 = arith.index_cast %get3A_1750 : i32 to index
        %get3A_1752 = arith.index_cast %add3A_1749 : i32 to index
        %get3A_1753 = arith.constant 48 : index
        %get3A_1754 = tpu.vector_load %arg12[%get3A_1751, %get3A_1752, %get3A_1753] {strides = array<i32>} : memref<6x100x128xf32, #tpu.memory_space<vmem>>, vector<1x1x16xf32>,
        %get3A_1755 = vector.shape_cast %get3A_1754 : vector<1x1x16xf32> to vector<16xf32>
        %add3A_1756 = arith.addf %add3A_1743, %get3A_1755 : vector<16xf32>
        %mul3A_1757 = arith.constant 2 : i32
        %mul3A_1758 = arith.muli %mul3A_1757, %scan3A_1637 : i32
        %add3A_1759 = arith.constant 0 : i32
        %add3A_1760 = arith.addi %add3A_1759, %mul3A_1758 : i32
        %add3A_1761 = arith.constant 0 : i32
        %add3A_1762 = arith.addi %add3A_1760, %add3A_1761 : i32
        %get3A_1763 = arith.constant 2 : i32
        %get3A_1764 = arith.index_cast %get3A_1763 : i32 to index
        %get3A_1765 = arith.index_cast %add3A_1762 : i32 to index
        %get3A_1766 = arith.constant 64 : index
        %get3A_1767 = tpu.vector_load %arg12[%get3A_1764, %get3A_1765, %get3A_1766] {strides = array<i32>} : memref<6x100x128xf32, #tpu.memory_space<vmem>>, vector<1x1x16xf32>,
        %get3A_1768 = vector.shape_cast %get3A_1767 : vector<1x1x16xf32> to vector<16xf32>
        %add3A_1769 = arith.addf %scan3A_1642, %get3A_1768 : vector<16xf32>
        %mul3A_1770 = arith.constant 2 : i32
        %mul3A_1771 = arith.muli %mul3A_1770, %scan3A_1637 : i32
        %add3A_1772 = arith.constant 0 : i32
        %add3A_1773 = arith.addi %add3A_1772, %mul3A_1771 : i32
        %add3A_1774 = arith.constant 1 : i32
        %add3A_1775 = arith.addi %add3A_1773, %add3A_1774 : i32
        %get3A_1776 = arith.constant 2 : i32
        %get3A_1777 = arith.index_cast %get3A_1776 : i32 to index
        %get3A_1778 = arith.index_cast %add3A_1775 : i32 to index
        %get3A_1779 = arith.constant 64 : index
        %get3A_1780 = tpu.vector_load %arg12[%get3A_1777, %get3A_1778, %get3A_1779] {strides = array<i32>} : memref<6x100x128xf32, #tpu.memory_space<vmem>>, vector<1x1x16xf32>,
        %get3A_1781 = vector.shape_cast %get3A_1780 : vector<1x1x16xf32> to vector<16xf32>
        %add3A_1782 = arith.addf %add3A_1769, %get3A_1781 : vector<16xf32>
        %mul3A_1783 = arith.constant 2 : i32
        %mul3A_1784 = arith.muli %mul3A_1783, %scan3A_1637 : i32
        %add3A_1785 = arith.constant 0 : i32
        %add3A_1786 = arith.addi %add3A_1785, %mul3A_1784 : i32
        %add3A_1787 = arith.constant 0 : i32
        %add3A_1788 = arith.addi %add3A_1786, %add3A_1787 : i32
        %get3A_1789 = arith.constant 2 : i32
        %get3A_1790 = arith.index_cast %get3A_1789 : i32 to index
        %get3A_1791 = arith.index_cast %add3A_1788 : i32 to index
        %get3A_1792 = arith.constant 80 : index
        %get3A_1793 = tpu.vector_load %arg12[%get3A_1790, %get3A_1791, %get3A_1792] {strides = array<i32>} : memref<6x100x128xf32, #tpu.memory_space<vmem>>, vector<1x1x16xf32>,
        %get3A_1794 = vector.shape_cast %get3A_1793 : vector<1x1x16xf32> to vector<16xf32>
        %add3A_1795 = arith.addf %scan3A_1643, %get3A_1794 : vector<16xf32>
        %mul3A_1796 = arith.constant 2 : i32
        %mul3A_1797 = arith.muli %mul3A_1796, %scan3A_1637 : i32
        %add3A_1798 = arith.constant 0 : i32
        %add3A_1799 = arith.addi %add3A_1798, %mul3A_1797 : i32
        %add3A_1800 = arith.constant 1 : i32
        %add3A_1801 = arith.addi %add3A_1799, %add3A_1800 : i32
        %get3A_1802 = arith.constant 2 : i32
        %get3A_1803 = arith.index_cast %get3A_1802 : i32 to index
        %get3A_1804 = arith.index_cast %add3A_1801 : i32 to index
        %get3A_1805 = arith.constant 80 : index
        %get3A_1806 = tpu.vector_load %arg12[%get3A_1803, %get3A_1804, %get3A_1805] {strides = array<i32>} : memref<6x100x128xf32, #tpu.memory_space<vmem>>, vector<1x1x16xf32>,
        %get3A_1807 = vector.shape_cast %get3A_1806 : vector<1x1x16xf32> to vector<16xf32>
        %add3A_1808 = arith.addf %add3A_1795, %get3A_1807 : vector<16xf32>
        %mul3A_1809 = arith.constant 2 : i32
        %mul3A_1810 = arith.muli %mul3A_1809, %scan3A_1637 : i32
        %add3A_1811 = arith.constant 0 : i32
        %add3A_1812 = arith.addi %add3A_1811, %mul3A_1810 : i32
        %add3A_1813 = arith.constant 0 : i32
        %add3A_1814 = arith.addi %add3A_1812, %add3A_1813 : i32
        %get3A_1815 = arith.constant 2 : i32
        %get3A_1816 = arith.index_cast %get3A_1815 : i32 to index
        %get3A_1817 = arith.index_cast %add3A_1814 : i32 to index
        %get3A_1818 = arith.constant 96 : index
        %get3A_1819 = tpu.vector_load %arg12[%get3A_1816, %get3A_1817, %get3A_1818] {strides = array<i32>} : memref<6x100x128xf32, #tpu.memory_space<vmem>>, vector<1x1x16xf32>,
        %get3A_1820 = vector.shape_cast %get3A_1819 : vector<1x1x16xf32> to vector<16xf32>
        %add3A_1821 = arith.addf %scan3A_1644, %get3A_1820 : vector<16xf32>
        %mul3A_1822 = arith.constant 2 : i32
        %mul3A_1823 = arith.muli %mul3A_1822, %scan3A_1637 : i32
        %add3A_1824 = arith.constant 0 : i32
        %add3A_1825 = arith.addi %add3A_1824, %mul3A_1823 : i32
        %add3A_1826 = arith.constant 1 : i32
        %add3A_1827 = arith.addi %add3A_1825, %add3A_1826 : i32
        %get3A_1828 = arith.constant 2 : i32
        %get3A_1829 = arith.index_cast %get3A_1828 : i32 to index
        %get3A_1830 = arith.index_cast %add3A_1827 : i32 to index
        %get3A_1831 = arith.constant 96 : index
        %get3A_1832 = tpu.vector_load %arg12[%get3A_1829, %get3A_1830, %get3A_1831] {strides = array<i32>} : memref<6x100x128xf32, #tpu.memory_space<vmem>>, vector<1x1x16xf32>,
        %get3A_1833 = vector.shape_cast %get3A_1832 : vector<1x1x16xf32> to vector<16xf32>
        %add3A_1834 = arith.addf %add3A_1821, %get3A_1833 : vector<16xf32>
        %mul3A_1835 = arith.constant 2 : i32
        %mul3A_1836 = arith.muli %mul3A_1835, %scan3A_1637 : i32
        %add3A_1837 = arith.constant 0 : i32
        %add3A_1838 = arith.addi %add3A_1837, %mul3A_1836 : i32
        %add3A_1839 = arith.constant 0 : i32
        %add3A_1840 = arith.addi %add3A_1838, %add3A_1839 : i32
        %get3A_1841 = arith.constant 2 : i32
        %get3A_1842 = arith.index_cast %get3A_1841 : i32 to index
        %get3A_1843 = arith.index_cast %add3A_1840 : i32 to index
        %get3A_1844 = arith.constant 112 : index
        %get3A_1845 = tpu.vector_load %arg12[%get3A_1842, %get3A_1843, %get3A_1844] {strides = array<i32>} : memref<6x100x128xf32, #tpu.memory_space<vmem>>, vector<1x1x16xf32>,
        %get3A_1846 = vector.shape_cast %get3A_1845 : vector<1x1x16xf32> to vector<16xf32>
        %add3A_1847 = arith.addf %scan3A_1645, %get3A_1846 : vector<16xf32>
        %mul3A_1848 = arith.constant 2 : i32
        %mul3A_1849 = arith.muli %mul3A_1848, %scan3A_1637 : i32
        %add3A_1850 = arith.constant 0 : i32
        %add3A_1851 = arith.addi %add3A_1850, %mul3A_1849 : i32
        %add3A_1852 = arith.constant 1 : i32
        %add3A_1853 = arith.addi %add3A_1851, %add3A_1852 : i32
        %get3A_1854 = arith.constant 2 : i32
        %get3A_1855 = arith.index_cast %get3A_1854 : i32 to index
        %get3A_1856 = arith.index_cast %add3A_1853 : i32 to index
        %get3A_1857 = arith.constant 112 : index
        %get3A_1858 = tpu.vector_load %arg12[%get3A_1855, %get3A_1856, %get3A_1857] {strides = array<i32>} : memref<6x100x128xf32, #tpu.memory_space<vmem>>, vector<1x1x16xf32>,
        %get3A_1859 = vector.shape_cast %get3A_1858 : vector<1x1x16xf32> to vector<16xf32>
        %add3A_1860 = arith.addf %add3A_1847, %get3A_1859 : vector<16xf32>
        %mul3A_1861 = arith.constant 2 : i32
        %mul3A_1862 = arith.muli %mul3A_1861, %scan3A_1637 : i32
        %add3A_1863 = arith.constant 50 : i32
        %add3A_1864 = arith.addi %add3A_1863, %mul3A_1862 : i32
        %add3A_1865 = arith.constant 0 : i32
        %add3A_1866 = arith.addi %add3A_1864, %add3A_1865 : i32
        %get3A_1867 = arith.constant 2 : i32
        %get3A_1868 = arith.index_cast %get3A_1867 : i32 to index
        %get3A_1869 = arith.index_cast %add3A_1866 : i32 to index
        %get3A_1870 = arith.constant 0 : index
        %get3A_1871 = tpu.vector_load %arg12[%get3A_1868, %get3A_1869, %get3A_1870] {strides = array<i32>} : memref<6x100x128xf32, #tpu.memory_space<vmem>>, vector<1x1x16xf32>,
        %get3A_1872 = vector.shape_cast %get3A_1871 : vector<1x1x16xf32> to vector<16xf32>
        %add3A_1873 = arith.addf %scan3A_1646, %get3A_1872 : vector<16xf32>
        %mul3A_1874 = arith.constant 2 : i32
        %mul3A_1875 = arith.muli %mul3A_1874, %scan3A_1637 : i32
        %add3A_1876 = arith.constant 50 : i32
        %add3A_1877 = arith.addi %add3A_1876, %mul3A_1875 : i32
        %add3A_1878 = arith.constant 1 : i32
        %add3A_1879 = arith.addi %add3A_1877, %add3A_1878 : i32
        %get3A_1880 = arith.constant 2 : i32
        %get3A_1881 = arith.index_cast %get3A_1880 : i32 to index
        %get3A_1882 = arith.index_cast %add3A_1879 : i32 to index
        %get3A_1883 = arith.constant 0 : index
        %get3A_1884 = tpu.vector_load %arg12[%get3A_1881, %get3A_1882, %get3A_1883] {strides = array<i32>} : memref<6x100x128xf32, #tpu.memory_space<vmem>>, vector<1x1x16xf32>,
        %get3A_1885 = vector.shape_cast %get3A_1884 : vector<1x1x16xf32> to vector<16xf32>
        %add3A_1886 = arith.addf %add3A_1873, %get3A_1885 : vector<16xf32>
        %mul3A_1887 = arith.constant 2 : i32
        %mul3A_1888 = arith.muli %mul3A_1887, %scan3A_1637 : i32
        %add3A_1889 = arith.constant 50 : i32
        %add3A_1890 = arith.addi %add3A_1889, %mul3A_1888 : i32
        %add3A_1891 = arith.constant 0 : i32
        %add3A_1892 = arith.addi %add3A_1890, %add3A_1891 : i32
        %get3A_1893 = arith.constant 2 : i32
        %get3A_1894 = arith.index_cast %get3A_1893 : i32 to index
        %get3A_1895 = arith.index_cast %add3A_1892 : i32 to index
        %get3A_1896 = arith.constant 16 : index
        %get3A_1897 = tpu.vector_load %arg12[%get3A_1894, %get3A_1895, %get3A_1896] {strides = array<i32>} : memref<6x100x128xf32, #tpu.memory_space<vmem>>, vector<1x1x16xf32>,
        %get3A_1898 = vector.shape_cast %get3A_1897 : vector<1x1x16xf32> to vector<16xf32>
        %add3A_1899 = arith.addf %scan3A_1647, %get3A_1898 : vector<16xf32>
        %mul3A_1900 = arith.constant 2 : i32
        %mul3A_1901 = arith.muli %mul3A_1900, %scan3A_1637 : i32
        %add3A_1902 = arith.constant 50 : i32
        %add3A_1903 = arith.addi %add3A_1902, %mul3A_1901 : i32
        %add3A_1904 = arith.constant 1 : i32
        %add3A_1905 = arith.addi %add3A_1903, %add3A_1904 : i32
        %get3A_1906 = arith.constant 2 : i32
        %get3A_1907 = arith.index_cast %get3A_1906 : i32 to index
        %get3A_1908 = arith.index_cast %add3A_1905 : i32 to index
        %get3A_1909 = arith.constant 16 : index
        %get3A_1910 = tpu.vector_load %arg12[%get3A_1907, %get3A_1908, %get3A_1909] {strides = array<i32>} : memref<6x100x128xf32, #tpu.memory_space<vmem>>, vector<1x1x16xf32>,
        %get3A_1911 = vector.shape_cast %get3A_1910 : vector<1x1x16xf32> to vector<16xf32>
        %add3A_1912 = arith.addf %add3A_1899, %get3A_1911 : vector<16xf32>
        %mul3A_1913 = arith.constant 2 : i32
        %mul3A_1914 = arith.muli %mul3A_1913, %scan3A_1637 : i32
        %add3A_1915 = arith.constant 50 : i32
        %add3A_1916 = arith.addi %add3A_1915, %mul3A_1914 : i32
        %add3A_1917 = arith.constant 0 : i32
        %add3A_1918 = arith.addi %add3A_1916, %add3A_1917 : i32
        %get3A_1919 = arith.constant 2 : i32
        %get3A_1920 = arith.index_cast %get3A_1919 : i32 to index
        %get3A_1921 = arith.index_cast %add3A_1918 : i32 to index
        %get3A_1922 = arith.constant 32 : index
        %get3A_1923 = tpu.vector_load %arg12[%get3A_1920, %get3A_1921, %get3A_1922] {strides = array<i32>} : memref<6x100x128xf32, #tpu.memory_space<vmem>>, vector<1x1x16xf32>,
        %get3A_1924 = vector.shape_cast %get3A_1923 : vector<1x1x16xf32> to vector<16xf32>
        %add3A_1925 = arith.addf %scan3A_1648, %get3A_1924 : vector<16xf32>
        %mul3A_1926 = arith.constant 2 : i32
        %mul3A_1927 = arith.muli %mul3A_1926, %scan3A_1637 : i32
        %add3A_1928 = arith.constant 50 : i32
        %add3A_1929 = arith.addi %add3A_1928, %mul3A_1927 : i32
        %add3A_1930 = arith.constant 1 : i32
        %add3A_1931 = arith.addi %add3A_1929, %add3A_1930 : i32
        %get3A_1932 = arith.constant 2 : i32
        %get3A_1933 = arith.index_cast %get3A_1932 : i32 to index
        %get3A_1934 = arith.index_cast %add3A_1931 : i32 to index
        %get3A_1935 = arith.constant 32 : index
        %get3A_1936 = tpu.vector_load %arg12[%get3A_1933, %get3A_1934, %get3A_1935] {strides = array<i32>} : memref<6x100x128xf32, #tpu.memory_space<vmem>>, vector<1x1x16xf32>,
        %get3A_1937 = vector.shape_cast %get3A_1936 : vector<1x1x16xf32> to vector<16xf32>
        %add3A_1938 = arith.addf %add3A_1925, %get3A_1937 : vector<16xf32>
        %mul3A_1939 = arith.constant 2 : i32
        %mul3A_1940 = arith.muli %mul3A_1939, %scan3A_1637 : i32
        %add3A_1941 = arith.constant 50 : i32
        %add3A_1942 = arith.addi %add3A_1941, %mul3A_1940 : i32
        %add3A_1943 = arith.constant 0 : i32
        %add3A_1944 = arith.addi %add3A_1942, %add3A_1943 : i32
        %get3A_1945 = arith.constant 2 : i32
        %get3A_1946 = arith.index_cast %get3A_1945 : i32 to index
        %get3A_1947 = arith.index_cast %add3A_1944 : i32 to index
        %get3A_1948 = arith.constant 48 : index
        %get3A_1949 = tpu.vector_load %arg12[%get3A_1946, %get3A_1947, %get3A_1948] {strides = array<i32>} : memref<6x100x128xf32, #tpu.memory_space<vmem>>, vector<1x1x16xf32>,
        %get3A_1950 = vector.shape_cast %get3A_1949 : vector<1x1x16xf32> to vector<16xf32>
        %add3A_1951 = arith.addf %scan3A_1649, %get3A_1950 : vector<16xf32>
        %mul3A_1952 = arith.constant 2 : i32
        %mul3A_1953 = arith.muli %mul3A_1952, %scan3A_1637 : i32
        %add3A_1954 = arith.constant 50 : i32
        %add3A_1955 = arith.addi %add3A_1954, %mul3A_1953 : i32
        %add3A_1956 = arith.constant 1 : i32
        %add3A_1957 = arith.addi %add3A_1955, %add3A_1956 : i32
        %get3A_1958 = arith.constant 2 : i32
        %get3A_1959 = arith.index_cast %get3A_1958 : i32 to index
        %get3A_1960 = arith.index_cast %add3A_1957 : i32 to index
        %get3A_1961 = arith.constant 48 : index
        %get3A_1962 = tpu.vector_load %arg12[%get3A_1959, %get3A_1960, %get3A_1961] {strides = array<i32>} : memref<6x100x128xf32, #tpu.memory_space<vmem>>, vector<1x1x16xf32>,
        %get3A_1963 = vector.shape_cast %get3A_1962 : vector<1x1x16xf32> to vector<16xf32>
        %add3A_1964 = arith.addf %add3A_1951, %get3A_1963 : vector<16xf32>
        %mul3A_1965 = arith.constant 2 : i32
        %mul3A_1966 = arith.muli %mul3A_1965, %scan3A_1637 : i32
        %add3A_1967 = arith.constant 50 : i32
        %add3A_1968 = arith.addi %add3A_1967, %mul3A_1966 : i32
        %add3A_1969 = arith.constant 0 : i32
        %add3A_1970 = arith.addi %add3A_1968, %add3A_1969 : i32
        %get3A_1971 = arith.constant 2 : i32
        %get3A_1972 = arith.index_cast %get3A_1971 : i32 to index
        %get3A_1973 = arith.index_cast %add3A_1970 : i32 to index
        %get3A_1974 = arith.constant 64 : index
        %get3A_1975 = tpu.vector_load %arg12[%get3A_1972, %get3A_1973, %get3A_1974] {strides = array<i32>} : memref<6x100x128xf32, #tpu.memory_space<vmem>>, vector<1x1x16xf32>,
        %get3A_1976 = vector.shape_cast %get3A_1975 : vector<1x1x16xf32> to vector<16xf32>
        %add3A_1977 = arith.addf %scan3A_1650, %get3A_1976 : vector<16xf32>
        %mul3A_1978 = arith.constant 2 : i32
        %mul3A_1979 = arith.muli %mul3A_1978, %scan3A_1637 : i32
        %add3A_1980 = arith.constant 50 : i32
        %add3A_1981 = arith.addi %add3A_1980, %mul3A_1979 : i32
        %add3A_1982 = arith.constant 1 : i32
        %add3A_1983 = arith.addi %add3A_1981, %add3A_1982 : i32
        %get3A_1984 = arith.constant 2 : i32
        %get3A_1985 = arith.index_cast %get3A_1984 : i32 to index
        %get3A_1986 = arith.index_cast %add3A_1983 : i32 to index
        %get3A_1987 = arith.constant 64 : index
        %get3A_1988 = tpu.vector_load %arg12[%get3A_1985, %get3A_1986, %get3A_1987] {strides = array<i32>} : memref<6x100x128xf32, #tpu.memory_space<vmem>>, vector<1x1x16xf32>,
        %get3A_1989 = vector.shape_cast %get3A_1988 : vector<1x1x16xf32> to vector<16xf32>
        %add3A_1990 = arith.addf %add3A_1977, %get3A_1989 : vector<16xf32>
        %mul3A_1991 = arith.constant 2 : i32
        %mul3A_1992 = arith.muli %mul3A_1991, %scan3A_1637 : i32
        %add3A_1993 = arith.constant 50 : i32
        %add3A_1994 = arith.addi %add3A_1993, %mul3A_1992 : i32
        %add3A_1995 = arith.constant 0 : i32
        %add3A_1996 = arith.addi %add3A_1994, %add3A_1995 : i32
        %get3A_1997 = arith.constant 2 : i32
        %get3A_1998 = arith.index_cast %get3A_1997 : i32 to index
        %get3A_1999 = arith.index_cast %add3A_1996 : i32 to index
        %get3A_2000 = arith.constant 80 : index
        %get3A_2001 = tpu.vector_load %arg12[%get3A_1998, %get3A_1999, %get3A_2000] {strides = array<i32>} : memref<6x100x128xf32, #tpu.memory_space<vmem>>, vector<1x1x16xf32>,
        %get3A_2002 = vector.shape_cast %get3A_2001 : vector<1x1x16xf32> to vector<16xf32>
        %add3A_2003 = arith.addf %scan3A_1651, %get3A_2002 : vector<16xf32>
        %mul3A_2004 = arith.constant 2 : i32
        %mul3A_2005 = arith.muli %mul3A_2004, %scan3A_1637 : i32
        %add3A_2006 = arith.constant 50 : i32
        %add3A_2007 = arith.addi %add3A_2006, %mul3A_2005 : i32
        %add3A_2008 = arith.constant 1 : i32
        %add3A_2009 = arith.addi %add3A_2007, %add3A_2008 : i32
        %get3A_2010 = arith.constant 2 : i32
        %get3A_2011 = arith.index_cast %get3A_2010 : i32 to index
        %get3A_2012 = arith.index_cast %add3A_2009 : i32 to index
        %get3A_2013 = arith.constant 80 : index
        %get3A_2014 = tpu.vector_load %arg12[%get3A_2011, %get3A_2012, %get3A_2013] {strides = array<i32>} : memref<6x100x128xf32, #tpu.memory_space<vmem>>, vector<1x1x16xf32>,
        %get3A_2015 = vector.shape_cast %get3A_2014 : vector<1x1x16xf32> to vector<16xf32>
        %add3A_2016 = arith.addf %add3A_2003, %get3A_2015 : vector<16xf32>
        %mul3A_2017 = arith.constant 2 : i32
        %mul3A_2018 = arith.muli %mul3A_2017, %scan3A_1637 : i32
        %add3A_2019 = arith.constant 50 : i32
        %add3A_2020 = arith.addi %add3A_2019, %mul3A_2018 : i32
        %add3A_2021 = arith.constant 0 : i32
        %add3A_2022 = arith.addi %add3A_2020, %add3A_2021 : i32
        %get3A_2023 = arith.constant 2 : i32
        %get3A_2024 = arith.index_cast %get3A_2023 : i32 to index
        %get3A_2025 = arith.index_cast %add3A_2022 : i32 to index
        %get3A_2026 = arith.constant 96 : index
        %get3A_2027 = tpu.vector_load %arg12[%get3A_2024, %get3A_2025, %get3A_2026] {strides = array<i32>} : memref<6x100x128xf32, #tpu.memory_space<vmem>>, vector<1x1x16xf32>,
        %get3A_2028 = vector.shape_cast %get3A_2027 : vector<1x1x16xf32> to vector<16xf32>
        %add3A_2029 = arith.addf %scan3A_1652, %get3A_2028 : vector<16xf32>
        %mul3A_2030 = arith.constant 2 : i32
        %mul3A_2031 = arith.muli %mul3A_2030, %scan3A_1637 : i32
        %add3A_2032 = arith.constant 50 : i32
        %add3A_2033 = arith.addi %add3A_2032, %mul3A_2031 : i32
        %add3A_2034 = arith.constant 1 : i32
        %add3A_2035 = arith.addi %add3A_2033, %add3A_2034 : i32
        %get3A_2036 = arith.constant 2 : i32
        %get3A_2037 = arith.index_cast %get3A_2036 : i32 to index
        %get3A_2038 = arith.index_cast %add3A_2035 : i32 to index
        %get3A_2039 = arith.constant 96 : index
        %get3A_2040 = tpu.vector_load %arg12[%get3A_2037, %get3A_2038, %get3A_2039] {strides = array<i32>} : memref<6x100x128xf32, #tpu.memory_space<vmem>>, vector<1x1x16xf32>,
        %get3A_2041 = vector.shape_cast %get3A_2040 : vector<1x1x16xf32> to vector<16xf32>
        %add3A_2042 = arith.addf %add3A_2029, %get3A_2041 : vector<16xf32>
        %mul3A_2043 = arith.constant 2 : i32
        %mul3A_2044 = arith.muli %mul3A_2043, %scan3A_1637 : i32
        %add3A_2045 = arith.constant 50 : i32
        %add3A_2046 = arith.addi %add3A_2045, %mul3A_2044 : i32
        %add3A_2047 = arith.constant 0 : i32
        %add3A_2048 = arith.addi %add3A_2046, %add3A_2047 : i32
        %get3A_2049 = arith.constant 2 : i32
        %get3A_2050 = arith.index_cast %get3A_2049 : i32 to index
        %get3A_2051 = arith.index_cast %add3A_2048 : i32 to index
        %get3A_2052 = arith.constant 112 : index
        %get3A_2053 = tpu.vector_load %arg12[%get3A_2050, %get3A_2051, %get3A_2052] {strides = array<i32>} : memref<6x100x128xf32, #tpu.memory_space<vmem>>, vector<1x1x16xf32>,
        %get3A_2054 = vector.shape_cast %get3A_2053 : vector<1x1x16xf32> to vector<16xf32>
        %add3A_2055 = arith.addf %scan3A_1653, %get3A_2054 : vector<16xf32>
        %mul3A_2056 = arith.constant 2 : i32
        %mul3A_2057 = arith.muli %mul3A_2056, %scan3A_1637 : i32
        %add3A_2058 = arith.constant 50 : i32
        %add3A_2059 = arith.addi %add3A_2058, %mul3A_2057 : i32
        %add3A_2060 = arith.constant 1 : i32
        %add3A_2061 = arith.addi %add3A_2059, %add3A_2060 : i32
        %get3A_2062 = arith.constant 2 : i32
        %get3A_2063 = arith.index_cast %get3A_2062 : i32 to index
        %get3A_2064 = arith.index_cast %add3A_2061 : i32 to index
        %get3A_2065 = arith.constant 112 : index
        %get3A_2066 = tpu.vector_load %arg12[%get3A_2063, %get3A_2064, %get3A_2065] {strides = array<i32>} : memref<6x100x128xf32, #tpu.memory_space<vmem>>, vector<1x1x16xf32>,
        %get3A_2067 = vector.shape_cast %get3A_2066 : vector<1x1x16xf32> to vector<16xf32>
        %add3A_2068 = arith.addf %add3A_2055, %get3A_2067 : vector<16xf32>
        scf.yield %add3A_1678, %add3A_1704, %add3A_1730, %add3A_1756, %add3A_1782, %add3A_1808, %add3A_1834, %add3A_1860, %add3A_1886, %add3A_1912, %add3A_1938, %add3A_1964, %add3A_1990, %add3A_2016, %add3A_2042, %add3A_2068 : vector<16xf32>, vector<16xf32>, vector<16xf32>, vector<16xf32>, vector<16xf32>, vector<16xf32>, vector<16xf32>, vector<16xf32>, vector<16xf32>, vector<16xf32>, vector<16xf32>, vector<16xf32>, vector<16xf32>, vector<16xf32>, vector<16xf32>, vector<16xf32>
      }
      %scan3A_757 = arith.constant 25 : i32
      %ge3A_758 = arith.constant 6 : i32
      %ge3A_759 = arith.cmpi sge, %add3A_688, %ge3A_758 : i32
      %convert_element_type3A_760 = arith.extui %ge3A_759 : i1 to i32
      %cond3A_761 = arith.constant 0 : i32
      %cond3A_762 = arith.cmpi ne, %convert_element_type3A_760, %cond3A_761 : i32
      scf.if %cond3A_762 {
        %sub3A_1637 = arith.constant 2 : i32
        %sub3A_1638 = arith.subi %add3A_692, %sub3A_1637 : i32
        %mul3A_1639 = arith.constant 2 : i32
        %mul3A_1640 = arith.muli %sub3A_1638, %mul3A_1639 : i32
        %add3A_1641 = arith.addi %mul3A_4, %mul3A_1640 : i32
        %dma_wait3A_1642 = arith.constant 2 : i32
        %dma_wait3A_1643 = arith.constant 4 : i32
        %dma_wait3A_1644 = arith.constant 0 : i32
        %dma_wait3A_1645 = tpu.memref_slice %arg13[%dma_wait3A_1643, %dma_wait3A_1644] : memref<12x128xf32, #tpu.memory_space<vmem>> -> memref<2x128xf32, #tpu.memory_space<vmem>>
        %dma_wait3A_1646 = arith.constant 256 : i32
        %dma_wait3A_1647 = tpu.memref_slice %arg8[%add3A_1641, %dma_wait3A_1646] : memref<4096x384xf32, #tpu.memory_space<hbm>> -> memref<2x128xf32, #tpu.memory_space<hbm>>
        %dma_wait3A_1648 = tpu.memref_slice %arg15[%dma_wait3A_1642] : memref<6x!tpu.dma_semaphore, #tpu.memory_space<semaphore_mem>> -> memref<1x!tpu.dma_semaphore, #tpu.memory_space<semaphore_mem>>
        %dma_wait3A_1649 = tpu.memref_squeeze %dma_wait3A_1648 : memref<1x!tpu.dma_semaphore, #tpu.memory_space<semaphore_mem>> -> memref<!tpu.dma_semaphore, #tpu.memory_space<semaphore_mem>>
        %dma_wait3A_1650 = arith.constant 256 : i32
        %dma_wait3A_1651 = tpu.memref_slice %arg8[%add3A_1641, %dma_wait3A_1650] : memref<4096x384xf32, #tpu.memory_space<hbm>> -> memref<2x128xf32, #tpu.memory_space<hbm>>
        %dma_wait3A_1652 = arith.constant 4 : i32
        %dma_wait3A_1653 = arith.constant 0 : i32
        %dma_wait3A_1654 = tpu.memref_slice %arg13[%dma_wait3A_1652, %dma_wait3A_1653] : memref<12x128xf32, #tpu.memory_space<vmem>> -> memref<2x128xf32, #tpu.memory_space<vmem>>
        tpu.wait_dma2 semaphore(%dma_wait3A_1649 : memref<!tpu.dma_semaphore, #tpu.memory_space<semaphore_mem>>) src(%dma_wait3A_1654 : memref<2x128xf32, #tpu.memory_space<vmem>>) dst(%dma_wait3A_1651 : memref<2x128xf32, #tpu.memory_space<hbm>>)
      } else {
      }
      %mul3A_763 = arith.constant 2.000000e-02 : f32
      %mul3A_764 = vector.broadcast %mul3A_763 : f32 to vector<16xf32>
      %mul3A_765 = arith.mulf %scan3A_756#0, %mul3A_764 : vector<16xf32>
      %swap3A_766 = arith.constant 4 : i32
      %swap3A_767 = arith.index_cast %swap3A_766 : i32 to index
      %swap3A_768 = arith.constant 0 : index
      %swap3A_769 = tpu.vector_load %arg13[%swap3A_767, %swap3A_768] {strides = array<i32>} : memref<12x128xf32, #tpu.memory_space<vmem>>, vector<1x16xf32>,
      %swap3A_770 = vector.shape_cast %swap3A_769 : vector<1x16xf32> to vector<16xf32>
      %swap3A_771 = vector.shape_cast %mul3A_765 : vector<16xf32> to vector<1x16xf32>
      tpu.vector_store %arg13[%swap3A_767, %swap3A_768], %swap3A_771 {strides = array<i32>} : memref<12x128xf32, #tpu.memory_space<vmem>>, vector<1x16xf32>,
      %mul3A_772 = arith.constant 2.000000e-02 : f32
      %mul3A_773 = vector.broadcast %mul3A_772 : f32 to vector<16xf32>
      %mul3A_774 = arith.mulf %scan3A_756#1, %mul3A_773 : vector<16xf32>
      %swap3A_775 = arith.constant 4 : i32
      %swap3A_776 = arith.index_cast %swap3A_775 : i32 to index
      %swap3A_777 = arith.constant 16 : index
      %swap3A_778 = tpu.vector_load %arg13[%swap3A_776, %swap3A_777] {strides = array<i32>} : memref<12x128xf32, #tpu.memory_space<vmem>>, vector<1x16xf32>,
      %swap3A_779 = vector.shape_cast %swap3A_778 : vector<1x16xf32> to vector<16xf32>
      %swap3A_780 = vector.shape_cast %mul3A_774 : vector<16xf32> to vector<1x16xf32>
      tpu.vector_store %arg13[%swap3A_776, %swap3A_777], %swap3A_780 {strides = array<i32>} : memref<12x128xf32, #tpu.memory_space<vmem>>, vector<1x16xf32>,
      %mul3A_781 = arith.constant 2.000000e-02 : f32
      %mul3A_782 = vector.broadcast %mul3A_781 : f32 to vector<16xf32>
      %mul3A_783 = arith.mulf %scan3A_756#2, %mul3A_782 : vector<16xf32>
      %swap3A_784 = arith.constant 4 : i32
      %swap3A_785 = arith.index_cast %swap3A_784 : i32 to index
      %swap3A_786 = arith.constant 32 : index
      %swap3A_787 = tpu.vector_load %arg13[%swap3A_785, %swap3A_786] {strides = array<i32>} : memref<12x128xf32, #tpu.memory_space<vmem>>, vector<1x16xf32>,
      %swap3A_788 = vector.shape_cast %swap3A_787 : vector<1x16xf32> to vector<16xf32>
      %swap3A_789 = vector.shape_cast %mul3A_783 : vector<16xf32> to vector<1x16xf32>
      tpu.vector_store %arg13[%swap3A_785, %swap3A_786], %swap3A_789 {strides = array<i32>} : memref<12x128xf32, #tpu.memory_space<vmem>>, vector<1x16xf32>,
      %mul3A_790 = arith.constant 2.000000e-02 : f32
      %mul3A_791 = vector.broadcast %mul3A_790 : f32 to vector<16xf32>
      %mul3A_792 = arith.mulf %scan3A_756#3, %mul3A_791 : vector<16xf32>
      %swap3A_793 = arith.constant 4 : i32
      %swap3A_794 = arith.index_cast %swap3A_793 : i32 to index
      %swap3A_795 = arith.constant 48 : index
      %swap3A_796 = tpu.vector_load %arg13[%swap3A_794, %swap3A_795] {strides = array<i32>} : memref<12x128xf32, #tpu.memory_space<vmem>>, vector<1x16xf32>,
      %swap3A_797 = vector.shape_cast %swap3A_796 : vector<1x16xf32> to vector<16xf32>
      %swap3A_798 = vector.shape_cast %mul3A_792 : vector<16xf32> to vector<1x16xf32>
      tpu.vector_store %arg13[%swap3A_794, %swap3A_795], %swap3A_798 {strides = array<i32>} : memref<12x128xf32, #tpu.memory_space<vmem>>, vector<1x16xf32>,
      %mul3A_799 = arith.constant 2.000000e-02 : f32
      %mul3A_800 = vector.broadcast %mul3A_799 : f32 to vector<16xf32>
      %mul3A_801 = arith.mulf %scan3A_756#4, %mul3A_800 : vector<16xf32>
      %swap3A_802 = arith.constant 4 : i32
      %swap3A_803 = arith.index_cast %swap3A_802 : i32 to index
      %swap3A_804 = arith.constant 64 : index
      %swap3A_805 = tpu.vector_load %arg13[%swap3A_803, %swap3A_804] {strides = array<i32>} : memref<12x128xf32, #tpu.memory_space<vmem>>, vector<1x16xf32>,
      %swap3A_806 = vector.shape_cast %swap3A_805 : vector<1x16xf32> to vector<16xf32>
      %swap3A_807 = vector.shape_cast %mul3A_801 : vector<16xf32> to vector<1x16xf32>
      tpu.vector_store %arg13[%swap3A_803, %swap3A_804], %swap3A_807 {strides = array<i32>} : memref<12x128xf32, #tpu.memory_space<vmem>>, vector<1x16xf32>,
      %mul3A_808 = arith.constant 2.000000e-02 : f32
      %mul3A_809 = vector.broadcast %mul3A_808 : f32 to vector<16xf32>
      %mul3A_810 = arith.mulf %scan3A_756#5, %mul3A_809 : vector<16xf32>
      %swap3A_811 = arith.constant 4 : i32
      %swap3A_812 = arith.index_cast %swap3A_811 : i32 to index
      %swap3A_813 = arith.constant 80 : index
      %swap3A_814 = tpu.vector_load %arg13[%swap3A_812, %swap3A_813] {strides = array<i32>} : memref<12x128xf32, #tpu.memory_space<vmem>>, vector<1x16xf32>,
      %swap3A_815 = vector.shape_cast %swap3A_814 : vector<1x16xf32> to vector<16xf32>
      %swap3A_816 = vector.shape_cast %mul3A_810 : vector<16xf32> to vector<1x16xf32>
      tpu.vector_store %arg13[%swap3A_812, %swap3A_813], %swap3A_816 {strides = array<i32>} : memref<12x128xf32, #tpu.memory_space<vmem>>, vector<1x16xf32>,
      %mul3A_817 = arith.constant 2.000000e-02 : f32
      %mul3A_818 = vector.broadcast %mul3A_817 : f32 to vector<16xf32>
      %mul3A_819 = arith.mulf %scan3A_756#6, %mul3A_818 : vector<16xf32>
      %swap3A_820 = arith.constant 4 : i32
      %swap3A_821 = arith.index_cast %swap3A_820 : i32 to index
      %swap3A_822 = arith.constant 96 : index
      %swap3A_823 = tpu.vector_load %arg13[%swap3A_821, %swap3A_822] {strides = array<i32>} : memref<12x128xf32, #tpu.memory_space<vmem>>, vector<1x16xf32>,
      %swap3A_824 = vector.shape_cast %swap3A_823 : vector<1x16xf32> to vector<16xf32>
      %swap3A_825 = vector.shape_cast %mul3A_819 : vector<16xf32> to vector<1x16xf32>
      tpu.vector_store %arg13[%swap3A_821, %swap3A_822], %swap3A_825 {strides = array<i32>} : memref<12x128xf32, #tpu.memory_space<vmem>>, vector<1x16xf32>,
      %mul3A_826 = arith.constant 2.000000e-02 : f32
      %mul3A_827 = vector.broadcast %mul3A_826 : f32 to vector<16xf32>
      %mul3A_828 = arith.mulf %scan3A_756#7, %mul3A_827 : vector<16xf32>
      %swap3A_829 = arith.constant 4 : i32
      %swap3A_830 = arith.index_cast %swap3A_829 : i32 to index
      %swap3A_831 = arith.constant 112 : index
      %swap3A_832 = tpu.vector_load %arg13[%swap3A_830, %swap3A_831] {strides = array<i32>} : memref<12x128xf32, #tpu.memory_space<vmem>>, vector<1x16xf32>,
      %swap3A_833 = vector.shape_cast %swap3A_832 : vector<1x16xf32> to vector<16xf32>
      %swap3A_834 = vector.shape_cast %mul3A_828 : vector<16xf32> to vector<1x16xf32>
      tpu.vector_store %arg13[%swap3A_830, %swap3A_831], %swap3A_834 {strides = array<i32>} : memref<12x128xf32, #tpu.memory_space<vmem>>, vector<1x16xf32>,
      %mul3A_835 = arith.constant 2.000000e-02 : f32
      %mul3A_836 = vector.broadcast %mul3A_835 : f32 to vector<16xf32>
      %mul3A_837 = arith.mulf %scan3A_756#8, %mul3A_836 : vector<16xf32>
      %swap3A_838 = arith.constant 5 : i32
      %swap3A_839 = arith.index_cast %swap3A_838 : i32 to index
      %swap3A_840 = arith.constant 0 : index
      %swap3A_841 = tpu.vector_load %arg13[%swap3A_839, %swap3A_840] {strides = array<i32>} : memref<12x128xf32, #tpu.memory_space<vmem>>, vector<1x16xf32>,
      %swap3A_842 = vector.shape_cast %swap3A_841 : vector<1x16xf32> to vector<16xf32>
      %swap3A_843 = vector.shape_cast %mul3A_837 : vector<16xf32> to vector<1x16xf32>
      tpu.vector_store %arg13[%swap3A_839, %swap3A_840], %swap3A_843 {strides = array<i32>} : memref<12x128xf32, #tpu.memory_space<vmem>>, vector<1x16xf32>,
      %mul3A_844 = arith.constant 2.000000e-02 : f32
      %mul3A_845 = vector.broadcast %mul3A_844 : f32 to vector<16xf32>
      %mul3A_846 = arith.mulf %scan3A_756#9, %mul3A_845 : vector<16xf32>
      %swap3A_847 = arith.constant 5 : i32
      %swap3A_848 = arith.index_cast %swap3A_847 : i32 to index
      %swap3A_849 = arith.constant 16 : index
      %swap3A_850 = tpu.vector_load %arg13[%swap3A_848, %swap3A_849] {strides = array<i32>} : memref<12x128xf32, #tpu.memory_space<vmem>>, vector<1x16xf32>,
      %swap3A_851 = vector.shape_cast %swap3A_850 : vector<1x16xf32> to vector<16xf32>
      %swap3A_852 = vector.shape_cast %mul3A_846 : vector<16xf32> to vector<1x16xf32>
      tpu.vector_store %arg13[%swap3A_848, %swap3A_849], %swap3A_852 {strides = array<i32>} : memref<12x128xf32, #tpu.memory_space<vmem>>, vector<1x16xf32>,
      %mul3A_853 = arith.constant 2.000000e-02 : f32
      %mul3A_854 = vector.broadcast %mul3A_853 : f32 to vector<16xf32>
      %mul3A_855 = arith.mulf %scan3A_756#10, %mul3A_854 : vector<16xf32>
      %swap3A_856 = arith.constant 5 : i32
      %swap3A_857 = arith.index_cast %swap3A_856 : i32 to index
      %swap3A_858 = arith.constant 32 : index
      %swap3A_859 = tpu.vector_load %arg13[%swap3A_857, %swap3A_858] {strides = array<i32>} : memref<12x128xf32, #tpu.memory_space<vmem>>, vector<1x16xf32>,
      %swap3A_860 = vector.shape_cast %swap3A_859 : vector<1x16xf32> to vector<16xf32>
      %swap3A_861 = vector.shape_cast %mul3A_855 : vector<16xf32> to vector<1x16xf32>
      tpu.vector_store %arg13[%swap3A_857, %swap3A_858], %swap3A_861 {strides = array<i32>} : memref<12x128xf32, #tpu.memory_space<vmem>>, vector<1x16xf32>,
      %mul3A_862 = arith.constant 2.000000e-02 : f32
      %mul3A_863 = vector.broadcast %mul3A_862 : f32 to vector<16xf32>
      %mul3A_864 = arith.mulf %scan3A_756#11, %mul3A_863 : vector<16xf32>
      %swap3A_865 = arith.constant 5 : i32
      %swap3A_866 = arith.index_cast %swap3A_865 : i32 to index
      %swap3A_867 = arith.constant 48 : index
      %swap3A_868 = tpu.vector_load %arg13[%swap3A_866, %swap3A_867] {strides = array<i32>} : memref<12x128xf32, #tpu.memory_space<vmem>>, vector<1x16xf32>,
      %swap3A_869 = vector.shape_cast %swap3A_868 : vector<1x16xf32> to vector<16xf32>
      %swap3A_870 = vector.shape_cast %mul3A_864 : vector<16xf32> to vector<1x16xf32>
      tpu.vector_store %arg13[%swap3A_866, %swap3A_867], %swap3A_870 {strides = array<i32>} : memref<12x128xf32, #tpu.memory_space<vmem>>, vector<1x16xf32>,
      %mul3A_871 = arith.constant 2.000000e-02 : f32
      %mul3A_872 = vector.broadcast %mul3A_871 : f32 to vector<16xf32>
      %mul3A_873 = arith.mulf %scan3A_756#12, %mul3A_872 : vector<16xf32>
      %swap3A_874 = arith.constant 5 : i32
      %swap3A_875 = arith.index_cast %swap3A_874 : i32 to index
      %swap3A_876 = arith.constant 64 : index
      %swap3A_877 = tpu.vector_load %arg13[%swap3A_875, %swap3A_876] {strides = array<i32>} : memref<12x128xf32, #tpu.memory_space<vmem>>, vector<1x16xf32>,
      %swap3A_878 = vector.shape_cast %swap3A_877 : vector<1x16xf32> to vector<16xf32>
      %swap3A_879 = vector.shape_cast %mul3A_873 : vector<16xf32> to vector<1x16xf32>
      tpu.vector_store %arg13[%swap3A_875, %swap3A_876], %swap3A_879 {strides = array<i32>} : memref<12x128xf32, #tpu.memory_space<vmem>>, vector<1x16xf32>,
      %mul3A_880 = arith.constant 2.000000e-02 : f32
      %mul3A_881 = vector.broadcast %mul3A_880 : f32 to vector<16xf32>
      %mul3A_882 = arith.mulf %scan3A_756#13, %mul3A_881 : vector<16xf32>
      %swap3A_883 = arith.constant 5 : i32
      %swap3A_884 = arith.index_cast %swap3A_883 : i32 to index
      %swap3A_885 = arith.constant 80 : index
      %swap3A_886 = tpu.vector_load %arg13[%swap3A_884, %swap3A_885] {strides = array<i32>} : memref<12x128xf32, #tpu.memory_space<vmem>>, vector<1x16xf32>,
      %swap3A_887 = vector.shape_cast %swap3A_886 : vector<1x16xf32> to vector<16xf32>
      %swap3A_888 = vector.shape_cast %mul3A_882 : vector<16xf32> to vector<1x16xf32>
      tpu.vector_store %arg13[%swap3A_884, %swap3A_885], %swap3A_888 {strides = array<i32>} : memref<12x128xf32, #tpu.memory_space<vmem>>, vector<1x16xf32>,
      %mul3A_889 = arith.constant 2.000000e-02 : f32
      %mul3A_890 = vector.broadcast %mul3A_889 : f32 to vector<16xf32>
      %mul3A_891 = arith.mulf %scan3A_756#14, %mul3A_890 : vector<16xf32>
      %swap3A_892 = arith.constant 5 : i32
      %swap3A_893 = arith.index_cast %swap3A_892 : i32 to index
      %swap3A_894 = arith.constant 96 : index
      %swap3A_895 = tpu.vector_load %arg13[%swap3A_893, %swap3A_894] {strides = array<i32>} : memref<12x128xf32, #tpu.memory_space<vmem>>, vector<1x16xf32>,
      %swap3A_896 = vector.shape_cast %swap3A_895 : vector<1x16xf32> to vector<16xf32>
      %swap3A_897 = vector.shape_cast %mul3A_891 : vector<16xf32> to vector<1x16xf32>
      tpu.vector_store %arg13[%swap3A_893, %swap3A_894], %swap3A_897 {strides = array<i32>} : memref<12x128xf32, #tpu.memory_space<vmem>>, vector<1x16xf32>,
      %mul3A_898 = arith.constant 2.000000e-02 : f32
      %mul3A_899 = vector.broadcast %mul3A_898 : f32 to vector<16xf32>
      %mul3A_900 = arith.mulf %scan3A_756#15, %mul3A_899 : vector<16xf32>
      %swap3A_901 = arith.constant 5 : i32
      %swap3A_902 = arith.index_cast %swap3A_901 : i32 to index
      %swap3A_903 = arith.constant 112 : index
      %swap3A_904 = tpu.vector_load %arg13[%swap3A_902, %swap3A_903] {strides = array<i32>} : memref<12x128xf32, #tpu.memory_space<vmem>>, vector<1x16xf32>,
      %swap3A_905 = vector.shape_cast %swap3A_904 : vector<1x16xf32> to vector<16xf32>
      %swap3A_906 = vector.shape_cast %mul3A_900 : vector<16xf32> to vector<1x16xf32>
      tpu.vector_store %arg13[%swap3A_902, %swap3A_903], %swap3A_906 {strides = array<i32>} : memref<12x128xf32, #tpu.memory_space<vmem>>, vector<1x16xf32>,
      %mul3A_907 = arith.constant 2 : i32
      %mul3A_908 = arith.muli %add3A_692, %mul3A_907 : i32
      %add3A_909 = arith.addi %mul3A_4, %mul3A_908 : i32
      %dma_start3A_910 = arith.constant 2 : i32
      %dma_start3A_911 = arith.constant 4 : i32
      %dma_start3A_912 = arith.constant 0 : i32
      %dma_start3A_913 = tpu.memref_slice %arg13[%dma_start3A_911, %dma_start3A_912] : memref<12x128xf32, #tpu.memory_space<vmem>> -> memref<2x128xf32, #tpu.memory_space<vmem>>
      %dma_start3A_914 = arith.constant 256 : i32
      %dma_start3A_915 = tpu.memref_slice %arg8[%add3A_909, %dma_start3A_914] : memref<4096x384xf32, #tpu.memory_space<hbm>> -> memref<2x128xf32, #tpu.memory_space<hbm>>
      %dma_start3A_916 = tpu.memref_slice %arg15[%dma_start3A_910] : memref<6x!tpu.dma_semaphore, #tpu.memory_space<semaphore_mem>> -> memref<1x!tpu.dma_semaphore, #tpu.memory_space<semaphore_mem>>
      %dma_start3A_917 = tpu.memref_squeeze %dma_start3A_916 : memref<1x!tpu.dma_semaphore, #tpu.memory_space<semaphore_mem>> -> memref<!tpu.dma_semaphore, #tpu.memory_space<semaphore_mem>>
      %dma_start3A_918 = arith.constant 256 : i32
      %dma_start3A_919 = tpu.memref_slice %arg8[%add3A_909, %dma_start3A_918] : memref<4096x384xf32, #tpu.memory_space<hbm>> -> memref<2x128xf32, #tpu.memory_space<hbm>>
      %dma_start3A_920 = arith.constant 4 : i32
      %dma_start3A_921 = arith.constant 0 : i32
      %dma_start3A_922 = tpu.memref_slice %arg13[%dma_start3A_920, %dma_start3A_921] : memref<12x128xf32, #tpu.memory_space<vmem>> -> memref<2x128xf32, #tpu.memory_space<vmem>>
      tpu.enqueue_dma source(%dma_start3A_922 : memref<2x128xf32, #tpu.memory_space<vmem>>) target(%dma_start3A_919 : memref<2x128xf32, #tpu.memory_space<hbm>>) target_semaphore(%dma_start3A_917 : memref<!tpu.dma_semaphore, #tpu.memory_space<semaphore_mem>>)
      %mul3A_923 = arith.constant 6 : i32
      %mul3A_924 = arith.muli %scan3A_215, %mul3A_923 : i32
      %add3A_925 = arith.constant 3 : i32
      %add3A_926 = arith.addi %mul3A_924, %add3A_925 : i32
      %mul3A_927 = arith.constant 2 : i32
      %mul3A_928 = arith.muli %scan3A_215, %mul3A_927 : i32
      %add3A_929 = arith.constant 1 : i32
      %add3A_930 = arith.addi %mul3A_928, %add3A_929 : i32
      %mul3A_931 = arith.constant 2 : i32
      %mul3A_932 = arith.muli %scan3A_215, %mul3A_931 : i32
      %add3A_933 = arith.constant 2 : i32
      %add3A_934 = arith.addi %mul3A_932, %add3A_933 : i32
      %add3A_935 = arith.constant 6 : i32
      %add3A_936 = arith.addi %add3A_926, %add3A_935 : i32
      %sub3A_937 = arith.constant 1 : i32
      %sub3A_938 = arith.subi %add3A_936, %sub3A_937 : i32
      %lt3A_939 = arith.constant 192 : i32
      %lt3A_940 = arith.cmpi slt, %sub3A_938, %lt3A_939 : i32
      %convert_element_type3A_941 = arith.extui %lt3A_940 : i1 to i32
      %cond3A_942 = arith.constant 0 : i32
      %cond3A_943 = arith.cmpi ne, %convert_element_type3A_941, %cond3A_942 : i32
      scf.if %cond3A_943 {
        %dma_start3A_1637 = arith.constant 2 : i32
        %dma_start3A_1638 = arith.constant 2 : i32
        %dma_start3A_1639 = arith.constant 0 : i32
        %dma_start3A_1640 = arith.constant 0 : i32
        %dma_start3A_1641 = tpu.memref_slice %arg12[%dma_start3A_1637, %dma_start3A_1639, %dma_start3A_1640] : memref<6x100x128xf32, #tpu.memory_space<vmem>> -> memref<1x100x128xf32, #tpu.memory_space<vmem>>
        %dma_start3A_1642 = tpu.memref_squeeze %dma_start3A_1641 : memref<1x100x128xf32, #tpu.memory_space<vmem>> -> memref<100x128xf32, #tpu.memory_space<vmem>>
        %dma_start3A_1643 = arith.constant 0 : i32
        %dma_start3A_1644 = tpu.memref_slice %arg11[%add3A_934, %dma_start3A_1643] : memref<64x100xi32, #tpu.memory_space<vmem>> -> memref<1x100xi32, #tpu.memory_space<vmem>>
        %dma_start3A_1645 = tpu.memref_squeeze %dma_start3A_1644 : memref<1x100xi32, #tpu.memory_space<vmem>> -> memref<100xi32, #tpu.memory_space<vmem>>
        %dma_start3A_1646 = arith.constant 0 : i32
        %dma_start3A_1647 = arith.constant 0 : i32
        %dma_start3A_1648 = tpu.memref_slice %arg7[%dma_start3A_1646, %dma_start3A_1647] : memref<100000x128xf32, #tpu.memory_space<hbm>> -> memref<100000x128xf32, #tpu.memory_space<hbm>>
        %dma_start3A_1649 = tpu.memref_slice %arg14[%dma_start3A_1638] : memref<6x!tpu.dma_semaphore, #tpu.memory_space<semaphore_mem>> -> memref<1x!tpu.dma_semaphore, #tpu.memory_space<semaphore_mem>>
        %dma_start3A_1650 = tpu.memref_squeeze %dma_start3A_1649 : memref<1x!tpu.dma_semaphore, #tpu.memory_space<semaphore_mem>> -> memref<!tpu.dma_semaphore, #tpu.memory_space<semaphore_mem>>
        tpu.enqueue_indirect_dma source(%dma_start3A_1648 : memref<100000x128xf32, #tpu.memory_space<hbm>>) target(%dma_start3A_1642 : memref<100x128xf32, #tpu.memory_space<vmem>>) offsets(%dma_start3A_1645 : memref<100xi32, #tpu.memory_space<vmem>>) semaphore(%dma_start3A_1650 : memref<!tpu.dma_semaphore, #tpu.memory_space<semaphore_mem>>)
      } else {
      }
      %dma_wait3A_944 = arith.constant 3 : i32
      %dma_wait3A_945 = arith.constant 3 : i32
      %dma_wait3A_946 = arith.constant 0 : i32
      %dma_wait3A_947 = arith.constant 0 : i32
      %dma_wait3A_948 = tpu.memref_slice %arg12[%dma_wait3A_944, %dma_wait3A_946, %dma_wait3A_947] : memref<6x100x128xf32, #tpu.memory_space<vmem>> -> memref<1x100x128xf32, #tpu.memory_space<vmem>>
      %dma_wait3A_949 = tpu.memref_squeeze %dma_wait3A_948 : memref<1x100x128xf32, #tpu.memory_space<vmem>> -> memref<100x128xf32, #tpu.memory_space<vmem>>
      %dma_wait3A_950 = arith.constant 0 : i32
      %dma_wait3A_951 = tpu.memref_slice %arg9[%add3A_930, %dma_wait3A_950] : memref<64x100xi32, #tpu.memory_space<vmem>> -> memref<1x100xi32, #tpu.memory_space<vmem>>
      %dma_wait3A_952 = tpu.memref_squeeze %dma_wait3A_951 : memref<1x100xi32, #tpu.memory_space<vmem>> -> memref<100xi32, #tpu.memory_space<vmem>>
      %dma_wait3A_953 = arith.constant 0 : i32
      %dma_wait3A_954 = arith.constant 0 : i32
      %dma_wait3A_955 = tpu.memref_slice %arg5[%dma_wait3A_953, %dma_wait3A_954] : memref<100000x128xf32, #tpu.memory_space<hbm>> -> memref<100000x128xf32, #tpu.memory_space<hbm>>
      %dma_wait3A_956 = tpu.memref_slice %arg14[%dma_wait3A_945] : memref<6x!tpu.dma_semaphore, #tpu.memory_space<semaphore_mem>> -> memref<1x!tpu.dma_semaphore, #tpu.memory_space<semaphore_mem>>
      %dma_wait3A_957 = tpu.memref_squeeze %dma_wait3A_956 : memref<1x!tpu.dma_semaphore, #tpu.memory_space<semaphore_mem>> -> memref<!tpu.dma_semaphore, #tpu.memory_space<semaphore_mem>>
      tpu.wait_indirect_dma semaphore(%dma_wait3A_957 : memref<!tpu.dma_semaphore, #tpu.memory_space<semaphore_mem>>) src(%dma_wait3A_955 : memref<100000x128xf32, #tpu.memory_space<hbm>>) dst(%dma_wait3A_949 : memref<100x128xf32, #tpu.memory_space<vmem>>)
      %broadcast_in_dim3A_958 = arith.constant 0.000000e+00 : f32
      %broadcast_in_dim3A_959 = vector.broadcast %broadcast_in_dim3A_958 : f32 to vector<16xf32>
      %broadcast_in_dim3A_960 = arith.constant 0.000000e+00 : f32
      %broadcast_in_dim3A_961 = vector.broadcast %broadcast_in_dim3A_960 : f32 to vector<16xf32>
      %broadcast_in_dim3A_962 = arith.constant 0.000000e+00 : f32
      %broadcast_in_dim3A_963 = vector.broadcast %broadcast_in_dim3A_962 : f32 to vector<16xf32>
      %broadcast_in_dim3A_964 = arith.constant 0.000000e+00 : f32
      %broadcast_in_dim3A_965 = vector.broadcast %broadcast_in_dim3A_964 : f32 to vector<16xf32>
      %broadcast_in_dim3A_966 = arith.constant 0.000000e+00 : f32
      %broadcast_in_dim3A_967 = vector.broadcast %broadcast_in_dim3A_966 : f32 to vector<16xf32>
      %broadcast_in_dim3A_968 = arith.constant 0.000000e+00 : f32
      %broadcast_in_dim3A_969 = vector.broadcast %broadcast_in_dim3A_968 : f32 to vector<16xf32>
      %broadcast_in_dim3A_970 = arith.constant 0.000000e+00 : f32
      %broadcast_in_dim3A_971 = vector.broadcast %broadcast_in_dim3A_970 : f32 to vector<16xf32>
      %broadcast_in_dim3A_972 = arith.constant 0.000000e+00 : f32
      %broadcast_in_dim3A_973 = vector.broadcast %broadcast_in_dim3A_972 : f32 to vector<16xf32>
      %broadcast_in_dim3A_974 = arith.constant 0.000000e+00 : f32
      %broadcast_in_dim3A_975 = vector.broadcast %broadcast_in_dim3A_974 : f32 to vector<16xf32>
      %broadcast_in_dim3A_976 = arith.constant 0.000000e+00 : f32
      %broadcast_in_dim3A_977 = vector.broadcast %broadcast_in_dim3A_976 : f32 to vector<16xf32>
      %broadcast_in_dim3A_978 = arith.constant 0.000000e+00 : f32
      %broadcast_in_dim3A_979 = vector.broadcast %broadcast_in_dim3A_978 : f32 to vector<16xf32>
      %broadcast_in_dim3A_980 = arith.constant 0.000000e+00 : f32
      %broadcast_in_dim3A_981 = vector.broadcast %broadcast_in_dim3A_980 : f32 to vector<16xf32>
      %broadcast_in_dim3A_982 = arith.constant 0.000000e+00 : f32
      %broadcast_in_dim3A_983 = vector.broadcast %broadcast_in_dim3A_982 : f32 to vector<16xf32>
      %broadcast_in_dim3A_984 = arith.constant 0.000000e+00 : f32
      %broadcast_in_dim3A_985 = vector.broadcast %broadcast_in_dim3A_984 : f32 to vector<16xf32>
      %broadcast_in_dim3A_986 = arith.constant 0.000000e+00 : f32
      %broadcast_in_dim3A_987 = vector.broadcast %broadcast_in_dim3A_986 : f32 to vector<16xf32>
      %broadcast_in_dim3A_988 = arith.constant 0.000000e+00 : f32
      %broadcast_in_dim3A_989 = vector.broadcast %broadcast_in_dim3A_988 : f32 to vector<16xf32>
      %scan3A_990 = arith.constant 0 : i32
      %scan3A_991 = arith.constant 25 : i32
      %scan3A_992 = arith.addi %scan3A_990, %scan3A_991 : i32
      %scan3A_993 = arith.constant 1 : i32
      %scan3A_994:16 = scf.for %scan3A_1637 = %scan3A_990 to %scan3A_992 step %scan3A_993 iter_args(%scan3A_1638 = %broadcast_in_dim3A_959, %scan3A_1639 = %broadcast_in_dim3A_961, %scan3A_1640 = %broadcast_in_dim3A_963, %scan3A_1641 = %broadcast_in_dim3A_965, %scan3A_1642 = %broadcast_in_dim3A_967, %scan3A_1643 = %broadcast_in_dim3A_969, %scan3A_1644 = %broadcast_in_dim3A_971, %scan3A_1645 = %broadcast_in_dim3A_973, %scan3A_1646 = %broadcast_in_dim3A_975, %scan3A_1647 = %broadcast_in_dim3A_977, %scan3A_1648 = %broadcast_in_dim3A_979, %scan3A_1649 = %broadcast_in_dim3A_981, %scan3A_1650 = %broadcast_in_dim3A_983, %scan3A_1651 = %broadcast_in_dim3A_985, %scan3A_1652 = %broadcast_in_dim3A_987, %scan3A_1653 = %broadcast_in_dim3A_989) -> (vector<16xf32>, vector<16xf32>, vector<16xf32>, vector<16xf32>, vector<16xf32>, vector<16xf32>, vector<16xf32>, vector<16xf32>, vector<16xf32>, vector<16xf32>, vector<16xf32>, vector<16xf32>, vector<16xf32>, vector<16xf32>, vector<16xf32>, vector<16xf32>)  : i32 {
        %mul3A_1654 = arith.constant 2 : i32
        %mul3A_1655 = arith.muli %mul3A_1654, %scan3A_1637 : i32
        %add3A_1656 = arith.constant 0 : i32
        %add3A_1657 = arith.addi %add3A_1656, %mul3A_1655 : i32
        %add3A_1658 = arith.constant 0 : i32
        %add3A_1659 = arith.addi %add3A_1657, %add3A_1658 : i32
        %get3A = arith.constant 3 : i32
        %get3A_1660 = arith.index_cast %get3A : i32 to index
        %get3A_1661 = arith.index_cast %add3A_1659 : i32 to index
        %get3A_1662 = arith.constant 0 : index
        %get3A_1663 = tpu.vector_load %arg12[%get3A_1660, %get3A_1661, %get3A_1662] {strides = array<i32>} : memref<6x100x128xf32, #tpu.memory_space<vmem>>, vector<1x1x16xf32>,
        %get3A_1664 = vector.shape_cast %get3A_1663 : vector<1x1x16xf32> to vector<16xf32>
        %add3A_1665 = arith.addf %scan3A_1638, %get3A_1664 : vector<16xf32>
        %mul3A_1666 = arith.constant 2 : i32
        %mul3A_1667 = arith.muli %mul3A_1666, %scan3A_1637 : i32
        %add3A_1668 = arith.constant 0 : i32
        %add3A_1669 = arith.addi %add3A_1668, %mul3A_1667 : i32
        %add3A_1670 = arith.constant 1 : i32
        %add3A_1671 = arith.addi %add3A_1669, %add3A_1670 : i32
        %get3A_1672 = arith.constant 3 : i32
        %get3A_1673 = arith.index_cast %get3A_1672 : i32 to index
        %get3A_1674 = arith.index_cast %add3A_1671 : i32 to index
        %get3A_1675 = arith.constant 0 : index
        %get3A_1676 = tpu.vector_load %arg12[%get3A_1673, %get3A_1674, %get3A_1675] {strides = array<i32>} : memref<6x100x128xf32, #tpu.memory_space<vmem>>, vector<1x1x16xf32>,
        %get3A_1677 = vector.shape_cast %get3A_1676 : vector<1x1x16xf32> to vector<16xf32>
        %add3A_1678 = arith.addf %add3A_1665, %get3A_1677 : vector<16xf32>
        %mul3A_1679 = arith.constant 2 : i32
        %mul3A_1680 = arith.muli %mul3A_1679, %scan3A_1637 : i32
        %add3A_1681 = arith.constant 0 : i32
        %add3A_1682 = arith.addi %add3A_1681, %mul3A_1680 : i32
        %add3A_1683 = arith.constant 0 : i32
        %add3A_1684 = arith.addi %add3A_1682, %add3A_1683 : i32
        %get3A_1685 = arith.constant 3 : i32
        %get3A_1686 = arith.index_cast %get3A_1685 : i32 to index
        %get3A_1687 = arith.index_cast %add3A_1684 : i32 to index
        %get3A_1688 = arith.constant 16 : index
        %get3A_1689 = tpu.vector_load %arg12[%get3A_1686, %get3A_1687, %get3A_1688] {strides = array<i32>} : memref<6x100x128xf32, #tpu.memory_space<vmem>>, vector<1x1x16xf32>,
        %get3A_1690 = vector.shape_cast %get3A_1689 : vector<1x1x16xf32> to vector<16xf32>
        %add3A_1691 = arith.addf %scan3A_1639, %get3A_1690 : vector<16xf32>
        %mul3A_1692 = arith.constant 2 : i32
        %mul3A_1693 = arith.muli %mul3A_1692, %scan3A_1637 : i32
        %add3A_1694 = arith.constant 0 : i32
        %add3A_1695 = arith.addi %add3A_1694, %mul3A_1693 : i32
        %add3A_1696 = arith.constant 1 : i32
        %add3A_1697 = arith.addi %add3A_1695, %add3A_1696 : i32
        %get3A_1698 = arith.constant 3 : i32
        %get3A_1699 = arith.index_cast %get3A_1698 : i32 to index
        %get3A_1700 = arith.index_cast %add3A_1697 : i32 to index
        %get3A_1701 = arith.constant 16 : index
        %get3A_1702 = tpu.vector_load %arg12[%get3A_1699, %get3A_1700, %get3A_1701] {strides = array<i32>} : memref<6x100x128xf32, #tpu.memory_space<vmem>>, vector<1x1x16xf32>,
        %get3A_1703 = vector.shape_cast %get3A_1702 : vector<1x1x16xf32> to vector<16xf32>
        %add3A_1704 = arith.addf %add3A_1691, %get3A_1703 : vector<16xf32>
        %mul3A_1705 = arith.constant 2 : i32
        %mul3A_1706 = arith.muli %mul3A_1705, %scan3A_1637 : i32
        %add3A_1707 = arith.constant 0 : i32
        %add3A_1708 = arith.addi %add3A_1707, %mul3A_1706 : i32
        %add3A_1709 = arith.constant 0 : i32
        %add3A_1710 = arith.addi %add3A_1708, %add3A_1709 : i32
        %get3A_1711 = arith.constant 3 : i32
        %get3A_1712 = arith.index_cast %get3A_1711 : i32 to index
        %get3A_1713 = arith.index_cast %add3A_1710 : i32 to index
        %get3A_1714 = arith.constant 32 : index
        %get3A_1715 = tpu.vector_load %arg12[%get3A_1712, %get3A_1713, %get3A_1714] {strides = array<i32>} : memref<6x100x128xf32, #tpu.memory_space<vmem>>, vector<1x1x16xf32>,
        %get3A_1716 = vector.shape_cast %get3A_1715 : vector<1x1x16xf32> to vector<16xf32>
        %add3A_1717 = arith.addf %scan3A_1640, %get3A_1716 : vector<16xf32>
        %mul3A_1718 = arith.constant 2 : i32
        %mul3A_1719 = arith.muli %mul3A_1718, %scan3A_1637 : i32
        %add3A_1720 = arith.constant 0 : i32
        %add3A_1721 = arith.addi %add3A_1720, %mul3A_1719 : i32
        %add3A_1722 = arith.constant 1 : i32
        %add3A_1723 = arith.addi %add3A_1721, %add3A_1722 : i32
        %get3A_1724 = arith.constant 3 : i32
        %get3A_1725 = arith.index_cast %get3A_1724 : i32 to index
        %get3A_1726 = arith.index_cast %add3A_1723 : i32 to index
        %get3A_1727 = arith.constant 32 : index
        %get3A_1728 = tpu.vector_load %arg12[%get3A_1725, %get3A_1726, %get3A_1727] {strides = array<i32>} : memref<6x100x128xf32, #tpu.memory_space<vmem>>, vector<1x1x16xf32>,
        %get3A_1729 = vector.shape_cast %get3A_1728 : vector<1x1x16xf32> to vector<16xf32>
        %add3A_1730 = arith.addf %add3A_1717, %get3A_1729 : vector<16xf32>
        %mul3A_1731 = arith.constant 2 : i32
        %mul3A_1732 = arith.muli %mul3A_1731, %scan3A_1637 : i32
        %add3A_1733 = arith.constant 0 : i32
        %add3A_1734 = arith.addi %add3A_1733, %mul3A_1732 : i32
        %add3A_1735 = arith.constant 0 : i32
        %add3A_1736 = arith.addi %add3A_1734, %add3A_1735 : i32
        %get3A_1737 = arith.constant 3 : i32
        %get3A_1738 = arith.index_cast %get3A_1737 : i32 to index
        %get3A_1739 = arith.index_cast %add3A_1736 : i32 to index
        %get3A_1740 = arith.constant 48 : index
        %get3A_1741 = tpu.vector_load %arg12[%get3A_1738, %get3A_1739, %get3A_1740] {strides = array<i32>} : memref<6x100x128xf32, #tpu.memory_space<vmem>>, vector<1x1x16xf32>,
        %get3A_1742 = vector.shape_cast %get3A_1741 : vector<1x1x16xf32> to vector<16xf32>
        %add3A_1743 = arith.addf %scan3A_1641, %get3A_1742 : vector<16xf32>
        %mul3A_1744 = arith.constant 2 : i32
        %mul3A_1745 = arith.muli %mul3A_1744, %scan3A_1637 : i32
        %add3A_1746 = arith.constant 0 : i32
        %add3A_1747 = arith.addi %add3A_1746, %mul3A_1745 : i32
        %add3A_1748 = arith.constant 1 : i32
        %add3A_1749 = arith.addi %add3A_1747, %add3A_1748 : i32
        %get3A_1750 = arith.constant 3 : i32
        %get3A_1751 = arith.index_cast %get3A_1750 : i32 to index
        %get3A_1752 = arith.index_cast %add3A_1749 : i32 to index
        %get3A_1753 = arith.constant 48 : index
        %get3A_1754 = tpu.vector_load %arg12[%get3A_1751, %get3A_1752, %get3A_1753] {strides = array<i32>} : memref<6x100x128xf32, #tpu.memory_space<vmem>>, vector<1x1x16xf32>,
        %get3A_1755 = vector.shape_cast %get3A_1754 : vector<1x1x16xf32> to vector<16xf32>
        %add3A_1756 = arith.addf %add3A_1743, %get3A_1755 : vector<16xf32>
        %mul3A_1757 = arith.constant 2 : i32
        %mul3A_1758 = arith.muli %mul3A_1757, %scan3A_1637 : i32
        %add3A_1759 = arith.constant 0 : i32
        %add3A_1760 = arith.addi %add3A_1759, %mul3A_1758 : i32
        %add3A_1761 = arith.constant 0 : i32
        %add3A_1762 = arith.addi %add3A_1760, %add3A_1761 : i32
        %get3A_1763 = arith.constant 3 : i32
        %get3A_1764 = arith.index_cast %get3A_1763 : i32 to index
        %get3A_1765 = arith.index_cast %add3A_1762 : i32 to index
        %get3A_1766 = arith.constant 64 : index
        %get3A_1767 = tpu.vector_load %arg12[%get3A_1764, %get3A_1765, %get3A_1766] {strides = array<i32>} : memref<6x100x128xf32, #tpu.memory_space<vmem>>, vector<1x1x16xf32>,
        %get3A_1768 = vector.shape_cast %get3A_1767 : vector<1x1x16xf32> to vector<16xf32>
        %add3A_1769 = arith.addf %scan3A_1642, %get3A_1768 : vector<16xf32>
        %mul3A_1770 = arith.constant 2 : i32
        %mul3A_1771 = arith.muli %mul3A_1770, %scan3A_1637 : i32
        %add3A_1772 = arith.constant 0 : i32
        %add3A_1773 = arith.addi %add3A_1772, %mul3A_1771 : i32
        %add3A_1774 = arith.constant 1 : i32
        %add3A_1775 = arith.addi %add3A_1773, %add3A_1774 : i32
        %get3A_1776 = arith.constant 3 : i32
        %get3A_1777 = arith.index_cast %get3A_1776 : i32 to index
        %get3A_1778 = arith.index_cast %add3A_1775 : i32 to index
        %get3A_1779 = arith.constant 64 : index
        %get3A_1780 = tpu.vector_load %arg12[%get3A_1777, %get3A_1778, %get3A_1779] {strides = array<i32>} : memref<6x100x128xf32, #tpu.memory_space<vmem>>, vector<1x1x16xf32>,
        %get3A_1781 = vector.shape_cast %get3A_1780 : vector<1x1x16xf32> to vector<16xf32>
        %add3A_1782 = arith.addf %add3A_1769, %get3A_1781 : vector<16xf32>
        %mul3A_1783 = arith.constant 2 : i32
        %mul3A_1784 = arith.muli %mul3A_1783, %scan3A_1637 : i32
        %add3A_1785 = arith.constant 0 : i32
        %add3A_1786 = arith.addi %add3A_1785, %mul3A_1784 : i32
        %add3A_1787 = arith.constant 0 : i32
        %add3A_1788 = arith.addi %add3A_1786, %add3A_1787 : i32
        %get3A_1789 = arith.constant 3 : i32
        %get3A_1790 = arith.index_cast %get3A_1789 : i32 to index
        %get3A_1791 = arith.index_cast %add3A_1788 : i32 to index
        %get3A_1792 = arith.constant 80 : index
        %get3A_1793 = tpu.vector_load %arg12[%get3A_1790, %get3A_1791, %get3A_1792] {strides = array<i32>} : memref<6x100x128xf32, #tpu.memory_space<vmem>>, vector<1x1x16xf32>,
        %get3A_1794 = vector.shape_cast %get3A_1793 : vector<1x1x16xf32> to vector<16xf32>
        %add3A_1795 = arith.addf %scan3A_1643, %get3A_1794 : vector<16xf32>
        %mul3A_1796 = arith.constant 2 : i32
        %mul3A_1797 = arith.muli %mul3A_1796, %scan3A_1637 : i32
        %add3A_1798 = arith.constant 0 : i32
        %add3A_1799 = arith.addi %add3A_1798, %mul3A_1797 : i32
        %add3A_1800 = arith.constant 1 : i32
        %add3A_1801 = arith.addi %add3A_1799, %add3A_1800 : i32
        %get3A_1802 = arith.constant 3 : i32
        %get3A_1803 = arith.index_cast %get3A_1802 : i32 to index
        %get3A_1804 = arith.index_cast %add3A_1801 : i32 to index
        %get3A_1805 = arith.constant 80 : index
        %get3A_1806 = tpu.vector_load %arg12[%get3A_1803, %get3A_1804, %get3A_1805] {strides = array<i32>} : memref<6x100x128xf32, #tpu.memory_space<vmem>>, vector<1x1x16xf32>,
        %get3A_1807 = vector.shape_cast %get3A_1806 : vector<1x1x16xf32> to vector<16xf32>
        %add3A_1808 = arith.addf %add3A_1795, %get3A_1807 : vector<16xf32>
        %mul3A_1809 = arith.constant 2 : i32
        %mul3A_1810 = arith.muli %mul3A_1809, %scan3A_1637 : i32
        %add3A_1811 = arith.constant 0 : i32
        %add3A_1812 = arith.addi %add3A_1811, %mul3A_1810 : i32
        %add3A_1813 = arith.constant 0 : i32
        %add3A_1814 = arith.addi %add3A_1812, %add3A_1813 : i32
        %get3A_1815 = arith.constant 3 : i32
        %get3A_1816 = arith.index_cast %get3A_1815 : i32 to index
        %get3A_1817 = arith.index_cast %add3A_1814 : i32 to index
        %get3A_1818 = arith.constant 96 : index
        %get3A_1819 = tpu.vector_load %arg12[%get3A_1816, %get3A_1817, %get3A_1818] {strides = array<i32>} : memref<6x100x128xf32, #tpu.memory_space<vmem>>, vector<1x1x16xf32>,
        %get3A_1820 = vector.shape_cast %get3A_1819 : vector<1x1x16xf32> to vector<16xf32>
        %add3A_1821 = arith.addf %scan3A_1644, %get3A_1820 : vector<16xf32>
        %mul3A_1822 = arith.constant 2 : i32
        %mul3A_1823 = arith.muli %mul3A_1822, %scan3A_1637 : i32
        %add3A_1824 = arith.constant 0 : i32
        %add3A_1825 = arith.addi %add3A_1824, %mul3A_1823 : i32
        %add3A_1826 = arith.constant 1 : i32
        %add3A_1827 = arith.addi %add3A_1825, %add3A_1826 : i32
        %get3A_1828 = arith.constant 3 : i32
        %get3A_1829 = arith.index_cast %get3A_1828 : i32 to index
        %get3A_1830 = arith.index_cast %add3A_1827 : i32 to index
        %get3A_1831 = arith.constant 96 : index
        %get3A_1832 = tpu.vector_load %arg12[%get3A_1829, %get3A_1830, %get3A_1831] {strides = array<i32>} : memref<6x100x128xf32, #tpu.memory_space<vmem>>, vector<1x1x16xf32>,
        %get3A_1833 = vector.shape_cast %get3A_1832 : vector<1x1x16xf32> to vector<16xf32>
        %add3A_1834 = arith.addf %add3A_1821, %get3A_1833 : vector<16xf32>
        %mul3A_1835 = arith.constant 2 : i32
        %mul3A_1836 = arith.muli %mul3A_1835, %scan3A_1637 : i32
        %add3A_1837 = arith.constant 0 : i32
        %add3A_1838 = arith.addi %add3A_1837, %mul3A_1836 : i32
        %add3A_1839 = arith.constant 0 : i32
        %add3A_1840 = arith.addi %add3A_1838, %add3A_1839 : i32
        %get3A_1841 = arith.constant 3 : i32
        %get3A_1842 = arith.index_cast %get3A_1841 : i32 to index
        %get3A_1843 = arith.index_cast %add3A_1840 : i32 to index
        %get3A_1844 = arith.constant 112 : index
        %get3A_1845 = tpu.vector_load %arg12[%get3A_1842, %get3A_1843, %get3A_1844] {strides = array<i32>} : memref<6x100x128xf32, #tpu.memory_space<vmem>>, vector<1x1x16xf32>,
        %get3A_1846 = vector.shape_cast %get3A_1845 : vector<1x1x16xf32> to vector<16xf32>
        %add3A_1847 = arith.addf %scan3A_1645, %get3A_1846 : vector<16xf32>
        %mul3A_1848 = arith.constant 2 : i32
        %mul3A_1849 = arith.muli %mul3A_1848, %scan3A_1637 : i32
        %add3A_1850 = arith.constant 0 : i32
        %add3A_1851 = arith.addi %add3A_1850, %mul3A_1849 : i32
        %add3A_1852 = arith.constant 1 : i32
        %add3A_1853 = arith.addi %add3A_1851, %add3A_1852 : i32
        %get3A_1854 = arith.constant 3 : i32
        %get3A_1855 = arith.index_cast %get3A_1854 : i32 to index
        %get3A_1856 = arith.index_cast %add3A_1853 : i32 to index
        %get3A_1857 = arith.constant 112 : index
        %get3A_1858 = tpu.vector_load %arg12[%get3A_1855, %get3A_1856, %get3A_1857] {strides = array<i32>} : memref<6x100x128xf32, #tpu.memory_space<vmem>>, vector<1x1x16xf32>,
        %get3A_1859 = vector.shape_cast %get3A_1858 : vector<1x1x16xf32> to vector<16xf32>
        %add3A_1860 = arith.addf %add3A_1847, %get3A_1859 : vector<16xf32>
        %mul3A_1861 = arith.constant 2 : i32
        %mul3A_1862 = arith.muli %mul3A_1861, %scan3A_1637 : i32
        %add3A_1863 = arith.constant 50 : i32
        %add3A_1864 = arith.addi %add3A_1863, %mul3A_1862 : i32
        %add3A_1865 = arith.constant 0 : i32
        %add3A_1866 = arith.addi %add3A_1864, %add3A_1865 : i32
        %get3A_1867 = arith.constant 3 : i32
        %get3A_1868 = arith.index_cast %get3A_1867 : i32 to index
        %get3A_1869 = arith.index_cast %add3A_1866 : i32 to index
        %get3A_1870 = arith.constant 0 : index
        %get3A_1871 = tpu.vector_load %arg12[%get3A_1868, %get3A_1869, %get3A_1870] {strides = array<i32>} : memref<6x100x128xf32, #tpu.memory_space<vmem>>, vector<1x1x16xf32>,
        %get3A_1872 = vector.shape_cast %get3A_1871 : vector<1x1x16xf32> to vector<16xf32>
        %add3A_1873 = arith.addf %scan3A_1646, %get3A_1872 : vector<16xf32>
        %mul3A_1874 = arith.constant 2 : i32
        %mul3A_1875 = arith.muli %mul3A_1874, %scan3A_1637 : i32
        %add3A_1876 = arith.constant 50 : i32
        %add3A_1877 = arith.addi %add3A_1876, %mul3A_1875 : i32
        %add3A_1878 = arith.constant 1 : i32
        %add3A_1879 = arith.addi %add3A_1877, %add3A_1878 : i32
        %get3A_1880 = arith.constant 3 : i32
        %get3A_1881 = arith.index_cast %get3A_1880 : i32 to index
        %get3A_1882 = arith.index_cast %add3A_1879 : i32 to index
        %get3A_1883 = arith.constant 0 : index
        %get3A_1884 = tpu.vector_load %arg12[%get3A_1881, %get3A_1882, %get3A_1883] {strides = array<i32>} : memref<6x100x128xf32, #tpu.memory_space<vmem>>, vector<1x1x16xf32>,
        %get3A_1885 = vector.shape_cast %get3A_1884 : vector<1x1x16xf32> to vector<16xf32>
        %add3A_1886 = arith.addf %add3A_1873, %get3A_1885 : vector<16xf32>
        %mul3A_1887 = arith.constant 2 : i32
        %mul3A_1888 = arith.muli %mul3A_1887, %scan3A_1637 : i32
        %add3A_1889 = arith.constant 50 : i32
        %add3A_1890 = arith.addi %add3A_1889, %mul3A_1888 : i32
        %add3A_1891 = arith.constant 0 : i32
        %add3A_1892 = arith.addi %add3A_1890, %add3A_1891 : i32
        %get3A_1893 = arith.constant 3 : i32
        %get3A_1894 = arith.index_cast %get3A_1893 : i32 to index
        %get3A_1895 = arith.index_cast %add3A_1892 : i32 to index
        %get3A_1896 = arith.constant 16 : index
        %get3A_1897 = tpu.vector_load %arg12[%get3A_1894, %get3A_1895, %get3A_1896] {strides = array<i32>} : memref<6x100x128xf32, #tpu.memory_space<vmem>>, vector<1x1x16xf32>,
        %get3A_1898 = vector.shape_cast %get3A_1897 : vector<1x1x16xf32> to vector<16xf32>
        %add3A_1899 = arith.addf %scan3A_1647, %get3A_1898 : vector<16xf32>
        %mul3A_1900 = arith.constant 2 : i32
        %mul3A_1901 = arith.muli %mul3A_1900, %scan3A_1637 : i32
        %add3A_1902 = arith.constant 50 : i32
        %add3A_1903 = arith.addi %add3A_1902, %mul3A_1901 : i32
        %add3A_1904 = arith.constant 1 : i32
        %add3A_1905 = arith.addi %add3A_1903, %add3A_1904 : i32
        %get3A_1906 = arith.constant 3 : i32
        %get3A_1907 = arith.index_cast %get3A_1906 : i32 to index
        %get3A_1908 = arith.index_cast %add3A_1905 : i32 to index
        %get3A_1909 = arith.constant 16 : index
        %get3A_1910 = tpu.vector_load %arg12[%get3A_1907, %get3A_1908, %get3A_1909] {strides = array<i32>} : memref<6x100x128xf32, #tpu.memory_space<vmem>>, vector<1x1x16xf32>,
        %get3A_1911 = vector.shape_cast %get3A_1910 : vector<1x1x16xf32> to vector<16xf32>
        %add3A_1912 = arith.addf %add3A_1899, %get3A_1911 : vector<16xf32>
        %mul3A_1913 = arith.constant 2 : i32
        %mul3A_1914 = arith.muli %mul3A_1913, %scan3A_1637 : i32
        %add3A_1915 = arith.constant 50 : i32
        %add3A_1916 = arith.addi %add3A_1915, %mul3A_1914 : i32
        %add3A_1917 = arith.constant 0 : i32
        %add3A_1918 = arith.addi %add3A_1916, %add3A_1917 : i32
        %get3A_1919 = arith.constant 3 : i32
        %get3A_1920 = arith.index_cast %get3A_1919 : i32 to index
        %get3A_1921 = arith.index_cast %add3A_1918 : i32 to index
        %get3A_1922 = arith.constant 32 : index
        %get3A_1923 = tpu.vector_load %arg12[%get3A_1920, %get3A_1921, %get3A_1922] {strides = array<i32>} : memref<6x100x128xf32, #tpu.memory_space<vmem>>, vector<1x1x16xf32>,
        %get3A_1924 = vector.shape_cast %get3A_1923 : vector<1x1x16xf32> to vector<16xf32>
        %add3A_1925 = arith.addf %scan3A_1648, %get3A_1924 : vector<16xf32>
        %mul3A_1926 = arith.constant 2 : i32
        %mul3A_1927 = arith.muli %mul3A_1926, %scan3A_1637 : i32
        %add3A_1928 = arith.constant 50 : i32
        %add3A_1929 = arith.addi %add3A_1928, %mul3A_1927 : i32
        %add3A_1930 = arith.constant 1 : i32
        %add3A_1931 = arith.addi %add3A_1929, %add3A_1930 : i32
        %get3A_1932 = arith.constant 3 : i32
        %get3A_1933 = arith.index_cast %get3A_1932 : i32 to index
        %get3A_1934 = arith.index_cast %add3A_1931 : i32 to index
        %get3A_1935 = arith.constant 32 : index
        %get3A_1936 = tpu.vector_load %arg12[%get3A_1933, %get3A_1934, %get3A_1935] {strides = array<i32>} : memref<6x100x128xf32, #tpu.memory_space<vmem>>, vector<1x1x16xf32>,
        %get3A_1937 = vector.shape_cast %get3A_1936 : vector<1x1x16xf32> to vector<16xf32>
        %add3A_1938 = arith.addf %add3A_1925, %get3A_1937 : vector<16xf32>
        %mul3A_1939 = arith.constant 2 : i32
        %mul3A_1940 = arith.muli %mul3A_1939, %scan3A_1637 : i32
        %add3A_1941 = arith.constant 50 : i32
        %add3A_1942 = arith.addi %add3A_1941, %mul3A_1940 : i32
        %add3A_1943 = arith.constant 0 : i32
        %add3A_1944 = arith.addi %add3A_1942, %add3A_1943 : i32
        %get3A_1945 = arith.constant 3 : i32
        %get3A_1946 = arith.index_cast %get3A_1945 : i32 to index
        %get3A_1947 = arith.index_cast %add3A_1944 : i32 to index
        %get3A_1948 = arith.constant 48 : index
        %get3A_1949 = tpu.vector_load %arg12[%get3A_1946, %get3A_1947, %get3A_1948] {strides = array<i32>} : memref<6x100x128xf32, #tpu.memory_space<vmem>>, vector<1x1x16xf32>,
        %get3A_1950 = vector.shape_cast %get3A_1949 : vector<1x1x16xf32> to vector<16xf32>
        %add3A_1951 = arith.addf %scan3A_1649, %get3A_1950 : vector<16xf32>
        %mul3A_1952 = arith.constant 2 : i32
        %mul3A_1953 = arith.muli %mul3A_1952, %scan3A_1637 : i32
        %add3A_1954 = arith.constant 50 : i32
        %add3A_1955 = arith.addi %add3A_1954, %mul3A_1953 : i32
        %add3A_1956 = arith.constant 1 : i32
        %add3A_1957 = arith.addi %add3A_1955, %add3A_1956 : i32
        %get3A_1958 = arith.constant 3 : i32
        %get3A_1959 = arith.index_cast %get3A_1958 : i32 to index
        %get3A_1960 = arith.index_cast %add3A_1957 : i32 to index
        %get3A_1961 = arith.constant 48 : index
        %get3A_1962 = tpu.vector_load %arg12[%get3A_1959, %get3A_1960, %get3A_1961] {strides = array<i32>} : memref<6x100x128xf32, #tpu.memory_space<vmem>>, vector<1x1x16xf32>,
        %get3A_1963 = vector.shape_cast %get3A_1962 : vector<1x1x16xf32> to vector<16xf32>
        %add3A_1964 = arith.addf %add3A_1951, %get3A_1963 : vector<16xf32>
        %mul3A_1965 = arith.constant 2 : i32
        %mul3A_1966 = arith.muli %mul3A_1965, %scan3A_1637 : i32
        %add3A_1967 = arith.constant 50 : i32
        %add3A_1968 = arith.addi %add3A_1967, %mul3A_1966 : i32
        %add3A_1969 = arith.constant 0 : i32
        %add3A_1970 = arith.addi %add3A_1968, %add3A_1969 : i32
        %get3A_1971 = arith.constant 3 : i32
        %get3A_1972 = arith.index_cast %get3A_1971 : i32 to index
        %get3A_1973 = arith.index_cast %add3A_1970 : i32 to index
        %get3A_1974 = arith.constant 64 : index
        %get3A_1975 = tpu.vector_load %arg12[%get3A_1972, %get3A_1973, %get3A_1974] {strides = array<i32>} : memref<6x100x128xf32, #tpu.memory_space<vmem>>, vector<1x1x16xf32>,
        %get3A_1976 = vector.shape_cast %get3A_1975 : vector<1x1x16xf32> to vector<16xf32>
        %add3A_1977 = arith.addf %scan3A_1650, %get3A_1976 : vector<16xf32>
        %mul3A_1978 = arith.constant 2 : i32
        %mul3A_1979 = arith.muli %mul3A_1978, %scan3A_1637 : i32
        %add3A_1980 = arith.constant 50 : i32
        %add3A_1981 = arith.addi %add3A_1980, %mul3A_1979 : i32
        %add3A_1982 = arith.constant 1 : i32
        %add3A_1983 = arith.addi %add3A_1981, %add3A_1982 : i32
        %get3A_1984 = arith.constant 3 : i32
        %get3A_1985 = arith.index_cast %get3A_1984 : i32 to index
        %get3A_1986 = arith.index_cast %add3A_1983 : i32 to index
        %get3A_1987 = arith.constant 64 : index
        %get3A_1988 = tpu.vector_load %arg12[%get3A_1985, %get3A_1986, %get3A_1987] {strides = array<i32>} : memref<6x100x128xf32, #tpu.memory_space<vmem>>, vector<1x1x16xf32>,
        %get3A_1989 = vector.shape_cast %get3A_1988 : vector<1x1x16xf32> to vector<16xf32>
        %add3A_1990 = arith.addf %add3A_1977, %get3A_1989 : vector<16xf32>
        %mul3A_1991 = arith.constant 2 : i32
        %mul3A_1992 = arith.muli %mul3A_1991, %scan3A_1637 : i32
        %add3A_1993 = arith.constant 50 : i32
        %add3A_1994 = arith.addi %add3A_1993, %mul3A_1992 : i32
        %add3A_1995 = arith.constant 0 : i32
        %add3A_1996 = arith.addi %add3A_1994, %add3A_1995 : i32
        %get3A_1997 = arith.constant 3 : i32
        %get3A_1998 = arith.index_cast %get3A_1997 : i32 to index
        %get3A_1999 = arith.index_cast %add3A_1996 : i32 to index
        %get3A_2000 = arith.constant 80 : index
        %get3A_2001 = tpu.vector_load %arg12[%get3A_1998, %get3A_1999, %get3A_2000] {strides = array<i32>} : memref<6x100x128xf32, #tpu.memory_space<vmem>>, vector<1x1x16xf32>,
        %get3A_2002 = vector.shape_cast %get3A_2001 : vector<1x1x16xf32> to vector<16xf32>
        %add3A_2003 = arith.addf %scan3A_1651, %get3A_2002 : vector<16xf32>
        %mul3A_2004 = arith.constant 2 : i32
        %mul3A_2005 = arith.muli %mul3A_2004, %scan3A_1637 : i32
        %add3A_2006 = arith.constant 50 : i32
        %add3A_2007 = arith.addi %add3A_2006, %mul3A_2005 : i32
        %add3A_2008 = arith.constant 1 : i32
        %add3A_2009 = arith.addi %add3A_2007, %add3A_2008 : i32
        %get3A_2010 = arith.constant 3 : i32
        %get3A_2011 = arith.index_cast %get3A_2010 : i32 to index
        %get3A_2012 = arith.index_cast %add3A_2009 : i32 to index
        %get3A_2013 = arith.constant 80 : index
        %get3A_2014 = tpu.vector_load %arg12[%get3A_2011, %get3A_2012, %get3A_2013] {strides = array<i32>} : memref<6x100x128xf32, #tpu.memory_space<vmem>>, vector<1x1x16xf32>,
        %get3A_2015 = vector.shape_cast %get3A_2014 : vector<1x1x16xf32> to vector<16xf32>
        %add3A_2016 = arith.addf %add3A_2003, %get3A_2015 : vector<16xf32>
        %mul3A_2017 = arith.constant 2 : i32
        %mul3A_2018 = arith.muli %mul3A_2017, %scan3A_1637 : i32
        %add3A_2019 = arith.constant 50 : i32
        %add3A_2020 = arith.addi %add3A_2019, %mul3A_2018 : i32
        %add3A_2021 = arith.constant 0 : i32
        %add3A_2022 = arith.addi %add3A_2020, %add3A_2021 : i32
        %get3A_2023 = arith.constant 3 : i32
        %get3A_2024 = arith.index_cast %get3A_2023 : i32 to index
        %get3A_2025 = arith.index_cast %add3A_2022 : i32 to index
        %get3A_2026 = arith.constant 96 : index
        %get3A_2027 = tpu.vector_load %arg12[%get3A_2024, %get3A_2025, %get3A_2026] {strides = array<i32>} : memref<6x100x128xf32, #tpu.memory_space<vmem>>, vector<1x1x16xf32>,
        %get3A_2028 = vector.shape_cast %get3A_2027 : vector<1x1x16xf32> to vector<16xf32>
        %add3A_2029 = arith.addf %scan3A_1652, %get3A_2028 : vector<16xf32>
        %mul3A_2030 = arith.constant 2 : i32
        %mul3A_2031 = arith.muli %mul3A_2030, %scan3A_1637 : i32
        %add3A_2032 = arith.constant 50 : i32
        %add3A_2033 = arith.addi %add3A_2032, %mul3A_2031 : i32
        %add3A_2034 = arith.constant 1 : i32
        %add3A_2035 = arith.addi %add3A_2033, %add3A_2034 : i32
        %get3A_2036 = arith.constant 3 : i32
        %get3A_2037 = arith.index_cast %get3A_2036 : i32 to index
        %get3A_2038 = arith.index_cast %add3A_2035 : i32 to index
        %get3A_2039 = arith.constant 96 : index
        %get3A_2040 = tpu.vector_load %arg12[%get3A_2037, %get3A_2038, %get3A_2039] {strides = array<i32>} : memref<6x100x128xf32, #tpu.memory_space<vmem>>, vector<1x1x16xf32>,
        %get3A_2041 = vector.shape_cast %get3A_2040 : vector<1x1x16xf32> to vector<16xf32>
        %add3A_2042 = arith.addf %add3A_2029, %get3A_2041 : vector<16xf32>
        %mul3A_2043 = arith.constant 2 : i32
        %mul3A_2044 = arith.muli %mul3A_2043, %scan3A_1637 : i32
        %add3A_2045 = arith.constant 50 : i32
        %add3A_2046 = arith.addi %add3A_2045, %mul3A_2044 : i32
        %add3A_2047 = arith.constant 0 : i32
        %add3A_2048 = arith.addi %add3A_2046, %add3A_2047 : i32
        %get3A_2049 = arith.constant 3 : i32
        %get3A_2050 = arith.index_cast %get3A_2049 : i32 to index
        %get3A_2051 = arith.index_cast %add3A_2048 : i32 to index
        %get3A_2052 = arith.constant 112 : index
        %get3A_2053 = tpu.vector_load %arg12[%get3A_2050, %get3A_2051, %get3A_2052] {strides = array<i32>} : memref<6x100x128xf32, #tpu.memory_space<vmem>>, vector<1x1x16xf32>,
        %get3A_2054 = vector.shape_cast %get3A_2053 : vector<1x1x16xf32> to vector<16xf32>
        %add3A_2055 = arith.addf %scan3A_1653, %get3A_2054 : vector<16xf32>
        %mul3A_2056 = arith.constant 2 : i32
        %mul3A_2057 = arith.muli %mul3A_2056, %scan3A_1637 : i32
        %add3A_2058 = arith.constant 50 : i32
        %add3A_2059 = arith.addi %add3A_2058, %mul3A_2057 : i32
        %add3A_2060 = arith.constant 1 : i32
        %add3A_2061 = arith.addi %add3A_2059, %add3A_2060 : i32
        %get3A_2062 = arith.constant 3 : i32
        %get3A_2063 = arith.index_cast %get3A_2062 : i32 to index
        %get3A_2064 = arith.index_cast %add3A_2061 : i32 to index
        %get3A_2065 = arith.constant 112 : index
        %get3A_2066 = tpu.vector_load %arg12[%get3A_2063, %get3A_2064, %get3A_2065] {strides = array<i32>} : memref<6x100x128xf32, #tpu.memory_space<vmem>>, vector<1x1x16xf32>,
        %get3A_2067 = vector.shape_cast %get3A_2066 : vector<1x1x16xf32> to vector<16xf32>
        %add3A_2068 = arith.addf %add3A_2055, %get3A_2067 : vector<16xf32>
        scf.yield %add3A_1678, %add3A_1704, %add3A_1730, %add3A_1756, %add3A_1782, %add3A_1808, %add3A_1834, %add3A_1860, %add3A_1886, %add3A_1912, %add3A_1938, %add3A_1964, %add3A_1990, %add3A_2016, %add3A_2042, %add3A_2068 : vector<16xf32>, vector<16xf32>, vector<16xf32>, vector<16xf32>, vector<16xf32>, vector<16xf32>, vector<16xf32>, vector<16xf32>, vector<16xf32>, vector<16xf32>, vector<16xf32>, vector<16xf32>, vector<16xf32>, vector<16xf32>, vector<16xf32>, vector<16xf32>
      }
      %scan3A_995 = arith.constant 25 : i32
      %ge3A_996 = arith.constant 6 : i32
      %ge3A_997 = arith.cmpi sge, %add3A_926, %ge3A_996 : i32
      %convert_element_type3A_998 = arith.extui %ge3A_997 : i1 to i32
      %cond3A_999 = arith.constant 0 : i32
      %cond3A_1000 = arith.cmpi ne, %convert_element_type3A_998, %cond3A_999 : i32
      scf.if %cond3A_1000 {
        %sub3A_1637 = arith.constant 2 : i32
        %sub3A_1638 = arith.subi %add3A_930, %sub3A_1637 : i32
        %mul3A_1639 = arith.constant 2 : i32
        %mul3A_1640 = arith.muli %sub3A_1638, %mul3A_1639 : i32
        %add3A_1641 = arith.addi %mul3A_4, %mul3A_1640 : i32
        %dma_wait3A_1642 = arith.constant 3 : i32
        %dma_wait3A_1643 = arith.constant 6 : i32
        %dma_wait3A_1644 = arith.constant 0 : i32
        %dma_wait3A_1645 = tpu.memref_slice %arg13[%dma_wait3A_1643, %dma_wait3A_1644] : memref<12x128xf32, #tpu.memory_space<vmem>> -> memref<2x128xf32, #tpu.memory_space<vmem>>
        %dma_wait3A_1646 = arith.constant 0 : i32
        %dma_wait3A_1647 = tpu.memref_slice %arg8[%add3A_1641, %dma_wait3A_1646] : memref<4096x384xf32, #tpu.memory_space<hbm>> -> memref<2x128xf32, #tpu.memory_space<hbm>>
        %dma_wait3A_1648 = tpu.memref_slice %arg15[%dma_wait3A_1642] : memref<6x!tpu.dma_semaphore, #tpu.memory_space<semaphore_mem>> -> memref<1x!tpu.dma_semaphore, #tpu.memory_space<semaphore_mem>>
        %dma_wait3A_1649 = tpu.memref_squeeze %dma_wait3A_1648 : memref<1x!tpu.dma_semaphore, #tpu.memory_space<semaphore_mem>> -> memref<!tpu.dma_semaphore, #tpu.memory_space<semaphore_mem>>
        %dma_wait3A_1650 = arith.constant 0 : i32
        %dma_wait3A_1651 = tpu.memref_slice %arg8[%add3A_1641, %dma_wait3A_1650] : memref<4096x384xf32, #tpu.memory_space<hbm>> -> memref<2x128xf32, #tpu.memory_space<hbm>>
        %dma_wait3A_1652 = arith.constant 6 : i32
        %dma_wait3A_1653 = arith.constant 0 : i32
        %dma_wait3A_1654 = tpu.memref_slice %arg13[%dma_wait3A_1652, %dma_wait3A_1653] : memref<12x128xf32, #tpu.memory_space<vmem>> -> memref<2x128xf32, #tpu.memory_space<vmem>>
        tpu.wait_dma2 semaphore(%dma_wait3A_1649 : memref<!tpu.dma_semaphore, #tpu.memory_space<semaphore_mem>>) src(%dma_wait3A_1654 : memref<2x128xf32, #tpu.memory_space<vmem>>) dst(%dma_wait3A_1651 : memref<2x128xf32, #tpu.memory_space<hbm>>)
      } else {
      }
      %mul3A_1001 = arith.constant 2.000000e-02 : f32
      %mul3A_1002 = vector.broadcast %mul3A_1001 : f32 to vector<16xf32>
      %mul3A_1003 = arith.mulf %scan3A_994#0, %mul3A_1002 : vector<16xf32>
      %swap3A_1004 = arith.constant 6 : i32
      %swap3A_1005 = arith.index_cast %swap3A_1004 : i32 to index
      %swap3A_1006 = arith.constant 0 : index
      %swap3A_1007 = tpu.vector_load %arg13[%swap3A_1005, %swap3A_1006] {strides = array<i32>} : memref<12x128xf32, #tpu.memory_space<vmem>>, vector<1x16xf32>,
      %swap3A_1008 = vector.shape_cast %swap3A_1007 : vector<1x16xf32> to vector<16xf32>
      %swap3A_1009 = vector.shape_cast %mul3A_1003 : vector<16xf32> to vector<1x16xf32>
      tpu.vector_store %arg13[%swap3A_1005, %swap3A_1006], %swap3A_1009 {strides = array<i32>} : memref<12x128xf32, #tpu.memory_space<vmem>>, vector<1x16xf32>,
      %mul3A_1010 = arith.constant 2.000000e-02 : f32
      %mul3A_1011 = vector.broadcast %mul3A_1010 : f32 to vector<16xf32>
      %mul3A_1012 = arith.mulf %scan3A_994#1, %mul3A_1011 : vector<16xf32>
      %swap3A_1013 = arith.constant 6 : i32
      %swap3A_1014 = arith.index_cast %swap3A_1013 : i32 to index
      %swap3A_1015 = arith.constant 16 : index
      %swap3A_1016 = tpu.vector_load %arg13[%swap3A_1014, %swap3A_1015] {strides = array<i32>} : memref<12x128xf32, #tpu.memory_space<vmem>>, vector<1x16xf32>,
      %swap3A_1017 = vector.shape_cast %swap3A_1016 : vector<1x16xf32> to vector<16xf32>
      %swap3A_1018 = vector.shape_cast %mul3A_1012 : vector<16xf32> to vector<1x16xf32>
      tpu.vector_store %arg13[%swap3A_1014, %swap3A_1015], %swap3A_1018 {strides = array<i32>} : memref<12x128xf32, #tpu.memory_space<vmem>>, vector<1x16xf32>,
      %mul3A_1019 = arith.constant 2.000000e-02 : f32
      %mul3A_1020 = vector.broadcast %mul3A_1019 : f32 to vector<16xf32>
      %mul3A_1021 = arith.mulf %scan3A_994#2, %mul3A_1020 : vector<16xf32>
      %swap3A_1022 = arith.constant 6 : i32
      %swap3A_1023 = arith.index_cast %swap3A_1022 : i32 to index
      %swap3A_1024 = arith.constant 32 : index
      %swap3A_1025 = tpu.vector_load %arg13[%swap3A_1023, %swap3A_1024] {strides = array<i32>} : memref<12x128xf32, #tpu.memory_space<vmem>>, vector<1x16xf32>,
      %swap3A_1026 = vector.shape_cast %swap3A_1025 : vector<1x16xf32> to vector<16xf32>
      %swap3A_1027 = vector.shape_cast %mul3A_1021 : vector<16xf32> to vector<1x16xf32>
      tpu.vector_store %arg13[%swap3A_1023, %swap3A_1024], %swap3A_1027 {strides = array<i32>} : memref<12x128xf32, #tpu.memory_space<vmem>>, vector<1x16xf32>,
      %mul3A_1028 = arith.constant 2.000000e-02 : f32
      %mul3A_1029 = vector.broadcast %mul3A_1028 : f32 to vector<16xf32>
      %mul3A_1030 = arith.mulf %scan3A_994#3, %mul3A_1029 : vector<16xf32>
      %swap3A_1031 = arith.constant 6 : i32
      %swap3A_1032 = arith.index_cast %swap3A_1031 : i32 to index
      %swap3A_1033 = arith.constant 48 : index
      %swap3A_1034 = tpu.vector_load %arg13[%swap3A_1032, %swap3A_1033] {strides = array<i32>} : memref<12x128xf32, #tpu.memory_space<vmem>>, vector<1x16xf32>,
      %swap3A_1035 = vector.shape_cast %swap3A_1034 : vector<1x16xf32> to vector<16xf32>
      %swap3A_1036 = vector.shape_cast %mul3A_1030 : vector<16xf32> to vector<1x16xf32>
      tpu.vector_store %arg13[%swap3A_1032, %swap3A_1033], %swap3A_1036 {strides = array<i32>} : memref<12x128xf32, #tpu.memory_space<vmem>>, vector<1x16xf32>,
      %mul3A_1037 = arith.constant 2.000000e-02 : f32
      %mul3A_1038 = vector.broadcast %mul3A_1037 : f32 to vector<16xf32>
      %mul3A_1039 = arith.mulf %scan3A_994#4, %mul3A_1038 : vector<16xf32>
      %swap3A_1040 = arith.constant 6 : i32
      %swap3A_1041 = arith.index_cast %swap3A_1040 : i32 to index
      %swap3A_1042 = arith.constant 64 : index
      %swap3A_1043 = tpu.vector_load %arg13[%swap3A_1041, %swap3A_1042] {strides = array<i32>} : memref<12x128xf32, #tpu.memory_space<vmem>>, vector<1x16xf32>,
      %swap3A_1044 = vector.shape_cast %swap3A_1043 : vector<1x16xf32> to vector<16xf32>
      %swap3A_1045 = vector.shape_cast %mul3A_1039 : vector<16xf32> to vector<1x16xf32>
      tpu.vector_store %arg13[%swap3A_1041, %swap3A_1042], %swap3A_1045 {strides = array<i32>} : memref<12x128xf32, #tpu.memory_space<vmem>>, vector<1x16xf32>,
      %mul3A_1046 = arith.constant 2.000000e-02 : f32
      %mul3A_1047 = vector.broadcast %mul3A_1046 : f32 to vector<16xf32>
      %mul3A_1048 = arith.mulf %scan3A_994#5, %mul3A_1047 : vector<16xf32>
      %swap3A_1049 = arith.constant 6 : i32
      %swap3A_1050 = arith.index_cast %swap3A_1049 : i32 to index
      %swap3A_1051 = arith.constant 80 : index
      %swap3A_1052 = tpu.vector_load %arg13[%swap3A_1050, %swap3A_1051] {strides = array<i32>} : memref<12x128xf32, #tpu.memory_space<vmem>>, vector<1x16xf32>,
      %swap3A_1053 = vector.shape_cast %swap3A_1052 : vector<1x16xf32> to vector<16xf32>
      %swap3A_1054 = vector.shape_cast %mul3A_1048 : vector<16xf32> to vector<1x16xf32>
      tpu.vector_store %arg13[%swap3A_1050, %swap3A_1051], %swap3A_1054 {strides = array<i32>} : memref<12x128xf32, #tpu.memory_space<vmem>>, vector<1x16xf32>,
      %mul3A_1055 = arith.constant 2.000000e-02 : f32
      %mul3A_1056 = vector.broadcast %mul3A_1055 : f32 to vector<16xf32>
      %mul3A_1057 = arith.mulf %scan3A_994#6, %mul3A_1056 : vector<16xf32>
      %swap3A_1058 = arith.constant 6 : i32
      %swap3A_1059 = arith.index_cast %swap3A_1058 : i32 to index
      %swap3A_1060 = arith.constant 96 : index
      %swap3A_1061 = tpu.vector_load %arg13[%swap3A_1059, %swap3A_1060] {strides = array<i32>} : memref<12x128xf32, #tpu.memory_space<vmem>>, vector<1x16xf32>,
      %swap3A_1062 = vector.shape_cast %swap3A_1061 : vector<1x16xf32> to vector<16xf32>
      %swap3A_1063 = vector.shape_cast %mul3A_1057 : vector<16xf32> to vector<1x16xf32>
      tpu.vector_store %arg13[%swap3A_1059, %swap3A_1060], %swap3A_1063 {strides = array<i32>} : memref<12x128xf32, #tpu.memory_space<vmem>>, vector<1x16xf32>,
      %mul3A_1064 = arith.constant 2.000000e-02 : f32
      %mul3A_1065 = vector.broadcast %mul3A_1064 : f32 to vector<16xf32>
      %mul3A_1066 = arith.mulf %scan3A_994#7, %mul3A_1065 : vector<16xf32>
      %swap3A_1067 = arith.constant 6 : i32
      %swap3A_1068 = arith.index_cast %swap3A_1067 : i32 to index
      %swap3A_1069 = arith.constant 112 : index
      %swap3A_1070 = tpu.vector_load %arg13[%swap3A_1068, %swap3A_1069] {strides = array<i32>} : memref<12x128xf32, #tpu.memory_space<vmem>>, vector<1x16xf32>,
      %swap3A_1071 = vector.shape_cast %swap3A_1070 : vector<1x16xf32> to vector<16xf32>
      %swap3A_1072 = vector.shape_cast %mul3A_1066 : vector<16xf32> to vector<1x16xf32>
      tpu.vector_store %arg13[%swap3A_1068, %swap3A_1069], %swap3A_1072 {strides = array<i32>} : memref<12x128xf32, #tpu.memory_space<vmem>>, vector<1x16xf32>,
      %mul3A_1073 = arith.constant 2.000000e-02 : f32
      %mul3A_1074 = vector.broadcast %mul3A_1073 : f32 to vector<16xf32>
      %mul3A_1075 = arith.mulf %scan3A_994#8, %mul3A_1074 : vector<16xf32>
      %swap3A_1076 = arith.constant 7 : i32
      %swap3A_1077 = arith.index_cast %swap3A_1076 : i32 to index
      %swap3A_1078 = arith.constant 0 : index
      %swap3A_1079 = tpu.vector_load %arg13[%swap3A_1077, %swap3A_1078] {strides = array<i32>} : memref<12x128xf32, #tpu.memory_space<vmem>>, vector<1x16xf32>,
      %swap3A_1080 = vector.shape_cast %swap3A_1079 : vector<1x16xf32> to vector<16xf32>
      %swap3A_1081 = vector.shape_cast %mul3A_1075 : vector<16xf32> to vector<1x16xf32>
      tpu.vector_store %arg13[%swap3A_1077, %swap3A_1078], %swap3A_1081 {strides = array<i32>} : memref<12x128xf32, #tpu.memory_space<vmem>>, vector<1x16xf32>,
      %mul3A_1082 = arith.constant 2.000000e-02 : f32
      %mul3A_1083 = vector.broadcast %mul3A_1082 : f32 to vector<16xf32>
      %mul3A_1084 = arith.mulf %scan3A_994#9, %mul3A_1083 : vector<16xf32>
      %swap3A_1085 = arith.constant 7 : i32
      %swap3A_1086 = arith.index_cast %swap3A_1085 : i32 to index
      %swap3A_1087 = arith.constant 16 : index
      %swap3A_1088 = tpu.vector_load %arg13[%swap3A_1086, %swap3A_1087] {strides = array<i32>} : memref<12x128xf32, #tpu.memory_space<vmem>>, vector<1x16xf32>,
      %swap3A_1089 = vector.shape_cast %swap3A_1088 : vector<1x16xf32> to vector<16xf32>
      %swap3A_1090 = vector.shape_cast %mul3A_1084 : vector<16xf32> to vector<1x16xf32>
      tpu.vector_store %arg13[%swap3A_1086, %swap3A_1087], %swap3A_1090 {strides = array<i32>} : memref<12x128xf32, #tpu.memory_space<vmem>>, vector<1x16xf32>,
      %mul3A_1091 = arith.constant 2.000000e-02 : f32
      %mul3A_1092 = vector.broadcast %mul3A_1091 : f32 to vector<16xf32>
      %mul3A_1093 = arith.mulf %scan3A_994#10, %mul3A_1092 : vector<16xf32>
      %swap3A_1094 = arith.constant 7 : i32
      %swap3A_1095 = arith.index_cast %swap3A_1094 : i32 to index
      %swap3A_1096 = arith.constant 32 : index
      %swap3A_1097 = tpu.vector_load %arg13[%swap3A_1095, %swap3A_1096] {strides = array<i32>} : memref<12x128xf32, #tpu.memory_space<vmem>>, vector<1x16xf32>,
      %swap3A_1098 = vector.shape_cast %swap3A_1097 : vector<1x16xf32> to vector<16xf32>
      %swap3A_1099 = vector.shape_cast %mul3A_1093 : vector<16xf32> to vector<1x16xf32>
      tpu.vector_store %arg13[%swap3A_1095, %swap3A_1096], %swap3A_1099 {strides = array<i32>} : memref<12x128xf32, #tpu.memory_space<vmem>>, vector<1x16xf32>,
      %mul3A_1100 = arith.constant 2.000000e-02 : f32
      %mul3A_1101 = vector.broadcast %mul3A_1100 : f32 to vector<16xf32>
      %mul3A_1102 = arith.mulf %scan3A_994#11, %mul3A_1101 : vector<16xf32>
      %swap3A_1103 = arith.constant 7 : i32
      %swap3A_1104 = arith.index_cast %swap3A_1103 : i32 to index
      %swap3A_1105 = arith.constant 48 : index
      %swap3A_1106 = tpu.vector_load %arg13[%swap3A_1104, %swap3A_1105] {strides = array<i32>} : memref<12x128xf32, #tpu.memory_space<vmem>>, vector<1x16xf32>,
      %swap3A_1107 = vector.shape_cast %swap3A_1106 : vector<1x16xf32> to vector<16xf32>
      %swap3A_1108 = vector.shape_cast %mul3A_1102 : vector<16xf32> to vector<1x16xf32>
      tpu.vector_store %arg13[%swap3A_1104, %swap3A_1105], %swap3A_1108 {strides = array<i32>} : memref<12x128xf32, #tpu.memory_space<vmem>>, vector<1x16xf32>,
      %mul3A_1109 = arith.constant 2.000000e-02 : f32
      %mul3A_1110 = vector.broadcast %mul3A_1109 : f32 to vector<16xf32>
      %mul3A_1111 = arith.mulf %scan3A_994#12, %mul3A_1110 : vector<16xf32>
      %swap3A_1112 = arith.constant 7 : i32
      %swap3A_1113 = arith.index_cast %swap3A_1112 : i32 to index
      %swap3A_1114 = arith.constant 64 : index
      %swap3A_1115 = tpu.vector_load %arg13[%swap3A_1113, %swap3A_1114] {strides = array<i32>} : memref<12x128xf32, #tpu.memory_space<vmem>>, vector<1x16xf32>,
      %swap3A_1116 = vector.shape_cast %swap3A_1115 : vector<1x16xf32> to vector<16xf32>
      %swap3A_1117 = vector.shape_cast %mul3A_1111 : vector<16xf32> to vector<1x16xf32>
      tpu.vector_store %arg13[%swap3A_1113, %swap3A_1114], %swap3A_1117 {strides = array<i32>} : memref<12x128xf32, #tpu.memory_space<vmem>>, vector<1x16xf32>,
      %mul3A_1118 = arith.constant 2.000000e-02 : f32
      %mul3A_1119 = vector.broadcast %mul3A_1118 : f32 to vector<16xf32>
      %mul3A_1120 = arith.mulf %scan3A_994#13, %mul3A_1119 : vector<16xf32>
      %swap3A_1121 = arith.constant 7 : i32
      %swap3A_1122 = arith.index_cast %swap3A_1121 : i32 to index
      %swap3A_1123 = arith.constant 80 : index
      %swap3A_1124 = tpu.vector_load %arg13[%swap3A_1122, %swap3A_1123] {strides = array<i32>} : memref<12x128xf32, #tpu.memory_space<vmem>>, vector<1x16xf32>,
      %swap3A_1125 = vector.shape_cast %swap3A_1124 : vector<1x16xf32> to vector<16xf32>
      %swap3A_1126 = vector.shape_cast %mul3A_1120 : vector<16xf32> to vector<1x16xf32>
      tpu.vector_store %arg13[%swap3A_1122, %swap3A_1123], %swap3A_1126 {strides = array<i32>} : memref<12x128xf32, #tpu.memory_space<vmem>>, vector<1x16xf32>,
      %mul3A_1127 = arith.constant 2.000000e-02 : f32
      %mul3A_1128 = vector.broadcast %mul3A_1127 : f32 to vector<16xf32>
      %mul3A_1129 = arith.mulf %scan3A_994#14, %mul3A_1128 : vector<16xf32>
      %swap3A_1130 = arith.constant 7 : i32
      %swap3A_1131 = arith.index_cast %swap3A_1130 : i32 to index
      %swap3A_1132 = arith.constant 96 : index
      %swap3A_1133 = tpu.vector_load %arg13[%swap3A_1131, %swap3A_1132] {strides = array<i32>} : memref<12x128xf32, #tpu.memory_space<vmem>>, vector<1x16xf32>,
      %swap3A_1134 = vector.shape_cast %swap3A_1133 : vector<1x16xf32> to vector<16xf32>
      %swap3A_1135 = vector.shape_cast %mul3A_1129 : vector<16xf32> to vector<1x16xf32>
      tpu.vector_store %arg13[%swap3A_1131, %swap3A_1132], %swap3A_1135 {strides = array<i32>} : memref<12x128xf32, #tpu.memory_space<vmem>>, vector<1x16xf32>,
      %mul3A_1136 = arith.constant 2.000000e-02 : f32
      %mul3A_1137 = vector.broadcast %mul3A_1136 : f32 to vector<16xf32>
      %mul3A_1138 = arith.mulf %scan3A_994#15, %mul3A_1137 : vector<16xf32>
      %swap3A_1139 = arith.constant 7 : i32
      %swap3A_1140 = arith.index_cast %swap3A_1139 : i32 to index
      %swap3A_1141 = arith.constant 112 : index
      %swap3A_1142 = tpu.vector_load %arg13[%swap3A_1140, %swap3A_1141] {strides = array<i32>} : memref<12x128xf32, #tpu.memory_space<vmem>>, vector<1x16xf32>,
      %swap3A_1143 = vector.shape_cast %swap3A_1142 : vector<1x16xf32> to vector<16xf32>
      %swap3A_1144 = vector.shape_cast %mul3A_1138 : vector<16xf32> to vector<1x16xf32>
      tpu.vector_store %arg13[%swap3A_1140, %swap3A_1141], %swap3A_1144 {strides = array<i32>} : memref<12x128xf32, #tpu.memory_space<vmem>>, vector<1x16xf32>,
      %mul3A_1145 = arith.constant 2 : i32
      %mul3A_1146 = arith.muli %add3A_930, %mul3A_1145 : i32
      %add3A_1147 = arith.addi %mul3A_4, %mul3A_1146 : i32
      %dma_start3A_1148 = arith.constant 3 : i32
      %dma_start3A_1149 = arith.constant 6 : i32
      %dma_start3A_1150 = arith.constant 0 : i32
      %dma_start3A_1151 = tpu.memref_slice %arg13[%dma_start3A_1149, %dma_start3A_1150] : memref<12x128xf32, #tpu.memory_space<vmem>> -> memref<2x128xf32, #tpu.memory_space<vmem>>
      %dma_start3A_1152 = arith.constant 0 : i32
      %dma_start3A_1153 = tpu.memref_slice %arg8[%add3A_1147, %dma_start3A_1152] : memref<4096x384xf32, #tpu.memory_space<hbm>> -> memref<2x128xf32, #tpu.memory_space<hbm>>
      %dma_start3A_1154 = tpu.memref_slice %arg15[%dma_start3A_1148] : memref<6x!tpu.dma_semaphore, #tpu.memory_space<semaphore_mem>> -> memref<1x!tpu.dma_semaphore, #tpu.memory_space<semaphore_mem>>
      %dma_start3A_1155 = tpu.memref_squeeze %dma_start3A_1154 : memref<1x!tpu.dma_semaphore, #tpu.memory_space<semaphore_mem>> -> memref<!tpu.dma_semaphore, #tpu.memory_space<semaphore_mem>>
      %dma_start3A_1156 = arith.constant 0 : i32
      %dma_start3A_1157 = tpu.memref_slice %arg8[%add3A_1147, %dma_start3A_1156] : memref<4096x384xf32, #tpu.memory_space<hbm>> -> memref<2x128xf32, #tpu.memory_space<hbm>>
      %dma_start3A_1158 = arith.constant 6 : i32
      %dma_start3A_1159 = arith.constant 0 : i32
      %dma_start3A_1160 = tpu.memref_slice %arg13[%dma_start3A_1158, %dma_start3A_1159] : memref<12x128xf32, #tpu.memory_space<vmem>> -> memref<2x128xf32, #tpu.memory_space<vmem>>
      tpu.enqueue_dma source(%dma_start3A_1160 : memref<2x128xf32, #tpu.memory_space<vmem>>) target(%dma_start3A_1157 : memref<2x128xf32, #tpu.memory_space<hbm>>) target_semaphore(%dma_start3A_1155 : memref<!tpu.dma_semaphore, #tpu.memory_space<semaphore_mem>>)
      %mul3A_1161 = arith.constant 6 : i32
      %mul3A_1162 = arith.muli %scan3A_215, %mul3A_1161 : i32
      %add3A_1163 = arith.constant 4 : i32
      %add3A_1164 = arith.addi %mul3A_1162, %add3A_1163 : i32
      %mul3A_1165 = arith.constant 2 : i32
      %mul3A_1166 = arith.muli %scan3A_215, %mul3A_1165 : i32
      %add3A_1167 = arith.constant 1 : i32
      %add3A_1168 = arith.addi %mul3A_1166, %add3A_1167 : i32
      %mul3A_1169 = arith.constant 2 : i32
      %mul3A_1170 = arith.muli %scan3A_215, %mul3A_1169 : i32
      %add3A_1171 = arith.constant 3 : i32
      %add3A_1172 = arith.addi %mul3A_1170, %add3A_1171 : i32
      %add3A_1173 = arith.constant 6 : i32
      %add3A_1174 = arith.addi %add3A_1164, %add3A_1173 : i32
      %sub3A_1175 = arith.constant 1 : i32
      %sub3A_1176 = arith.subi %add3A_1174, %sub3A_1175 : i32
      %lt3A_1177 = arith.constant 192 : i32
      %lt3A_1178 = arith.cmpi slt, %sub3A_1176, %lt3A_1177 : i32
      %convert_element_type3A_1179 = arith.extui %lt3A_1178 : i1 to i32
      %cond3A_1180 = arith.constant 0 : i32
      %cond3A_1181 = arith.cmpi ne, %convert_element_type3A_1179, %cond3A_1180 : i32
      scf.if %cond3A_1181 {
        %dma_start3A_1637 = arith.constant 3 : i32
        %dma_start3A_1638 = arith.constant 3 : i32
        %dma_start3A_1639 = arith.constant 0 : i32
        %dma_start3A_1640 = arith.constant 0 : i32
        %dma_start3A_1641 = tpu.memref_slice %arg12[%dma_start3A_1637, %dma_start3A_1639, %dma_start3A_1640] : memref<6x100x128xf32, #tpu.memory_space<vmem>> -> memref<1x100x128xf32, #tpu.memory_space<vmem>>
        %dma_start3A_1642 = tpu.memref_squeeze %dma_start3A_1641 : memref<1x100x128xf32, #tpu.memory_space<vmem>> -> memref<100x128xf32, #tpu.memory_space<vmem>>
        %dma_start3A_1643 = arith.constant 0 : i32
        %dma_start3A_1644 = tpu.memref_slice %arg9[%add3A_1172, %dma_start3A_1643] : memref<64x100xi32, #tpu.memory_space<vmem>> -> memref<1x100xi32, #tpu.memory_space<vmem>>
        %dma_start3A_1645 = tpu.memref_squeeze %dma_start3A_1644 : memref<1x100xi32, #tpu.memory_space<vmem>> -> memref<100xi32, #tpu.memory_space<vmem>>
        %dma_start3A_1646 = arith.constant 0 : i32
        %dma_start3A_1647 = arith.constant 0 : i32
        %dma_start3A_1648 = tpu.memref_slice %arg5[%dma_start3A_1646, %dma_start3A_1647] : memref<100000x128xf32, #tpu.memory_space<hbm>> -> memref<100000x128xf32, #tpu.memory_space<hbm>>
        %dma_start3A_1649 = tpu.memref_slice %arg14[%dma_start3A_1638] : memref<6x!tpu.dma_semaphore, #tpu.memory_space<semaphore_mem>> -> memref<1x!tpu.dma_semaphore, #tpu.memory_space<semaphore_mem>>
        %dma_start3A_1650 = tpu.memref_squeeze %dma_start3A_1649 : memref<1x!tpu.dma_semaphore, #tpu.memory_space<semaphore_mem>> -> memref<!tpu.dma_semaphore, #tpu.memory_space<semaphore_mem>>
        tpu.enqueue_indirect_dma source(%dma_start3A_1648 : memref<100000x128xf32, #tpu.memory_space<hbm>>) target(%dma_start3A_1642 : memref<100x128xf32, #tpu.memory_space<vmem>>) offsets(%dma_start3A_1645 : memref<100xi32, #tpu.memory_space<vmem>>) semaphore(%dma_start3A_1650 : memref<!tpu.dma_semaphore, #tpu.memory_space<semaphore_mem>>)
      } else {
      }
      %dma_wait3A_1182 = arith.constant 4 : i32
      %dma_wait3A_1183 = arith.constant 4 : i32
      %dma_wait3A_1184 = arith.constant 0 : i32
      %dma_wait3A_1185 = arith.constant 0 : i32
      %dma_wait3A_1186 = tpu.memref_slice %arg12[%dma_wait3A_1182, %dma_wait3A_1184, %dma_wait3A_1185] : memref<6x100x128xf32, #tpu.memory_space<vmem>> -> memref<1x100x128xf32, #tpu.memory_space<vmem>>
      %dma_wait3A_1187 = tpu.memref_squeeze %dma_wait3A_1186 : memref<1x100x128xf32, #tpu.memory_space<vmem>> -> memref<100x128xf32, #tpu.memory_space<vmem>>
      %dma_wait3A_1188 = arith.constant 0 : i32
      %dma_wait3A_1189 = tpu.memref_slice %arg10[%add3A_1168, %dma_wait3A_1188] : memref<64x100xi32, #tpu.memory_space<vmem>> -> memref<1x100xi32, #tpu.memory_space<vmem>>
      %dma_wait3A_1190 = tpu.memref_squeeze %dma_wait3A_1189 : memref<1x100xi32, #tpu.memory_space<vmem>> -> memref<100xi32, #tpu.memory_space<vmem>>
      %dma_wait3A_1191 = arith.constant 0 : i32
      %dma_wait3A_1192 = arith.constant 0 : i32
      %dma_wait3A_1193 = tpu.memref_slice %arg6[%dma_wait3A_1191, %dma_wait3A_1192] : memref<100000x128xf32, #tpu.memory_space<hbm>> -> memref<100000x128xf32, #tpu.memory_space<hbm>>
      %dma_wait3A_1194 = tpu.memref_slice %arg14[%dma_wait3A_1183] : memref<6x!tpu.dma_semaphore, #tpu.memory_space<semaphore_mem>> -> memref<1x!tpu.dma_semaphore, #tpu.memory_space<semaphore_mem>>
      %dma_wait3A_1195 = tpu.memref_squeeze %dma_wait3A_1194 : memref<1x!tpu.dma_semaphore, #tpu.memory_space<semaphore_mem>> -> memref<!tpu.dma_semaphore, #tpu.memory_space<semaphore_mem>>
      tpu.wait_indirect_dma semaphore(%dma_wait3A_1195 : memref<!tpu.dma_semaphore, #tpu.memory_space<semaphore_mem>>) src(%dma_wait3A_1193 : memref<100000x128xf32, #tpu.memory_space<hbm>>) dst(%dma_wait3A_1187 : memref<100x128xf32, #tpu.memory_space<vmem>>)
      %broadcast_in_dim3A_1196 = arith.constant 0.000000e+00 : f32
      %broadcast_in_dim3A_1197 = vector.broadcast %broadcast_in_dim3A_1196 : f32 to vector<16xf32>
      %broadcast_in_dim3A_1198 = arith.constant 0.000000e+00 : f32
      %broadcast_in_dim3A_1199 = vector.broadcast %broadcast_in_dim3A_1198 : f32 to vector<16xf32>
      %broadcast_in_dim3A_1200 = arith.constant 0.000000e+00 : f32
      %broadcast_in_dim3A_1201 = vector.broadcast %broadcast_in_dim3A_1200 : f32 to vector<16xf32>
      %broadcast_in_dim3A_1202 = arith.constant 0.000000e+00 : f32
      %broadcast_in_dim3A_1203 = vector.broadcast %broadcast_in_dim3A_1202 : f32 to vector<16xf32>
      %broadcast_in_dim3A_1204 = arith.constant 0.000000e+00 : f32
      %broadcast_in_dim3A_1205 = vector.broadcast %broadcast_in_dim3A_1204 : f32 to vector<16xf32>
      %broadcast_in_dim3A_1206 = arith.constant 0.000000e+00 : f32
      %broadcast_in_dim3A_1207 = vector.broadcast %broadcast_in_dim3A_1206 : f32 to vector<16xf32>
      %broadcast_in_dim3A_1208 = arith.constant 0.000000e+00 : f32
      %broadcast_in_dim3A_1209 = vector.broadcast %broadcast_in_dim3A_1208 : f32 to vector<16xf32>
      %broadcast_in_dim3A_1210 = arith.constant 0.000000e+00 : f32
      %broadcast_in_dim3A_1211 = vector.broadcast %broadcast_in_dim3A_1210 : f32 to vector<16xf32>
      %broadcast_in_dim3A_1212 = arith.constant 0.000000e+00 : f32
      %broadcast_in_dim3A_1213 = vector.broadcast %broadcast_in_dim3A_1212 : f32 to vector<16xf32>
      %broadcast_in_dim3A_1214 = arith.constant 0.000000e+00 : f32
      %broadcast_in_dim3A_1215 = vector.broadcast %broadcast_in_dim3A_1214 : f32 to vector<16xf32>
      %broadcast_in_dim3A_1216 = arith.constant 0.000000e+00 : f32
      %broadcast_in_dim3A_1217 = vector.broadcast %broadcast_in_dim3A_1216 : f32 to vector<16xf32>
      %broadcast_in_dim3A_1218 = arith.constant 0.000000e+00 : f32
      %broadcast_in_dim3A_1219 = vector.broadcast %broadcast_in_dim3A_1218 : f32 to vector<16xf32>
      %broadcast_in_dim3A_1220 = arith.constant 0.000000e+00 : f32
      %broadcast_in_dim3A_1221 = vector.broadcast %broadcast_in_dim3A_1220 : f32 to vector<16xf32>
      %broadcast_in_dim3A_1222 = arith.constant 0.000000e+00 : f32
      %broadcast_in_dim3A_1223 = vector.broadcast %broadcast_in_dim3A_1222 : f32 to vector<16xf32>
      %broadcast_in_dim3A_1224 = arith.constant 0.000000e+00 : f32
      %broadcast_in_dim3A_1225 = vector.broadcast %broadcast_in_dim3A_1224 : f32 to vector<16xf32>
      %broadcast_in_dim3A_1226 = arith.constant 0.000000e+00 : f32
      %broadcast_in_dim3A_1227 = vector.broadcast %broadcast_in_dim3A_1226 : f32 to vector<16xf32>
      %scan3A_1228 = arith.constant 0 : i32
      %scan3A_1229 = arith.constant 25 : i32
      %scan3A_1230 = arith.addi %scan3A_1228, %scan3A_1229 : i32
      %scan3A_1231 = arith.constant 1 : i32
      %scan3A_1232:16 = scf.for %scan3A_1637 = %scan3A_1228 to %scan3A_1230 step %scan3A_1231 iter_args(%scan3A_1638 = %broadcast_in_dim3A_1197, %scan3A_1639 = %broadcast_in_dim3A_1199, %scan3A_1640 = %broadcast_in_dim3A_1201, %scan3A_1641 = %broadcast_in_dim3A_1203, %scan3A_1642 = %broadcast_in_dim3A_1205, %scan3A_1643 = %broadcast_in_dim3A_1207, %scan3A_1644 = %broadcast_in_dim3A_1209, %scan3A_1645 = %broadcast_in_dim3A_1211, %scan3A_1646 = %broadcast_in_dim3A_1213, %scan3A_1647 = %broadcast_in_dim3A_1215, %scan3A_1648 = %broadcast_in_dim3A_1217, %scan3A_1649 = %broadcast_in_dim3A_1219, %scan3A_1650 = %broadcast_in_dim3A_1221, %scan3A_1651 = %broadcast_in_dim3A_1223, %scan3A_1652 = %broadcast_in_dim3A_1225, %scan3A_1653 = %broadcast_in_dim3A_1227) -> (vector<16xf32>, vector<16xf32>, vector<16xf32>, vector<16xf32>, vector<16xf32>, vector<16xf32>, vector<16xf32>, vector<16xf32>, vector<16xf32>, vector<16xf32>, vector<16xf32>, vector<16xf32>, vector<16xf32>, vector<16xf32>, vector<16xf32>, vector<16xf32>)  : i32 {
        %mul3A_1654 = arith.constant 2 : i32
        %mul3A_1655 = arith.muli %mul3A_1654, %scan3A_1637 : i32
        %add3A_1656 = arith.constant 0 : i32
        %add3A_1657 = arith.addi %add3A_1656, %mul3A_1655 : i32
        %add3A_1658 = arith.constant 0 : i32
        %add3A_1659 = arith.addi %add3A_1657, %add3A_1658 : i32
        %get3A = arith.constant 4 : i32
        %get3A_1660 = arith.index_cast %get3A : i32 to index
        %get3A_1661 = arith.index_cast %add3A_1659 : i32 to index
        %get3A_1662 = arith.constant 0 : index
        %get3A_1663 = tpu.vector_load %arg12[%get3A_1660, %get3A_1661, %get3A_1662] {strides = array<i32>} : memref<6x100x128xf32, #tpu.memory_space<vmem>>, vector<1x1x16xf32>,
        %get3A_1664 = vector.shape_cast %get3A_1663 : vector<1x1x16xf32> to vector<16xf32>
        %add3A_1665 = arith.addf %scan3A_1638, %get3A_1664 : vector<16xf32>
        %mul3A_1666 = arith.constant 2 : i32
        %mul3A_1667 = arith.muli %mul3A_1666, %scan3A_1637 : i32
        %add3A_1668 = arith.constant 0 : i32
        %add3A_1669 = arith.addi %add3A_1668, %mul3A_1667 : i32
        %add3A_1670 = arith.constant 1 : i32
        %add3A_1671 = arith.addi %add3A_1669, %add3A_1670 : i32
        %get3A_1672 = arith.constant 4 : i32
        %get3A_1673 = arith.index_cast %get3A_1672 : i32 to index
        %get3A_1674 = arith.index_cast %add3A_1671 : i32 to index
        %get3A_1675 = arith.constant 0 : index
        %get3A_1676 = tpu.vector_load %arg12[%get3A_1673, %get3A_1674, %get3A_1675] {strides = array<i32>} : memref<6x100x128xf32, #tpu.memory_space<vmem>>, vector<1x1x16xf32>,
        %get3A_1677 = vector.shape_cast %get3A_1676 : vector<1x1x16xf32> to vector<16xf32>
        %add3A_1678 = arith.addf %add3A_1665, %get3A_1677 : vector<16xf32>
        %mul3A_1679 = arith.constant 2 : i32
        %mul3A_1680 = arith.muli %mul3A_1679, %scan3A_1637 : i32
        %add3A_1681 = arith.constant 0 : i32
        %add3A_1682 = arith.addi %add3A_1681, %mul3A_1680 : i32
        %add3A_1683 = arith.constant 0 : i32
        %add3A_1684 = arith.addi %add3A_1682, %add3A_1683 : i32
        %get3A_1685 = arith.constant 4 : i32
        %get3A_1686 = arith.index_cast %get3A_1685 : i32 to index
        %get3A_1687 = arith.index_cast %add3A_1684 : i32 to index
        %get3A_1688 = arith.constant 16 : index
        %get3A_1689 = tpu.vector_load %arg12[%get3A_1686, %get3A_1687, %get3A_1688] {strides = array<i32>} : memref<6x100x128xf32, #tpu.memory_space<vmem>>, vector<1x1x16xf32>,
        %get3A_1690 = vector.shape_cast %get3A_1689 : vector<1x1x16xf32> to vector<16xf32>
        %add3A_1691 = arith.addf %scan3A_1639, %get3A_1690 : vector<16xf32>
        %mul3A_1692 = arith.constant 2 : i32
        %mul3A_1693 = arith.muli %mul3A_1692, %scan3A_1637 : i32
        %add3A_1694 = arith.constant 0 : i32
        %add3A_1695 = arith.addi %add3A_1694, %mul3A_1693 : i32
        %add3A_1696 = arith.constant 1 : i32
        %add3A_1697 = arith.addi %add3A_1695, %add3A_1696 : i32
        %get3A_1698 = arith.constant 4 : i32
        %get3A_1699 = arith.index_cast %get3A_1698 : i32 to index
        %get3A_1700 = arith.index_cast %add3A_1697 : i32 to index
        %get3A_1701 = arith.constant 16 : index
        %get3A_1702 = tpu.vector_load %arg12[%get3A_1699, %get3A_1700, %get3A_1701] {strides = array<i32>} : memref<6x100x128xf32, #tpu.memory_space<vmem>>, vector<1x1x16xf32>,
        %get3A_1703 = vector.shape_cast %get3A_1702 : vector<1x1x16xf32> to vector<16xf32>
        %add3A_1704 = arith.addf %add3A_1691, %get3A_1703 : vector<16xf32>
        %mul3A_1705 = arith.constant 2 : i32
        %mul3A_1706 = arith.muli %mul3A_1705, %scan3A_1637 : i32
        %add3A_1707 = arith.constant 0 : i32
        %add3A_1708 = arith.addi %add3A_1707, %mul3A_1706 : i32
        %add3A_1709 = arith.constant 0 : i32
        %add3A_1710 = arith.addi %add3A_1708, %add3A_1709 : i32
        %get3A_1711 = arith.constant 4 : i32
        %get3A_1712 = arith.index_cast %get3A_1711 : i32 to index
        %get3A_1713 = arith.index_cast %add3A_1710 : i32 to index
        %get3A_1714 = arith.constant 32 : index
        %get3A_1715 = tpu.vector_load %arg12[%get3A_1712, %get3A_1713, %get3A_1714] {strides = array<i32>} : memref<6x100x128xf32, #tpu.memory_space<vmem>>, vector<1x1x16xf32>,
        %get3A_1716 = vector.shape_cast %get3A_1715 : vector<1x1x16xf32> to vector<16xf32>
        %add3A_1717 = arith.addf %scan3A_1640, %get3A_1716 : vector<16xf32>
        %mul3A_1718 = arith.constant 2 : i32
        %mul3A_1719 = arith.muli %mul3A_1718, %scan3A_1637 : i32
        %add3A_1720 = arith.constant 0 : i32
        %add3A_1721 = arith.addi %add3A_1720, %mul3A_1719 : i32
        %add3A_1722 = arith.constant 1 : i32
        %add3A_1723 = arith.addi %add3A_1721, %add3A_1722 : i32
        %get3A_1724 = arith.constant 4 : i32
        %get3A_1725 = arith.index_cast %get3A_1724 : i32 to index
        %get3A_1726 = arith.index_cast %add3A_1723 : i32 to index
        %get3A_1727 = arith.constant 32 : index
        %get3A_1728 = tpu.vector_load %arg12[%get3A_1725, %get3A_1726, %get3A_1727] {strides = array<i32>} : memref<6x100x128xf32, #tpu.memory_space<vmem>>, vector<1x1x16xf32>,
        %get3A_1729 = vector.shape_cast %get3A_1728 : vector<1x1x16xf32> to vector<16xf32>
        %add3A_1730 = arith.addf %add3A_1717, %get3A_1729 : vector<16xf32>
        %mul3A_1731 = arith.constant 2 : i32
        %mul3A_1732 = arith.muli %mul3A_1731, %scan3A_1637 : i32
        %add3A_1733 = arith.constant 0 : i32
        %add3A_1734 = arith.addi %add3A_1733, %mul3A_1732 : i32
        %add3A_1735 = arith.constant 0 : i32
        %add3A_1736 = arith.addi %add3A_1734, %add3A_1735 : i32
        %get3A_1737 = arith.constant 4 : i32
        %get3A_1738 = arith.index_cast %get3A_1737 : i32 to index
        %get3A_1739 = arith.index_cast %add3A_1736 : i32 to index
        %get3A_1740 = arith.constant 48 : index
        %get3A_1741 = tpu.vector_load %arg12[%get3A_1738, %get3A_1739, %get3A_1740] {strides = array<i32>} : memref<6x100x128xf32, #tpu.memory_space<vmem>>, vector<1x1x16xf32>,
        %get3A_1742 = vector.shape_cast %get3A_1741 : vector<1x1x16xf32> to vector<16xf32>
        %add3A_1743 = arith.addf %scan3A_1641, %get3A_1742 : vector<16xf32>
        %mul3A_1744 = arith.constant 2 : i32
        %mul3A_1745 = arith.muli %mul3A_1744, %scan3A_1637 : i32
        %add3A_1746 = arith.constant 0 : i32
        %add3A_1747 = arith.addi %add3A_1746, %mul3A_1745 : i32
        %add3A_1748 = arith.constant 1 : i32
        %add3A_1749 = arith.addi %add3A_1747, %add3A_1748 : i32
        %get3A_1750 = arith.constant 4 : i32
        %get3A_1751 = arith.index_cast %get3A_1750 : i32 to index
        %get3A_1752 = arith.index_cast %add3A_1749 : i32 to index
        %get3A_1753 = arith.constant 48 : index
        %get3A_1754 = tpu.vector_load %arg12[%get3A_1751, %get3A_1752, %get3A_1753] {strides = array<i32>} : memref<6x100x128xf32, #tpu.memory_space<vmem>>, vector<1x1x16xf32>,
        %get3A_1755 = vector.shape_cast %get3A_1754 : vector<1x1x16xf32> to vector<16xf32>
        %add3A_1756 = arith.addf %add3A_1743, %get3A_1755 : vector<16xf32>
        %mul3A_1757 = arith.constant 2 : i32
        %mul3A_1758 = arith.muli %mul3A_1757, %scan3A_1637 : i32
        %add3A_1759 = arith.constant 0 : i32
        %add3A_1760 = arith.addi %add3A_1759, %mul3A_1758 : i32
        %add3A_1761 = arith.constant 0 : i32
        %add3A_1762 = arith.addi %add3A_1760, %add3A_1761 : i32
        %get3A_1763 = arith.constant 4 : i32
        %get3A_1764 = arith.index_cast %get3A_1763 : i32 to index
        %get3A_1765 = arith.index_cast %add3A_1762 : i32 to index
        %get3A_1766 = arith.constant 64 : index
        %get3A_1767 = tpu.vector_load %arg12[%get3A_1764, %get3A_1765, %get3A_1766] {strides = array<i32>} : memref<6x100x128xf32, #tpu.memory_space<vmem>>, vector<1x1x16xf32>,
        %get3A_1768 = vector.shape_cast %get3A_1767 : vector<1x1x16xf32> to vector<16xf32>
        %add3A_1769 = arith.addf %scan3A_1642, %get3A_1768 : vector<16xf32>
        %mul3A_1770 = arith.constant 2 : i32
        %mul3A_1771 = arith.muli %mul3A_1770, %scan3A_1637 : i32
        %add3A_1772 = arith.constant 0 : i32
        %add3A_1773 = arith.addi %add3A_1772, %mul3A_1771 : i32
        %add3A_1774 = arith.constant 1 : i32
        %add3A_1775 = arith.addi %add3A_1773, %add3A_1774 : i32
        %get3A_1776 = arith.constant 4 : i32
        %get3A_1777 = arith.index_cast %get3A_1776 : i32 to index
        %get3A_1778 = arith.index_cast %add3A_1775 : i32 to index
        %get3A_1779 = arith.constant 64 : index
        %get3A_1780 = tpu.vector_load %arg12[%get3A_1777, %get3A_1778, %get3A_1779] {strides = array<i32>} : memref<6x100x128xf32, #tpu.memory_space<vmem>>, vector<1x1x16xf32>,
        %get3A_1781 = vector.shape_cast %get3A_1780 : vector<1x1x16xf32> to vector<16xf32>
        %add3A_1782 = arith.addf %add3A_1769, %get3A_1781 : vector<16xf32>
        %mul3A_1783 = arith.constant 2 : i32
        %mul3A_1784 = arith.muli %mul3A_1783, %scan3A_1637 : i32
        %add3A_1785 = arith.constant 0 : i32
        %add3A_1786 = arith.addi %add3A_1785, %mul3A_1784 : i32
        %add3A_1787 = arith.constant 0 : i32
        %add3A_1788 = arith.addi %add3A_1786, %add3A_1787 : i32
        %get3A_1789 = arith.constant 4 : i32
        %get3A_1790 = arith.index_cast %get3A_1789 : i32 to index
        %get3A_1791 = arith.index_cast %add3A_1788 : i32 to index
        %get3A_1792 = arith.constant 80 : index
        %get3A_1793 = tpu.vector_load %arg12[%get3A_1790, %get3A_1791, %get3A_1792] {strides = array<i32>} : memref<6x100x128xf32, #tpu.memory_space<vmem>>, vector<1x1x16xf32>,
        %get3A_1794 = vector.shape_cast %get3A_1793 : vector<1x1x16xf32> to vector<16xf32>
        %add3A_1795 = arith.addf %scan3A_1643, %get3A_1794 : vector<16xf32>
        %mul3A_1796 = arith.constant 2 : i32
        %mul3A_1797 = arith.muli %mul3A_1796, %scan3A_1637 : i32
        %add3A_1798 = arith.constant 0 : i32
        %add3A_1799 = arith.addi %add3A_1798, %mul3A_1797 : i32
        %add3A_1800 = arith.constant 1 : i32
        %add3A_1801 = arith.addi %add3A_1799, %add3A_1800 : i32
        %get3A_1802 = arith.constant 4 : i32
        %get3A_1803 = arith.index_cast %get3A_1802 : i32 to index
        %get3A_1804 = arith.index_cast %add3A_1801 : i32 to index
        %get3A_1805 = arith.constant 80 : index
        %get3A_1806 = tpu.vector_load %arg12[%get3A_1803, %get3A_1804, %get3A_1805] {strides = array<i32>} : memref<6x100x128xf32, #tpu.memory_space<vmem>>, vector<1x1x16xf32>,
        %get3A_1807 = vector.shape_cast %get3A_1806 : vector<1x1x16xf32> to vector<16xf32>
        %add3A_1808 = arith.addf %add3A_1795, %get3A_1807 : vector<16xf32>
        %mul3A_1809 = arith.constant 2 : i32
        %mul3A_1810 = arith.muli %mul3A_1809, %scan3A_1637 : i32
        %add3A_1811 = arith.constant 0 : i32
        %add3A_1812 = arith.addi %add3A_1811, %mul3A_1810 : i32
        %add3A_1813 = arith.constant 0 : i32
        %add3A_1814 = arith.addi %add3A_1812, %add3A_1813 : i32
        %get3A_1815 = arith.constant 4 : i32
        %get3A_1816 = arith.index_cast %get3A_1815 : i32 to index
        %get3A_1817 = arith.index_cast %add3A_1814 : i32 to index
        %get3A_1818 = arith.constant 96 : index
        %get3A_1819 = tpu.vector_load %arg12[%get3A_1816, %get3A_1817, %get3A_1818] {strides = array<i32>} : memref<6x100x128xf32, #tpu.memory_space<vmem>>, vector<1x1x16xf32>,
        %get3A_1820 = vector.shape_cast %get3A_1819 : vector<1x1x16xf32> to vector<16xf32>
        %add3A_1821 = arith.addf %scan3A_1644, %get3A_1820 : vector<16xf32>
        %mul3A_1822 = arith.constant 2 : i32
        %mul3A_1823 = arith.muli %mul3A_1822, %scan3A_1637 : i32
        %add3A_1824 = arith.constant 0 : i32
        %add3A_1825 = arith.addi %add3A_1824, %mul3A_1823 : i32
        %add3A_1826 = arith.constant 1 : i32
        %add3A_1827 = arith.addi %add3A_1825, %add3A_1826 : i32
        %get3A_1828 = arith.constant 4 : i32
        %get3A_1829 = arith.index_cast %get3A_1828 : i32 to index
        %get3A_1830 = arith.index_cast %add3A_1827 : i32 to index
        %get3A_1831 = arith.constant 96 : index
        %get3A_1832 = tpu.vector_load %arg12[%get3A_1829, %get3A_1830, %get3A_1831] {strides = array<i32>} : memref<6x100x128xf32, #tpu.memory_space<vmem>>, vector<1x1x16xf32>,
        %get3A_1833 = vector.shape_cast %get3A_1832 : vector<1x1x16xf32> to vector<16xf32>
        %add3A_1834 = arith.addf %add3A_1821, %get3A_1833 : vector<16xf32>
        %mul3A_1835 = arith.constant 2 : i32
        %mul3A_1836 = arith.muli %mul3A_1835, %scan3A_1637 : i32
        %add3A_1837 = arith.constant 0 : i32
        %add3A_1838 = arith.addi %add3A_1837, %mul3A_1836 : i32
        %add3A_1839 = arith.constant 0 : i32
        %add3A_1840 = arith.addi %add3A_1838, %add3A_1839 : i32
        %get3A_1841 = arith.constant 4 : i32
        %get3A_1842 = arith.index_cast %get3A_1841 : i32 to index
        %get3A_1843 = arith.index_cast %add3A_1840 : i32 to index
        %get3A_1844 = arith.constant 112 : index
        %get3A_1845 = tpu.vector_load %arg12[%get3A_1842, %get3A_1843, %get3A_1844] {strides = array<i32>} : memref<6x100x128xf32, #tpu.memory_space<vmem>>, vector<1x1x16xf32>,
        %get3A_1846 = vector.shape_cast %get3A_1845 : vector<1x1x16xf32> to vector<16xf32>
        %add3A_1847 = arith.addf %scan3A_1645, %get3A_1846 : vector<16xf32>
        %mul3A_1848 = arith.constant 2 : i32
        %mul3A_1849 = arith.muli %mul3A_1848, %scan3A_1637 : i32
        %add3A_1850 = arith.constant 0 : i32
        %add3A_1851 = arith.addi %add3A_1850, %mul3A_1849 : i32
        %add3A_1852 = arith.constant 1 : i32
        %add3A_1853 = arith.addi %add3A_1851, %add3A_1852 : i32
        %get3A_1854 = arith.constant 4 : i32
        %get3A_1855 = arith.index_cast %get3A_1854 : i32 to index
        %get3A_1856 = arith.index_cast %add3A_1853 : i32 to index
        %get3A_1857 = arith.constant 112 : index
        %get3A_1858 = tpu.vector_load %arg12[%get3A_1855, %get3A_1856, %get3A_1857] {strides = array<i32>} : memref<6x100x128xf32, #tpu.memory_space<vmem>>, vector<1x1x16xf32>,
        %get3A_1859 = vector.shape_cast %get3A_1858 : vector<1x1x16xf32> to vector<16xf32>
        %add3A_1860 = arith.addf %add3A_1847, %get3A_1859 : vector<16xf32>
        %mul3A_1861 = arith.constant 2 : i32
        %mul3A_1862 = arith.muli %mul3A_1861, %scan3A_1637 : i32
        %add3A_1863 = arith.constant 50 : i32
        %add3A_1864 = arith.addi %add3A_1863, %mul3A_1862 : i32
        %add3A_1865 = arith.constant 0 : i32
        %add3A_1866 = arith.addi %add3A_1864, %add3A_1865 : i32
        %get3A_1867 = arith.constant 4 : i32
        %get3A_1868 = arith.index_cast %get3A_1867 : i32 to index
        %get3A_1869 = arith.index_cast %add3A_1866 : i32 to index
        %get3A_1870 = arith.constant 0 : index
        %get3A_1871 = tpu.vector_load %arg12[%get3A_1868, %get3A_1869, %get3A_1870] {strides = array<i32>} : memref<6x100x128xf32, #tpu.memory_space<vmem>>, vector<1x1x16xf32>,
        %get3A_1872 = vector.shape_cast %get3A_1871 : vector<1x1x16xf32> to vector<16xf32>
        %add3A_1873 = arith.addf %scan3A_1646, %get3A_1872 : vector<16xf32>
        %mul3A_1874 = arith.constant 2 : i32
        %mul3A_1875 = arith.muli %mul3A_1874, %scan3A_1637 : i32
        %add3A_1876 = arith.constant 50 : i32
        %add3A_1877 = arith.addi %add3A_1876, %mul3A_1875 : i32
        %add3A_1878 = arith.constant 1 : i32
        %add3A_1879 = arith.addi %add3A_1877, %add3A_1878 : i32
        %get3A_1880 = arith.constant 4 : i32
        %get3A_1881 = arith.index_cast %get3A_1880 : i32 to index
        %get3A_1882 = arith.index_cast %add3A_1879 : i32 to index
        %get3A_1883 = arith.constant 0 : index
        %get3A_1884 = tpu.vector_load %arg12[%get3A_1881, %get3A_1882, %get3A_1883] {strides = array<i32>} : memref<6x100x128xf32, #tpu.memory_space<vmem>>, vector<1x1x16xf32>,
        %get3A_1885 = vector.shape_cast %get3A_1884 : vector<1x1x16xf32> to vector<16xf32>
        %add3A_1886 = arith.addf %add3A_1873, %get3A_1885 : vector<16xf32>
        %mul3A_1887 = arith.constant 2 : i32
        %mul3A_1888 = arith.muli %mul3A_1887, %scan3A_1637 : i32
        %add3A_1889 = arith.constant 50 : i32
        %add3A_1890 = arith.addi %add3A_1889, %mul3A_1888 : i32
        %add3A_1891 = arith.constant 0 : i32
        %add3A_1892 = arith.addi %add3A_1890, %add3A_1891 : i32
        %get3A_1893 = arith.constant 4 : i32
        %get3A_1894 = arith.index_cast %get3A_1893 : i32 to index
        %get3A_1895 = arith.index_cast %add3A_1892 : i32 to index
        %get3A_1896 = arith.constant 16 : index
        %get3A_1897 = tpu.vector_load %arg12[%get3A_1894, %get3A_1895, %get3A_1896] {strides = array<i32>} : memref<6x100x128xf32, #tpu.memory_space<vmem>>, vector<1x1x16xf32>,
        %get3A_1898 = vector.shape_cast %get3A_1897 : vector<1x1x16xf32> to vector<16xf32>
        %add3A_1899 = arith.addf %scan3A_1647, %get3A_1898 : vector<16xf32>
        %mul3A_1900 = arith.constant 2 : i32
        %mul3A_1901 = arith.muli %mul3A_1900, %scan3A_1637 : i32
        %add3A_1902 = arith.constant 50 : i32
        %add3A_1903 = arith.addi %add3A_1902, %mul3A_1901 : i32
        %add3A_1904 = arith.constant 1 : i32
        %add3A_1905 = arith.addi %add3A_1903, %add3A_1904 : i32
        %get3A_1906 = arith.constant 4 : i32
        %get3A_1907 = arith.index_cast %get3A_1906 : i32 to index
        %get3A_1908 = arith.index_cast %add3A_1905 : i32 to index
        %get3A_1909 = arith.constant 16 : index
        %get3A_1910 = tpu.vector_load %arg12[%get3A_1907, %get3A_1908, %get3A_1909] {strides = array<i32>} : memref<6x100x128xf32, #tpu.memory_space<vmem>>, vector<1x1x16xf32>,
        %get3A_1911 = vector.shape_cast %get3A_1910 : vector<1x1x16xf32> to vector<16xf32>
        %add3A_1912 = arith.addf %add3A_1899, %get3A_1911 : vector<16xf32>
        %mul3A_1913 = arith.constant 2 : i32
        %mul3A_1914 = arith.muli %mul3A_1913, %scan3A_1637 : i32
        %add3A_1915 = arith.constant 50 : i32
        %add3A_1916 = arith.addi %add3A_1915, %mul3A_1914 : i32
        %add3A_1917 = arith.constant 0 : i32
        %add3A_1918 = arith.addi %add3A_1916, %add3A_1917 : i32
        %get3A_1919 = arith.constant 4 : i32
        %get3A_1920 = arith.index_cast %get3A_1919 : i32 to index
        %get3A_1921 = arith.index_cast %add3A_1918 : i32 to index
        %get3A_1922 = arith.constant 32 : index
        %get3A_1923 = tpu.vector_load %arg12[%get3A_1920, %get3A_1921, %get3A_1922] {strides = array<i32>} : memref<6x100x128xf32, #tpu.memory_space<vmem>>, vector<1x1x16xf32>,
        %get3A_1924 = vector.shape_cast %get3A_1923 : vector<1x1x16xf32> to vector<16xf32>
        %add3A_1925 = arith.addf %scan3A_1648, %get3A_1924 : vector<16xf32>
        %mul3A_1926 = arith.constant 2 : i32
        %mul3A_1927 = arith.muli %mul3A_1926, %scan3A_1637 : i32
        %add3A_1928 = arith.constant 50 : i32
        %add3A_1929 = arith.addi %add3A_1928, %mul3A_1927 : i32
        %add3A_1930 = arith.constant 1 : i32
        %add3A_1931 = arith.addi %add3A_1929, %add3A_1930 : i32
        %get3A_1932 = arith.constant 4 : i32
        %get3A_1933 = arith.index_cast %get3A_1932 : i32 to index
        %get3A_1934 = arith.index_cast %add3A_1931 : i32 to index
        %get3A_1935 = arith.constant 32 : index
        %get3A_1936 = tpu.vector_load %arg12[%get3A_1933, %get3A_1934, %get3A_1935] {strides = array<i32>} : memref<6x100x128xf32, #tpu.memory_space<vmem>>, vector<1x1x16xf32>,
        %get3A_1937 = vector.shape_cast %get3A_1936 : vector<1x1x16xf32> to vector<16xf32>
        %add3A_1938 = arith.addf %add3A_1925, %get3A_1937 : vector<16xf32>
        %mul3A_1939 = arith.constant 2 : i32
        %mul3A_1940 = arith.muli %mul3A_1939, %scan3A_1637 : i32
        %add3A_1941 = arith.constant 50 : i32
        %add3A_1942 = arith.addi %add3A_1941, %mul3A_1940 : i32
        %add3A_1943 = arith.constant 0 : i32
        %add3A_1944 = arith.addi %add3A_1942, %add3A_1943 : i32
        %get3A_1945 = arith.constant 4 : i32
        %get3A_1946 = arith.index_cast %get3A_1945 : i32 to index
        %get3A_1947 = arith.index_cast %add3A_1944 : i32 to index
        %get3A_1948 = arith.constant 48 : index
        %get3A_1949 = tpu.vector_load %arg12[%get3A_1946, %get3A_1947, %get3A_1948] {strides = array<i32>} : memref<6x100x128xf32, #tpu.memory_space<vmem>>, vector<1x1x16xf32>,
        %get3A_1950 = vector.shape_cast %get3A_1949 : vector<1x1x16xf32> to vector<16xf32>
        %add3A_1951 = arith.addf %scan3A_1649, %get3A_1950 : vector<16xf32>
        %mul3A_1952 = arith.constant 2 : i32
        %mul3A_1953 = arith.muli %mul3A_1952, %scan3A_1637 : i32
        %add3A_1954 = arith.constant 50 : i32
        %add3A_1955 = arith.addi %add3A_1954, %mul3A_1953 : i32
        %add3A_1956 = arith.constant 1 : i32
        %add3A_1957 = arith.addi %add3A_1955, %add3A_1956 : i32
        %get3A_1958 = arith.constant 4 : i32
        %get3A_1959 = arith.index_cast %get3A_1958 : i32 to index
        %get3A_1960 = arith.index_cast %add3A_1957 : i32 to index
        %get3A_1961 = arith.constant 48 : index
        %get3A_1962 = tpu.vector_load %arg12[%get3A_1959, %get3A_1960, %get3A_1961] {strides = array<i32>} : memref<6x100x128xf32, #tpu.memory_space<vmem>>, vector<1x1x16xf32>,
        %get3A_1963 = vector.shape_cast %get3A_1962 : vector<1x1x16xf32> to vector<16xf32>
        %add3A_1964 = arith.addf %add3A_1951, %get3A_1963 : vector<16xf32>
        %mul3A_1965 = arith.constant 2 : i32
        %mul3A_1966 = arith.muli %mul3A_1965, %scan3A_1637 : i32
        %add3A_1967 = arith.constant 50 : i32
        %add3A_1968 = arith.addi %add3A_1967, %mul3A_1966 : i32
        %add3A_1969 = arith.constant 0 : i32
        %add3A_1970 = arith.addi %add3A_1968, %add3A_1969 : i32
        %get3A_1971 = arith.constant 4 : i32
        %get3A_1972 = arith.index_cast %get3A_1971 : i32 to index
        %get3A_1973 = arith.index_cast %add3A_1970 : i32 to index
        %get3A_1974 = arith.constant 64 : index
        %get3A_1975 = tpu.vector_load %arg12[%get3A_1972, %get3A_1973, %get3A_1974] {strides = array<i32>} : memref<6x100x128xf32, #tpu.memory_space<vmem>>, vector<1x1x16xf32>,
        %get3A_1976 = vector.shape_cast %get3A_1975 : vector<1x1x16xf32> to vector<16xf32>
        %add3A_1977 = arith.addf %scan3A_1650, %get3A_1976 : vector<16xf32>
        %mul3A_1978 = arith.constant 2 : i32
        %mul3A_1979 = arith.muli %mul3A_1978, %scan3A_1637 : i32
        %add3A_1980 = arith.constant 50 : i32
        %add3A_1981 = arith.addi %add3A_1980, %mul3A_1979 : i32
        %add3A_1982 = arith.constant 1 : i32
        %add3A_1983 = arith.addi %add3A_1981, %add3A_1982 : i32
        %get3A_1984 = arith.constant 4 : i32
        %get3A_1985 = arith.index_cast %get3A_1984 : i32 to index
        %get3A_1986 = arith.index_cast %add3A_1983 : i32 to index
        %get3A_1987 = arith.constant 64 : index
        %get3A_1988 = tpu.vector_load %arg12[%get3A_1985, %get3A_1986, %get3A_1987] {strides = array<i32>} : memref<6x100x128xf32, #tpu.memory_space<vmem>>, vector<1x1x16xf32>,
        %get3A_1989 = vector.shape_cast %get3A_1988 : vector<1x1x16xf32> to vector<16xf32>
        %add3A_1990 = arith.addf %add3A_1977, %get3A_1989 : vector<16xf32>
        %mul3A_1991 = arith.constant 2 : i32
        %mul3A_1992 = arith.muli %mul3A_1991, %scan3A_1637 : i32
        %add3A_1993 = arith.constant 50 : i32
        %add3A_1994 = arith.addi %add3A_1993, %mul3A_1992 : i32
        %add3A_1995 = arith.constant 0 : i32
        %add3A_1996 = arith.addi %add3A_1994, %add3A_1995 : i32
        %get3A_1997 = arith.constant 4 : i32
        %get3A_1998 = arith.index_cast %get3A_1997 : i32 to index
        %get3A_1999 = arith.index_cast %add3A_1996 : i32 to index
        %get3A_2000 = arith.constant 80 : index
        %get3A_2001 = tpu.vector_load %arg12[%get3A_1998, %get3A_1999, %get3A_2000] {strides = array<i32>} : memref<6x100x128xf32, #tpu.memory_space<vmem>>, vector<1x1x16xf32>,
        %get3A_2002 = vector.shape_cast %get3A_2001 : vector<1x1x16xf32> to vector<16xf32>
        %add3A_2003 = arith.addf %scan3A_1651, %get3A_2002 : vector<16xf32>
        %mul3A_2004 = arith.constant 2 : i32
        %mul3A_2005 = arith.muli %mul3A_2004, %scan3A_1637 : i32
        %add3A_2006 = arith.constant 50 : i32
        %add3A_2007 = arith.addi %add3A_2006, %mul3A_2005 : i32
        %add3A_2008 = arith.constant 1 : i32
        %add3A_2009 = arith.addi %add3A_2007, %add3A_2008 : i32
        %get3A_2010 = arith.constant 4 : i32
        %get3A_2011 = arith.index_cast %get3A_2010 : i32 to index
        %get3A_2012 = arith.index_cast %add3A_2009 : i32 to index
        %get3A_2013 = arith.constant 80 : index
        %get3A_2014 = tpu.vector_load %arg12[%get3A_2011, %get3A_2012, %get3A_2013] {strides = array<i32>} : memref<6x100x128xf32, #tpu.memory_space<vmem>>, vector<1x1x16xf32>,
        %get3A_2015 = vector.shape_cast %get3A_2014 : vector<1x1x16xf32> to vector<16xf32>
        %add3A_2016 = arith.addf %add3A_2003, %get3A_2015 : vector<16xf32>
        %mul3A_2017 = arith.constant 2 : i32
        %mul3A_2018 = arith.muli %mul3A_2017, %scan3A_1637 : i32
        %add3A_2019 = arith.constant 50 : i32
        %add3A_2020 = arith.addi %add3A_2019, %mul3A_2018 : i32
        %add3A_2021 = arith.constant 0 : i32
        %add3A_2022 = arith.addi %add3A_2020, %add3A_2021 : i32
        %get3A_2023 = arith.constant 4 : i32
        %get3A_2024 = arith.index_cast %get3A_2023 : i32 to index
        %get3A_2025 = arith.index_cast %add3A_2022 : i32 to index
        %get3A_2026 = arith.constant 96 : index
        %get3A_2027 = tpu.vector_load %arg12[%get3A_2024, %get3A_2025, %get3A_2026] {strides = array<i32>} : memref<6x100x128xf32, #tpu.memory_space<vmem>>, vector<1x1x16xf32>,
        %get3A_2028 = vector.shape_cast %get3A_2027 : vector<1x1x16xf32> to vector<16xf32>
        %add3A_2029 = arith.addf %scan3A_1652, %get3A_2028 : vector<16xf32>
        %mul3A_2030 = arith.constant 2 : i32
        %mul3A_2031 = arith.muli %mul3A_2030, %scan3A_1637 : i32
        %add3A_2032 = arith.constant 50 : i32
        %add3A_2033 = arith.addi %add3A_2032, %mul3A_2031 : i32
        %add3A_2034 = arith.constant 1 : i32
        %add3A_2035 = arith.addi %add3A_2033, %add3A_2034 : i32
        %get3A_2036 = arith.constant 4 : i32
        %get3A_2037 = arith.index_cast %get3A_2036 : i32 to index
        %get3A_2038 = arith.index_cast %add3A_2035 : i32 to index
        %get3A_2039 = arith.constant 96 : index
        %get3A_2040 = tpu.vector_load %arg12[%get3A_2037, %get3A_2038, %get3A_2039] {strides = array<i32>} : memref<6x100x128xf32, #tpu.memory_space<vmem>>, vector<1x1x16xf32>,
        %get3A_2041 = vector.shape_cast %get3A_2040 : vector<1x1x16xf32> to vector<16xf32>
        %add3A_2042 = arith.addf %add3A_2029, %get3A_2041 : vector<16xf32>
        %mul3A_2043 = arith.constant 2 : i32
        %mul3A_2044 = arith.muli %mul3A_2043, %scan3A_1637 : i32
        %add3A_2045 = arith.constant 50 : i32
        %add3A_2046 = arith.addi %add3A_2045, %mul3A_2044 : i32
        %add3A_2047 = arith.constant 0 : i32
        %add3A_2048 = arith.addi %add3A_2046, %add3A_2047 : i32
        %get3A_2049 = arith.constant 4 : i32
        %get3A_2050 = arith.index_cast %get3A_2049 : i32 to index
        %get3A_2051 = arith.index_cast %add3A_2048 : i32 to index
        %get3A_2052 = arith.constant 112 : index
        %get3A_2053 = tpu.vector_load %arg12[%get3A_2050, %get3A_2051, %get3A_2052] {strides = array<i32>} : memref<6x100x128xf32, #tpu.memory_space<vmem>>, vector<1x1x16xf32>,
        %get3A_2054 = vector.shape_cast %get3A_2053 : vector<1x1x16xf32> to vector<16xf32>
        %add3A_2055 = arith.addf %scan3A_1653, %get3A_2054 : vector<16xf32>
        %mul3A_2056 = arith.constant 2 : i32
        %mul3A_2057 = arith.muli %mul3A_2056, %scan3A_1637 : i32
        %add3A_2058 = arith.constant 50 : i32
        %add3A_2059 = arith.addi %add3A_2058, %mul3A_2057 : i32
        %add3A_2060 = arith.constant 1 : i32
        %add3A_2061 = arith.addi %add3A_2059, %add3A_2060 : i32
        %get3A_2062 = arith.constant 4 : i32
        %get3A_2063 = arith.index_cast %get3A_2062 : i32 to index
        %get3A_2064 = arith.index_cast %add3A_2061 : i32 to index
        %get3A_2065 = arith.constant 112 : index
        %get3A_2066 = tpu.vector_load %arg12[%get3A_2063, %get3A_2064, %get3A_2065] {strides = array<i32>} : memref<6x100x128xf32, #tpu.memory_space<vmem>>, vector<1x1x16xf32>,
        %get3A_2067 = vector.shape_cast %get3A_2066 : vector<1x1x16xf32> to vector<16xf32>
        %add3A_2068 = arith.addf %add3A_2055, %get3A_2067 : vector<16xf32>
        scf.yield %add3A_1678, %add3A_1704, %add3A_1730, %add3A_1756, %add3A_1782, %add3A_1808, %add3A_1834, %add3A_1860, %add3A_1886, %add3A_1912, %add3A_1938, %add3A_1964, %add3A_1990, %add3A_2016, %add3A_2042, %add3A_2068 : vector<16xf32>, vector<16xf32>, vector<16xf32>, vector<16xf32>, vector<16xf32>, vector<16xf32>, vector<16xf32>, vector<16xf32>, vector<16xf32>, vector<16xf32>, vector<16xf32>, vector<16xf32>, vector<16xf32>, vector<16xf32>, vector<16xf32>, vector<16xf32>
      }
      %scan3A_1233 = arith.constant 25 : i32
      %ge3A_1234 = arith.constant 6 : i32
      %ge3A_1235 = arith.cmpi sge, %add3A_1164, %ge3A_1234 : i32
      %convert_element_type3A_1236 = arith.extui %ge3A_1235 : i1 to i32
      %cond3A_1237 = arith.constant 0 : i32
      %cond3A_1238 = arith.cmpi ne, %convert_element_type3A_1236, %cond3A_1237 : i32
      scf.if %cond3A_1238 {
        %sub3A_1637 = arith.constant 2 : i32
        %sub3A_1638 = arith.subi %add3A_1168, %sub3A_1637 : i32
        %mul3A_1639 = arith.constant 2 : i32
        %mul3A_1640 = arith.muli %sub3A_1638, %mul3A_1639 : i32
        %add3A_1641 = arith.addi %mul3A_4, %mul3A_1640 : i32
        %dma_wait3A_1642 = arith.constant 4 : i32
        %dma_wait3A_1643 = arith.constant 8 : i32
        %dma_wait3A_1644 = arith.constant 0 : i32
        %dma_wait3A_1645 = tpu.memref_slice %arg13[%dma_wait3A_1643, %dma_wait3A_1644] : memref<12x128xf32, #tpu.memory_space<vmem>> -> memref<2x128xf32, #tpu.memory_space<vmem>>
        %dma_wait3A_1646 = arith.constant 128 : i32
        %dma_wait3A_1647 = tpu.memref_slice %arg8[%add3A_1641, %dma_wait3A_1646] : memref<4096x384xf32, #tpu.memory_space<hbm>> -> memref<2x128xf32, #tpu.memory_space<hbm>>
        %dma_wait3A_1648 = tpu.memref_slice %arg15[%dma_wait3A_1642] : memref<6x!tpu.dma_semaphore, #tpu.memory_space<semaphore_mem>> -> memref<1x!tpu.dma_semaphore, #tpu.memory_space<semaphore_mem>>
        %dma_wait3A_1649 = tpu.memref_squeeze %dma_wait3A_1648 : memref<1x!tpu.dma_semaphore, #tpu.memory_space<semaphore_mem>> -> memref<!tpu.dma_semaphore, #tpu.memory_space<semaphore_mem>>
        %dma_wait3A_1650 = arith.constant 128 : i32
        %dma_wait3A_1651 = tpu.memref_slice %arg8[%add3A_1641, %dma_wait3A_1650] : memref<4096x384xf32, #tpu.memory_space<hbm>> -> memref<2x128xf32, #tpu.memory_space<hbm>>
        %dma_wait3A_1652 = arith.constant 8 : i32
        %dma_wait3A_1653 = arith.constant 0 : i32
        %dma_wait3A_1654 = tpu.memref_slice %arg13[%dma_wait3A_1652, %dma_wait3A_1653] : memref<12x128xf32, #tpu.memory_space<vmem>> -> memref<2x128xf32, #tpu.memory_space<vmem>>
        tpu.wait_dma2 semaphore(%dma_wait3A_1649 : memref<!tpu.dma_semaphore, #tpu.memory_space<semaphore_mem>>) src(%dma_wait3A_1654 : memref<2x128xf32, #tpu.memory_space<vmem>>) dst(%dma_wait3A_1651 : memref<2x128xf32, #tpu.memory_space<hbm>>)
      } else {
      }
      %mul3A_1239 = arith.constant 2.000000e-02 : f32
      %mul3A_1240 = vector.broadcast %mul3A_1239 : f32 to vector<16xf32>
      %mul3A_1241 = arith.mulf %scan3A_1232#0, %mul3A_1240 : vector<16xf32>
      %swap3A_1242 = arith.constant 8 : i32
      %swap3A_1243 = arith.index_cast %swap3A_1242 : i32 to index
      %swap3A_1244 = arith.constant 0 : index
      %swap3A_1245 = tpu.vector_load %arg13[%swap3A_1243, %swap3A_1244] {strides = array<i32>} : memref<12x128xf32, #tpu.memory_space<vmem>>, vector<1x16xf32>,
      %swap3A_1246 = vector.shape_cast %swap3A_1245 : vector<1x16xf32> to vector<16xf32>
      %swap3A_1247 = vector.shape_cast %mul3A_1241 : vector<16xf32> to vector<1x16xf32>
      tpu.vector_store %arg13[%swap3A_1243, %swap3A_1244], %swap3A_1247 {strides = array<i32>} : memref<12x128xf32, #tpu.memory_space<vmem>>, vector<1x16xf32>,
      %mul3A_1248 = arith.constant 2.000000e-02 : f32
      %mul3A_1249 = vector.broadcast %mul3A_1248 : f32 to vector<16xf32>
      %mul3A_1250 = arith.mulf %scan3A_1232#1, %mul3A_1249 : vector<16xf32>
      %swap3A_1251 = arith.constant 8 : i32
      %swap3A_1252 = arith.index_cast %swap3A_1251 : i32 to index
      %swap3A_1253 = arith.constant 16 : index
      %swap3A_1254 = tpu.vector_load %arg13[%swap3A_1252, %swap3A_1253] {strides = array<i32>} : memref<12x128xf32, #tpu.memory_space<vmem>>, vector<1x16xf32>,
      %swap3A_1255 = vector.shape_cast %swap3A_1254 : vector<1x16xf32> to vector<16xf32>
      %swap3A_1256 = vector.shape_cast %mul3A_1250 : vector<16xf32> to vector<1x16xf32>
      tpu.vector_store %arg13[%swap3A_1252, %swap3A_1253], %swap3A_1256 {strides = array<i32>} : memref<12x128xf32, #tpu.memory_space<vmem>>, vector<1x16xf32>,
      %mul3A_1257 = arith.constant 2.000000e-02 : f32
      %mul3A_1258 = vector.broadcast %mul3A_1257 : f32 to vector<16xf32>
      %mul3A_1259 = arith.mulf %scan3A_1232#2, %mul3A_1258 : vector<16xf32>
      %swap3A_1260 = arith.constant 8 : i32
      %swap3A_1261 = arith.index_cast %swap3A_1260 : i32 to index
      %swap3A_1262 = arith.constant 32 : index
      %swap3A_1263 = tpu.vector_load %arg13[%swap3A_1261, %swap3A_1262] {strides = array<i32>} : memref<12x128xf32, #tpu.memory_space<vmem>>, vector<1x16xf32>,
      %swap3A_1264 = vector.shape_cast %swap3A_1263 : vector<1x16xf32> to vector<16xf32>
      %swap3A_1265 = vector.shape_cast %mul3A_1259 : vector<16xf32> to vector<1x16xf32>
      tpu.vector_store %arg13[%swap3A_1261, %swap3A_1262], %swap3A_1265 {strides = array<i32>} : memref<12x128xf32, #tpu.memory_space<vmem>>, vector<1x16xf32>,
      %mul3A_1266 = arith.constant 2.000000e-02 : f32
      %mul3A_1267 = vector.broadcast %mul3A_1266 : f32 to vector<16xf32>
      %mul3A_1268 = arith.mulf %scan3A_1232#3, %mul3A_1267 : vector<16xf32>
      %swap3A_1269 = arith.constant 8 : i32
      %swap3A_1270 = arith.index_cast %swap3A_1269 : i32 to index
      %swap3A_1271 = arith.constant 48 : index
      %swap3A_1272 = tpu.vector_load %arg13[%swap3A_1270, %swap3A_1271] {strides = array<i32>} : memref<12x128xf32, #tpu.memory_space<vmem>>, vector<1x16xf32>,
      %swap3A_1273 = vector.shape_cast %swap3A_1272 : vector<1x16xf32> to vector<16xf32>
      %swap3A_1274 = vector.shape_cast %mul3A_1268 : vector<16xf32> to vector<1x16xf32>
      tpu.vector_store %arg13[%swap3A_1270, %swap3A_1271], %swap3A_1274 {strides = array<i32>} : memref<12x128xf32, #tpu.memory_space<vmem>>, vector<1x16xf32>,
      %mul3A_1275 = arith.constant 2.000000e-02 : f32
      %mul3A_1276 = vector.broadcast %mul3A_1275 : f32 to vector<16xf32>
      %mul3A_1277 = arith.mulf %scan3A_1232#4, %mul3A_1276 : vector<16xf32>
      %swap3A_1278 = arith.constant 8 : i32
      %swap3A_1279 = arith.index_cast %swap3A_1278 : i32 to index
      %swap3A_1280 = arith.constant 64 : index
      %swap3A_1281 = tpu.vector_load %arg13[%swap3A_1279, %swap3A_1280] {strides = array<i32>} : memref<12x128xf32, #tpu.memory_space<vmem>>, vector<1x16xf32>,
      %swap3A_1282 = vector.shape_cast %swap3A_1281 : vector<1x16xf32> to vector<16xf32>
      %swap3A_1283 = vector.shape_cast %mul3A_1277 : vector<16xf32> to vector<1x16xf32>
      tpu.vector_store %arg13[%swap3A_1279, %swap3A_1280], %swap3A_1283 {strides = array<i32>} : memref<12x128xf32, #tpu.memory_space<vmem>>, vector<1x16xf32>,
      %mul3A_1284 = arith.constant 2.000000e-02 : f32
      %mul3A_1285 = vector.broadcast %mul3A_1284 : f32 to vector<16xf32>
      %mul3A_1286 = arith.mulf %scan3A_1232#5, %mul3A_1285 : vector<16xf32>
      %swap3A_1287 = arith.constant 8 : i32
      %swap3A_1288 = arith.index_cast %swap3A_1287 : i32 to index
      %swap3A_1289 = arith.constant 80 : index
      %swap3A_1290 = tpu.vector_load %arg13[%swap3A_1288, %swap3A_1289] {strides = array<i32>} : memref<12x128xf32, #tpu.memory_space<vmem>>, vector<1x16xf32>,
      %swap3A_1291 = vector.shape_cast %swap3A_1290 : vector<1x16xf32> to vector<16xf32>
      %swap3A_1292 = vector.shape_cast %mul3A_1286 : vector<16xf32> to vector<1x16xf32>
      tpu.vector_store %arg13[%swap3A_1288, %swap3A_1289], %swap3A_1292 {strides = array<i32>} : memref<12x128xf32, #tpu.memory_space<vmem>>, vector<1x16xf32>,
      %mul3A_1293 = arith.constant 2.000000e-02 : f32
      %mul3A_1294 = vector.broadcast %mul3A_1293 : f32 to vector<16xf32>
      %mul3A_1295 = arith.mulf %scan3A_1232#6, %mul3A_1294 : vector<16xf32>
      %swap3A_1296 = arith.constant 8 : i32
      %swap3A_1297 = arith.index_cast %swap3A_1296 : i32 to index
      %swap3A_1298 = arith.constant 96 : index
      %swap3A_1299 = tpu.vector_load %arg13[%swap3A_1297, %swap3A_1298] {strides = array<i32>} : memref<12x128xf32, #tpu.memory_space<vmem>>, vector<1x16xf32>,
      %swap3A_1300 = vector.shape_cast %swap3A_1299 : vector<1x16xf32> to vector<16xf32>
      %swap3A_1301 = vector.shape_cast %mul3A_1295 : vector<16xf32> to vector<1x16xf32>
      tpu.vector_store %arg13[%swap3A_1297, %swap3A_1298], %swap3A_1301 {strides = array<i32>} : memref<12x128xf32, #tpu.memory_space<vmem>>, vector<1x16xf32>,
      %mul3A_1302 = arith.constant 2.000000e-02 : f32
      %mul3A_1303 = vector.broadcast %mul3A_1302 : f32 to vector<16xf32>
      %mul3A_1304 = arith.mulf %scan3A_1232#7, %mul3A_1303 : vector<16xf32>
      %swap3A_1305 = arith.constant 8 : i32
      %swap3A_1306 = arith.index_cast %swap3A_1305 : i32 to index
      %swap3A_1307 = arith.constant 112 : index
      %swap3A_1308 = tpu.vector_load %arg13[%swap3A_1306, %swap3A_1307] {strides = array<i32>} : memref<12x128xf32, #tpu.memory_space<vmem>>, vector<1x16xf32>,
      %swap3A_1309 = vector.shape_cast %swap3A_1308 : vector<1x16xf32> to vector<16xf32>
      %swap3A_1310 = vector.shape_cast %mul3A_1304 : vector<16xf32> to vector<1x16xf32>
      tpu.vector_store %arg13[%swap3A_1306, %swap3A_1307], %swap3A_1310 {strides = array<i32>} : memref<12x128xf32, #tpu.memory_space<vmem>>, vector<1x16xf32>,
      %mul3A_1311 = arith.constant 2.000000e-02 : f32
      %mul3A_1312 = vector.broadcast %mul3A_1311 : f32 to vector<16xf32>
      %mul3A_1313 = arith.mulf %scan3A_1232#8, %mul3A_1312 : vector<16xf32>
      %swap3A_1314 = arith.constant 9 : i32
      %swap3A_1315 = arith.index_cast %swap3A_1314 : i32 to index
      %swap3A_1316 = arith.constant 0 : index
      %swap3A_1317 = tpu.vector_load %arg13[%swap3A_1315, %swap3A_1316] {strides = array<i32>} : memref<12x128xf32, #tpu.memory_space<vmem>>, vector<1x16xf32>,
      %swap3A_1318 = vector.shape_cast %swap3A_1317 : vector<1x16xf32> to vector<16xf32>
      %swap3A_1319 = vector.shape_cast %mul3A_1313 : vector<16xf32> to vector<1x16xf32>
      tpu.vector_store %arg13[%swap3A_1315, %swap3A_1316], %swap3A_1319 {strides = array<i32>} : memref<12x128xf32, #tpu.memory_space<vmem>>, vector<1x16xf32>,
      %mul3A_1320 = arith.constant 2.000000e-02 : f32
      %mul3A_1321 = vector.broadcast %mul3A_1320 : f32 to vector<16xf32>
      %mul3A_1322 = arith.mulf %scan3A_1232#9, %mul3A_1321 : vector<16xf32>
      %swap3A_1323 = arith.constant 9 : i32
      %swap3A_1324 = arith.index_cast %swap3A_1323 : i32 to index
      %swap3A_1325 = arith.constant 16 : index
      %swap3A_1326 = tpu.vector_load %arg13[%swap3A_1324, %swap3A_1325] {strides = array<i32>} : memref<12x128xf32, #tpu.memory_space<vmem>>, vector<1x16xf32>,
      %swap3A_1327 = vector.shape_cast %swap3A_1326 : vector<1x16xf32> to vector<16xf32>
      %swap3A_1328 = vector.shape_cast %mul3A_1322 : vector<16xf32> to vector<1x16xf32>
      tpu.vector_store %arg13[%swap3A_1324, %swap3A_1325], %swap3A_1328 {strides = array<i32>} : memref<12x128xf32, #tpu.memory_space<vmem>>, vector<1x16xf32>,
      %mul3A_1329 = arith.constant 2.000000e-02 : f32
      %mul3A_1330 = vector.broadcast %mul3A_1329 : f32 to vector<16xf32>
      %mul3A_1331 = arith.mulf %scan3A_1232#10, %mul3A_1330 : vector<16xf32>
      %swap3A_1332 = arith.constant 9 : i32
      %swap3A_1333 = arith.index_cast %swap3A_1332 : i32 to index
      %swap3A_1334 = arith.constant 32 : index
      %swap3A_1335 = tpu.vector_load %arg13[%swap3A_1333, %swap3A_1334] {strides = array<i32>} : memref<12x128xf32, #tpu.memory_space<vmem>>, vector<1x16xf32>,
      %swap3A_1336 = vector.shape_cast %swap3A_1335 : vector<1x16xf32> to vector<16xf32>
      %swap3A_1337 = vector.shape_cast %mul3A_1331 : vector<16xf32> to vector<1x16xf32>
      tpu.vector_store %arg13[%swap3A_1333, %swap3A_1334], %swap3A_1337 {strides = array<i32>} : memref<12x128xf32, #tpu.memory_space<vmem>>, vector<1x16xf32>,
      %mul3A_1338 = arith.constant 2.000000e-02 : f32
      %mul3A_1339 = vector.broadcast %mul3A_1338 : f32 to vector<16xf32>
      %mul3A_1340 = arith.mulf %scan3A_1232#11, %mul3A_1339 : vector<16xf32>
      %swap3A_1341 = arith.constant 9 : i32
      %swap3A_1342 = arith.index_cast %swap3A_1341 : i32 to index
      %swap3A_1343 = arith.constant 48 : index
      %swap3A_1344 = tpu.vector_load %arg13[%swap3A_1342, %swap3A_1343] {strides = array<i32>} : memref<12x128xf32, #tpu.memory_space<vmem>>, vector<1x16xf32>,
      %swap3A_1345 = vector.shape_cast %swap3A_1344 : vector<1x16xf32> to vector<16xf32>
      %swap3A_1346 = vector.shape_cast %mul3A_1340 : vector<16xf32> to vector<1x16xf32>
      tpu.vector_store %arg13[%swap3A_1342, %swap3A_1343], %swap3A_1346 {strides = array<i32>} : memref<12x128xf32, #tpu.memory_space<vmem>>, vector<1x16xf32>,
      %mul3A_1347 = arith.constant 2.000000e-02 : f32
      %mul3A_1348 = vector.broadcast %mul3A_1347 : f32 to vector<16xf32>
      %mul3A_1349 = arith.mulf %scan3A_1232#12, %mul3A_1348 : vector<16xf32>
      %swap3A_1350 = arith.constant 9 : i32
      %swap3A_1351 = arith.index_cast %swap3A_1350 : i32 to index
      %swap3A_1352 = arith.constant 64 : index
      %swap3A_1353 = tpu.vector_load %arg13[%swap3A_1351, %swap3A_1352] {strides = array<i32>} : memref<12x128xf32, #tpu.memory_space<vmem>>, vector<1x16xf32>,
      %swap3A_1354 = vector.shape_cast %swap3A_1353 : vector<1x16xf32> to vector<16xf32>
      %swap3A_1355 = vector.shape_cast %mul3A_1349 : vector<16xf32> to vector<1x16xf32>
      tpu.vector_store %arg13[%swap3A_1351, %swap3A_1352], %swap3A_1355 {strides = array<i32>} : memref<12x128xf32, #tpu.memory_space<vmem>>, vector<1x16xf32>,
      %mul3A_1356 = arith.constant 2.000000e-02 : f32
      %mul3A_1357 = vector.broadcast %mul3A_1356 : f32 to vector<16xf32>
      %mul3A_1358 = arith.mulf %scan3A_1232#13, %mul3A_1357 : vector<16xf32>
      %swap3A_1359 = arith.constant 9 : i32
      %swap3A_1360 = arith.index_cast %swap3A_1359 : i32 to index
      %swap3A_1361 = arith.constant 80 : index
      %swap3A_1362 = tpu.vector_load %arg13[%swap3A_1360, %swap3A_1361] {strides = array<i32>} : memref<12x128xf32, #tpu.memory_space<vmem>>, vector<1x16xf32>,
      %swap3A_1363 = vector.shape_cast %swap3A_1362 : vector<1x16xf32> to vector<16xf32>
      %swap3A_1364 = vector.shape_cast %mul3A_1358 : vector<16xf32> to vector<1x16xf32>
      tpu.vector_store %arg13[%swap3A_1360, %swap3A_1361], %swap3A_1364 {strides = array<i32>} : memref<12x128xf32, #tpu.memory_space<vmem>>, vector<1x16xf32>,
      %mul3A_1365 = arith.constant 2.000000e-02 : f32
      %mul3A_1366 = vector.broadcast %mul3A_1365 : f32 to vector<16xf32>
      %mul3A_1367 = arith.mulf %scan3A_1232#14, %mul3A_1366 : vector<16xf32>
      %swap3A_1368 = arith.constant 9 : i32
      %swap3A_1369 = arith.index_cast %swap3A_1368 : i32 to index
      %swap3A_1370 = arith.constant 96 : index
      %swap3A_1371 = tpu.vector_load %arg13[%swap3A_1369, %swap3A_1370] {strides = array<i32>} : memref<12x128xf32, #tpu.memory_space<vmem>>, vector<1x16xf32>,
      %swap3A_1372 = vector.shape_cast %swap3A_1371 : vector<1x16xf32> to vector<16xf32>
      %swap3A_1373 = vector.shape_cast %mul3A_1367 : vector<16xf32> to vector<1x16xf32>
      tpu.vector_store %arg13[%swap3A_1369, %swap3A_1370], %swap3A_1373 {strides = array<i32>} : memref<12x128xf32, #tpu.memory_space<vmem>>, vector<1x16xf32>,
      %mul3A_1374 = arith.constant 2.000000e-02 : f32
      %mul3A_1375 = vector.broadcast %mul3A_1374 : f32 to vector<16xf32>
      %mul3A_1376 = arith.mulf %scan3A_1232#15, %mul3A_1375 : vector<16xf32>
      %swap3A_1377 = arith.constant 9 : i32
      %swap3A_1378 = arith.index_cast %swap3A_1377 : i32 to index
      %swap3A_1379 = arith.constant 112 : index
      %swap3A_1380 = tpu.vector_load %arg13[%swap3A_1378, %swap3A_1379] {strides = array<i32>} : memref<12x128xf32, #tpu.memory_space<vmem>>, vector<1x16xf32>,
      %swap3A_1381 = vector.shape_cast %swap3A_1380 : vector<1x16xf32> to vector<16xf32>
      %swap3A_1382 = vector.shape_cast %mul3A_1376 : vector<16xf32> to vector<1x16xf32>
      tpu.vector_store %arg13[%swap3A_1378, %swap3A_1379], %swap3A_1382 {strides = array<i32>} : memref<12x128xf32, #tpu.memory_space<vmem>>, vector<1x16xf32>,
      %mul3A_1383 = arith.constant 2 : i32
      %mul3A_1384 = arith.muli %add3A_1168, %mul3A_1383 : i32
      %add3A_1385 = arith.addi %mul3A_4, %mul3A_1384 : i32
      %dma_start3A_1386 = arith.constant 4 : i32
      %dma_start3A_1387 = arith.constant 8 : i32
      %dma_start3A_1388 = arith.constant 0 : i32
      %dma_start3A_1389 = tpu.memref_slice %arg13[%dma_start3A_1387, %dma_start3A_1388] : memref<12x128xf32, #tpu.memory_space<vmem>> -> memref<2x128xf32, #tpu.memory_space<vmem>>
      %dma_start3A_1390 = arith.constant 128 : i32
      %dma_start3A_1391 = tpu.memref_slice %arg8[%add3A_1385, %dma_start3A_1390] : memref<4096x384xf32, #tpu.memory_space<hbm>> -> memref<2x128xf32, #tpu.memory_space<hbm>>
      %dma_start3A_1392 = tpu.memref_slice %arg15[%dma_start3A_1386] : memref<6x!tpu.dma_semaphore, #tpu.memory_space<semaphore_mem>> -> memref<1x!tpu.dma_semaphore, #tpu.memory_space<semaphore_mem>>
      %dma_start3A_1393 = tpu.memref_squeeze %dma_start3A_1392 : memref<1x!tpu.dma_semaphore, #tpu.memory_space<semaphore_mem>> -> memref<!tpu.dma_semaphore, #tpu.memory_space<semaphore_mem>>
      %dma_start3A_1394 = arith.constant 128 : i32
      %dma_start3A_1395 = tpu.memref_slice %arg8[%add3A_1385, %dma_start3A_1394] : memref<4096x384xf32, #tpu.memory_space<hbm>> -> memref<2x128xf32, #tpu.memory_space<hbm>>
      %dma_start3A_1396 = arith.constant 8 : i32
      %dma_start3A_1397 = arith.constant 0 : i32
      %dma_start3A_1398 = tpu.memref_slice %arg13[%dma_start3A_1396, %dma_start3A_1397] : memref<12x128xf32, #tpu.memory_space<vmem>> -> memref<2x128xf32, #tpu.memory_space<vmem>>
      tpu.enqueue_dma source(%dma_start3A_1398 : memref<2x128xf32, #tpu.memory_space<vmem>>) target(%dma_start3A_1395 : memref<2x128xf32, #tpu.memory_space<hbm>>) target_semaphore(%dma_start3A_1393 : memref<!tpu.dma_semaphore, #tpu.memory_space<semaphore_mem>>)
      %mul3A_1399 = arith.constant 6 : i32
      %mul3A_1400 = arith.muli %scan3A_215, %mul3A_1399 : i32
      %add3A_1401 = arith.constant 5 : i32
      %add3A_1402 = arith.addi %mul3A_1400, %add3A_1401 : i32
      %mul3A_1403 = arith.constant 2 : i32
      %mul3A_1404 = arith.muli %scan3A_215, %mul3A_1403 : i32
      %add3A_1405 = arith.constant 1 : i32
      %add3A_1406 = arith.addi %mul3A_1404, %add3A_1405 : i32
      %mul3A_1407 = arith.constant 2 : i32
      %mul3A_1408 = arith.muli %scan3A_215, %mul3A_1407 : i32
      %add3A_1409 = arith.constant 3 : i32
      %add3A_1410 = arith.addi %mul3A_1408, %add3A_1409 : i32
      %add3A_1411 = arith.constant 6 : i32
      %add3A_1412 = arith.addi %add3A_1402, %add3A_1411 : i32
      %sub3A_1413 = arith.constant 1 : i32
      %sub3A_1414 = arith.subi %add3A_1412, %sub3A_1413 : i32
      %lt3A_1415 = arith.constant 192 : i32
      %lt3A_1416 = arith.cmpi slt, %sub3A_1414, %lt3A_1415 : i32
      %convert_element_type3A_1417 = arith.extui %lt3A_1416 : i1 to i32
      %cond3A_1418 = arith.constant 0 : i32
      %cond3A_1419 = arith.cmpi ne, %convert_element_type3A_1417, %cond3A_1418 : i32
      scf.if %cond3A_1419 {
        %dma_start3A_1637 = arith.constant 4 : i32
        %dma_start3A_1638 = arith.constant 4 : i32
        %dma_start3A_1639 = arith.constant 0 : i32
        %dma_start3A_1640 = arith.constant 0 : i32
        %dma_start3A_1641 = tpu.memref_slice %arg12[%dma_start3A_1637, %dma_start3A_1639, %dma_start3A_1640] : memref<6x100x128xf32, #tpu.memory_space<vmem>> -> memref<1x100x128xf32, #tpu.memory_space<vmem>>
        %dma_start3A_1642 = tpu.memref_squeeze %dma_start3A_1641 : memref<1x100x128xf32, #tpu.memory_space<vmem>> -> memref<100x128xf32, #tpu.memory_space<vmem>>
        %dma_start3A_1643 = arith.constant 0 : i32
        %dma_start3A_1644 = tpu.memref_slice %arg10[%add3A_1410, %dma_start3A_1643] : memref<64x100xi32, #tpu.memory_space<vmem>> -> memref<1x100xi32, #tpu.memory_space<vmem>>
        %dma_start3A_1645 = tpu.memref_squeeze %dma_start3A_1644 : memref<1x100xi32, #tpu.memory_space<vmem>> -> memref<100xi32, #tpu.memory_space<vmem>>
        %dma_start3A_1646 = arith.constant 0 : i32
        %dma_start3A_1647 = arith.constant 0 : i32
        %dma_start3A_1648 = tpu.memref_slice %arg6[%dma_start3A_1646, %dma_start3A_1647] : memref<100000x128xf32, #tpu.memory_space<hbm>> -> memref<100000x128xf32, #tpu.memory_space<hbm>>
        %dma_start3A_1649 = tpu.memref_slice %arg14[%dma_start3A_1638] : memref<6x!tpu.dma_semaphore, #tpu.memory_space<semaphore_mem>> -> memref<1x!tpu.dma_semaphore, #tpu.memory_space<semaphore_mem>>
        %dma_start3A_1650 = tpu.memref_squeeze %dma_start3A_1649 : memref<1x!tpu.dma_semaphore, #tpu.memory_space<semaphore_mem>> -> memref<!tpu.dma_semaphore, #tpu.memory_space<semaphore_mem>>
        tpu.enqueue_indirect_dma source(%dma_start3A_1648 : memref<100000x128xf32, #tpu.memory_space<hbm>>) target(%dma_start3A_1642 : memref<100x128xf32, #tpu.memory_space<vmem>>) offsets(%dma_start3A_1645 : memref<100xi32, #tpu.memory_space<vmem>>) semaphore(%dma_start3A_1650 : memref<!tpu.dma_semaphore, #tpu.memory_space<semaphore_mem>>)
      } else {
      }
      %dma_wait3A_1420 = arith.constant 5 : i32
      %dma_wait3A_1421 = arith.constant 5 : i32
      %dma_wait3A_1422 = arith.constant 0 : i32
      %dma_wait3A_1423 = arith.constant 0 : i32
      %dma_wait3A_1424 = tpu.memref_slice %arg12[%dma_wait3A_1420, %dma_wait3A_1422, %dma_wait3A_1423] : memref<6x100x128xf32, #tpu.memory_space<vmem>> -> memref<1x100x128xf32, #tpu.memory_space<vmem>>
      %dma_wait3A_1425 = tpu.memref_squeeze %dma_wait3A_1424 : memref<1x100x128xf32, #tpu.memory_space<vmem>> -> memref<100x128xf32, #tpu.memory_space<vmem>>
      %dma_wait3A_1426 = arith.constant 0 : i32
      %dma_wait3A_1427 = tpu.memref_slice %arg11[%add3A_1406, %dma_wait3A_1426] : memref<64x100xi32, #tpu.memory_space<vmem>> -> memref<1x100xi32, #tpu.memory_space<vmem>>
      %dma_wait3A_1428 = tpu.memref_squeeze %dma_wait3A_1427 : memref<1x100xi32, #tpu.memory_space<vmem>> -> memref<100xi32, #tpu.memory_space<vmem>>
      %dma_wait3A_1429 = arith.constant 0 : i32
      %dma_wait3A_1430 = arith.constant 0 : i32
      %dma_wait3A_1431 = tpu.memref_slice %arg7[%dma_wait3A_1429, %dma_wait3A_1430] : memref<100000x128xf32, #tpu.memory_space<hbm>> -> memref<100000x128xf32, #tpu.memory_space<hbm>>
      %dma_wait3A_1432 = tpu.memref_slice %arg14[%dma_wait3A_1421] : memref<6x!tpu.dma_semaphore, #tpu.memory_space<semaphore_mem>> -> memref<1x!tpu.dma_semaphore, #tpu.memory_space<semaphore_mem>>
      %dma_wait3A_1433 = tpu.memref_squeeze %dma_wait3A_1432 : memref<1x!tpu.dma_semaphore, #tpu.memory_space<semaphore_mem>> -> memref<!tpu.dma_semaphore, #tpu.memory_space<semaphore_mem>>
      tpu.wait_indirect_dma semaphore(%dma_wait3A_1433 : memref<!tpu.dma_semaphore, #tpu.memory_space<semaphore_mem>>) src(%dma_wait3A_1431 : memref<100000x128xf32, #tpu.memory_space<hbm>>) dst(%dma_wait3A_1425 : memref<100x128xf32, #tpu.memory_space<vmem>>)
      %broadcast_in_dim3A_1434 = arith.constant 0.000000e+00 : f32
      %broadcast_in_dim3A_1435 = vector.broadcast %broadcast_in_dim3A_1434 : f32 to vector<16xf32>
      %broadcast_in_dim3A_1436 = arith.constant 0.000000e+00 : f32
      %broadcast_in_dim3A_1437 = vector.broadcast %broadcast_in_dim3A_1436 : f32 to vector<16xf32>
      %broadcast_in_dim3A_1438 = arith.constant 0.000000e+00 : f32
      %broadcast_in_dim3A_1439 = vector.broadcast %broadcast_in_dim3A_1438 : f32 to vector<16xf32>
      %broadcast_in_dim3A_1440 = arith.constant 0.000000e+00 : f32
      %broadcast_in_dim3A_1441 = vector.broadcast %broadcast_in_dim3A_1440 : f32 to vector<16xf32>
      %broadcast_in_dim3A_1442 = arith.constant 0.000000e+00 : f32
      %broadcast_in_dim3A_1443 = vector.broadcast %broadcast_in_dim3A_1442 : f32 to vector<16xf32>
      %broadcast_in_dim3A_1444 = arith.constant 0.000000e+00 : f32
      %broadcast_in_dim3A_1445 = vector.broadcast %broadcast_in_dim3A_1444 : f32 to vector<16xf32>
      %broadcast_in_dim3A_1446 = arith.constant 0.000000e+00 : f32
      %broadcast_in_dim3A_1447 = vector.broadcast %broadcast_in_dim3A_1446 : f32 to vector<16xf32>
      %broadcast_in_dim3A_1448 = arith.constant 0.000000e+00 : f32
      %broadcast_in_dim3A_1449 = vector.broadcast %broadcast_in_dim3A_1448 : f32 to vector<16xf32>
      %broadcast_in_dim3A_1450 = arith.constant 0.000000e+00 : f32
      %broadcast_in_dim3A_1451 = vector.broadcast %broadcast_in_dim3A_1450 : f32 to vector<16xf32>
      %broadcast_in_dim3A_1452 = arith.constant 0.000000e+00 : f32
      %broadcast_in_dim3A_1453 = vector.broadcast %broadcast_in_dim3A_1452 : f32 to vector<16xf32>
      %broadcast_in_dim3A_1454 = arith.constant 0.000000e+00 : f32
      %broadcast_in_dim3A_1455 = vector.broadcast %broadcast_in_dim3A_1454 : f32 to vector<16xf32>
      %broadcast_in_dim3A_1456 = arith.constant 0.000000e+00 : f32
      %broadcast_in_dim3A_1457 = vector.broadcast %broadcast_in_dim3A_1456 : f32 to vector<16xf32>
      %broadcast_in_dim3A_1458 = arith.constant 0.000000e+00 : f32
      %broadcast_in_dim3A_1459 = vector.broadcast %broadcast_in_dim3A_1458 : f32 to vector<16xf32>
      %broadcast_in_dim3A_1460 = arith.constant 0.000000e+00 : f32
      %broadcast_in_dim3A_1461 = vector.broadcast %broadcast_in_dim3A_1460 : f32 to vector<16xf32>
      %broadcast_in_dim3A_1462 = arith.constant 0.000000e+00 : f32
      %broadcast_in_dim3A_1463 = vector.broadcast %broadcast_in_dim3A_1462 : f32 to vector<16xf32>
      %broadcast_in_dim3A_1464 = arith.constant 0.000000e+00 : f32
      %broadcast_in_dim3A_1465 = vector.broadcast %broadcast_in_dim3A_1464 : f32 to vector<16xf32>
      %scan3A_1466 = arith.constant 0 : i32
      %scan3A_1467 = arith.constant 25 : i32
      %scan3A_1468 = arith.addi %scan3A_1466, %scan3A_1467 : i32
      %scan3A_1469 = arith.constant 1 : i32
      %scan3A_1470:16 = scf.for %scan3A_1637 = %scan3A_1466 to %scan3A_1468 step %scan3A_1469 iter_args(%scan3A_1638 = %broadcast_in_dim3A_1435, %scan3A_1639 = %broadcast_in_dim3A_1437, %scan3A_1640 = %broadcast_in_dim3A_1439, %scan3A_1641 = %broadcast_in_dim3A_1441, %scan3A_1642 = %broadcast_in_dim3A_1443, %scan3A_1643 = %broadcast_in_dim3A_1445, %scan3A_1644 = %broadcast_in_dim3A_1447, %scan3A_1645 = %broadcast_in_dim3A_1449, %scan3A_1646 = %broadcast_in_dim3A_1451, %scan3A_1647 = %broadcast_in_dim3A_1453, %scan3A_1648 = %broadcast_in_dim3A_1455, %scan3A_1649 = %broadcast_in_dim3A_1457, %scan3A_1650 = %broadcast_in_dim3A_1459, %scan3A_1651 = %broadcast_in_dim3A_1461, %scan3A_1652 = %broadcast_in_dim3A_1463, %scan3A_1653 = %broadcast_in_dim3A_1465) -> (vector<16xf32>, vector<16xf32>, vector<16xf32>, vector<16xf32>, vector<16xf32>, vector<16xf32>, vector<16xf32>, vector<16xf32>, vector<16xf32>, vector<16xf32>, vector<16xf32>, vector<16xf32>, vector<16xf32>, vector<16xf32>, vector<16xf32>, vector<16xf32>)  : i32 {
        %mul3A_1654 = arith.constant 2 : i32
        %mul3A_1655 = arith.muli %mul3A_1654, %scan3A_1637 : i32
        %add3A_1656 = arith.constant 0 : i32
        %add3A_1657 = arith.addi %add3A_1656, %mul3A_1655 : i32
        %add3A_1658 = arith.constant 0 : i32
        %add3A_1659 = arith.addi %add3A_1657, %add3A_1658 : i32
        %get3A = arith.constant 5 : i32
        %get3A_1660 = arith.index_cast %get3A : i32 to index
        %get3A_1661 = arith.index_cast %add3A_1659 : i32 to index
        %get3A_1662 = arith.constant 0 : index
        %get3A_1663 = tpu.vector_load %arg12[%get3A_1660, %get3A_1661, %get3A_1662] {strides = array<i32>} : memref<6x100x128xf32, #tpu.memory_space<vmem>>, vector<1x1x16xf32>,
        %get3A_1664 = vector.shape_cast %get3A_1663 : vector<1x1x16xf32> to vector<16xf32>
        %add3A_1665 = arith.addf %scan3A_1638, %get3A_1664 : vector<16xf32>
        %mul3A_1666 = arith.constant 2 : i32
        %mul3A_1667 = arith.muli %mul3A_1666, %scan3A_1637 : i32
        %add3A_1668 = arith.constant 0 : i32
        %add3A_1669 = arith.addi %add3A_1668, %mul3A_1667 : i32
        %add3A_1670 = arith.constant 1 : i32
        %add3A_1671 = arith.addi %add3A_1669, %add3A_1670 : i32
        %get3A_1672 = arith.constant 5 : i32
        %get3A_1673 = arith.index_cast %get3A_1672 : i32 to index
        %get3A_1674 = arith.index_cast %add3A_1671 : i32 to index
        %get3A_1675 = arith.constant 0 : index
        %get3A_1676 = tpu.vector_load %arg12[%get3A_1673, %get3A_1674, %get3A_1675] {strides = array<i32>} : memref<6x100x128xf32, #tpu.memory_space<vmem>>, vector<1x1x16xf32>,
        %get3A_1677 = vector.shape_cast %get3A_1676 : vector<1x1x16xf32> to vector<16xf32>
        %add3A_1678 = arith.addf %add3A_1665, %get3A_1677 : vector<16xf32>
        %mul3A_1679 = arith.constant 2 : i32
        %mul3A_1680 = arith.muli %mul3A_1679, %scan3A_1637 : i32
        %add3A_1681 = arith.constant 0 : i32
        %add3A_1682 = arith.addi %add3A_1681, %mul3A_1680 : i32
        %add3A_1683 = arith.constant 0 : i32
        %add3A_1684 = arith.addi %add3A_1682, %add3A_1683 : i32
        %get3A_1685 = arith.constant 5 : i32
        %get3A_1686 = arith.index_cast %get3A_1685 : i32 to index
        %get3A_1687 = arith.index_cast %add3A_1684 : i32 to index
        %get3A_1688 = arith.constant 16 : index
        %get3A_1689 = tpu.vector_load %arg12[%get3A_1686, %get3A_1687, %get3A_1688] {strides = array<i32>} : memref<6x100x128xf32, #tpu.memory_space<vmem>>, vector<1x1x16xf32>,
        %get3A_1690 = vector.shape_cast %get3A_1689 : vector<1x1x16xf32> to vector<16xf32>
        %add3A_1691 = arith.addf %scan3A_1639, %get3A_1690 : vector<16xf32>
        %mul3A_1692 = arith.constant 2 : i32
        %mul3A_1693 = arith.muli %mul3A_1692, %scan3A_1637 : i32
        %add3A_1694 = arith.constant 0 : i32
        %add3A_1695 = arith.addi %add3A_1694, %mul3A_1693 : i32
        %add3A_1696 = arith.constant 1 : i32
        %add3A_1697 = arith.addi %add3A_1695, %add3A_1696 : i32
        %get3A_1698 = arith.constant 5 : i32
        %get3A_1699 = arith.index_cast %get3A_1698 : i32 to index
        %get3A_1700 = arith.index_cast %add3A_1697 : i32 to index
        %get3A_1701 = arith.constant 16 : index
        %get3A_1702 = tpu.vector_load %arg12[%get3A_1699, %get3A_1700, %get3A_1701] {strides = array<i32>} : memref<6x100x128xf32, #tpu.memory_space<vmem>>, vector<1x1x16xf32>,
        %get3A_1703 = vector.shape_cast %get3A_1702 : vector<1x1x16xf32> to vector<16xf32>
        %add3A_1704 = arith.addf %add3A_1691, %get3A_1703 : vector<16xf32>
        %mul3A_1705 = arith.constant 2 : i32
        %mul3A_1706 = arith.muli %mul3A_1705, %scan3A_1637 : i32
        %add3A_1707 = arith.constant 0 : i32
        %add3A_1708 = arith.addi %add3A_1707, %mul3A_1706 : i32
        %add3A_1709 = arith.constant 0 : i32
        %add3A_1710 = arith.addi %add3A_1708, %add3A_1709 : i32
        %get3A_1711 = arith.constant 5 : i32
        %get3A_1712 = arith.index_cast %get3A_1711 : i32 to index
        %get3A_1713 = arith.index_cast %add3A_1710 : i32 to index
        %get3A_1714 = arith.constant 32 : index
        %get3A_1715 = tpu.vector_load %arg12[%get3A_1712, %get3A_1713, %get3A_1714] {strides = array<i32>} : memref<6x100x128xf32, #tpu.memory_space<vmem>>, vector<1x1x16xf32>,
        %get3A_1716 = vector.shape_cast %get3A_1715 : vector<1x1x16xf32> to vector<16xf32>
        %add3A_1717 = arith.addf %scan3A_1640, %get3A_1716 : vector<16xf32>
        %mul3A_1718 = arith.constant 2 : i32
        %mul3A_1719 = arith.muli %mul3A_1718, %scan3A_1637 : i32
        %add3A_1720 = arith.constant 0 : i32
        %add3A_1721 = arith.addi %add3A_1720, %mul3A_1719 : i32
        %add3A_1722 = arith.constant 1 : i32
        %add3A_1723 = arith.addi %add3A_1721, %add3A_1722 : i32
        %get3A_1724 = arith.constant 5 : i32
        %get3A_1725 = arith.index_cast %get3A_1724 : i32 to index
        %get3A_1726 = arith.index_cast %add3A_1723 : i32 to index
        %get3A_1727 = arith.constant 32 : index
        %get3A_1728 = tpu.vector_load %arg12[%get3A_1725, %get3A_1726, %get3A_1727] {strides = array<i32>} : memref<6x100x128xf32, #tpu.memory_space<vmem>>, vector<1x1x16xf32>,
        %get3A_1729 = vector.shape_cast %get3A_1728 : vector<1x1x16xf32> to vector<16xf32>
        %add3A_1730 = arith.addf %add3A_1717, %get3A_1729 : vector<16xf32>
        %mul3A_1731 = arith.constant 2 : i32
        %mul3A_1732 = arith.muli %mul3A_1731, %scan3A_1637 : i32
        %add3A_1733 = arith.constant 0 : i32
        %add3A_1734 = arith.addi %add3A_1733, %mul3A_1732 : i32
        %add3A_1735 = arith.constant 0 : i32
        %add3A_1736 = arith.addi %add3A_1734, %add3A_1735 : i32
        %get3A_1737 = arith.constant 5 : i32
        %get3A_1738 = arith.index_cast %get3A_1737 : i32 to index
        %get3A_1739 = arith.index_cast %add3A_1736 : i32 to index
        %get3A_1740 = arith.constant 48 : index
        %get3A_1741 = tpu.vector_load %arg12[%get3A_1738, %get3A_1739, %get3A_1740] {strides = array<i32>} : memref<6x100x128xf32, #tpu.memory_space<vmem>>, vector<1x1x16xf32>,
        %get3A_1742 = vector.shape_cast %get3A_1741 : vector<1x1x16xf32> to vector<16xf32>
        %add3A_1743 = arith.addf %scan3A_1641, %get3A_1742 : vector<16xf32>
        %mul3A_1744 = arith.constant 2 : i32
        %mul3A_1745 = arith.muli %mul3A_1744, %scan3A_1637 : i32
        %add3A_1746 = arith.constant 0 : i32
        %add3A_1747 = arith.addi %add3A_1746, %mul3A_1745 : i32
        %add3A_1748 = arith.constant 1 : i32
        %add3A_1749 = arith.addi %add3A_1747, %add3A_1748 : i32
        %get3A_1750 = arith.constant 5 : i32
        %get3A_1751 = arith.index_cast %get3A_1750 : i32 to index
        %get3A_1752 = arith.index_cast %add3A_1749 : i32 to index
        %get3A_1753 = arith.constant 48 : index
        %get3A_1754 = tpu.vector_load %arg12[%get3A_1751, %get3A_1752, %get3A_1753] {strides = array<i32>} : memref<6x100x128xf32, #tpu.memory_space<vmem>>, vector<1x1x16xf32>,
        %get3A_1755 = vector.shape_cast %get3A_1754 : vector<1x1x16xf32> to vector<16xf32>
        %add3A_1756 = arith.addf %add3A_1743, %get3A_1755 : vector<16xf32>
        %mul3A_1757 = arith.constant 2 : i32
        %mul3A_1758 = arith.muli %mul3A_1757, %scan3A_1637 : i32
        %add3A_1759 = arith.constant 0 : i32
        %add3A_1760 = arith.addi %add3A_1759, %mul3A_1758 : i32
        %add3A_1761 = arith.constant 0 : i32
        %add3A_1762 = arith.addi %add3A_1760, %add3A_1761 : i32
        %get3A_1763 = arith.constant 5 : i32
        %get3A_1764 = arith.index_cast %get3A_1763 : i32 to index
        %get3A_1765 = arith.index_cast %add3A_1762 : i32 to index
        %get3A_1766 = arith.constant 64 : index
        %get3A_1767 = tpu.vector_load %arg12[%get3A_1764, %get3A_1765, %get3A_1766] {strides = array<i32>} : memref<6x100x128xf32, #tpu.memory_space<vmem>>, vector<1x1x16xf32>,
        %get3A_1768 = vector.shape_cast %get3A_1767 : vector<1x1x16xf32> to vector<16xf32>
        %add3A_1769 = arith.addf %scan3A_1642, %get3A_1768 : vector<16xf32>
        %mul3A_1770 = arith.constant 2 : i32
        %mul3A_1771 = arith.muli %mul3A_1770, %scan3A_1637 : i32
        %add3A_1772 = arith.constant 0 : i32
        %add3A_1773 = arith.addi %add3A_1772, %mul3A_1771 : i32
        %add3A_1774 = arith.constant 1 : i32
        %add3A_1775 = arith.addi %add3A_1773, %add3A_1774 : i32
        %get3A_1776 = arith.constant 5 : i32
        %get3A_1777 = arith.index_cast %get3A_1776 : i32 to index
        %get3A_1778 = arith.index_cast %add3A_1775 : i32 to index
        %get3A_1779 = arith.constant 64 : index
        %get3A_1780 = tpu.vector_load %arg12[%get3A_1777, %get3A_1778, %get3A_1779] {strides = array<i32>} : memref<6x100x128xf32, #tpu.memory_space<vmem>>, vector<1x1x16xf32>,
        %get3A_1781 = vector.shape_cast %get3A_1780 : vector<1x1x16xf32> to vector<16xf32>
        %add3A_1782 = arith.addf %add3A_1769, %get3A_1781 : vector<16xf32>
        %mul3A_1783 = arith.constant 2 : i32
        %mul3A_1784 = arith.muli %mul3A_1783, %scan3A_1637 : i32
        %add3A_1785 = arith.constant 0 : i32
        %add3A_1786 = arith.addi %add3A_1785, %mul3A_1784 : i32
        %add3A_1787 = arith.constant 0 : i32
        %add3A_1788 = arith.addi %add3A_1786, %add3A_1787 : i32
        %get3A_1789 = arith.constant 5 : i32
        %get3A_1790 = arith.index_cast %get3A_1789 : i32 to index
        %get3A_1791 = arith.index_cast %add3A_1788 : i32 to index
        %get3A_1792 = arith.constant 80 : index
        %get3A_1793 = tpu.vector_load %arg12[%get3A_1790, %get3A_1791, %get3A_1792] {strides = array<i32>} : memref<6x100x128xf32, #tpu.memory_space<vmem>>, vector<1x1x16xf32>,
        %get3A_1794 = vector.shape_cast %get3A_1793 : vector<1x1x16xf32> to vector<16xf32>
        %add3A_1795 = arith.addf %scan3A_1643, %get3A_1794 : vector<16xf32>
        %mul3A_1796 = arith.constant 2 : i32
        %mul3A_1797 = arith.muli %mul3A_1796, %scan3A_1637 : i32
        %add3A_1798 = arith.constant 0 : i32
        %add3A_1799 = arith.addi %add3A_1798, %mul3A_1797 : i32
        %add3A_1800 = arith.constant 1 : i32
        %add3A_1801 = arith.addi %add3A_1799, %add3A_1800 : i32
        %get3A_1802 = arith.constant 5 : i32
        %get3A_1803 = arith.index_cast %get3A_1802 : i32 to index
        %get3A_1804 = arith.index_cast %add3A_1801 : i32 to index
        %get3A_1805 = arith.constant 80 : index
        %get3A_1806 = tpu.vector_load %arg12[%get3A_1803, %get3A_1804, %get3A_1805] {strides = array<i32>} : memref<6x100x128xf32, #tpu.memory_space<vmem>>, vector<1x1x16xf32>,
        %get3A_1807 = vector.shape_cast %get3A_1806 : vector<1x1x16xf32> to vector<16xf32>
        %add3A_1808 = arith.addf %add3A_1795, %get3A_1807 : vector<16xf32>
        %mul3A_1809 = arith.constant 2 : i32
        %mul3A_1810 = arith.muli %mul3A_1809, %scan3A_1637 : i32
        %add3A_1811 = arith.constant 0 : i32
        %add3A_1812 = arith.addi %add3A_1811, %mul3A_1810 : i32
        %add3A_1813 = arith.constant 0 : i32
        %add3A_1814 = arith.addi %add3A_1812, %add3A_1813 : i32
        %get3A_1815 = arith.constant 5 : i32
        %get3A_1816 = arith.index_cast %get3A_1815 : i32 to index
        %get3A_1817 = arith.index_cast %add3A_1814 : i32 to index
        %get3A_1818 = arith.constant 96 : index
        %get3A_1819 = tpu.vector_load %arg12[%get3A_1816, %get3A_1817, %get3A_1818] {strides = array<i32>} : memref<6x100x128xf32, #tpu.memory_space<vmem>>, vector<1x1x16xf32>,
        %get3A_1820 = vector.shape_cast %get3A_1819 : vector<1x1x16xf32> to vector<16xf32>
        %add3A_1821 = arith.addf %scan3A_1644, %get3A_1820 : vector<16xf32>
        %mul3A_1822 = arith.constant 2 : i32
        %mul3A_1823 = arith.muli %mul3A_1822, %scan3A_1637 : i32
        %add3A_1824 = arith.constant 0 : i32
        %add3A_1825 = arith.addi %add3A_1824, %mul3A_1823 : i32
        %add3A_1826 = arith.constant 1 : i32
        %add3A_1827 = arith.addi %add3A_1825, %add3A_1826 : i32
        %get3A_1828 = arith.constant 5 : i32
        %get3A_1829 = arith.index_cast %get3A_1828 : i32 to index
        %get3A_1830 = arith.index_cast %add3A_1827 : i32 to index
        %get3A_1831 = arith.constant 96 : index
        %get3A_1832 = tpu.vector_load %arg12[%get3A_1829, %get3A_1830, %get3A_1831] {strides = array<i32>} : memref<6x100x128xf32, #tpu.memory_space<vmem>>, vector<1x1x16xf32>,
        %get3A_1833 = vector.shape_cast %get3A_1832 : vector<1x1x16xf32> to vector<16xf32>
        %add3A_1834 = arith.addf %add3A_1821, %get3A_1833 : vector<16xf32>
        %mul3A_1835 = arith.constant 2 : i32
        %mul3A_1836 = arith.muli %mul3A_1835, %scan3A_1637 : i32
        %add3A_1837 = arith.constant 0 : i32
        %add3A_1838 = arith.addi %add3A_1837, %mul3A_1836 : i32
        %add3A_1839 = arith.constant 0 : i32
        %add3A_1840 = arith.addi %add3A_1838, %add3A_1839 : i32
        %get3A_1841 = arith.constant 5 : i32
        %get3A_1842 = arith.index_cast %get3A_1841 : i32 to index
        %get3A_1843 = arith.index_cast %add3A_1840 : i32 to index
        %get3A_1844 = arith.constant 112 : index
        %get3A_1845 = tpu.vector_load %arg12[%get3A_1842, %get3A_1843, %get3A_1844] {strides = array<i32>} : memref<6x100x128xf32, #tpu.memory_space<vmem>>, vector<1x1x16xf32>,
        %get3A_1846 = vector.shape_cast %get3A_1845 : vector<1x1x16xf32> to vector<16xf32>
        %add3A_1847 = arith.addf %scan3A_1645, %get3A_1846 : vector<16xf32>
        %mul3A_1848 = arith.constant 2 : i32
        %mul3A_1849 = arith.muli %mul3A_1848, %scan3A_1637 : i32
        %add3A_1850 = arith.constant 0 : i32
        %add3A_1851 = arith.addi %add3A_1850, %mul3A_1849 : i32
        %add3A_1852 = arith.constant 1 : i32
        %add3A_1853 = arith.addi %add3A_1851, %add3A_1852 : i32
        %get3A_1854 = arith.constant 5 : i32
        %get3A_1855 = arith.index_cast %get3A_1854 : i32 to index
        %get3A_1856 = arith.index_cast %add3A_1853 : i32 to index
        %get3A_1857 = arith.constant 112 : index
        %get3A_1858 = tpu.vector_load %arg12[%get3A_1855, %get3A_1856, %get3A_1857] {strides = array<i32>} : memref<6x100x128xf32, #tpu.memory_space<vmem>>, vector<1x1x16xf32>,
        %get3A_1859 = vector.shape_cast %get3A_1858 : vector<1x1x16xf32> to vector<16xf32>
        %add3A_1860 = arith.addf %add3A_1847, %get3A_1859 : vector<16xf32>
        %mul3A_1861 = arith.constant 2 : i32
        %mul3A_1862 = arith.muli %mul3A_1861, %scan3A_1637 : i32
        %add3A_1863 = arith.constant 50 : i32
        %add3A_1864 = arith.addi %add3A_1863, %mul3A_1862 : i32
        %add3A_1865 = arith.constant 0 : i32
        %add3A_1866 = arith.addi %add3A_1864, %add3A_1865 : i32
        %get3A_1867 = arith.constant 5 : i32
        %get3A_1868 = arith.index_cast %get3A_1867 : i32 to index
        %get3A_1869 = arith.index_cast %add3A_1866 : i32 to index
        %get3A_1870 = arith.constant 0 : index
        %get3A_1871 = tpu.vector_load %arg12[%get3A_1868, %get3A_1869, %get3A_1870] {strides = array<i32>} : memref<6x100x128xf32, #tpu.memory_space<vmem>>, vector<1x1x16xf32>,
        %get3A_1872 = vector.shape_cast %get3A_1871 : vector<1x1x16xf32> to vector<16xf32>
        %add3A_1873 = arith.addf %scan3A_1646, %get3A_1872 : vector<16xf32>
        %mul3A_1874 = arith.constant 2 : i32
        %mul3A_1875 = arith.muli %mul3A_1874, %scan3A_1637 : i32
        %add3A_1876 = arith.constant 50 : i32
        %add3A_1877 = arith.addi %add3A_1876, %mul3A_1875 : i32
        %add3A_1878 = arith.constant 1 : i32
        %add3A_1879 = arith.addi %add3A_1877, %add3A_1878 : i32
        %get3A_1880 = arith.constant 5 : i32
        %get3A_1881 = arith.index_cast %get3A_1880 : i32 to index
        %get3A_1882 = arith.index_cast %add3A_1879 : i32 to index
        %get3A_1883 = arith.constant 0 : index
        %get3A_1884 = tpu.vector_load %arg12[%get3A_1881, %get3A_1882, %get3A_1883] {strides = array<i32>} : memref<6x100x128xf32, #tpu.memory_space<vmem>>, vector<1x1x16xf32>,
        %get3A_1885 = vector.shape_cast %get3A_1884 : vector<1x1x16xf32> to vector<16xf32>
        %add3A_1886 = arith.addf %add3A_1873, %get3A_1885 : vector<16xf32>
        %mul3A_1887 = arith.constant 2 : i32
        %mul3A_1888 = arith.muli %mul3A_1887, %scan3A_1637 : i32
        %add3A_1889 = arith.constant 50 : i32
        %add3A_1890 = arith.addi %add3A_1889, %mul3A_1888 : i32
        %add3A_1891 = arith.constant 0 : i32
        %add3A_1892 = arith.addi %add3A_1890, %add3A_1891 : i32
        %get3A_1893 = arith.constant 5 : i32
        %get3A_1894 = arith.index_cast %get3A_1893 : i32 to index
        %get3A_1895 = arith.index_cast %add3A_1892 : i32 to index
        %get3A_1896 = arith.constant 16 : index
        %get3A_1897 = tpu.vector_load %arg12[%get3A_1894, %get3A_1895, %get3A_1896] {strides = array<i32>} : memref<6x100x128xf32, #tpu.memory_space<vmem>>, vector<1x1x16xf32>,
        %get3A_1898 = vector.shape_cast %get3A_1897 : vector<1x1x16xf32> to vector<16xf32>
        %add3A_1899 = arith.addf %scan3A_1647, %get3A_1898 : vector<16xf32>
        %mul3A_1900 = arith.constant 2 : i32
        %mul3A_1901 = arith.muli %mul3A_1900, %scan3A_1637 : i32
        %add3A_1902 = arith.constant 50 : i32
        %add3A_1903 = arith.addi %add3A_1902, %mul3A_1901 : i32
        %add3A_1904 = arith.constant 1 : i32
        %add3A_1905 = arith.addi %add3A_1903, %add3A_1904 : i32
        %get3A_1906 = arith.constant 5 : i32
        %get3A_1907 = arith.index_cast %get3A_1906 : i32 to index
        %get3A_1908 = arith.index_cast %add3A_1905 : i32 to index
        %get3A_1909 = arith.constant 16 : index
        %get3A_1910 = tpu.vector_load %arg12[%get3A_1907, %get3A_1908, %get3A_1909] {strides = array<i32>} : memref<6x100x128xf32, #tpu.memory_space<vmem>>, vector<1x1x16xf32>,
        %get3A_1911 = vector.shape_cast %get3A_1910 : vector<1x1x16xf32> to vector<16xf32>
        %add3A_1912 = arith.addf %add3A_1899, %get3A_1911 : vector<16xf32>
        %mul3A_1913 = arith.constant 2 : i32
        %mul3A_1914 = arith.muli %mul3A_1913, %scan3A_1637 : i32
        %add3A_1915 = arith.constant 50 : i32
        %add3A_1916 = arith.addi %add3A_1915, %mul3A_1914 : i32
        %add3A_1917 = arith.constant 0 : i32
        %add3A_1918 = arith.addi %add3A_1916, %add3A_1917 : i32
        %get3A_1919 = arith.constant 5 : i32
        %get3A_1920 = arith.index_cast %get3A_1919 : i32 to index
        %get3A_1921 = arith.index_cast %add3A_1918 : i32 to index
        %get3A_1922 = arith.constant 32 : index
        %get3A_1923 = tpu.vector_load %arg12[%get3A_1920, %get3A_1921, %get3A_1922] {strides = array<i32>} : memref<6x100x128xf32, #tpu.memory_space<vmem>>, vector<1x1x16xf32>,
        %get3A_1924 = vector.shape_cast %get3A_1923 : vector<1x1x16xf32> to vector<16xf32>
        %add3A_1925 = arith.addf %scan3A_1648, %get3A_1924 : vector<16xf32>
        %mul3A_1926 = arith.constant 2 : i32
        %mul3A_1927 = arith.muli %mul3A_1926, %scan3A_1637 : i32
        %add3A_1928 = arith.constant 50 : i32
        %add3A_1929 = arith.addi %add3A_1928, %mul3A_1927 : i32
        %add3A_1930 = arith.constant 1 : i32
        %add3A_1931 = arith.addi %add3A_1929, %add3A_1930 : i32
        %get3A_1932 = arith.constant 5 : i32
        %get3A_1933 = arith.index_cast %get3A_1932 : i32 to index
        %get3A_1934 = arith.index_cast %add3A_1931 : i32 to index
        %get3A_1935 = arith.constant 32 : index
        %get3A_1936 = tpu.vector_load %arg12[%get3A_1933, %get3A_1934, %get3A_1935] {strides = array<i32>} : memref<6x100x128xf32, #tpu.memory_space<vmem>>, vector<1x1x16xf32>,
        %get3A_1937 = vector.shape_cast %get3A_1936 : vector<1x1x16xf32> to vector<16xf32>
        %add3A_1938 = arith.addf %add3A_1925, %get3A_1937 : vector<16xf32>
        %mul3A_1939 = arith.constant 2 : i32
        %mul3A_1940 = arith.muli %mul3A_1939, %scan3A_1637 : i32
        %add3A_1941 = arith.constant 50 : i32
        %add3A_1942 = arith.addi %add3A_1941, %mul3A_1940 : i32
        %add3A_1943 = arith.constant 0 : i32
        %add3A_1944 = arith.addi %add3A_1942, %add3A_1943 : i32
        %get3A_1945 = arith.constant 5 : i32
        %get3A_1946 = arith.index_cast %get3A_1945 : i32 to index
        %get3A_1947 = arith.index_cast %add3A_1944 : i32 to index
        %get3A_1948 = arith.constant 48 : index
        %get3A_1949 = tpu.vector_load %arg12[%get3A_1946, %get3A_1947, %get3A_1948] {strides = array<i32>} : memref<6x100x128xf32, #tpu.memory_space<vmem>>, vector<1x1x16xf32>,
        %get3A_1950 = vector.shape_cast %get3A_1949 : vector<1x1x16xf32> to vector<16xf32>
        %add3A_1951 = arith.addf %scan3A_1649, %get3A_1950 : vector<16xf32>
        %mul3A_1952 = arith.constant 2 : i32
        %mul3A_1953 = arith.muli %mul3A_1952, %scan3A_1637 : i32
        %add3A_1954 = arith.constant 50 : i32
        %add3A_1955 = arith.addi %add3A_1954, %mul3A_1953 : i32
        %add3A_1956 = arith.constant 1 : i32
        %add3A_1957 = arith.addi %add3A_1955, %add3A_1956 : i32
        %get3A_1958 = arith.constant 5 : i32
        %get3A_1959 = arith.index_cast %get3A_1958 : i32 to index
        %get3A_1960 = arith.index_cast %add3A_1957 : i32 to index
        %get3A_1961 = arith.constant 48 : index
        %get3A_1962 = tpu.vector_load %arg12[%get3A_1959, %get3A_1960, %get3A_1961] {strides = array<i32>} : memref<6x100x128xf32, #tpu.memory_space<vmem>>, vector<1x1x16xf32>,
        %get3A_1963 = vector.shape_cast %get3A_1962 : vector<1x1x16xf32> to vector<16xf32>
        %add3A_1964 = arith.addf %add3A_1951, %get3A_1963 : vector<16xf32>
        %mul3A_1965 = arith.constant 2 : i32
        %mul3A_1966 = arith.muli %mul3A_1965, %scan3A_1637 : i32
        %add3A_1967 = arith.constant 50 : i32
        %add3A_1968 = arith.addi %add3A_1967, %mul3A_1966 : i32
        %add3A_1969 = arith.constant 0 : i32
        %add3A_1970 = arith.addi %add3A_1968, %add3A_1969 : i32
        %get3A_1971 = arith.constant 5 : i32
        %get3A_1972 = arith.index_cast %get3A_1971 : i32 to index
        %get3A_1973 = arith.index_cast %add3A_1970 : i32 to index
        %get3A_1974 = arith.constant 64 : index
        %get3A_1975 = tpu.vector_load %arg12[%get3A_1972, %get3A_1973, %get3A_1974] {strides = array<i32>} : memref<6x100x128xf32, #tpu.memory_space<vmem>>, vector<1x1x16xf32>,
        %get3A_1976 = vector.shape_cast %get3A_1975 : vector<1x1x16xf32> to vector<16xf32>
        %add3A_1977 = arith.addf %scan3A_1650, %get3A_1976 : vector<16xf32>
        %mul3A_1978 = arith.constant 2 : i32
        %mul3A_1979 = arith.muli %mul3A_1978, %scan3A_1637 : i32
        %add3A_1980 = arith.constant 50 : i32
        %add3A_1981 = arith.addi %add3A_1980, %mul3A_1979 : i32
        %add3A_1982 = arith.constant 1 : i32
        %add3A_1983 = arith.addi %add3A_1981, %add3A_1982 : i32
        %get3A_1984 = arith.constant 5 : i32
        %get3A_1985 = arith.index_cast %get3A_1984 : i32 to index
        %get3A_1986 = arith.index_cast %add3A_1983 : i32 to index
        %get3A_1987 = arith.constant 64 : index
        %get3A_1988 = tpu.vector_load %arg12[%get3A_1985, %get3A_1986, %get3A_1987] {strides = array<i32>} : memref<6x100x128xf32, #tpu.memory_space<vmem>>, vector<1x1x16xf32>,
        %get3A_1989 = vector.shape_cast %get3A_1988 : vector<1x1x16xf32> to vector<16xf32>
        %add3A_1990 = arith.addf %add3A_1977, %get3A_1989 : vector<16xf32>
        %mul3A_1991 = arith.constant 2 : i32
        %mul3A_1992 = arith.muli %mul3A_1991, %scan3A_1637 : i32
        %add3A_1993 = arith.constant 50 : i32
        %add3A_1994 = arith.addi %add3A_1993, %mul3A_1992 : i32
        %add3A_1995 = arith.constant 0 : i32
        %add3A_1996 = arith.addi %add3A_1994, %add3A_1995 : i32
        %get3A_1997 = arith.constant 5 : i32
        %get3A_1998 = arith.index_cast %get3A_1997 : i32 to index
        %get3A_1999 = arith.index_cast %add3A_1996 : i32 to index
        %get3A_2000 = arith.constant 80 : index
        %get3A_2001 = tpu.vector_load %arg12[%get3A_1998, %get3A_1999, %get3A_2000] {strides = array<i32>} : memref<6x100x128xf32, #tpu.memory_space<vmem>>, vector<1x1x16xf32>,
        %get3A_2002 = vector.shape_cast %get3A_2001 : vector<1x1x16xf32> to vector<16xf32>
        %add3A_2003 = arith.addf %scan3A_1651, %get3A_2002 : vector<16xf32>
        %mul3A_2004 = arith.constant 2 : i32
        %mul3A_2005 = arith.muli %mul3A_2004, %scan3A_1637 : i32
        %add3A_2006 = arith.constant 50 : i32
        %add3A_2007 = arith.addi %add3A_2006, %mul3A_2005 : i32
        %add3A_2008 = arith.constant 1 : i32
        %add3A_2009 = arith.addi %add3A_2007, %add3A_2008 : i32
        %get3A_2010 = arith.constant 5 : i32
        %get3A_2011 = arith.index_cast %get3A_2010 : i32 to index
        %get3A_2012 = arith.index_cast %add3A_2009 : i32 to index
        %get3A_2013 = arith.constant 80 : index
        %get3A_2014 = tpu.vector_load %arg12[%get3A_2011, %get3A_2012, %get3A_2013] {strides = array<i32>} : memref<6x100x128xf32, #tpu.memory_space<vmem>>, vector<1x1x16xf32>,
        %get3A_2015 = vector.shape_cast %get3A_2014 : vector<1x1x16xf32> to vector<16xf32>
        %add3A_2016 = arith.addf %add3A_2003, %get3A_2015 : vector<16xf32>
        %mul3A_2017 = arith.constant 2 : i32
        %mul3A_2018 = arith.muli %mul3A_2017, %scan3A_1637 : i32
        %add3A_2019 = arith.constant 50 : i32
        %add3A_2020 = arith.addi %add3A_2019, %mul3A_2018 : i32
        %add3A_2021 = arith.constant 0 : i32
        %add3A_2022 = arith.addi %add3A_2020, %add3A_2021 : i32
        %get3A_2023 = arith.constant 5 : i32
        %get3A_2024 = arith.index_cast %get3A_2023 : i32 to index
        %get3A_2025 = arith.index_cast %add3A_2022 : i32 to index
        %get3A_2026 = arith.constant 96 : index
        %get3A_2027 = tpu.vector_load %arg12[%get3A_2024, %get3A_2025, %get3A_2026] {strides = array<i32>} : memref<6x100x128xf32, #tpu.memory_space<vmem>>, vector<1x1x16xf32>,
        %get3A_2028 = vector.shape_cast %get3A_2027 : vector<1x1x16xf32> to vector<16xf32>
        %add3A_2029 = arith.addf %scan3A_1652, %get3A_2028 : vector<16xf32>
        %mul3A_2030 = arith.constant 2 : i32
        %mul3A_2031 = arith.muli %mul3A_2030, %scan3A_1637 : i32
        %add3A_2032 = arith.constant 50 : i32
        %add3A_2033 = arith.addi %add3A_2032, %mul3A_2031 : i32
        %add3A_2034 = arith.constant 1 : i32
        %add3A_2035 = arith.addi %add3A_2033, %add3A_2034 : i32
        %get3A_2036 = arith.constant 5 : i32
        %get3A_2037 = arith.index_cast %get3A_2036 : i32 to index
        %get3A_2038 = arith.index_cast %add3A_2035 : i32 to index
        %get3A_2039 = arith.constant 96 : index
        %get3A_2040 = tpu.vector_load %arg12[%get3A_2037, %get3A_2038, %get3A_2039] {strides = array<i32>} : memref<6x100x128xf32, #tpu.memory_space<vmem>>, vector<1x1x16xf32>,
        %get3A_2041 = vector.shape_cast %get3A_2040 : vector<1x1x16xf32> to vector<16xf32>
        %add3A_2042 = arith.addf %add3A_2029, %get3A_2041 : vector<16xf32>
        %mul3A_2043 = arith.constant 2 : i32
        %mul3A_2044 = arith.muli %mul3A_2043, %scan3A_1637 : i32
        %add3A_2045 = arith.constant 50 : i32
        %add3A_2046 = arith.addi %add3A_2045, %mul3A_2044 : i32
        %add3A_2047 = arith.constant 0 : i32
        %add3A_2048 = arith.addi %add3A_2046, %add3A_2047 : i32
        %get3A_2049 = arith.constant 5 : i32
        %get3A_2050 = arith.index_cast %get3A_2049 : i32 to index
        %get3A_2051 = arith.index_cast %add3A_2048 : i32 to index
        %get3A_2052 = arith.constant 112 : index
        %get3A_2053 = tpu.vector_load %arg12[%get3A_2050, %get3A_2051, %get3A_2052] {strides = array<i32>} : memref<6x100x128xf32, #tpu.memory_space<vmem>>, vector<1x1x16xf32>,
        %get3A_2054 = vector.shape_cast %get3A_2053 : vector<1x1x16xf32> to vector<16xf32>
        %add3A_2055 = arith.addf %scan3A_1653, %get3A_2054 : vector<16xf32>
        %mul3A_2056 = arith.constant 2 : i32
        %mul3A_2057 = arith.muli %mul3A_2056, %scan3A_1637 : i32
        %add3A_2058 = arith.constant 50 : i32
        %add3A_2059 = arith.addi %add3A_2058, %mul3A_2057 : i32
        %add3A_2060 = arith.constant 1 : i32
        %add3A_2061 = arith.addi %add3A_2059, %add3A_2060 : i32
        %get3A_2062 = arith.constant 5 : i32
        %get3A_2063 = arith.index_cast %get3A_2062 : i32 to index
        %get3A_2064 = arith.index_cast %add3A_2061 : i32 to index
        %get3A_2065 = arith.constant 112 : index
        %get3A_2066 = tpu.vector_load %arg12[%get3A_2063, %get3A_2064, %get3A_2065] {strides = array<i32>} : memref<6x100x128xf32, #tpu.memory_space<vmem>>, vector<1x1x16xf32>,
        %get3A_2067 = vector.shape_cast %get3A_2066 : vector<1x1x16xf32> to vector<16xf32>
        %add3A_2068 = arith.addf %add3A_2055, %get3A_2067 : vector<16xf32>
        scf.yield %add3A_1678, %add3A_1704, %add3A_1730, %add3A_1756, %add3A_1782, %add3A_1808, %add3A_1834, %add3A_1860, %add3A_1886, %add3A_1912, %add3A_1938, %add3A_1964, %add3A_1990, %add3A_2016, %add3A_2042, %add3A_2068 : vector<16xf32>, vector<16xf32>, vector<16xf32>, vector<16xf32>, vector<16xf32>, vector<16xf32>, vector<16xf32>, vector<16xf32>, vector<16xf32>, vector<16xf32>, vector<16xf32>, vector<16xf32>, vector<16xf32>, vector<16xf32>, vector<16xf32>, vector<16xf32>
      }
      %scan3A_1471 = arith.constant 25 : i32
      %ge3A_1472 = arith.constant 6 : i32
      %ge3A_1473 = arith.cmpi sge, %add3A_1402, %ge3A_1472 : i32
      %convert_element_type3A_1474 = arith.extui %ge3A_1473 : i1 to i32
      %cond3A_1475 = arith.constant 0 : i32
      %cond3A_1476 = arith.cmpi ne, %convert_element_type3A_1474, %cond3A_1475 : i32
      scf.if %cond3A_1476 {
        %sub3A_1637 = arith.constant 2 : i32
        %sub3A_1638 = arith.subi %add3A_1406, %sub3A_1637 : i32
        %mul3A_1639 = arith.constant 2 : i32
        %mul3A_1640 = arith.muli %sub3A_1638, %mul3A_1639 : i32
        %add3A_1641 = arith.addi %mul3A_4, %mul3A_1640 : i32
        %dma_wait3A_1642 = arith.constant 5 : i32
        %dma_wait3A_1643 = arith.constant 10 : i32
        %dma_wait3A_1644 = arith.constant 0 : i32
        %dma_wait3A_1645 = tpu.memref_slice %arg13[%dma_wait3A_1643, %dma_wait3A_1644] : memref<12x128xf32, #tpu.memory_space<vmem>> -> memref<2x128xf32, #tpu.memory_space<vmem>>
        %dma_wait3A_1646 = arith.constant 256 : i32
        %dma_wait3A_1647 = tpu.memref_slice %arg8[%add3A_1641, %dma_wait3A_1646] : memref<4096x384xf32, #tpu.memory_space<hbm>> -> memref<2x128xf32, #tpu.memory_space<hbm>>
        %dma_wait3A_1648 = tpu.memref_slice %arg15[%dma_wait3A_1642] : memref<6x!tpu.dma_semaphore, #tpu.memory_space<semaphore_mem>> -> memref<1x!tpu.dma_semaphore, #tpu.memory_space<semaphore_mem>>
        %dma_wait3A_1649 = tpu.memref_squeeze %dma_wait3A_1648 : memref<1x!tpu.dma_semaphore, #tpu.memory_space<semaphore_mem>> -> memref<!tpu.dma_semaphore, #tpu.memory_space<semaphore_mem>>
        %dma_wait3A_1650 = arith.constant 256 : i32
        %dma_wait3A_1651 = tpu.memref_slice %arg8[%add3A_1641, %dma_wait3A_1650] : memref<4096x384xf32, #tpu.memory_space<hbm>> -> memref<2x128xf32, #tpu.memory_space<hbm>>
        %dma_wait3A_1652 = arith.constant 10 : i32
        %dma_wait3A_1653 = arith.constant 0 : i32
        %dma_wait3A_1654 = tpu.memref_slice %arg13[%dma_wait3A_1652, %dma_wait3A_1653] : memref<12x128xf32, #tpu.memory_space<vmem>> -> memref<2x128xf32, #tpu.memory_space<vmem>>
        tpu.wait_dma2 semaphore(%dma_wait3A_1649 : memref<!tpu.dma_semaphore, #tpu.memory_space<semaphore_mem>>) src(%dma_wait3A_1654 : memref<2x128xf32, #tpu.memory_space<vmem>>) dst(%dma_wait3A_1651 : memref<2x128xf32, #tpu.memory_space<hbm>>)
      } else {
      }
      %mul3A_1477 = arith.constant 2.000000e-02 : f32
      %mul3A_1478 = vector.broadcast %mul3A_1477 : f32 to vector<16xf32>
      %mul3A_1479 = arith.mulf %scan3A_1470#0, %mul3A_1478 : vector<16xf32>
      %swap3A_1480 = arith.constant 10 : i32
      %swap3A_1481 = arith.index_cast %swap3A_1480 : i32 to index
      %swap3A_1482 = arith.constant 0 : index
      %swap3A_1483 = tpu.vector_load %arg13[%swap3A_1481, %swap3A_1482] {strides = array<i32>} : memref<12x128xf32, #tpu.memory_space<vmem>>, vector<1x16xf32>,
      %swap3A_1484 = vector.shape_cast %swap3A_1483 : vector<1x16xf32> to vector<16xf32>
      %swap3A_1485 = vector.shape_cast %mul3A_1479 : vector<16xf32> to vector<1x16xf32>
      tpu.vector_store %arg13[%swap3A_1481, %swap3A_1482], %swap3A_1485 {strides = array<i32>} : memref<12x128xf32, #tpu.memory_space<vmem>>, vector<1x16xf32>,
      %mul3A_1486 = arith.constant 2.000000e-02 : f32
      %mul3A_1487 = vector.broadcast %mul3A_1486 : f32 to vector<16xf32>
      %mul3A_1488 = arith.mulf %scan3A_1470#1, %mul3A_1487 : vector<16xf32>
      %swap3A_1489 = arith.constant 10 : i32
      %swap3A_1490 = arith.index_cast %swap3A_1489 : i32 to index
      %swap3A_1491 = arith.constant 16 : index
      %swap3A_1492 = tpu.vector_load %arg13[%swap3A_1490, %swap3A_1491] {strides = array<i32>} : memref<12x128xf32, #tpu.memory_space<vmem>>, vector<1x16xf32>,
      %swap3A_1493 = vector.shape_cast %swap3A_1492 : vector<1x16xf32> to vector<16xf32>
      %swap3A_1494 = vector.shape_cast %mul3A_1488 : vector<16xf32> to vector<1x16xf32>
      tpu.vector_store %arg13[%swap3A_1490, %swap3A_1491], %swap3A_1494 {strides = array<i32>} : memref<12x128xf32, #tpu.memory_space<vmem>>, vector<1x16xf32>,
      %mul3A_1495 = arith.constant 2.000000e-02 : f32
      %mul3A_1496 = vector.broadcast %mul3A_1495 : f32 to vector<16xf32>
      %mul3A_1497 = arith.mulf %scan3A_1470#2, %mul3A_1496 : vector<16xf32>
      %swap3A_1498 = arith.constant 10 : i32
      %swap3A_1499 = arith.index_cast %swap3A_1498 : i32 to index
      %swap3A_1500 = arith.constant 32 : index
      %swap3A_1501 = tpu.vector_load %arg13[%swap3A_1499, %swap3A_1500] {strides = array<i32>} : memref<12x128xf32, #tpu.memory_space<vmem>>, vector<1x16xf32>,
      %swap3A_1502 = vector.shape_cast %swap3A_1501 : vector<1x16xf32> to vector<16xf32>
      %swap3A_1503 = vector.shape_cast %mul3A_1497 : vector<16xf32> to vector<1x16xf32>
      tpu.vector_store %arg13[%swap3A_1499, %swap3A_1500], %swap3A_1503 {strides = array<i32>} : memref<12x128xf32, #tpu.memory_space<vmem>>, vector<1x16xf32>,
      %mul3A_1504 = arith.constant 2.000000e-02 : f32
      %mul3A_1505 = vector.broadcast %mul3A_1504 : f32 to vector<16xf32>
      %mul3A_1506 = arith.mulf %scan3A_1470#3, %mul3A_1505 : vector<16xf32>
      %swap3A_1507 = arith.constant 10 : i32
      %swap3A_1508 = arith.index_cast %swap3A_1507 : i32 to index
      %swap3A_1509 = arith.constant 48 : index
      %swap3A_1510 = tpu.vector_load %arg13[%swap3A_1508, %swap3A_1509] {strides = array<i32>} : memref<12x128xf32, #tpu.memory_space<vmem>>, vector<1x16xf32>,
      %swap3A_1511 = vector.shape_cast %swap3A_1510 : vector<1x16xf32> to vector<16xf32>
      %swap3A_1512 = vector.shape_cast %mul3A_1506 : vector<16xf32> to vector<1x16xf32>
      tpu.vector_store %arg13[%swap3A_1508, %swap3A_1509], %swap3A_1512 {strides = array<i32>} : memref<12x128xf32, #tpu.memory_space<vmem>>, vector<1x16xf32>,
      %mul3A_1513 = arith.constant 2.000000e-02 : f32
      %mul3A_1514 = vector.broadcast %mul3A_1513 : f32 to vector<16xf32>
      %mul3A_1515 = arith.mulf %scan3A_1470#4, %mul3A_1514 : vector<16xf32>
      %swap3A_1516 = arith.constant 10 : i32
      %swap3A_1517 = arith.index_cast %swap3A_1516 : i32 to index
      %swap3A_1518 = arith.constant 64 : index
      %swap3A_1519 = tpu.vector_load %arg13[%swap3A_1517, %swap3A_1518] {strides = array<i32>} : memref<12x128xf32, #tpu.memory_space<vmem>>, vector<1x16xf32>,
      %swap3A_1520 = vector.shape_cast %swap3A_1519 : vector<1x16xf32> to vector<16xf32>
      %swap3A_1521 = vector.shape_cast %mul3A_1515 : vector<16xf32> to vector<1x16xf32>
      tpu.vector_store %arg13[%swap3A_1517, %swap3A_1518], %swap3A_1521 {strides = array<i32>} : memref<12x128xf32, #tpu.memory_space<vmem>>, vector<1x16xf32>,
      %mul3A_1522 = arith.constant 2.000000e-02 : f32
      %mul3A_1523 = vector.broadcast %mul3A_1522 : f32 to vector<16xf32>
      %mul3A_1524 = arith.mulf %scan3A_1470#5, %mul3A_1523 : vector<16xf32>
      %swap3A_1525 = arith.constant 10 : i32
      %swap3A_1526 = arith.index_cast %swap3A_1525 : i32 to index
      %swap3A_1527 = arith.constant 80 : index
      %swap3A_1528 = tpu.vector_load %arg13[%swap3A_1526, %swap3A_1527] {strides = array<i32>} : memref<12x128xf32, #tpu.memory_space<vmem>>, vector<1x16xf32>,
      %swap3A_1529 = vector.shape_cast %swap3A_1528 : vector<1x16xf32> to vector<16xf32>
      %swap3A_1530 = vector.shape_cast %mul3A_1524 : vector<16xf32> to vector<1x16xf32>
      tpu.vector_store %arg13[%swap3A_1526, %swap3A_1527], %swap3A_1530 {strides = array<i32>} : memref<12x128xf32, #tpu.memory_space<vmem>>, vector<1x16xf32>,
      %mul3A_1531 = arith.constant 2.000000e-02 : f32
      %mul3A_1532 = vector.broadcast %mul3A_1531 : f32 to vector<16xf32>
      %mul3A_1533 = arith.mulf %scan3A_1470#6, %mul3A_1532 : vector<16xf32>
      %swap3A_1534 = arith.constant 10 : i32
      %swap3A_1535 = arith.index_cast %swap3A_1534 : i32 to index
      %swap3A_1536 = arith.constant 96 : index
      %swap3A_1537 = tpu.vector_load %arg13[%swap3A_1535, %swap3A_1536] {strides = array<i32>} : memref<12x128xf32, #tpu.memory_space<vmem>>, vector<1x16xf32>,
      %swap3A_1538 = vector.shape_cast %swap3A_1537 : vector<1x16xf32> to vector<16xf32>
      %swap3A_1539 = vector.shape_cast %mul3A_1533 : vector<16xf32> to vector<1x16xf32>
      tpu.vector_store %arg13[%swap3A_1535, %swap3A_1536], %swap3A_1539 {strides = array<i32>} : memref<12x128xf32, #tpu.memory_space<vmem>>, vector<1x16xf32>,
      %mul3A_1540 = arith.constant 2.000000e-02 : f32
      %mul3A_1541 = vector.broadcast %mul3A_1540 : f32 to vector<16xf32>
      %mul3A_1542 = arith.mulf %scan3A_1470#7, %mul3A_1541 : vector<16xf32>
      %swap3A_1543 = arith.constant 10 : i32
      %swap3A_1544 = arith.index_cast %swap3A_1543 : i32 to index
      %swap3A_1545 = arith.constant 112 : index
      %swap3A_1546 = tpu.vector_load %arg13[%swap3A_1544, %swap3A_1545] {strides = array<i32>} : memref<12x128xf32, #tpu.memory_space<vmem>>, vector<1x16xf32>,
      %swap3A_1547 = vector.shape_cast %swap3A_1546 : vector<1x16xf32> to vector<16xf32>
      %swap3A_1548 = vector.shape_cast %mul3A_1542 : vector<16xf32> to vector<1x16xf32>
      tpu.vector_store %arg13[%swap3A_1544, %swap3A_1545], %swap3A_1548 {strides = array<i32>} : memref<12x128xf32, #tpu.memory_space<vmem>>, vector<1x16xf32>,
      %mul3A_1549 = arith.constant 2.000000e-02 : f32
      %mul3A_1550 = vector.broadcast %mul3A_1549 : f32 to vector<16xf32>
      %mul3A_1551 = arith.mulf %scan3A_1470#8, %mul3A_1550 : vector<16xf32>
      %swap3A_1552 = arith.constant 11 : i32
      %swap3A_1553 = arith.index_cast %swap3A_1552 : i32 to index
      %swap3A_1554 = arith.constant 0 : index
      %swap3A_1555 = tpu.vector_load %arg13[%swap3A_1553, %swap3A_1554] {strides = array<i32>} : memref<12x128xf32, #tpu.memory_space<vmem>>, vector<1x16xf32>,
      %swap3A_1556 = vector.shape_cast %swap3A_1555 : vector<1x16xf32> to vector<16xf32>
      %swap3A_1557 = vector.shape_cast %mul3A_1551 : vector<16xf32> to vector<1x16xf32>
      tpu.vector_store %arg13[%swap3A_1553, %swap3A_1554], %swap3A_1557 {strides = array<i32>} : memref<12x128xf32, #tpu.memory_space<vmem>>, vector<1x16xf32>,
      %mul3A_1558 = arith.constant 2.000000e-02 : f32
      %mul3A_1559 = vector.broadcast %mul3A_1558 : f32 to vector<16xf32>
      %mul3A_1560 = arith.mulf %scan3A_1470#9, %mul3A_1559 : vector<16xf32>
      %swap3A_1561 = arith.constant 11 : i32
      %swap3A_1562 = arith.index_cast %swap3A_1561 : i32 to index
      %swap3A_1563 = arith.constant 16 : index
      %swap3A_1564 = tpu.vector_load %arg13[%swap3A_1562, %swap3A_1563] {strides = array<i32>} : memref<12x128xf32, #tpu.memory_space<vmem>>, vector<1x16xf32>,
      %swap3A_1565 = vector.shape_cast %swap3A_1564 : vector<1x16xf32> to vector<16xf32>
      %swap3A_1566 = vector.shape_cast %mul3A_1560 : vector<16xf32> to vector<1x16xf32>
      tpu.vector_store %arg13[%swap3A_1562, %swap3A_1563], %swap3A_1566 {strides = array<i32>} : memref<12x128xf32, #tpu.memory_space<vmem>>, vector<1x16xf32>,
      %mul3A_1567 = arith.constant 2.000000e-02 : f32
      %mul3A_1568 = vector.broadcast %mul3A_1567 : f32 to vector<16xf32>
      %mul3A_1569 = arith.mulf %scan3A_1470#10, %mul3A_1568 : vector<16xf32>
      %swap3A_1570 = arith.constant 11 : i32
      %swap3A_1571 = arith.index_cast %swap3A_1570 : i32 to index
      %swap3A_1572 = arith.constant 32 : index
      %swap3A_1573 = tpu.vector_load %arg13[%swap3A_1571, %swap3A_1572] {strides = array<i32>} : memref<12x128xf32, #tpu.memory_space<vmem>>, vector<1x16xf32>,
      %swap3A_1574 = vector.shape_cast %swap3A_1573 : vector<1x16xf32> to vector<16xf32>
      %swap3A_1575 = vector.shape_cast %mul3A_1569 : vector<16xf32> to vector<1x16xf32>
      tpu.vector_store %arg13[%swap3A_1571, %swap3A_1572], %swap3A_1575 {strides = array<i32>} : memref<12x128xf32, #tpu.memory_space<vmem>>, vector<1x16xf32>,
      %mul3A_1576 = arith.constant 2.000000e-02 : f32
      %mul3A_1577 = vector.broadcast %mul3A_1576 : f32 to vector<16xf32>
      %mul3A_1578 = arith.mulf %scan3A_1470#11, %mul3A_1577 : vector<16xf32>
      %swap3A_1579 = arith.constant 11 : i32
      %swap3A_1580 = arith.index_cast %swap3A_1579 : i32 to index
      %swap3A_1581 = arith.constant 48 : index
      %swap3A_1582 = tpu.vector_load %arg13[%swap3A_1580, %swap3A_1581] {strides = array<i32>} : memref<12x128xf32, #tpu.memory_space<vmem>>, vector<1x16xf32>,
      %swap3A_1583 = vector.shape_cast %swap3A_1582 : vector<1x16xf32> to vector<16xf32>
      %swap3A_1584 = vector.shape_cast %mul3A_1578 : vector<16xf32> to vector<1x16xf32>
      tpu.vector_store %arg13[%swap3A_1580, %swap3A_1581], %swap3A_1584 {strides = array<i32>} : memref<12x128xf32, #tpu.memory_space<vmem>>, vector<1x16xf32>,
      %mul3A_1585 = arith.constant 2.000000e-02 : f32
      %mul3A_1586 = vector.broadcast %mul3A_1585 : f32 to vector<16xf32>
      %mul3A_1587 = arith.mulf %scan3A_1470#12, %mul3A_1586 : vector<16xf32>
      %swap3A_1588 = arith.constant 11 : i32
      %swap3A_1589 = arith.index_cast %swap3A_1588 : i32 to index
      %swap3A_1590 = arith.constant 64 : index
      %swap3A_1591 = tpu.vector_load %arg13[%swap3A_1589, %swap3A_1590] {strides = array<i32>} : memref<12x128xf32, #tpu.memory_space<vmem>>, vector<1x16xf32>,
      %swap3A_1592 = vector.shape_cast %swap3A_1591 : vector<1x16xf32> to vector<16xf32>
      %swap3A_1593 = vector.shape_cast %mul3A_1587 : vector<16xf32> to vector<1x16xf32>
      tpu.vector_store %arg13[%swap3A_1589, %swap3A_1590], %swap3A_1593 {strides = array<i32>} : memref<12x128xf32, #tpu.memory_space<vmem>>, vector<1x16xf32>,
      %mul3A_1594 = arith.constant 2.000000e-02 : f32
      %mul3A_1595 = vector.broadcast %mul3A_1594 : f32 to vector<16xf32>
      %mul3A_1596 = arith.mulf %scan3A_1470#13, %mul3A_1595 : vector<16xf32>
      %swap3A_1597 = arith.constant 11 : i32
      %swap3A_1598 = arith.index_cast %swap3A_1597 : i32 to index
      %swap3A_1599 = arith.constant 80 : index
      %swap3A_1600 = tpu.vector_load %arg13[%swap3A_1598, %swap3A_1599] {strides = array<i32>} : memref<12x128xf32, #tpu.memory_space<vmem>>, vector<1x16xf32>,
      %swap3A_1601 = vector.shape_cast %swap3A_1600 : vector<1x16xf32> to vector<16xf32>
      %swap3A_1602 = vector.shape_cast %mul3A_1596 : vector<16xf32> to vector<1x16xf32>
      tpu.vector_store %arg13[%swap3A_1598, %swap3A_1599], %swap3A_1602 {strides = array<i32>} : memref<12x128xf32, #tpu.memory_space<vmem>>, vector<1x16xf32>,
      %mul3A_1603 = arith.constant 2.000000e-02 : f32
      %mul3A_1604 = vector.broadcast %mul3A_1603 : f32 to vector<16xf32>
      %mul3A_1605 = arith.mulf %scan3A_1470#14, %mul3A_1604 : vector<16xf32>
      %swap3A_1606 = arith.constant 11 : i32
      %swap3A_1607 = arith.index_cast %swap3A_1606 : i32 to index
      %swap3A_1608 = arith.constant 96 : index
      %swap3A_1609 = tpu.vector_load %arg13[%swap3A_1607, %swap3A_1608] {strides = array<i32>} : memref<12x128xf32, #tpu.memory_space<vmem>>, vector<1x16xf32>,
      %swap3A_1610 = vector.shape_cast %swap3A_1609 : vector<1x16xf32> to vector<16xf32>
      %swap3A_1611 = vector.shape_cast %mul3A_1605 : vector<16xf32> to vector<1x16xf32>
      tpu.vector_store %arg13[%swap3A_1607, %swap3A_1608], %swap3A_1611 {strides = array<i32>} : memref<12x128xf32, #tpu.memory_space<vmem>>, vector<1x16xf32>,
      %mul3A_1612 = arith.constant 2.000000e-02 : f32
      %mul3A_1613 = vector.broadcast %mul3A_1612 : f32 to vector<16xf32>
      %mul3A_1614 = arith.mulf %scan3A_1470#15, %mul3A_1613 : vector<16xf32>
      %swap3A_1615 = arith.constant 11 : i32
      %swap3A_1616 = arith.index_cast %swap3A_1615 : i32 to index
      %swap3A_1617 = arith.constant 112 : index
      %swap3A_1618 = tpu.vector_load %arg13[%swap3A_1616, %swap3A_1617] {strides = array<i32>} : memref<12x128xf32, #tpu.memory_space<vmem>>, vector<1x16xf32>,
      %swap3A_1619 = vector.shape_cast %swap3A_1618 : vector<1x16xf32> to vector<16xf32>
      %swap3A_1620 = vector.shape_cast %mul3A_1614 : vector<16xf32> to vector<1x16xf32>
      tpu.vector_store %arg13[%swap3A_1616, %swap3A_1617], %swap3A_1620 {strides = array<i32>} : memref<12x128xf32, #tpu.memory_space<vmem>>, vector<1x16xf32>,
      %mul3A_1621 = arith.constant 2 : i32
      %mul3A_1622 = arith.muli %add3A_1406, %mul3A_1621 : i32
      %add3A_1623 = arith.addi %mul3A_4, %mul3A_1622 : i32
      %dma_start3A_1624 = arith.constant 5 : i32
      %dma_start3A_1625 = arith.constant 10 : i32
      %dma_start3A_1626 = arith.constant 0 : i32
      %dma_start3A_1627 = tpu.memref_slice %arg13[%dma_start3A_1625, %dma_start3A_1626] : memref<12x128xf32, #tpu.memory_space<vmem>> -> memref<2x128xf32, #tpu.memory_space<vmem>>
      %dma_start3A_1628 = arith.constant 256 : i32
      %dma_start3A_1629 = tpu.memref_slice %arg8[%add3A_1623, %dma_start3A_1628] : memref<4096x384xf32, #tpu.memory_space<hbm>> -> memref<2x128xf32, #tpu.memory_space<hbm>>
      %dma_start3A_1630 = tpu.memref_slice %arg15[%dma_start3A_1624] : memref<6x!tpu.dma_semaphore, #tpu.memory_space<semaphore_mem>> -> memref<1x!tpu.dma_semaphore, #tpu.memory_space<semaphore_mem>>
      %dma_start3A_1631 = tpu.memref_squeeze %dma_start3A_1630 : memref<1x!tpu.dma_semaphore, #tpu.memory_space<semaphore_mem>> -> memref<!tpu.dma_semaphore, #tpu.memory_space<semaphore_mem>>
      %dma_start3A_1632 = arith.constant 256 : i32
      %dma_start3A_1633 = tpu.memref_slice %arg8[%add3A_1623, %dma_start3A_1632] : memref<4096x384xf32, #tpu.memory_space<hbm>> -> memref<2x128xf32, #tpu.memory_space<hbm>>
      %dma_start3A_1634 = arith.constant 10 : i32
      %dma_start3A_1635 = arith.constant 0 : i32
      %dma_start3A_1636 = tpu.memref_slice %arg13[%dma_start3A_1634, %dma_start3A_1635] : memref<12x128xf32, #tpu.memory_space<vmem>> -> memref<2x128xf32, #tpu.memory_space<vmem>>
      tpu.enqueue_dma source(%dma_start3A_1636 : memref<2x128xf32, #tpu.memory_space<vmem>>) target(%dma_start3A_1633 : memref<2x128xf32, #tpu.memory_space<hbm>>) target_semaphore(%dma_start3A_1631 : memref<!tpu.dma_semaphore, #tpu.memory_space<semaphore_mem>>)
    }
    %scan3A_124 = arith.constant 32 : i32
    %add3A_125 = arith.constant 124 : i32
    %add3A_126 = arith.addi %mul3A_4, %add3A_125 : i32
    %dma_wait3A_127 = arith.constant 0 : i32
    %dma_wait3A_128 = arith.constant 0 : i32
    %dma_wait3A_129 = arith.constant 0 : i32
    %dma_wait3A_130 = tpu.memref_slice %arg13[%dma_wait3A_128, %dma_wait3A_129] : memref<12x128xf32, #tpu.memory_space<vmem>> -> memref<2x128xf32, #tpu.memory_space<vmem>>
    %dma_wait3A_131 = arith.constant 0 : i32
    %dma_wait3A_132 = tpu.memref_slice %arg8[%add3A_126, %dma_wait3A_131] : memref<4096x384xf32, #tpu.memory_space<hbm>> -> memref<2x128xf32, #tpu.memory_space<hbm>>
    %dma_wait3A_133 = tpu.memref_slice %arg15[%dma_wait3A_127] : memref<6x!tpu.dma_semaphore, #tpu.memory_space<semaphore_mem>> -> memref<1x!tpu.dma_semaphore, #tpu.memory_space<semaphore_mem>>
    %dma_wait3A_134 = tpu.memref_squeeze %dma_wait3A_133 : memref<1x!tpu.dma_semaphore, #tpu.memory_space<semaphore_mem>> -> memref<!tpu.dma_semaphore, #tpu.memory_space<semaphore_mem>>
    %dma_wait3A_135 = arith.constant 0 : i32
    %dma_wait3A_136 = tpu.memref_slice %arg8[%add3A_126, %dma_wait3A_135] : memref<4096x384xf32, #tpu.memory_space<hbm>> -> memref<2x128xf32, #tpu.memory_space<hbm>>
    %dma_wait3A_137 = arith.constant 0 : i32
    %dma_wait3A_138 = arith.constant 0 : i32
    %dma_wait3A_139 = tpu.memref_slice %arg13[%dma_wait3A_137, %dma_wait3A_138] : memref<12x128xf32, #tpu.memory_space<vmem>> -> memref<2x128xf32, #tpu.memory_space<vmem>>
    tpu.wait_dma2 semaphore(%dma_wait3A_134 : memref<!tpu.dma_semaphore, #tpu.memory_space<semaphore_mem>>) src(%dma_wait3A_139 : memref<2x128xf32, #tpu.memory_space<vmem>>) dst(%dma_wait3A_136 : memref<2x128xf32, #tpu.memory_space<hbm>>)
    %add3A_140 = arith.constant 124 : i32
    %add3A_141 = arith.addi %mul3A_4, %add3A_140 : i32
    %dma_wait3A_142 = arith.constant 1 : i32
    %dma_wait3A_143 = arith.constant 2 : i32
    %dma_wait3A_144 = arith.constant 0 : i32
    %dma_wait3A_145 = tpu.memref_slice %arg13[%dma_wait3A_143, %dma_wait3A_144] : memref<12x128xf32, #tpu.memory_space<vmem>> -> memref<2x128xf32, #tpu.memory_space<vmem>>
    %dma_wait3A_146 = arith.constant 128 : i32
    %dma_wait3A_147 = tpu.memref_slice %arg8[%add3A_141, %dma_wait3A_146] : memref<4096x384xf32, #tpu.memory_space<hbm>> -> memref<2x128xf32, #tpu.memory_space<hbm>>
    %dma_wait3A_148 = tpu.memref_slice %arg15[%dma_wait3A_142] : memref<6x!tpu.dma_semaphore, #tpu.memory_space<semaphore_mem>> -> memref<1x!tpu.dma_semaphore, #tpu.memory_space<semaphore_mem>>
    %dma_wait3A_149 = tpu.memref_squeeze %dma_wait3A_148 : memref<1x!tpu.dma_semaphore, #tpu.memory_space<semaphore_mem>> -> memref<!tpu.dma_semaphore, #tpu.memory_space<semaphore_mem>>
    %dma_wait3A_150 = arith.constant 128 : i32
    %dma_wait3A_151 = tpu.memref_slice %arg8[%add3A_141, %dma_wait3A_150] : memref<4096x384xf32, #tpu.memory_space<hbm>> -> memref<2x128xf32, #tpu.memory_space<hbm>>
    %dma_wait3A_152 = arith.constant 2 : i32
    %dma_wait3A_153 = arith.constant 0 : i32
    %dma_wait3A_154 = tpu.memref_slice %arg13[%dma_wait3A_152, %dma_wait3A_153] : memref<12x128xf32, #tpu.memory_space<vmem>> -> memref<2x128xf32, #tpu.memory_space<vmem>>
    tpu.wait_dma2 semaphore(%dma_wait3A_149 : memref<!tpu.dma_semaphore, #tpu.memory_space<semaphore_mem>>) src(%dma_wait3A_154 : memref<2x128xf32, #tpu.memory_space<vmem>>) dst(%dma_wait3A_151 : memref<2x128xf32, #tpu.memory_space<hbm>>)
    %add3A_155 = arith.constant 124 : i32
    %add3A_156 = arith.addi %mul3A_4, %add3A_155 : i32
    %dma_wait3A_157 = arith.constant 2 : i32
    %dma_wait3A_158 = arith.constant 4 : i32
    %dma_wait3A_159 = arith.constant 0 : i32
    %dma_wait3A_160 = tpu.memref_slice %arg13[%dma_wait3A_158, %dma_wait3A_159] : memref<12x128xf32, #tpu.memory_space<vmem>> -> memref<2x128xf32, #tpu.memory_space<vmem>>
    %dma_wait3A_161 = arith.constant 256 : i32
    %dma_wait3A_162 = tpu.memref_slice %arg8[%add3A_156, %dma_wait3A_161] : memref<4096x384xf32, #tpu.memory_space<hbm>> -> memref<2x128xf32, #tpu.memory_space<hbm>>
    %dma_wait3A_163 = tpu.memref_slice %arg15[%dma_wait3A_157] : memref<6x!tpu.dma_semaphore, #tpu.memory_space<semaphore_mem>> -> memref<1x!tpu.dma_semaphore, #tpu.memory_space<semaphore_mem>>
    %dma_wait3A_164 = tpu.memref_squeeze %dma_wait3A_163 : memref<1x!tpu.dma_semaphore, #tpu.memory_space<semaphore_mem>> -> memref<!tpu.dma_semaphore, #tpu.memory_space<semaphore_mem>>
    %dma_wait3A_165 = arith.constant 256 : i32
    %dma_wait3A_166 = tpu.memref_slice %arg8[%add3A_156, %dma_wait3A_165] : memref<4096x384xf32, #tpu.memory_space<hbm>> -> memref<2x128xf32, #tpu.memory_space<hbm>>
    %dma_wait3A_167 = arith.constant 4 : i32
    %dma_wait3A_168 = arith.constant 0 : i32
    %dma_wait3A_169 = tpu.memref_slice %arg13[%dma_wait3A_167, %dma_wait3A_168] : memref<12x128xf32, #tpu.memory_space<vmem>> -> memref<2x128xf32, #tpu.memory_space<vmem>>
    tpu.wait_dma2 semaphore(%dma_wait3A_164 : memref<!tpu.dma_semaphore, #tpu.memory_space<semaphore_mem>>) src(%dma_wait3A_169 : memref<2x128xf32, #tpu.memory_space<vmem>>) dst(%dma_wait3A_166 : memref<2x128xf32, #tpu.memory_space<hbm>>)
    %add3A_170 = arith.constant 126 : i32
    %add3A_171 = arith.addi %mul3A_4, %add3A_170 : i32
    %dma_wait3A_172 = arith.constant 3 : i32
    %dma_wait3A_173 = arith.constant 6 : i32
    %dma_wait3A_174 = arith.constant 0 : i32
    %dma_wait3A_175 = tpu.memref_slice %arg13[%dma_wait3A_173, %dma_wait3A_174] : memref<12x128xf32, #tpu.memory_space<vmem>> -> memref<2x128xf32, #tpu.memory_space<vmem>>
    %dma_wait3A_176 = arith.constant 0 : i32
    %dma_wait3A_177 = tpu.memref_slice %arg8[%add3A_171, %dma_wait3A_176] : memref<4096x384xf32, #tpu.memory_space<hbm>> -> memref<2x128xf32, #tpu.memory_space<hbm>>
    %dma_wait3A_178 = tpu.memref_slice %arg15[%dma_wait3A_172] : memref<6x!tpu.dma_semaphore, #tpu.memory_space<semaphore_mem>> -> memref<1x!tpu.dma_semaphore, #tpu.memory_space<semaphore_mem>>
    %dma_wait3A_179 = tpu.memref_squeeze %dma_wait3A_178 : memref<1x!tpu.dma_semaphore, #tpu.memory_space<semaphore_mem>> -> memref<!tpu.dma_semaphore, #tpu.memory_space<semaphore_mem>>
    %dma_wait3A_180 = arith.constant 0 : i32
    %dma_wait3A_181 = tpu.memref_slice %arg8[%add3A_171, %dma_wait3A_180] : memref<4096x384xf32, #tpu.memory_space<hbm>> -> memref<2x128xf32, #tpu.memory_space<hbm>>
    %dma_wait3A_182 = arith.constant 6 : i32
    %dma_wait3A_183 = arith.constant 0 : i32
    %dma_wait3A_184 = tpu.memref_slice %arg13[%dma_wait3A_182, %dma_wait3A_183] : memref<12x128xf32, #tpu.memory_space<vmem>> -> memref<2x128xf32, #tpu.memory_space<vmem>>
    tpu.wait_dma2 semaphore(%dma_wait3A_179 : memref<!tpu.dma_semaphore, #tpu.memory_space<semaphore_mem>>) src(%dma_wait3A_184 : memref<2x128xf32, #tpu.memory_space<vmem>>) dst(%dma_wait3A_181 : memref<2x128xf32, #tpu.memory_space<hbm>>)
    %add3A_185 = arith.constant 126 : i32
    %add3A_186 = arith.addi %mul3A_4, %add3A_185 : i32
    %dma_wait3A_187 = arith.constant 4 : i32
    %dma_wait3A_188 = arith.constant 8 : i32
    %dma_wait3A_189 = arith.constant 0 : i32
    %dma_wait3A_190 = tpu.memref_slice %arg13[%dma_wait3A_188, %dma_wait3A_189] : memref<12x128xf32, #tpu.memory_space<vmem>> -> memref<2x128xf32, #tpu.memory_space<vmem>>
    %dma_wait3A_191 = arith.constant 128 : i32
    %dma_wait3A_192 = tpu.memref_slice %arg8[%add3A_186, %dma_wait3A_191] : memref<4096x384xf32, #tpu.memory_space<hbm>> -> memref<2x128xf32, #tpu.memory_space<hbm>>
    %dma_wait3A_193 = tpu.memref_slice %arg15[%dma_wait3A_187] : memref<6x!tpu.dma_semaphore, #tpu.memory_space<semaphore_mem>> -> memref<1x!tpu.dma_semaphore, #tpu.memory_space<semaphore_mem>>
    %dma_wait3A_194 = tpu.memref_squeeze %dma_wait3A_193 : memref<1x!tpu.dma_semaphore, #tpu.memory_space<semaphore_mem>> -> memref<!tpu.dma_semaphore, #tpu.memory_space<semaphore_mem>>
    %dma_wait3A_195 = arith.constant 128 : i32
    %dma_wait3A_196 = tpu.memref_slice %arg8[%add3A_186, %dma_wait3A_195] : memref<4096x384xf32, #tpu.memory_space<hbm>> -> memref<2x128xf32, #tpu.memory_space<hbm>>
    %dma_wait3A_197 = arith.constant 8 : i32
    %dma_wait3A_198 = arith.constant 0 : i32
    %dma_wait3A_199 = tpu.memref_slice %arg13[%dma_wait3A_197, %dma_wait3A_198] : memref<12x128xf32, #tpu.memory_space<vmem>> -> memref<2x128xf32, #tpu.memory_space<vmem>>
    tpu.wait_dma2 semaphore(%dma_wait3A_194 : memref<!tpu.dma_semaphore, #tpu.memory_space<semaphore_mem>>) src(%dma_wait3A_199 : memref<2x128xf32, #tpu.memory_space<vmem>>) dst(%dma_wait3A_196 : memref<2x128xf32, #tpu.memory_space<hbm>>)
    %add3A_200 = arith.constant 126 : i32
    %add3A_201 = arith.addi %mul3A_4, %add3A_200 : i32
    %dma_wait3A_202 = arith.constant 5 : i32
    %dma_wait3A_203 = arith.constant 10 : i32
    %dma_wait3A_204 = arith.constant 0 : i32
    %dma_wait3A_205 = tpu.memref_slice %arg13[%dma_wait3A_203, %dma_wait3A_204] : memref<12x128xf32, #tpu.memory_space<vmem>> -> memref<2x128xf32, #tpu.memory_space<vmem>>
    %dma_wait3A_206 = arith.constant 256 : i32
    %dma_wait3A_207 = tpu.memref_slice %arg8[%add3A_201, %dma_wait3A_206] : memref<4096x384xf32, #tpu.memory_space<hbm>> -> memref<2x128xf32, #tpu.memory_space<hbm>>
    %dma_wait3A_208 = tpu.memref_slice %arg15[%dma_wait3A_202] : memref<6x!tpu.dma_semaphore, #tpu.memory_space<semaphore_mem>> -> memref<1x!tpu.dma_semaphore, #tpu.memory_space<semaphore_mem>>
    %dma_wait3A_209 = tpu.memref_squeeze %dma_wait3A_208 : memref<1x!tpu.dma_semaphore, #tpu.memory_space<semaphore_mem>> -> memref<!tpu.dma_semaphore, #tpu.memory_space<semaphore_mem>>
    %dma_wait3A_210 = arith.constant 256 : i32
    %dma_wait3A_211 = tpu.memref_slice %arg8[%add3A_201, %dma_wait3A_210] : memref<4096x384xf32, #tpu.memory_space<hbm>> -> memref<2x128xf32, #tpu.memory_space<hbm>>
    %dma_wait3A_212 = arith.constant 10 : i32
    %dma_wait3A_213 = arith.constant 0 : i32
    %dma_wait3A_214 = tpu.memref_slice %arg13[%dma_wait3A_212, %dma_wait3A_213] : memref<12x128xf32, #tpu.memory_space<vmem>> -> memref<2x128xf32, #tpu.memory_space<vmem>>
    tpu.wait_dma2 semaphore(%dma_wait3A_209 : memref<!tpu.dma_semaphore, #tpu.memory_space<semaphore_mem>>) src(%dma_wait3A_214 : memref<2x128xf32, #tpu.memory_space<vmem>>) dst(%dma_wait3A_211 : memref<2x128xf32, #tpu.memory_space<hbm>>)
    return
  }
}

module attributes {stable_mosaic.version = 14 : i64} {
  func.func @_mlp_body(%arg0: memref<4096x384xf32, #tpu.memory_space<vmem>>, %arg1: memref<256x384xf32, #tpu.memory_space<vmem>>, %arg2: memref<256xf32, #tpu.memory_space<vmem>>, %arg3: memref<10x256xf32, #tpu.memory_space<vmem>>, %arg4: memref<10xf32, #tpu.memory_space<vmem>>, %arg5: memref<4096x10xf32, #tpu.memory_space<vmem>>, %arg6: memref<4096x10xf32, #tpu.memory_space<vmem>>) attributes {dimension_semantics = [], scalar_prefetch = 0 : i64, scratch_operands = 0 : i64, tpu.core_type = #tpu.core_type<tc>} {
    %get3A = arith.constant 0 : index
    %get3A_0 = arith.constant 0 : index
    %get3A_1 = vector.load %arg0[%get3A, %get3A_0] : memref<4096x384xf32, #tpu.memory_space<vmem>>, vector<4096x384xf32>
    %get3A_2 = arith.constant 0 : index
    %get3A_3 = arith.constant 0 : index
    %get3A_4 = vector.load %arg1[%get3A_2, %get3A_3] : memref<256x384xf32, #tpu.memory_space<vmem>>, vector<256x384xf32>
    %dot_general3A = arith.constant dense<0.000000e+00> : vector<4096x256xf32>
    %dot_general3A_5 = tpu.matmul %get3A_1, %get3A_4, %dot_general3A {dimension_numbers = #tpu.dot_dimension_numbers<[1], [1], [0], [0], [0, 0, 1, 0], [], []>, transpose_lhs_hint = false} : vector<4096x384xf32>, vector<256x384xf32>, vector<4096x256xf32> -> vector<4096x256xf32>
    %get3A_6 = arith.constant 0 : index
    %get3A_7 = vector.load %arg2[%get3A_6] : memref<256xf32, #tpu.memory_space<vmem>>, vector<256xf32>
    %broadcast_in_dim3A = vector.shape_cast %get3A_7 : vector<256xf32> to vector<1x256xf32>
    %add3A = vector.broadcast %broadcast_in_dim3A : vector<1x256xf32> to vector<4096x256xf32>
    %add3A_8 = arith.addf %dot_general3A_5, %add3A : vector<4096x256xf32>
    %max3A = arith.constant 0.000000e+00 : f32
    %max3A_9 = vector.broadcast %max3A : f32 to vector<4096x256xf32>
    %max3A_10 = arith.maximumf %add3A_8, %max3A_9 : vector<4096x256xf32>
    %get3A_11 = arith.constant 0 : index
    %get3A_12 = arith.constant 0 : index
    %get3A_13 = vector.load %arg3[%get3A_11, %get3A_12] : memref<10x256xf32, #tpu.memory_space<vmem>>, vector<10x256xf32>
    %dot_general3A_14 = arith.constant dense<0.000000e+00> : vector<4096x10xf32>
    %dot_general3A_15 = tpu.matmul %max3A_10, %get3A_13, %dot_general3A_14 {dimension_numbers = #tpu.dot_dimension_numbers<[1], [1], [0], [0], [0, 0, 1, 0], [], []>, transpose_lhs_hint = false} : vector<4096x256xf32>, vector<10x256xf32>, vector<4096x10xf32> -> vector<4096x10xf32>
    %get3A_16 = arith.constant 0 : index
    %get3A_17 = vector.load %arg4[%get3A_16] : memref<10xf32, #tpu.memory_space<vmem>>, vector<10xf32>
    %broadcast_in_dim3A_18 = vector.shape_cast %get3A_17 : vector<10xf32> to vector<1x10xf32>
    %add3A_19 = vector.broadcast %broadcast_in_dim3A_18 : vector<1x10xf32> to vector<4096x10xf32>
    %add3A_20 = arith.addf %dot_general3A_15, %add3A_19 : vector<4096x10xf32>
    %swap3A = arith.constant 0 : index
    %swap3A_21 = arith.constant 0 : index
    %swap3A_22 = vector.load %arg5[%swap3A, %swap3A_21] : memref<4096x10xf32, #tpu.memory_space<vmem>>, vector<4096x10xf32>
    tpu.vector_store %arg5[%swap3A, %swap3A_21], %add3A_20 {strides = array<i32>} : memref<4096x10xf32, #tpu.memory_space<vmem>>, vector<4096x10xf32>,
    %reduce_max3A = arith.constant dense<0xFF800000> : vector<4096xf32>
    %reduce_max3A_23 = vector.multi_reduction <maximumf>, %add3A_20, %reduce_max3A [1] : vector<4096x10xf32> to vector<4096xf32>
    %broadcast_in_dim3A_24 = vector.shape_cast %reduce_max3A_23 : vector<4096xf32> to vector<4096x1xf32>
    %sub3A = vector.broadcast %broadcast_in_dim3A_24 : vector<4096x1xf32> to vector<4096x10xf32>
    %sub3A_25 = arith.subf %add3A_20, %sub3A : vector<4096x10xf32>
    %exp3A = math.exp %sub3A_25 : vector<4096x10xf32>
    %reduce_sum3A = arith.constant dense<0.000000e+00> : vector<4096xf32>
    %reduce_sum3A_26 = vector.multi_reduction <add>, %exp3A, %reduce_sum3A [1] : vector<4096x10xf32> to vector<4096xf32>
    %broadcast_in_dim3A_27 = vector.shape_cast %reduce_sum3A_26 : vector<4096xf32> to vector<4096x1xf32>
    %div3A = vector.broadcast %broadcast_in_dim3A_27 : vector<4096x1xf32> to vector<4096x10xf32>
    %div3A_28 = arith.divf %exp3A, %div3A : vector<4096x10xf32>
    %swap3A_29 = arith.constant 0 : index
    %swap3A_30 = arith.constant 0 : index
    %swap3A_31 = vector.load %arg6[%swap3A_29, %swap3A_30] : memref<4096x10xf32, #tpu.memory_space<vmem>>, vector<4096x10xf32>
    tpu.vector_store %arg6[%swap3A_29, %swap3A_30], %div3A_28 {strides = array<i32>} : memref<4096x10xf32, #tpu.memory_space<vmem>>, vector<4096x10xf32>,
    return
  }
}

</mosaic_0001>

<sc_bundles>
// kernel: kernel.4.cloned.1.call-start
scs
__scs_entry_jumppad:
0x0: {  	(pc) =	sbr.rel $0x88, $3  }
0x1: {  	(tag) =	ssettag $0x0;
	lr =	simm.s32 $0x1  }
0x2: {  	[smem:$0x3F97] =	sst lr;
	_ =	strace $0xD0000000  }
0x3: {  	_ = 	snop  }
0x4: {  	_ = 	snop  }
0x5: {  	_ = 	snop  }
0x6: {  	_ = 	snop  }
0x7: {  	_ = 	snop  }
__scs_overlays_trampoline_lowered:
0x8: {  	[smem:$0x3FA6] =	sst s0  }
0x9: {  	[smem:$0x3FA7] =	sst s1  }
0xa: {  	[smem:$0x3FA8] =	sst s2  }
0xb: {  	[smem:$0x3FA9] =	sst s3  }
0xc: {  	[smem:$0x3FAA] =	sst s4  }
0xd: {  	[smem:$0x3FAB] =	sst s5  }
0xe: {  	[smem:$0x3FAC] =	sst s6  }
0xf: {  	[smem:$0x3FAD] =	sst s7  }
0x10: {  	[smem:$0x3FAE] =	sst s8  }
0x11: {  	[smem:$0x3FAF] =	sst s9;
	s0 =	simm.s32 @!p0 $0x0  }
0x12: {  	s1 =	sld [smem:$0x3F95];
	s0 =	simm.s32 @p0 $0x1  }
0x13: {  	[smem:$0x3FB0] =	sst s0;
	s0 =	simm.s32 @!p1 $0x0  }
0x14: {  	s2 =	sld [smem:$0x3F94];
	s0 =	simm.s32 @p1 $0x1  }
0x15: {  	[smem:$0x3FB1] =	sst s0;
	s0 =	simm.s32 @!p2 $0x0  }
0x16: {  	s3 =	sld [smem:$0x3FDB];
	s0 =	simm.s32 @p2 $0x1  }
0x17: {  	s4 =	simm.s32 $0x1BF5;
	[smem:$0x3FB3] =	sst s0  }
0x18: {  	s0 =	sld [smem:$0x3F96];
	_ =	swait.ge [sflag:s4], $0x0  }
0x19: {  	s7 =	sld [smem:$0x3F97]  }
0x1a: {  	s8 =	sadd.s32 $0xFFFFE003, lr  }
0x1b: {  	s9 =	sadd.s32 $0xFFFFFEF7, lr;
	s5 =	simm.s32 $0xFFFFFFFF;
	p2 =	slt.u32 s8, $0xFFFFF086  }
0x1c: {  	p1 =	slt.u32 s9, $0xF7A;
	s5 =	simm.s32 @!p2 $0x0  }
0x1d: {  	s5 =	simm.s32 @p1 $0x1;
	p0 =	seq.s32 s7, s2  }
0x1e: {  	s7 =	smul.u32 @!p0 $0xF7A, s2;
	p2 =	seq.s32 @!p0 s5, $0x0  }
0x1f: {  	s9 =	smul.u32 $0xF7A, s1;
	s8 =	simm.s32 @!p0 $0x1BF5;
	p2 =	por !p2, p0  }
0x20: {  	[sflag:s8] =	ssyncset.s32 @!p0 $0xFFFFF086;
	s6 =	sadd.s32 @!p0 s3, s7;
	s7 =	simm.s32 @!p0 $0x108  }
0x21: {  	s3 =	sadd.s32 s3, s9;
	s6 =	sadd.s32 @!p0 $0x88, s6;
	s7 =	simm.s32 @p2 $0x1082  }
0x22: {  	[simem:s7], [sflag:s8] =	dma.local @!p0 [hbm:s6], $0xF7A  }
0x23: {  	s9 =	sor.u32 $0xD0000000, s2;
	s6 =	simm.s32 $0x108;
	_ =	swait.ge @!p0 [sflag:s8], $0x0  }
0x24: {  	s3 =	sadd.s32 $0x88, s3;
	s6 =	simm.s32 @!p1 $0x1082;
	[sflag:s4] =	ssyncset.s32 $0xFFFFF086  }
0x25: {  	[simem:s6], [sflag:s4] =	dma.local [hbm:s3], $0xF7A  }
0x26: {  	[smem:$0x3F97] =	sst s1;
	(tag) =	ssettag s2;
	_ =	strace s9  }
0x27: {  	s1 =	sld [smem:$0x3FA7]  }
0x28: {  	s2 =	sld [smem:$0x3FA8]  }
0x29: {  	s4 =	sld [smem:$0x3FAA]  }
0x2a: {  	p0 =	seq.s32 s5, $0x0;
	s5 =	sld [smem:$0x3FAB]  }
0x2b: {  	s6 =	sld [smem:$0x3FAC]  }
0x2c: {  	s7 =	sld [smem:$0x3FAD]  }
0x2d: {  	s3 =	simm.s32 $0x108;
	s8 =	sld [smem:$0x3FAE]  }
0x2e: {  	s3 =	simm.s32 @!p0 $0x1082;
	s9 =	sld [smem:$0x3FAF]  }
0x2f: {  	lr =	sadd.s32 s0, s3;
	s0 =	sld [smem:$0x3FA6]  }
0x30: {  	s3 =	sld [smem:$0x3FA9]  }
0x31: {  	[smem:$0x3FB2] =	sst s10  }
0x32: {  	s10 =	sld [smem:$0x3FB0];
	_ =	sdelay $0x3  }
0x33: {  	p0 =	seq.s32 s10, $0x1;
	s10 =	sld [smem:$0x3FB2];
	_ =	sdelay $0x3  }
0x34: {  	[smem:$0x3FB2] =	sst s10  }
0x35: {  	s10 =	sld [smem:$0x3FB1];
	_ =	sdelay $0x3  }
0x36: {  	p1 =	seq.s32 s10, $0x1;
	s10 =	sld [smem:$0x3FB2];
	_ =	sdelay $0x3  }
0x37: {  	[smem:$0x3FB2] =	sst s10  }
0x38: {  	s10 =	sld [smem:$0x3FB3]  }
0x39: {  	_ = 	snop;
	(pc) =	sbr.ind lr, $3  }
0x3a: {  	_ = 	snop  }
0x3b: {  	_ = 	snop  }
0x3c: {  	p2 =	seq.s32 s10, $0x1;
	s10 =	sld [smem:$0x3FB2]  }
0x3d: {  	_ =	shalt  }
0x3e: {  	_ =	shalt  }
0x3f: {  	_ =	shalt  }
0x40: {  	_ =	shalt  }
0x41: {  	_ =	shalt  }
0x42: {  	_ =	shalt  }
0x43: {  	_ =	shalt  }
0x44: {  	_ =	shalt  }
0x45: {  	_ =	shalt  }
0x46: {  	_ =	shalt  }
0x47: {  	_ =	shalt  }
0x48: {  	_ =	shalt  }
0x49: {  	_ =	shalt  }
0x4a: {  	_ =	shalt  }
0x4b: {  	_ =	shalt  }
0x4c: {  	_ =	shalt  }
0x4d: {  	_ =	shalt  }
0x4e: {  	_ =	shalt  }
0x4f: {  	_ =	shalt  }
0x50: {  	_ =	shalt  }
0x51: {  	_ =	shalt  }
0x52: {  	_ =	shalt  }
0x53: {  	_ =	shalt  }
0x54: {  	_ =	shalt  }
0x55: {  	_ =	shalt  }
0x56: {  	_ =	shalt  }
0x57: {  	_ =	shalt  }
0x58: {  	_ =	shalt  }
0x59: {  	_ =	shalt  }
0x5a: {  	_ =	shalt  }
0x5b: {  	_ =	shalt  }
0x5c: {  	_ =	shalt  }
0x5d: {  	_ =	shalt  }
0x5e: {  	_ =	shalt  }
0x5f: {  	_ =	shalt  }
0x60: {  	_ =	shalt  }
0x61: {  	_ =	shalt  }
0x62: {  	_ =	shalt  }
0x63: {  	_ =	shalt  }
0x64: {  	_ =	shalt  }
0x65: {  	_ =	shalt  }
0x66: {  	_ =	shalt  }
0x67: {  	_ =	shalt  }
0x68: {  	_ =	shalt  }
0x69: {  	_ =	shalt  }
0x6a: {  	_ =	shalt  }
0x6b: {  	_ =	shalt  }
0x6c: {  	_ =	shalt  }
0x6d: {  	_ =	shalt  }
0x6e: {  	_ =	shalt  }
0x6f: {  	_ =	shalt  }
0x70: {  	_ =	shalt  }
0x71: {  	_ =	shalt  }
0x72: {  	_ =	shalt  }
0x73: {  	_ =	shalt  }
0x74: {  	_ =	shalt  }
0x75: {  	_ =	shalt  }
0x76: {  	_ =	shalt  }
0x77: {  	_ =	shalt  }
0x78: {  	_ =	shalt  }
0x79: {  	_ =	shalt  }
0x7a: {  	_ =	shalt  }
0x7b: {  	_ =	shalt  }
0x7c: {  	_ =	shalt  }
0x7d: {  	_ =	shalt  }
0x7e: {  	_ =	shalt  }
0x7f: {  	_ =	shalt  }
0x80: {  	_ =	shalt  }
0x81: {  	_ =	shalt  }
0x82: {  	_ =	shalt  }
0x83: {  	_ =	shalt  }
0x84: {  	_ =	shalt  }
0x85: {  	_ =	shalt  }
0x86: {  	_ =	shalt  }
0x87: {  	_ =	shalt  }
.Lfunc_end0:
.L_simem_size_0:
called_computation_lowered:
.L_overlay_start_0:
0x88: {  	s2 =	sld [smem:$0x3FD9]  }
0x89: {  	s3 =	sld [smem:$0x3FFE];
	_ =	sdelay $0x1  }
0x8a: {  	s1 =	srdreg.scid  }
0x8b: {  	s0 =	sand.u32 $0x1, s1  }
0x8c: {  	s17 =	sshll.u32 s0, $0xA;
	s2 =	sadd.s32 s3, s2  }
0x8d: {  	s2 =	sadd.s32 s2, s17  }
0x8e: {  	[smem:$0x3FBE] =	sst s2  }
0x8f: {  	_ = 	snop  }
0x90: {  	s2 =	sld [smem:$0x3FC6]  }
0x91: {  	s18 =	sld [smem:$0x3FC5]  }
0x92: {  	s4 =	sld [smem:$0x3FC4];
	(tm) =	ssettm $0x1  }
0x93: {  	s5 =	sld [smem:$0x3FFB];
	_ =	sdelay $0x3  }
0x94: {  	_ =	strace s5  }
0x95: {  	s5 =	sld [smem:$0x3FFC];
	_ =	sdelay $0x3  }
0x96: {  	_ =	strace s5  }
0x97: {  	s5 =	sld [smem:$0x3FFD];
	_ =	sdelay $0x3  }
0x98: {  	_ =	strace s5  }
0x99: {  	_ =	strace $0x8FFFFFFF  }
0x9a: {  	s19 =	sld [smem:$0x3FDB];
	_ =	sdelay $0x1  }
0x9b: {  	s6 =	simm.s32 $_scs_section_size  }
0x9c: {  	s7 =	simm.s32 $_size__tile_overlayer_lowered;
	s8 =	simm.s32 $_tile_overlayer_lowered  }
0x9d: {  	s22 =	simm.s32 $0x1BFF;
	s21 =	sshll.u32 s8, $0x1;
	s5 =	sadd.s32 s6, s19  }
0x9e: {  	s9 =	simm.s32 $0x0;
	s20 =	sshll.u32 s7, $0x1;
	s7 =	sadd.s32 s21, s5  }
0x9f: {  	[timem:s9], [sflag:s22] =	dma.local [hbm:s7], s20  }
0xa0: {  	_ =	swait.ge [sflag:s22], s20  }
0xa1: {  	s6 =	ssub.s32 $0x0, s20;
	[sflag:s22] =	ssyncset.done $0x0  }
0xa2: {  	[sflag:s22] =	ssyncadd.s32 s6;
	_ =	sdelay $0x1  }
0xa3: {  	s23 =	simm.s32 $0x1B8B  }
0xa4: {  	_ =	swait.ge [sflag:s23], $0x1  }
0xa5: {  	[sflag:s23] =	ssyncset.done $0x0  }
0xa6: {  	s25 =	simm.s32 $0x1B8E;
	s24 =	sld [smem:$0x3FFE];
	[sflag:s23] =	ssyncadd.s32 $0xFFFFFFFF  }
0xa7: {  	s26 =	simm.s32 $execute0_lowered;
	[smem:$0x3FD2] =	sst s25  }
0xa8: {  	s7 =	sshll.u32 s26, $0x1;
	_ =	strace $0x80000046;
	[dreg:$0x1] =	wrdreg $0xFFFFFFFF  }
0xa9: {  	s28 =	simm.s32 $_size_execute0_lowered;
	s5 =	sadd.s32 s5, s7;
	[dreg:$0x0] =	wrdreg $0x0  }
0xaa: {  	s7 =	sshll.u32 s28, $0x1;
	[dreg:$0x2] =	wrdreg s5  }
0xab: {  	[dreg:$0x3] =	wrdreg s7  }
0xac: {  	[dreg:$0x4] =	wrdreg $0xC0  }
0xad: {  	_ =	task [dreg:s9], $0x5FFFF  }
0xae: {  	[dreg:$0x1] =	wrdreg $0xFFFFFFFF  }
0xaf: {  	[dreg:$0x0] =	wrdreg $0x60  }
0xb0: {  	[dreg:$0x2] =	wrdreg s24  }
0xb1: {  	[dreg:$0x3] =	wrdreg s2  }
0xb2: {  	[dreg:$0x4] =	wrdreg s18  }
0xb3: {  	[dreg:$0x5] =	wrdreg s4  }
0xb4: {  	[dreg:$0x6] =	wrdreg $0x9  }
0xb5: {  	_ =	task.clear_ibuf [dreg:s9], $0x7FFFF;
	_ =	strace $0x90000046  }
0xb6: {  	s29 =	simm.s32 $0x9;
	_ =	strace $0x80000048  }
0xb7: {  	_ =	swait.ge [sflag:s29], $0x1  }
0xb8: {  	[sflag:s29] =	ssyncadd.s32 $0xFFFFFFFF  }
0xb9: {  	_ =	strace $0x90000048  }
0xba: {  	_ =	sfence  }
0xbb: {  	s30 =	sld [smem:$0x0];
	_ =	sdelay $0x2  }
0xbc: {  	s31 =	sshll.u32 s1, $0xD;
	s1 =	sshrl.u32 s1, $0x2  }
0xbd: {  	s3 =	sand.u32 $0x4000, s31;
	s1 =	sadd.s32 s1, s30  }
0xbe: {  	s0 =	sor.u32 s3, s0;
	s1 =	sshll.u32 s1, $0x11  }
0xbf: {  	s0 =	sor.u32 s1, s0  }
0xc0: {  	s0 =	sadd.s32 $0x8F2B, s0  }
0xc1: {  	[sflag:s0] =	ssyncadd.remote.s32 $0x1  }
0xc2: {  	_ =	sfence.sel $0xFFFF  }
0xc3: {  	[dreg:$0x0] =	wrdreg $0xFFFFFFFF;
	(pc) =	sbr.abs _section_cstart, $3  }
0xc4: {  	[dreg:$0x1] =	wrdreg $0xFFFFFFFF  }
0xc5: {  	_ =	task.clear_ibuf [dreg:s9], $0x2FFFF;
	_ =	strace $0x9FFFFFFF  }
0xc6: {  	(tm) =	ssettm $0x7FFFFFFF  }
0xc7: {  	_ =	shalt  }
tec
execute0_lowered:
.L_overlay_start_1:
0x0: {  	(tag) =	ssettag $0x1  }
0x1: {  	s0 =	rddreg [dreg:$0x0]  }
0x2: {  	s1 =	rddreg [dreg:$0x1]  }
0x3: {  	s3 =	rddreg [dreg:$0x2]  }
0x4: {  	s4 =	rddreg [dreg:$0x3]  }
0x5: {  	s2 =	srdreg.scid;
	s6 =	stileid.u32  }
0x6: {  	s5 =	simm.s32 $0x0;
	s11 =	simm.s32 $0x7;
	s12 =	simm.s32 $0x8  }
0x7: {  	s14 =	simm.s32 $0x9;
	s17 =	simm.s32 $0x64;
	s28 =	simm.s32 $0x19800  }
0x8: {  	s29 =	simm.s32 $0x2;
	s30 =	simm.s32 $0x19900;
	s31 =	simm.s32 $0x3  }
0x9: {  	s18 =	simm.s32 $0x19B00;
	s2 =	sand.u32 $0x1, s2;
	s6 =	sshll.u32 s6, $0x1  }
0xa: {  	s19 =	simm.s32 $0x5;
	s20 =	simm.s32 $0x19C00;
	s7 =	sor.u32 s2, s6  }
0xb: {  	s21 =	simm.s32 $0x6;
	s22 =	simm.s32 $0x19D00;
	s6 =	sshll.u32 s7, $0xA  }
0xc: {  	[smem:$0x7FF] =	sst s5;
	s2 =	ssub.s32 $0x2, s2;
	s8 =	sadd.s32 s6, s0  }
0xd: {  	_ =	strace $0x80000047;
	s23 =	sshrl.u32 s2, $0x1;
	s24 =	sadd.s32 $0x1400, s8  }
0xe: {  	s6 =	sadd.s32 $0x19400, s0;
	s25 =	sadd.s32 $0x9400, s8;
	[dreg:$0x5] =	wrdreg s24  }
0xf: {  	s0 =	ssub.s32 s2, s23;
	s26 =	sadd.s32 $0x11400, s8;
	[dreg:$0x6] =	wrdreg s25  }
0x10: {  	s13 =	simm.s32 $0x0;
	s0 =	smax.u32 s0, $0x1;
	[dreg:$0x7] =	wrdreg s26  }
0x11: {  	s7 =	sshll.u32 s7, $0x7;
	s2 =	simm.s32 $0x4;
	[dreg:$0x8] =	wrdreg s0  }
0x12: {  	s25 =	simm.s32 $0x16400;
	s26 =	simm.s32 $0x1;
	s0 =	simm.s32 $0x19A00  }
.LBB2_1:
0x13: {  	s8 =	rddreg [dreg:$0x5]  }
0x14: {  	[tilespmem:s5], [sflag:$0x7] =	stream.linear.gather [hbm4b:s8+s5], $0x2000, $0x38;
	[tilespmem:$0x1A000] =	vst v63  }
0x15: {  	s23 =	rddreg [dreg:$0x6];
	s9 =	simm.s32 $0x2000  }
0x16: {  	[tilespmem:s9], [sflag:$0x8] =	stream.linear.gather [hbm4b:s23+s5], $0x2000, $0x38;
	[tilespmem:$0x1A000] =	vst v63  }
0x17: {  	s24 =	rddreg [dreg:$0x7];
	s10 =	simm.s32 $0x4000  }
0x18: {  	[tilespmem:s10], [sflag:$0x9] =	stream.linear.gather [hbm4b:s24+s5], $0x2000, $0x38;
	[tilespmem:$0x1A000] =	vst v63  }
0x19: {  	_ =	swait.ge [sflag:s11], $0x2000  }
0x1a: {  	[sflag:s11] =	ssyncset.done $0x0  }
0x1b: {  	[sflag:s11] =	ssyncadd.s32 $0xFFFFE000  }
0x1c: {  	_ =	swait.ge [sflag:s12], $0x2000  }
0x1d: {  	[sflag:s12] =	ssyncset.done $0x0  }
0x1e: {  	[sflag:s12] =	ssyncadd.s32 $0xFFFFE000  }
0x1f: {  	_ =	swait.ge [sflag:s14], $0x2000  }
0x20: {  	[sflag:s14] =	ssyncset.done $0x0  }
0x21: {  	s11 =	simm.s32 $0x6000;
	[sflag:s14] =	ssyncadd.s32 $0xFFFFE000  }
0x22: {  	[tilespmem:s11], [sflag:$0x1] =	stream.indirect.gather [hbm4b:s1+s17], $0x80, s5, s17, $0xb8;
	[tilespmem:$0x1A000] =	vst v63  }
0x23: {  	s12 =	simm.s32 $0x9400  }
0x24: {  	[tilespmem:s12], [sflag:$0x2] =	stream.indirect.gather [hbm4b:s3+s17], $0x80, s9, s17, $0xb8;
	[tilespmem:$0x1A000] =	vst v63  }
0x25: {  	s14 =	simm.s32 $0xC800  }
0x26: {  	[tilespmem:s14], [sflag:$0x3] =	stream.indirect.gather [hbm4b:s4+s17], $0x80, s10, s17, $0xb8;
	[tilespmem:$0x1A000] =	vst v63  }
0x27: {  	s15 =	simm.s32 $0x80;
	s16 =	simm.s32 $0xFC00  }
0x28: {  	[tilespmem:s16], [sflag:$0x4] =	stream.indirect.gather [hbm4b:s1+s17], $0x80, s15, s17, $0xb8;
	[tilespmem:$0x1A000] =	vst v63  }
0x29: {  	s8 =	simm.s32 $0x0;
	s23 =	simm.s32 $0x2080;
	s24 =	simm.s32 $0x13000  }
0x2a: {  	[tilespmem:s24], [sflag:$0x5] =	stream.indirect.gather [hbm4b:s3+s17], $0x80, s23, s17, $0xb8;
	[tilespmem:$0x1A000] =	vst v63  }
.LBB2_2:
0x2b: {  	s9 =	sshllo.u32 s8, $0x1  }
0x2c: {  	s10 =	sshll.u32 s9, $0x7  }
0x2d: {  	s10 =	sand.u32 $0x3FFFFF80, s10  }
0x2e: {  	s10 =	sadd.s32 $0x4000, s10  }
0x2f: {  	[tilespmem:s25], [sflag:$0x6] =	stream.indirect.gather [hbm4b:s4+s17], $0x80, s10, s17, $0xb8;
	[tilespmem:$0x1A000] =	vst v63  }
0x30: {  	_ =	swait.ge [sflag:s26], $0x3200  }
0x31: {  	[sflag:s26] =	ssyncset.done $0x0  }
0x32: {  	s11 =	simm.s32 $0x80;
	[sflag:s26] =	ssyncadd.s32 $0xFFFFCE00  }
0x33: {  	v7 =	vld [tilespmem:s11+$0x6000]  }
0x34: {  	v8 =	vld [tilespmem:s11+$0x6010]  }
0x35: {  	v9 =	vld [tilespmem:s11+$0x6020]  }
0x36: {  	v10 =	vld [tilespmem:s11+$0x6030]  }
0x37: {  	v11 =	vld [tilespmem:s11+$0x6040]  }
0x38: {  	v12 =	vld [tilespmem:s11+$0x6050]  }
0x39: {  	v15 =	vld [tilespmem:s11+$0x6060]  }
0x3a: {  	v19 =	vld [tilespmem:s11+$0x6070]  }
0x3b: {  	v6 =	vld [tilespmem:s11+$0x7900]  }
0x3c: {  	v5 =	vld [tilespmem:s11+$0x7910]  }
0x3d: {  	v3 =	vld [tilespmem:s11+$0x7920]  }
0x3e: {  	v2 =	vld [tilespmem:s11+$0x7930]  }
0x3f: {  	v0 =	vld [tilespmem:s11+$0x5F80]  }
0x40: {  	v1 =	vld [tilespmem:s11+$0x5F90]  }
0x41: {  	v13 =	vld [tilespmem:s11+$0x5FA0]  }
0x42: {  	v14 =	vld [tilespmem:s11+$0x5FB0]  }
0x43: {  	v17 =	vld [tilespmem:s11+$0x5FC0]  }
0x44: {  	v18 =	vld [tilespmem:s11+$0x5FD0]  }
0x45: {  	v4 =	vimm.f32 $0.0e+00;
	v20 =	vld [tilespmem:s11+$0x5FE0]  }
0x46: {  	v22 =	vld [tilespmem:s11+$0x5FF0];
	v16 =	vadd.f32 v0, v4;
	v21 =	vadd.f32 v1, v4  }
0x47: {  	v24 =	vld [tilespmem:s11+$0x7880];
	v23 =	vadd.f32 v13, v4;
	v25 =	vadd.f32 v14, v4  }
0x48: {  	v26 =	vld [tilespmem:s11+$0x7890];
	v16 =	vadd.f32 v7, v16;
	v13 =	vadd.f32 v8, v21  }
0x49: {  	v27 =	vld [tilespmem:s11+$0x78A0];
	v14 =	vadd.f32 v9, v23;
	v10 =	vadd.f32 v10, v25  }
0x4a: {  	v28 =	vld [tilespmem:s11+$0x78B0];
	v7 =	vadd.f32 v17, v4;
	v8 =	vadd.f32 v18, v4  }
0x4b: {  	v1 =	vld [tilespmem:s11+$0x7940];
	v9 =	vadd.f32 v20, v4;
	v20 =	vadd.f32 v22, v4  }
0x4c: {  	v0 =	vld [tilespmem:s11+$0x7950];
	v18 =	vadd.f32 v11, v7;
	v17 =	vadd.f32 v12, v8  }
0x4d: {  	v22 =	vld [tilespmem:s11+$0x78C0];
	v21 =	vimm.f32 $0.0e+00;
	v15 =	vadd.f32 v15, v9;
	v8 =	vadd.f32 v19, v20  }
0x4e: {  	v23 =	vld [tilespmem:s11+$0x78D0];
	v20 =	vimm.f32 $0.0e+00;
	v19 =	vimm.f32 $0.0e+00;
	v11 =	vimm.f32 $0.0e+00  }
0x4f: {  	s12 =	simm.s32 $0x600;
	s10 =	sshll.u32 s8, $0x1;
	v25 =	vld [tilespmem:s11+$0x78E0];
	v12 =	vimm.f32 $0.0e+00;
	v9 =	vimm.f32 $0.0e+00;
	v7 =	vimm.f32 $0.0e+00  }
.LBB2_3:
0x50: {  	p0 =	sne.s32 s12, $0x6200;
	v4 =	vadd.f32 v24, v4;
	v20 =	vadd.f32 v26, v20;
	v24 =	vld [tilespmem:s11+$0x78F0]  }
0x51: {  	v21 =	vadd.f32 v27, v21;
	v19 =	vadd.f32 v28, v19;
	v26 =	vld [tilespmem:s11+$0x7960]  }
0x52: {  	v4 =	vadd.f32 v6, v4;
	v20 =	vadd.f32 v5, v20;
	v5 =	vld [tilespmem:s11+$0x7970];
	s11 =	sshra.s32 s12, $0x2  }
0x53: {  	v21 =	vadd.f32 v3, v21;
	v27 =	vld [tilespmem:s11+$0x6000];
	v19 =	vadd.f32 v2, v19  }
0x54: {  	v2 =	vadd.f32 v22, v11;
	v3 =	vadd.f32 v23, v12;
	v28 =	vld [tilespmem:s11+$0x6010]  }
0x55: {  	v6 =	vadd.f32 v25, v9;
	v22 =	vld [tilespmem:s11+$0x6020];
	v7 =	vadd.f32 v24, v7  }
0x56: {  	v11 =	vadd.f32 v1, v2;
	v12 =	vadd.f32 v0, v3;
	v23 =	vld [tilespmem:s11+$0x6030]  }
0x57: {  	v9 =	vadd.f32 v26, v6;
	v25 =	vld [tilespmem:s11+$0x6040];
	v7 =	vadd.f32 v5, v7  }
0x58: {  	v29 =	vld [tilespmem:s11+$0x6050]  }
0x59: {  	v30 =	vld [tilespmem:s11+$0x6060]  }
0x5a: {  	v31 =	vld [tilespmem:s11+$0x6070]  }
0x5b: {  	v6 =	vld [tilespmem:s11+$0x7900]  }
0x5c: {  	v5 =	vld [tilespmem:s11+$0x7910]  }
0x5d: {  	v3 =	vld [tilespmem:s11+$0x7920]  }
0x5e: {  	v2 =	vld [tilespmem:s11+$0x7930]  }
0x5f: {  	v1 =	vld [tilespmem:s11+$0x7940]  }
0x60: {  	v0 =	vld [tilespmem:s11+$0x7950]  }
0x61: {  	v24 =	vld [tilespmem:s11+$0x5F80]  }
0x62: {  	v26 =	vld [tilespmem:s11+$0x5F90]  }
0x63: {  	v32 =	vld [tilespmem:s11+$0x5FA0]  }
0x64: {  	v33 =	vld [tilespmem:s11+$0x5FB0]  }
0x65: {  	v34 =	vld [tilespmem:s11+$0x5FC0]  }
0x66: {  	v35 =	vld [tilespmem:s11+$0x5FD0]  }
0x67: {  	v36 =	vld [tilespmem:s11+$0x5FE0]  }
0x68: {  	v16 =	vadd.f32 v24, v16;
	v13 =	vadd.f32 v26, v13;
	v37 =	vld [tilespmem:s11+$0x5FF0]  }
0x69: {  	v14 =	vadd.f32 v32, v14;
	v10 =	vadd.f32 v33, v10;
	v24 =	vld [tilespmem:s11+$0x7880]  }
0x6a: {  	v16 =	vadd.f32 v27, v16;
	v13 =	vadd.f32 v28, v13;
	v26 =	vld [tilespmem:s11+$0x7890]  }
.Ltmp0:
0x6b: {  	v14 =	vadd.f32 v22, v14;
	v10 =	vadd.f32 v23, v10;
	v27 =	vld [tilespmem:s11+$0x78A0];
	(pc) =	sbr.rel @p0 .LBB2_3-.Ltmp0, $4  }
0x6c: {  	v18 =	vadd.f32 v34, v18;
	v17 =	vadd.f32 v35, v17;
	v28 =	vld [tilespmem:s11+$0x78B0]  }
0x6d: {  	v15 =	vadd.f32 v36, v15;
	v8 =	vadd.f32 v37, v8;
	v22 =	vld [tilespmem:s11+$0x78C0]  }
0x6e: {  	v18 =	vadd.f32 v25, v18;
	v17 =	vadd.f32 v29, v17;
	v23 =	vld [tilespmem:s11+$0x78D0]  }
0x6f: {  	s12 =	sadd.s32 $0x400, s12;
	v15 =	vadd.f32 v30, v15;
	v8 =	vadd.f32 v31, v8;
	v25 =	vld [tilespmem:s11+$0x78E0]  }
0x70: {  	v29 =	vld [tilespmem:s11+$0x78F0]  }
0x71: {  	v30 =	vld [tilespmem:s11+$0x7960];
	p0 =	seq.s32 s8, $0x0  }
0x72: {  	v31 =	vld [tilespmem:s11+$0x7970];
	s11 =	simm.s32 @!p0 $0x7  }
0x73: {  	_ =	swait.ge @!p0 [sflag:s11], $0x100  }
0x74: {  	v16 =	vmul.f32 $1.999999960e-02, v16;
	[sflag:s11] =	ssyncset.done @!p0 $0x0  }
0x75: {  	v13 =	vmul.f32 $1.999999960e-02, v13;
	[sflag:s11] =	ssyncadd.s32 @!p0 $0xFFFFFF00  }
0x76: {  	v14 =	vmul.f32 $1.999999960e-02, v14;
	v4 =	vadd.f32 v24, v4;
	[tilespmem:$0x19800] =	vst v16  }
0x77: {  	v10 =	vmul.f32 $1.999999960e-02, v10;
	[tilespmem:$0x19810] =	vst v13  }
0x78: {  	v4 =	vadd.f32 v6, v4;
	v6 =	vmul.f32 $1.999999960e-02, v15;
	[tilespmem:$0x19820] =	vst v14  }
0x79: {  	v8 =	vmul.f32 $1.999999960e-02, v8;
	v14 =	vadd.f32 v26, v20;
	[tilespmem:$0x19830] =	vst v10  }
0x7a: {  	v10 =	vmul.f32 $1.999999960e-02, v17;
	v16 =	vadd.f32 v27, v21;
	[tilespmem:$0x19860] =	vst v6  }
0x7b: {  	v13 =	vmul.f32 $1.999999960e-02, v18;
	v6 =	vadd.f32 v23, v12;
	[tilespmem:$0x19870] =	vst v8;
	v5 =	vadd.f32 v5, v14  }
0x7c: {  	v4 =	vmul.f32 $1.999999960e-02, v4;
	[tilespmem:$0x19850] =	vst v10;
	v3 =	vadd.f32 v3, v16;
	v10 =	vadd.f32 v22, v11  }
0x7d: {  	[tilespmem:$0x19840] =	vst v13;
	v13 =	vadd.f32 v28, v19;
	v0 =	vadd.f32 v0, v6;
	v5 =	vmul.f32 $1.999999960e-02, v5  }
0x7e: {  	s24 =	sshll.u32 s8, $0x2;
	v8 =	vadd.f32 v25, v9;
	[tilespmem:$0x19880] =	vst v4;
	v1 =	vadd.f32 v1, v10;
	v3 =	vmul.f32 $1.999999960e-02, v3  }
0x7f: {  	s11 =	sadd.s32 s7, s24;
	v4 =	vadd.f32 v29, v7;
	v2 =	vadd.f32 v2, v13;
	v0 =	vmul.f32 $1.999999960e-02, v0;
	[tilespmem:$0x19890] =	vst v5  }
0x80: {  	s11 =	sshrl.u32 s11, $0x3;
	v5 =	vadd.f32 v30, v8;
	[tilespmem:$0x198A0] =	vst v3;
	v1 =	vmul.f32 $1.999999960e-02, v1  }
0x81: {  	s12 =	sshll.u32 s8, $0x9;
	s11 =	smul.u32 $0xC00, s11;
	v2 =	vmul.f32 $1.999999960e-02, v2;
	v3 =	vadd.f32 v31, v4;
	[tilespmem:$0x198D0] =	vst v0  }
0x82: {  	s12 =	sand.u32 $0x200, s12;
	[tilespmem:$0x198C0] =	vst v1;
	v1 =	vmul.f32 $1.999999960e-02, v5  }
0x83: {  	s14 =	sor.u32 s12, s11;
	[tilespmem:$0x198B0] =	vst v2;
	v0 =	vmul.f32 $1.999999960e-02, v3  }
0x84: {  	s14 =	sshrl.u32 s14, $0x3;
	[tilespmem:$0x198E0] =	vst v1  }
0x85: {  	s14 =	sadd.s32 s6, s14;
	[tilespmem:$0x198F0] =	vst v0  }
0x86: {  	[hbm4b:s14+s5] =	stream.linear.scatter [tilespmem:s28], [sflag:$0x7], $0x100, $0x38;
	[tilespmem:$0x1A000] =	vst v63  }
0x87: {  	p1 =	seq.s32 s8, $0x1F;
	s14 =	sadd.s32 $0x2, s10  }
0x88: {  	s14 =	sshll.u32 @!p1 s14, $0x7  }
0x89: {  	s15 =	simm.s32 @!p1 $0x64;
	s23 =	simm.s32 @!p1 $0x6000;
	s14 =	sand.u32 @!p1 $0x3FFFFF80, s14  }
0x8a: {  	[tilespmem:s23], [sflag:$0x1] =	stream.indirect.gather @!p1 [hbm4b:s1+s15], $0x80, s14, s15, $0xb8;
	[tilespmem:$0x1A000] =	vst v63  }
0x8b: {  	_ =	swait.ge [sflag:s29], $0x3200  }
0x8c: {  	[sflag:s29] =	ssyncset.done $0x0  }
0x8d: {  	s23 =	simm.s32 $0x0;
	[sflag:s29] =	ssyncadd.s32 $0xFFFFCE00  }
0x8e: {  	v7 =	vld [tilespmem:s23+$0x9480]  }
0x8f: {  	v8 =	vld [tilespmem:s23+$0x9490]  }
0x90: {  	v9 =	vld [tilespmem:s23+$0x94A0]  }
0x91: {  	v10 =	vld [tilespmem:s23+$0x94B0]  }
0x92: {  	v12 =	vld [tilespmem:s23+$0x94C0]  }
0x93: {  	v15 =	vld [tilespmem:s23+$0x94D0]  }
0x94: {  	v19 =	vld [tilespmem:s23+$0x94E0]  }
0x95: {  	v20 =	vld [tilespmem:s23+$0x94F0]  }
0x96: {  	v6 =	vld [tilespmem:s23+$0xAD80]  }
0x97: {  	v5 =	vld [tilespmem:s23+$0xAD90]  }
0x98: {  	v3 =	vld [tilespmem:s23+$0xADA0]  }
0x99: {  	v2 =	vld [tilespmem:s23+$0xADB0]  }
0x9a: {  	v0 =	vld [tilespmem:s23+$0x9400]  }
0x9b: {  	v1 =	vld [tilespmem:s23+$0x9410]  }
0x9c: {  	v11 =	vld [tilespmem:s23+$0x9420]  }
0x9d: {  	v13 =	vld [tilespmem:s23+$0x9430]  }
0x9e: {  	v17 =	vld [tilespmem:s23+$0x9440]  }
0x9f: {  	v18 =	vld [tilespmem:s23+$0x9450]  }
0xa0: {  	v4 =	vimm.f32 $0.0e+00;
	v21 =	vld [tilespmem:s23+$0x9460]  }
0xa1: {  	v23 =	vld [tilespmem:s23+$0x9470];
	v14 =	vadd.f32 v0, v4;
	v22 =	vadd.f32 v1, v4  }
0xa2: {  	v24 =	vld [tilespmem:s23+$0xAD00];
	v11 =	vadd.f32 v11, v4;
	v25 =	vadd.f32 v13, v4  }
0xa3: {  	v26 =	vld [tilespmem:s23+$0xAD10];
	v16 =	vadd.f32 v7, v14;
	v13 =	vadd.f32 v8, v22  }
0xa4: {  	v27 =	vld [tilespmem:s23+$0xAD20];
	v14 =	vadd.f32 v9, v11;
	v11 =	vadd.f32 v10, v25  }
0xa5: {  	v28 =	vld [tilespmem:s23+$0xAD30];
	v7 =	vadd.f32 v17, v4;
	v8 =	vadd.f32 v18, v4  }
0xa6: {  	v0 =	vld [tilespmem:s23+$0xADC0];
	v9 =	vadd.f32 v21, v4;
	v10 =	vadd.f32 v23, v4  }
0xa7: {  	v1 =	vld [tilespmem:s23+$0xADD0];
	v18 =	vadd.f32 v12, v7;
	v17 =	vadd.f32 v15, v8  }
0xa8: {  	v22 =	vld [tilespmem:s23+$0xAD40];
	v21 =	vimm.f32 $0.0e+00;
	v15 =	vadd.f32 v19, v9;
	v9 =	vadd.f32 v20, v10  }
0xa9: {  	v23 =	vld [tilespmem:s23+$0xAD50];
	v20 =	vimm.f32 $0.0e+00;
	v19 =	vimm.f32 $0.0e+00;
	v12 =	vimm.f32 $0.0e+00  }
0xaa: {  	s24 =	simm.s32 $0x400;
	v25 =	vld [tilespmem:s23+$0xAD60];
	v10 =	vimm.f32 $0.0e+00;
	v8 =	vimm.f32 $0.0e+00;
	v7 =	vimm.f32 $0.0e+00  }
.LBB2_5:
0xab: {  	p2 =	sne.s32 s24, $0x6000;
	v4 =	vadd.f32 v24, v4;
	v20 =	vadd.f32 v26, v20;
	v24 =	vld [tilespmem:s23+$0xAD70]  }
0xac: {  	v21 =	vadd.f32 v27, v21;
	v19 =	vadd.f32 v28, v19;
	v26 =	vld [tilespmem:s23+$0xADE0]  }
0xad: {  	v4 =	vadd.f32 v6, v4;
	v20 =	vadd.f32 v5, v20;
	v5 =	vld [tilespmem:s23+$0xADF0];
	s23 =	sshra.s32 s24, $0x2  }
0xae: {  	v21 =	vadd.f32 v3, v21;
	v27 =	vld [tilespmem:s23+$0x9480];
	v19 =	vadd.f32 v2, v19  }
0xaf: {  	v2 =	vadd.f32 v22, v12;
	v3 =	vadd.f32 v23, v10;
	v28 =	vld [tilespmem:s23+$0x9490]  }
0xb0: {  	v6 =	vadd.f32 v25, v8;
	v22 =	vld [tilespmem:s23+$0x94A0];
	v7 =	vadd.f32 v24, v7  }
0xb1: {  	v12 =	vadd.f32 v0, v2;
	v10 =	vadd.f32 v1, v3;
	v23 =	vld [tilespmem:s23+$0x94B0]  }
0xb2: {  	v8 =	vadd.f32 v26, v6;
	v25 =	vld [tilespmem:s23+$0x94C0];
	v7 =	vadd.f32 v5, v7  }
0xb3: {  	v29 =	vld [tilespmem:s23+$0x94D0]  }
0xb4: {  	v30 =	vld [tilespmem:s23+$0x94E0]  }
0xb5: {  	v31 =	vld [tilespmem:s23+$0x94F0]  }
0xb6: {  	v6 =	vld [tilespmem:s23+$0xAD80]  }
0xb7: {  	v5 =	vld [tilespmem:s23+$0xAD90]  }
0xb8: {  	v3 =	vld [tilespmem:s23+$0xADA0]  }
0xb9: {  	v2 =	vld [tilespmem:s23+$0xADB0]  }
0xba: {  	v0 =	vld [tilespmem:s23+$0xADC0]  }
0xbb: {  	v1 =	vld [tilespmem:s23+$0xADD0]  }
0xbc: {  	v24 =	vld [tilespmem:s23+$0x9400]  }
0xbd: {  	v26 =	vld [tilespmem:s23+$0x9410]  }
0xbe: {  	v32 =	vld [tilespmem:s23+$0x9420]  }
0xbf: {  	v33 =	vld [tilespmem:s23+$0x9430]  }
0xc0: {  	v34 =	vld [tilespmem:s23+$0x9440]  }
0xc1: {  	v35 =	vld [tilespmem:s23+$0x9450]  }
0xc2: {  	v36 =	vld [tilespmem:s23+$0x9460]  }
0xc3: {  	v16 =	vadd.f32 v24, v16;
	v13 =	vadd.f32 v26, v13;
	v37 =	vld [tilespmem:s23+$0x9470]  }
0xc4: {  	v14 =	vadd.f32 v32, v14;
	v11 =	vadd.f32 v33, v11;
	v24 =	vld [tilespmem:s23+$0xAD00]  }
0xc5: {  	v16 =	vadd.f32 v27, v16;
	v13 =	vadd.f32 v28, v13;
	v26 =	vld [tilespmem:s23+$0xAD10]  }
.Ltmp1:
0xc6: {  	v14 =	vadd.f32 v22, v14;
	v11 =	vadd.f32 v23, v11;
	v27 =	vld [tilespmem:s23+$0xAD20];
	(pc) =	sbr.rel @p2 .LBB2_5-.Ltmp1, $4  }
0xc7: {  	v18 =	vadd.f32 v34, v18;
	v17 =	vadd.f32 v35, v17;
	v28 =	vld [tilespmem:s23+$0xAD30]  }
0xc8: {  	v15 =	vadd.f32 v36, v15;
	v9 =	vadd.f32 v37, v9;
	v22 =	vld [tilespmem:s23+$0xAD40]  }
0xc9: {  	v18 =	vadd.f32 v25, v18;
	v17 =	vadd.f32 v29, v17;
	v23 =	vld [tilespmem:s23+$0xAD50]  }
0xca: {  	s24 =	sadd.s32 $0x400, s24;
	v15 =	vadd.f32 v30, v15;
	v9 =	vadd.f32 v31, v9;
	v25 =	vld [tilespmem:s23+$0xAD60]  }
0xcb: {  	v29 =	vld [tilespmem:s23+$0xAD70]  }
0xcc: {  	v30 =	vld [tilespmem:s23+$0xADE0];
	s15 =	simm.s32 @!p0 $0x8  }
0xcd: {  	v31 =	vld [tilespmem:s23+$0xADF0];
	_ =	swait.ge @!p0 [sflag:s15], $0x100  }
0xce: {  	v16 =	vmul.f32 $1.999999960e-02, v16;
	[sflag:s15] =	ssyncset.done @!p0 $0x0  }
0xcf: {  	v13 =	vmul.f32 $1.999999960e-02, v13;
	[sflag:s15] =	ssyncadd.s32 @!p0 $0xFFFFFF00  }
0xd0: {  	v14 =	vmul.f32 $1.999999960e-02, v14;
	v4 =	vadd.f32 v24, v4;
	[tilespmem:$0x19900] =	vst v16  }
0xd1: {  	v11 =	vmul.f32 $1.999999960e-02, v11;
	[tilespmem:$0x19910] =	vst v13  }
0xd2: {  	v4 =	vadd.f32 v6, v4;
	v6 =	vmul.f32 $1.999999960e-02, v15;
	[tilespmem:$0x19920] =	vst v14  }
0xd3: {  	v9 =	vmul.f32 $1.999999960e-02, v9;
	v14 =	vadd.f32 v26, v20;
	[tilespmem:$0x19930] =	vst v11  }
0xd4: {  	v11 =	vmul.f32 $1.999999960e-02, v17;
	v16 =	vadd.f32 v27, v21;
	[tilespmem:$0x19960] =	vst v6  }
0xd5: {  	v13 =	vmul.f32 $1.999999960e-02, v18;
	v6 =	vadd.f32 v23, v10;
	[tilespmem:$0x19970] =	vst v9;
	v5 =	vadd.f32 v5, v14  }
0xd6: {  	v4 =	vmul.f32 $1.999999960e-02, v4;
	[tilespmem:$0x19950] =	vst v11;
	v3 =	vadd.f32 v3, v16;
	v11 =	vadd.f32 v22, v12  }
0xd7: {  	[tilespmem:$0x19940] =	vst v13;
	v13 =	vadd.f32 v28, v19;
	v1 =	vadd.f32 v1, v6;
	v5 =	vmul.f32 $1.999999960e-02, v5  }
0xd8: {  	v8 =	vadd.f32 v25, v8;
	[tilespmem:$0x19980] =	vst v4;
	v0 =	vadd.f32 v0, v11;
	v3 =	vmul.f32 $1.999999960e-02, v3  }
0xd9: {  	v4 =	vadd.f32 v29, v7;
	v2 =	vadd.f32 v2, v13;
	v1 =	vmul.f32 $1.999999960e-02, v1;
	[tilespmem:$0x19990] =	vst v5  }
0xda: {  	v5 =	vadd.f32 v30, v8;
	[tilespmem:$0x199A0] =	vst v3;
	v0 =	vmul.f32 $1.999999960e-02, v0  }
0xdb: {  	v2 =	vmul.f32 $1.999999960e-02, v2;
	v3 =	vadd.f32 v31, v4;
	[tilespmem:$0x199D0] =	vst v1  }
0xdc: {  	s23 =	sadd.s32 $0x400, s11;
	[tilespmem:$0x199C0] =	vst v0;
	v0 =	vmul.f32 $1.999999960e-02, v5  }
0xdd: {  	s24 =	sor.u32 s12, s23;
	[tilespmem:$0x199B0] =	vst v2;
	v1 =	vmul.f32 $1.999999960e-02, v3  }
0xde: {  	s15 =	sshrl.u32 s24, $0x3;
	[tilespmem:$0x199E0] =	vst v0  }
0xdf: {  	s15 =	sadd.s32 s6, s15;
	[tilespmem:$0x199F0] =	vst v1  }
0xe0: {  	[hbm4b:s15+s5] =	stream.linear.scatter [tilespmem:s30], [sflag:$0x8], $0x100, $0x38;
	[tilespmem:$0x1A000] =	vst v63  }
0xe1: {  	s16 =	simm.s32 @!p1 $0x9400;
	s24 =	simm.s32 @!p1 $0x64;
	s15 =	sadd.s32 @!p1 $0x2000, s14  }
0xe2: {  	[tilespmem:s16], [sflag:$0x2] =	stream.indirect.gather @!p1 [hbm4b:s3+s24], $0x80, s15, s24, $0xb8;
	[tilespmem:$0x1A000] =	vst v63  }
0xe3: {  	_ =	swait.ge [sflag:s31], $0x3200  }
0xe4: {  	[sflag:s31] =	ssyncset.done $0x0  }
0xe5: {  	s24 =	simm.s32 $0x0;
	[sflag:s31] =	ssyncadd.s32 $0xFFFFCE00  }
0xe6: {  	v7 =	vld [tilespmem:s24+$0xC880]  }
0xe7: {  	v8 =	vld [tilespmem:s24+$0xC890]  }
0xe8: {  	v9 =	vld [tilespmem:s24+$0xC8A0]  }
0xe9: {  	v10 =	vld [tilespmem:s24+$0xC8B0]  }
0xea: {  	v12 =	vld [tilespmem:s24+$0xC8C0]  }
0xeb: {  	v15 =	vld [tilespmem:s24+$0xC8D0]  }
0xec: {  	v19 =	vld [tilespmem:s24+$0xC8E0]  }
0xed: {  	v20 =	vld [tilespmem:s24+$0xC8F0]  }
0xee: {  	v6 =	vld [tilespmem:s24+$0xE180]  }
0xef: {  	v5 =	vld [tilespmem:s24+$0xE190]  }
0xf0: {  	v3 =	vld [tilespmem:s24+$0xE1A0]  }
0xf1: {  	v2 =	vld [tilespmem:s24+$0xE1B0]  }
0xf2: {  	v0 =	vld [tilespmem:s24+$0xC800]  }
0xf3: {  	v1 =	vld [tilespmem:s24+$0xC810]  }
0xf4: {  	v11 =	vld [tilespmem:s24+$0xC820]  }
0xf5: {  	v13 =	vld [tilespmem:s24+$0xC830]  }
0xf6: {  	v17 =	vld [tilespmem:s24+$0xC840]  }
0xf7: {  	v18 =	vld [tilespmem:s24+$0xC850]  }
0xf8: {  	v4 =	vimm.f32 $0.0e+00;
	v21 =	vld [tilespmem:s24+$0xC860]  }
0xf9: {  	v23 =	vld [tilespmem:s24+$0xC870];
	v14 =	vadd.f32 v0, v4;
	v22 =	vadd.f32 v1, v4  }
0xfa: {  	v24 =	vld [tilespmem:s24+$0xE100];
	v11 =	vadd.f32 v11, v4;
	v25 =	vadd.f32 v13, v4  }
0xfb: {  	v26 =	vld [tilespmem:s24+$0xE110];
	v16 =	vadd.f32 v7, v14;
	v13 =	vadd.f32 v8, v22  }
0xfc: {  	v27 =	vld [tilespmem:s24+$0xE120];
	v14 =	vadd.f32 v9, v11;
	v11 =	vadd.f32 v10, v25  }
0xfd: {  	v28 =	vld [tilespmem:s24+$0xE130];
	v7 =	vadd.f32 v17, v4;
	v8 =	vadd.f32 v18, v4  }
0xfe: {  	v0 =	vld [tilespmem:s24+$0xE1C0];
	v9 =	vadd.f32 v21, v4;
	v10 =	vadd.f32 v23, v4  }
0xff: {  	v1 =	vld [tilespmem:s24+$0xE1D0];
	v18 =	vadd.f32 v12, v7;
	v17 =	vadd.f32 v15, v8  }
0x100: {  	v22 =	vld [tilespmem:s24+$0xE140];
	v21 =	vimm.f32 $0.0e+00;
	v15 =	vadd.f32 v19, v9;
	v9 =	vadd.f32 v20, v10  }
0x101: {  	v23 =	vld [tilespmem:s24+$0xE150];
	v20 =	vimm.f32 $0.0e+00;
	v19 =	vimm.f32 $0.0e+00;
	v12 =	vimm.f32 $0.0e+00  }
0x102: {  	s15 =	simm.s32 $0x400;
	v25 =	vld [tilespmem:s24+$0xE160];
	v10 =	vimm.f32 $0.0e+00;
	v8 =	vimm.f32 $0.0e+00;
	v7 =	vimm.f32 $0.0e+00  }
.LBB2_7:
0x103: {  	p2 =	sne.s32 s15, $0x6000;
	v4 =	vadd.f32 v24, v4;
	v20 =	vadd.f32 v26, v20;
	v24 =	vld [tilespmem:s24+$0xE170]  }
0x104: {  	v21 =	vadd.f32 v27, v21;
	v19 =	vadd.f32 v28, v19;
	v26 =	vld [tilespmem:s24+$0xE1E0]  }
0x105: {  	v4 =	vadd.f32 v6, v4;
	v20 =	vadd.f32 v5, v20;
	v5 =	vld [tilespmem:s24+$0xE1F0];
	s24 =	sshra.s32 s15, $0x2  }
0x106: {  	v21 =	vadd.f32 v3, v21;
	v27 =	vld [tilespmem:s24+$0xC880];
	v19 =	vadd.f32 v2, v19  }
0x107: {  	v2 =	vadd.f32 v22, v12;
	v3 =	vadd.f32 v23, v10;
	v28 =	vld [tilespmem:s24+$0xC890]  }
0x108: {  	v6 =	vadd.f32 v25, v8;
	v22 =	vld [tilespmem:s24+$0xC8A0];
	v7 =	vadd.f32 v24, v7  }
0x109: {  	v12 =	vadd.f32 v0, v2;
	v10 =	vadd.f32 v1, v3;
	v23 =	vld [tilespmem:s24+$0xC8B0]  }
0x10a: {  	v8 =	vadd.f32 v26, v6;
	v25 =	vld [tilespmem:s24+$0xC8C0];
	v7 =	vadd.f32 v5, v7  }
0x10b: {  	v29 =	vld [tilespmem:s24+$0xC8D0]  }
0x10c: {  	v30 =	vld [tilespmem:s24+$0xC8E0]  }
0x10d: {  	v31 =	vld [tilespmem:s24+$0xC8F0]  }
0x10e: {  	v6 =	vld [tilespmem:s24+$0xE180]  }
0x10f: {  	v5 =	vld [tilespmem:s24+$0xE190]  }
0x110: {  	v3 =	vld [tilespmem:s24+$0xE1A0]  }
0x111: {  	v2 =	vld [tilespmem:s24+$0xE1B0]  }
0x112: {  	v0 =	vld [tilespmem:s24+$0xE1C0]  }
0x113: {  	v1 =	vld [tilespmem:s24+$0xE1D0]  }
0x114: {  	v24 =	vld [tilespmem:s24+$0xC800]  }
0x115: {  	v26 =	vld [tilespmem:s24+$0xC810]  }
0x116: {  	v32 =	vld [tilespmem:s24+$0xC820]  }
0x117: {  	v33 =	vld [tilespmem:s24+$0xC830]  }
0x118: {  	v34 =	vld [tilespmem:s24+$0xC840]  }
0x119: {  	v35 =	vld [tilespmem:s24+$0xC850]  }
0x11a: {  	v36 =	vld [tilespmem:s24+$0xC860]  }
0x11b: {  	v16 =	vadd.f32 v24, v16;
	v13 =	vadd.f32 v26, v13;
	v37 =	vld [tilespmem:s24+$0xC870]  }
0x11c: {  	v14 =	vadd.f32 v32, v14;
	v11 =	vadd.f32 v33, v11;
	v24 =	vld [tilespmem:s24+$0xE100]  }
0x11d: {  	v16 =	vadd.f32 v27, v16;
	v13 =	vadd.f32 v28, v13;
	v26 =	vld [tilespmem:s24+$0xE110]  }
.Ltmp2:
0x11e: {  	v14 =	vadd.f32 v22, v14;
	v11 =	vadd.f32 v23, v11;
	v27 =	vld [tilespmem:s24+$0xE120];
	(pc) =	sbr.rel @p2 .LBB2_7-.Ltmp2, $4  }
0x11f: {  	v18 =	vadd.f32 v34, v18;
	v17 =	vadd.f32 v35, v17;
	v28 =	vld [tilespmem:s24+$0xE130]  }
0x120: {  	v15 =	vadd.f32 v36, v15;
	v9 =	vadd.f32 v37, v9;
	v22 =	vld [tilespmem:s24+$0xE140]  }
0x121: {  	v18 =	vadd.f32 v25, v18;
	v17 =	vadd.f32 v29, v17;
	v23 =	vld [tilespmem:s24+$0xE150]  }
0x122: {  	s15 =	sadd.s32 $0x400, s15;
	v15 =	vadd.f32 v30, v15;
	v9 =	vadd.f32 v31, v9;
	v25 =	vld [tilespmem:s24+$0xE160]  }
0x123: {  	v29 =	vld [tilespmem:s24+$0xE170]  }
0x124: {  	v30 =	vld [tilespmem:s24+$0xE1E0];
	s15 =	simm.s32 @!p0 $0x9  }
0x125: {  	v31 =	vld [tilespmem:s24+$0xE1F0];
	_ =	swait.ge @!p0 [sflag:s15], $0x100  }
0x126: {  	v16 =	vmul.f32 $1.999999960e-02, v16;
	[sflag:s15] =	ssyncset.done @!p0 $0x0  }
0x127: {  	v13 =	vmul.f32 $1.999999960e-02, v13;
	[sflag:s15] =	ssyncadd.s32 @!p0 $0xFFFFFF00  }
0x128: {  	v14 =	vmul.f32 $1.999999960e-02, v14;
	v4 =	vadd.f32 v24, v4;
	[tilespmem:$0x19A00] =	vst v16  }
0x129: {  	v11 =	vmul.f32 $1.999999960e-02, v11;
	[tilespmem:$0x19A10] =	vst v13  }
0x12a: {  	v4 =	vadd.f32 v6, v4;
	v6 =	vmul.f32 $1.999999960e-02, v15;
	[tilespmem:$0x19A20] =	vst v14  }
0x12b: {  	v9 =	vmul.f32 $1.999999960e-02, v9;
	v14 =	vadd.f32 v26, v20;
	[tilespmem:$0x19A30] =	vst v11  }
0x12c: {  	v11 =	vmul.f32 $1.999999960e-02, v17;
	v16 =	vadd.f32 v27, v21;
	[tilespmem:$0x19A60] =	vst v6  }
0x12d: {  	v13 =	vmul.f32 $1.999999960e-02, v18;
	v6 =	vadd.f32 v23, v10;
	[tilespmem:$0x19A70] =	vst v9;
	v5 =	vadd.f32 v5, v14  }
0x12e: {  	v4 =	vmul.f32 $1.999999960e-02, v4;
	[tilespmem:$0x19A50] =	vst v11;
	v3 =	vadd.f32 v3, v16;
	v11 =	vadd.f32 v22, v12  }
0x12f: {  	[tilespmem:$0x19A40] =	vst v13;
	v13 =	vadd.f32 v28, v19;
	v1 =	vadd.f32 v1, v6;
	v5 =	vmul.f32 $1.999999960e-02, v5  }
0x130: {  	v8 =	vadd.f32 v25, v8;
	[tilespmem:$0x19A80] =	vst v4;
	v0 =	vadd.f32 v0, v11;
	v3 =	vmul.f32 $1.999999960e-02, v3  }
0x131: {  	v4 =	vadd.f32 v29, v7;
	v2 =	vadd.f32 v2, v13;
	v1 =	vmul.f32 $1.999999960e-02, v1;
	[tilespmem:$0x19A90] =	vst v5  }
0x132: {  	v5 =	vadd.f32 v30, v8;
	[tilespmem:$0x19AA0] =	vst v3;
	v0 =	vmul.f32 $1.999999960e-02, v0  }
0x133: {  	v2 =	vmul.f32 $1.999999960e-02, v2;
	v3 =	vadd.f32 v31, v4;
	[tilespmem:$0x19AD0] =	vst v1  }
0x134: {  	s24 =	sadd.s32 $0x800, s11;
	[tilespmem:$0x19AC0] =	vst v0;
	v0 =	vmul.f32 $1.999999960e-02, v5  }
0x135: {  	s12 =	sor.u32 s12, s24;
	[tilespmem:$0x19AB0] =	vst v2;
	v1 =	vmul.f32 $1.999999960e-02, v3  }
0x136: {  	s12 =	sshrl.u32 s12, $0x3;
	[tilespmem:$0x19AE0] =	vst v0  }
0x137: {  	s12 =	sadd.s32 s6, s12;
	[tilespmem:$0x19AF0] =	vst v1  }
0x138: {  	[hbm4b:s12+s5] =	stream.linear.scatter [tilespmem:s0], [sflag:$0x9], $0x100, $0x38;
	[tilespmem:$0x1A000] =	vst v63  }
0x139: {  	s15 =	simm.s32 @!p1 $0xC800;
	s12 =	sadd.s32 @!p1 $0x4000, s14;
	s14 =	simm.s32 @!p1 $0x64  }
0x13a: {  	[tilespmem:s15], [sflag:$0x3] =	stream.indirect.gather @!p1 [hbm4b:s4+s14], $0x80, s12, s14, $0xb8;
	[tilespmem:$0x1A000] =	vst v63  }
0x13b: {  	_ =	swait.ge [sflag:s2], $0x3200  }
0x13c: {  	[sflag:s2] =	ssyncset.done $0x0  }
0x13d: {  	s12 =	simm.s32 $0x0;
	[sflag:s2] =	ssyncadd.s32 $0xFFFFCE00  }
0x13e: {  	v7 =	vld [tilespmem:s12+$0xFC80]  }
0x13f: {  	v8 =	vld [tilespmem:s12+$0xFC90]  }
0x140: {  	v9 =	vld [tilespmem:s12+$0xFCA0]  }
0x141: {  	v10 =	vld [tilespmem:s12+$0xFCB0]  }
0x142: {  	v12 =	vld [tilespmem:s12+$0xFCC0]  }
0x143: {  	v15 =	vld [tilespmem:s12+$0xFCD0]  }
0x144: {  	v19 =	vld [tilespmem:s12+$0xFCE0]  }
0x145: {  	v20 =	vld [tilespmem:s12+$0xFCF0]  }
0x146: {  	v6 =	vld [tilespmem:s12+$0x11580]  }
0x147: {  	v5 =	vld [tilespmem:s12+$0x11590]  }
0x148: {  	v3 =	vld [tilespmem:s12+$0x115A0]  }
0x149: {  	v2 =	vld [tilespmem:s12+$0x115B0]  }
0x14a: {  	v0 =	vld [tilespmem:s12+$0xFC00]  }
0x14b: {  	v1 =	vld [tilespmem:s12+$0xFC10]  }
0x14c: {  	v11 =	vld [tilespmem:s12+$0xFC20]  }
0x14d: {  	v13 =	vld [tilespmem:s12+$0xFC30]  }
0x14e: {  	v17 =	vld [tilespmem:s12+$0xFC40]  }
0x14f: {  	v18 =	vld [tilespmem:s12+$0xFC50]  }
0x150: {  	v4 =	vimm.f32 $0.0e+00;
	v21 =	vld [tilespmem:s12+$0xFC60]  }
0x151: {  	v23 =	vld [tilespmem:s12+$0xFC70];
	v14 =	vadd.f32 v0, v4;
	v22 =	vadd.f32 v1, v4  }
0x152: {  	v24 =	vld [tilespmem:s12+$0x11500];
	v11 =	vadd.f32 v11, v4;
	v25 =	vadd.f32 v13, v4  }
0x153: {  	v26 =	vld [tilespmem:s12+$0x11510];
	v16 =	vadd.f32 v7, v14;
	v13 =	vadd.f32 v8, v22  }
0x154: {  	v27 =	vld [tilespmem:s12+$0x11520];
	v14 =	vadd.f32 v9, v11;
	v11 =	vadd.f32 v10, v25  }
0x155: {  	v28 =	vld [tilespmem:s12+$0x11530];
	v7 =	vadd.f32 v17, v4;
	v8 =	vadd.f32 v18, v4  }
0x156: {  	v0 =	vld [tilespmem:s12+$0x115C0];
	v9 =	vadd.f32 v21, v4;
	v10 =	vadd.f32 v23, v4  }
0x157: {  	v1 =	vld [tilespmem:s12+$0x115D0];
	v18 =	vadd.f32 v12, v7;
	v17 =	vadd.f32 v15, v8  }
0x158: {  	v22 =	vld [tilespmem:s12+$0x11540];
	v21 =	vimm.f32 $0.0e+00;
	v15 =	vadd.f32 v19, v9;
	v9 =	vadd.f32 v20, v10  }
0x159: {  	v23 =	vld [tilespmem:s12+$0x11550];
	v20 =	vimm.f32 $0.0e+00;
	v19 =	vimm.f32 $0.0e+00;
	v12 =	vimm.f32 $0.0e+00  }
0x15a: {  	s14 =	simm.s32 $0x400;
	v25 =	vld [tilespmem:s12+$0x11560];
	v10 =	vimm.f32 $0.0e+00;
	v8 =	vimm.f32 $0.0e+00;
	v7 =	vimm.f32 $0.0e+00  }
.LBB2_9:
0x15b: {  	p2 =	sne.s32 s14, $0x6000;
	v4 =	vadd.f32 v24, v4;
	v20 =	vadd.f32 v26, v20;
	v24 =	vld [tilespmem:s12+$0x11570]  }
0x15c: {  	v21 =	vadd.f32 v27, v21;
	v19 =	vadd.f32 v28, v19;
	v26 =	vld [tilespmem:s12+$0x115E0]  }
0x15d: {  	v4 =	vadd.f32 v6, v4;
	v20 =	vadd.f32 v5, v20;
	v5 =	vld [tilespmem:s12+$0x115F0];
	s12 =	sshra.s32 s14, $0x2  }
0x15e: {  	v21 =	vadd.f32 v3, v21;
	v27 =	vld [tilespmem:s12+$0xFC80];
	v19 =	vadd.f32 v2, v19  }
0x15f: {  	v2 =	vadd.f32 v22, v12;
	v3 =	vadd.f32 v23, v10;
	v28 =	vld [tilespmem:s12+$0xFC90]  }
0x160: {  	v6 =	vadd.f32 v25, v8;
	v22 =	vld [tilespmem:s12+$0xFCA0];
	v7 =	vadd.f32 v24, v7  }
0x161: {  	v12 =	vadd.f32 v0, v2;
	v10 =	vadd.f32 v1, v3;
	v23 =	vld [tilespmem:s12+$0xFCB0]  }
0x162: {  	v8 =	vadd.f32 v26, v6;
	v25 =	vld [tilespmem:s12+$0xFCC0];
	v7 =	vadd.f32 v5, v7  }
0x163: {  	v29 =	vld [tilespmem:s12+$0xFCD0]  }
0x164: {  	v30 =	vld [tilespmem:s12+$0xFCE0]  }
0x165: {  	v31 =	vld [tilespmem:s12+$0xFCF0]  }
0x166: {  	v6 =	vld [tilespmem:s12+$0x11580]  }
0x167: {  	v5 =	vld [tilespmem:s12+$0x11590]  }
0x168: {  	v3 =	vld [tilespmem:s12+$0x115A0]  }
0x169: {  	v2 =	vld [tilespmem:s12+$0x115B0]  }
0x16a: {  	v0 =	vld [tilespmem:s12+$0x115C0]  }
0x16b: {  	v1 =	vld [tilespmem:s12+$0x115D0]  }
0x16c: {  	v24 =	vld [tilespmem:s12+$0xFC00]  }
0x16d: {  	v26 =	vld [tilespmem:s12+$0xFC10]  }
0x16e: {  	v32 =	vld [tilespmem:s12+$0xFC20]  }
0x16f: {  	v33 =	vld [tilespmem:s12+$0xFC30]  }
0x170: {  	v34 =	vld [tilespmem:s12+$0xFC40]  }
0x171: {  	v35 =	vld [tilespmem:s12+$0xFC50]  }
0x172: {  	v36 =	vld [tilespmem:s12+$0xFC60]  }
0x173: {  	v16 =	vadd.f32 v24, v16;
	v13 =	vadd.f32 v26, v13;
	v37 =	vld [tilespmem:s12+$0xFC70]  }
0x174: {  	v14 =	vadd.f32 v32, v14;
	v11 =	vadd.f32 v33, v11;
	v24 =	vld [tilespmem:s12+$0x11500]  }
0x175: {  	v16 =	vadd.f32 v27, v16;
	v13 =	vadd.f32 v28, v13;
	v26 =	vld [tilespmem:s12+$0x11510]  }
.Ltmp3:
0x176: {  	v14 =	vadd.f32 v22, v14;
	v11 =	vadd.f32 v23, v11;
	v27 =	vld [tilespmem:s12+$0x11520];
	(pc) =	sbr.rel @p2 .LBB2_9-.Ltmp3, $4  }
0x177: {  	v18 =	vadd.f32 v34, v18;
	v17 =	vadd.f32 v35, v17;
	v28 =	vld [tilespmem:s12+$0x11530]  }
0x178: {  	v15 =	vadd.f32 v36, v15;
	v9 =	vadd.f32 v37, v9;
	v22 =	vld [tilespmem:s12+$0x11540]  }
0x179: {  	v18 =	vadd.f32 v25, v18;
	v17 =	vadd.f32 v29, v17;
	v23 =	vld [tilespmem:s12+$0x11550]  }
0x17a: {  	s14 =	sadd.s32 $0x400, s14;
	v15 =	vadd.f32 v30, v15;
	v9 =	vadd.f32 v31, v9;
	v25 =	vld [tilespmem:s12+$0x11560]  }
0x17b: {  	v29 =	vld [tilespmem:s12+$0x11570]  }
0x17c: {  	v30 =	vld [tilespmem:s12+$0x115E0]  }
0x17d: {  	v31 =	vld [tilespmem:s12+$0x115F0];
	s12 =	simm.s32 @!p0 $0xA  }
0x17e: {  	_ =	swait.ge @!p0 [sflag:s12], $0x100  }
0x17f: {  	v16 =	vmul.f32 $1.999999960e-02, v16;
	[sflag:s12] =	ssyncset.done @!p0 $0x0  }
0x180: {  	v13 =	vmul.f32 $1.999999960e-02, v13;
	[sflag:s12] =	ssyncadd.s32 @!p0 $0xFFFFFF00  }
0x181: {  	v14 =	vmul.f32 $1.999999960e-02, v14;
	v4 =	vadd.f32 v24, v4;
	[tilespmem:$0x19B00] =	vst v16  }
0x182: {  	v11 =	vmul.f32 $1.999999960e-02, v11;
	[tilespmem:$0x19B10] =	vst v13  }
0x183: {  	v4 =	vadd.f32 v6, v4;
	v6 =	vmul.f32 $1.999999960e-02, v15;
	[tilespmem:$0x19B20] =	vst v14  }
0x184: {  	v9 =	vmul.f32 $1.999999960e-02, v9;
	v14 =	vadd.f32 v26, v20;
	[tilespmem:$0x19B30] =	vst v11  }
0x185: {  	v11 =	vmul.f32 $1.999999960e-02, v17;
	v16 =	vadd.f32 v27, v21;
	[tilespmem:$0x19B60] =	vst v6  }
0x186: {  	v13 =	vmul.f32 $1.999999960e-02, v18;
	v6 =	vadd.f32 v23, v10;
	[tilespmem:$0x19B70] =	vst v9;
	v5 =	vadd.f32 v5, v14  }
0x187: {  	v4 =	vmul.f32 $1.999999960e-02, v4;
	[tilespmem:$0x19B50] =	vst v11;
	v3 =	vadd.f32 v3, v16;
	v11 =	vadd.f32 v22, v12  }
0x188: {  	[tilespmem:$0x19B40] =	vst v13;
	v13 =	vadd.f32 v28, v19;
	v1 =	vadd.f32 v1, v6;
	v5 =	vmul.f32 $1.999999960e-02, v5  }
0x189: {  	v8 =	vadd.f32 v25, v8;
	[tilespmem:$0x19B80] =	vst v4;
	v0 =	vadd.f32 v0, v11;
	v3 =	vmul.f32 $1.999999960e-02, v3  }
0x18a: {  	v4 =	vadd.f32 v29, v7;
	v2 =	vadd.f32 v2, v13;
	v1 =	vmul.f32 $1.999999960e-02, v1;
	[tilespmem:$0x19B90] =	vst v5  }
0x18b: {  	v5 =	vadd.f32 v30, v8;
	[tilespmem:$0x19BA0] =	vst v3;
	v0 =	vmul.f32 $1.999999960e-02, v0  }
0x18c: {  	s9 =	sshll.u32 s9, $0x8;
	v2 =	vmul.f32 $1.999999960e-02, v2;
	v3 =	vadd.f32 v31, v4;
	[tilespmem:$0x19BD0] =	vst v1  }
0x18d: {  	s9 =	sand.u32 $0x300, s9;
	[tilespmem:$0x19BC0] =	vst v0;
	v0 =	vmul.f32 $1.999999960e-02, v5  }
0x18e: {  	s11 =	sor.u32 s9, s11;
	[tilespmem:$0x19BB0] =	vst v2;
	v1 =	vmul.f32 $1.999999960e-02, v3  }
0x18f: {  	s10 =	sadd.s32 $0x3, s10;
	s11 =	sshrl.u32 s11, $0x3;
	[tilespmem:$0x19BE0] =	vst v0  }
0x190: {  	s10 =	sshll.u32 @!p1 s10, $0x7;
	s11 =	sadd.s32 s6, s11;
	[tilespmem:$0x19BF0] =	vst v1  }
0x191: {  	[hbm4b:s11+s5] =	stream.linear.scatter [tilespmem:s18], [sflag:$0xA], $0x100, $0x38;
	[tilespmem:$0x1A000] =	vst v63  }
0x192: {  	s10 =	sand.u32 @!p1 $0x3FFFFF80, s10;
	s12 =	simm.s32 @!p1 $0xFC00;
	s11 =	simm.s32 @!p1 $0x64  }
0x193: {  	[tilespmem:s12], [sflag:$0x4] =	stream.indirect.gather @!p1 [hbm4b:s1+s11], $0x80, s10, s11, $0xb8;
	[tilespmem:$0x1A000] =	vst v63  }
0x194: {  	_ =	swait.ge [sflag:s19], $0x3200  }
0x195: {  	[sflag:s19] =	ssyncset.done $0x0  }
0x196: {  	s11 =	simm.s32 $0x0;
	[sflag:s19] =	ssyncadd.s32 $0xFFFFCE00  }
0x197: {  	v7 =	vld [tilespmem:s11+$0x13080]  }
0x198: {  	v8 =	vld [tilespmem:s11+$0x13090]  }
0x199: {  	v9 =	vld [tilespmem:s11+$0x130A0]  }
0x19a: {  	v10 =	vld [tilespmem:s11+$0x130B0]  }
0x19b: {  	v12 =	vld [tilespmem:s11+$0x130C0]  }
0x19c: {  	v15 =	vld [tilespmem:s11+$0x130D0]  }
0x19d: {  	v19 =	vld [tilespmem:s11+$0x130E0]  }
0x19e: {  	v20 =	vld [tilespmem:s11+$0x130F0]  }
0x19f: {  	v6 =	vld [tilespmem:s11+$0x14980]  }
0x1a0: {  	v5 =	vld [tilespmem:s11+$0x14990]  }
0x1a1: {  	v3 =	vld [tilespmem:s11+$0x149A0]  }
0x1a2: {  	v2 =	vld [tilespmem:s11+$0x149B0]  }
0x1a3: {  	v0 =	vld [tilespmem:s11+$0x13000]  }
0x1a4: {  	v1 =	vld [tilespmem:s11+$0x13010]  }
0x1a5: {  	v11 =	vld [tilespmem:s11+$0x13020]  }
0x1a6: {  	v13 =	vld [tilespmem:s11+$0x13030]  }
0x1a7: {  	v17 =	vld [tilespmem:s11+$0x13040]  }
0x1a8: {  	v18 =	vld [tilespmem:s11+$0x13050]  }
0x1a9: {  	v4 =	vimm.f32 $0.0e+00;
	v21 =	vld [tilespmem:s11+$0x13060]  }
0x1aa: {  	v23 =	vld [tilespmem:s11+$0x13070];
	v14 =	vadd.f32 v0, v4;
	v22 =	vadd.f32 v1, v4  }
0x1ab: {  	v24 =	vld [tilespmem:s11+$0x14900];
	v11 =	vadd.f32 v11, v4;
	v25 =	vadd.f32 v13, v4  }
0x1ac: {  	v26 =	vld [tilespmem:s11+$0x14910];
	v16 =	vadd.f32 v7, v14;
	v13 =	vadd.f32 v8, v22  }
0x1ad: {  	v27 =	vld [tilespmem:s11+$0x14920];
	v14 =	vadd.f32 v9, v11;
	v11 =	vadd.f32 v10, v25  }
0x1ae: {  	v28 =	vld [tilespmem:s11+$0x14930];
	v7 =	vadd.f32 v17, v4;
	v8 =	vadd.f32 v18, v4  }
0x1af: {  	v0 =	vld [tilespmem:s11+$0x149C0];
	v9 =	vadd.f32 v21, v4;
	v10 =	vadd.f32 v23, v4  }
0x1b0: {  	v1 =	vld [tilespmem:s11+$0x149D0];
	v18 =	vadd.f32 v12, v7;
	v17 =	vadd.f32 v15, v8  }
0x1b1: {  	v22 =	vld [tilespmem:s11+$0x14940];
	v21 =	vimm.f32 $0.0e+00;
	v15 =	vadd.f32 v19, v9;
	v9 =	vadd.f32 v20, v10  }
0x1b2: {  	v23 =	vld [tilespmem:s11+$0x14950];
	v20 =	vimm.f32 $0.0e+00;
	v19 =	vimm.f32 $0.0e+00;
	v12 =	vimm.f32 $0.0e+00  }
0x1b3: {  	s12 =	simm.s32 $0x400;
	v25 =	vld [tilespmem:s11+$0x14960];
	v10 =	vimm.f32 $0.0e+00;
	v8 =	vimm.f32 $0.0e+00;
	v7 =	vimm.f32 $0.0e+00  }
.LBB2_11:
0x1b4: {  	p2 =	sne.s32 s12, $0x6000;
	v4 =	vadd.f32 v24, v4;
	v20 =	vadd.f32 v26, v20;
	v24 =	vld [tilespmem:s11+$0x14970]  }
0x1b5: {  	v21 =	vadd.f32 v27, v21;
	v19 =	vadd.f32 v28, v19;
	v26 =	vld [tilespmem:s11+$0x149E0]  }
0x1b6: {  	v4 =	vadd.f32 v6, v4;
	v20 =	vadd.f32 v5, v20;
	v5 =	vld [tilespmem:s11+$0x149F0];
	s11 =	sshra.s32 s12, $0x2  }
0x1b7: {  	v21 =	vadd.f32 v3, v21;
	v27 =	vld [tilespmem:s11+$0x13080];
	v19 =	vadd.f32 v2, v19  }
0x1b8: {  	v2 =	vadd.f32 v22, v12;
	v3 =	vadd.f32 v23, v10;
	v28 =	vld [tilespmem:s11+$0x13090]  }
0x1b9: {  	v6 =	vadd.f32 v25, v8;
	v22 =	vld [tilespmem:s11+$0x130A0];
	v7 =	vadd.f32 v24, v7  }
0x1ba: {  	v12 =	vadd.f32 v0, v2;
	v10 =	vadd.f32 v1, v3;
	v23 =	vld [tilespmem:s11+$0x130B0]  }
0x1bb: {  	v8 =	vadd.f32 v26, v6;
	v25 =	vld [tilespmem:s11+$0x130C0];
	v7 =	vadd.f32 v5, v7  }
0x1bc: {  	v29 =	vld [tilespmem:s11+$0x130D0]  }
0x1bd: {  	v30 =	vld [tilespmem:s11+$0x130E0]  }
0x1be: {  	v31 =	vld [tilespmem:s11+$0x130F0]  }
0x1bf: {  	v6 =	vld [tilespmem:s11+$0x14980]  }
0x1c0: {  	v5 =	vld [tilespmem:s11+$0x14990]  }
0x1c1: {  	v3 =	vld [tilespmem:s11+$0x149A0]  }
0x1c2: {  	v2 =	vld [tilespmem:s11+$0x149B0]  }
0x1c3: {  	v0 =	vld [tilespmem:s11+$0x149C0]  }
0x1c4: {  	v1 =	vld [tilespmem:s11+$0x149D0]  }
0x1c5: {  	v24 =	vld [tilespmem:s11+$0x13000]  }
0x1c6: {  	v26 =	vld [tilespmem:s11+$0x13010]  }
0x1c7: {  	v32 =	vld [tilespmem:s11+$0x13020]  }
0x1c8: {  	v33 =	vld [tilespmem:s11+$0x13030]  }
0x1c9: {  	v34 =	vld [tilespmem:s11+$0x13040]  }
0x1ca: {  	v35 =	vld [tilespmem:s11+$0x13050]  }
0x1cb: {  	v36 =	vld [tilespmem:s11+$0x13060]  }
0x1cc: {  	v16 =	vadd.f32 v24, v16;
	v13 =	vadd.f32 v26, v13;
	v37 =	vld [tilespmem:s11+$0x13070]  }
0x1cd: {  	v14 =	vadd.f32 v32, v14;
	v11 =	vadd.f32 v33, v11;
	v24 =	vld [tilespmem:s11+$0x14900]  }
0x1ce: {  	v16 =	vadd.f32 v27, v16;
	v13 =	vadd.f32 v28, v13;
	v26 =	vld [tilespmem:s11+$0x14910]  }
.Ltmp4:
0x1cf: {  	v14 =	vadd.f32 v22, v14;
	v11 =	vadd.f32 v23, v11;
	v27 =	vld [tilespmem:s11+$0x14920];
	(pc) =	sbr.rel @p2 .LBB2_11-.Ltmp4, $4  }
0x1d0: {  	v18 =	vadd.f32 v34, v18;
	v17 =	vadd.f32 v35, v17;
	v28 =	vld [tilespmem:s11+$0x14930]  }
0x1d1: {  	v15 =	vadd.f32 v36, v15;
	v9 =	vadd.f32 v37, v9;
	v22 =	vld [tilespmem:s11+$0x14940]  }
0x1d2: {  	v18 =	vadd.f32 v25, v18;
	v17 =	vadd.f32 v29, v17;
	v23 =	vld [tilespmem:s11+$0x14950]  }
0x1d3: {  	s12 =	sadd.s32 $0x400, s12;
	v15 =	vadd.f32 v30, v15;
	v9 =	vadd.f32 v31, v9;
	v25 =	vld [tilespmem:s11+$0x14960]  }
0x1d4: {  	v29 =	vld [tilespmem:s11+$0x14970]  }
0x1d5: {  	v30 =	vld [tilespmem:s11+$0x149E0]  }
0x1d6: {  	v31 =	vld [tilespmem:s11+$0x149F0];
	s11 =	simm.s32 @!p0 $0xB  }
0x1d7: {  	_ =	swait.ge @!p0 [sflag:s11], $0x100  }
0x1d8: {  	v16 =	vmul.f32 $1.999999960e-02, v16;
	[sflag:s11] =	ssyncset.done @!p0 $0x0  }
0x1d9: {  	v13 =	vmul.f32 $1.999999960e-02, v13;
	[sflag:s11] =	ssyncadd.s32 @!p0 $0xFFFFFF00  }
0x1da: {  	v14 =	vmul.f32 $1.999999960e-02, v14;
	v4 =	vadd.f32 v24, v4;
	[tilespmem:$0x19C00] =	vst v16  }
0x1db: {  	v11 =	vmul.f32 $1.999999960e-02, v11;
	[tilespmem:$0x19C10] =	vst v13  }
0x1dc: {  	v4 =	vadd.f32 v6, v4;
	v6 =	vmul.f32 $1.999999960e-02, v15;
	[tilespmem:$0x19C20] =	vst v14  }
0x1dd: {  	v9 =	vmul.f32 $1.999999960e-02, v9;
	v14 =	vadd.f32 v26, v20;
	[tilespmem:$0x19C30] =	vst v11  }
0x1de: {  	v11 =	vmul.f32 $1.999999960e-02, v17;
	v16 =	vadd.f32 v27, v21;
	[tilespmem:$0x19C60] =	vst v6  }
0x1df: {  	v13 =	vmul.f32 $1.999999960e-02, v18;
	v6 =	vadd.f32 v23, v10;
	[tilespmem:$0x19C70] =	vst v9;
	v5 =	vadd.f32 v5, v14  }
0x1e0: {  	v4 =	vmul.f32 $1.999999960e-02, v4;
	[tilespmem:$0x19C50] =	vst v11;
	v3 =	vadd.f32 v3, v16;
	v11 =	vadd.f32 v22, v12  }
0x1e1: {  	[tilespmem:$0x19C40] =	vst v13;
	v13 =	vadd.f32 v28, v19;
	v1 =	vadd.f32 v1, v6;
	v5 =	vmul.f32 $1.999999960e-02, v5  }
0x1e2: {  	v8 =	vadd.f32 v25, v8;
	[tilespmem:$0x19C80] =	vst v4;
	v0 =	vadd.f32 v0, v11;
	v3 =	vmul.f32 $1.999999960e-02, v3  }
0x1e3: {  	v4 =	vadd.f32 v29, v7;
	v2 =	vadd.f32 v2, v13;
	v1 =	vmul.f32 $1.999999960e-02, v1;
	[tilespmem:$0x19C90] =	vst v5  }
0x1e4: {  	v5 =	vadd.f32 v30, v8;
	[tilespmem:$0x19CA0] =	vst v3;
	v0 =	vmul.f32 $1.999999960e-02, v0  }
0x1e5: {  	v2 =	vmul.f32 $1.999999960e-02, v2;
	v3 =	vadd.f32 v31, v4;
	[tilespmem:$0x19CD0] =	vst v1  }
0x1e6: {  	[tilespmem:$0x19CC0] =	vst v0;
	v0 =	vmul.f32 $1.999999960e-02, v5  }
0x1e7: {  	s23 =	sor.u32 s9, s23;
	[tilespmem:$0x19CB0] =	vst v2;
	v1 =	vmul.f32 $1.999999960e-02, v3  }
0x1e8: {  	s11 =	sshrl.u32 s23, $0x3;
	[tilespmem:$0x19CE0] =	vst v0  }
0x1e9: {  	s11 =	sadd.s32 s6, s11;
	[tilespmem:$0x19CF0] =	vst v1  }
0x1ea: {  	[hbm4b:s11+s5] =	stream.linear.scatter [tilespmem:s20], [sflag:$0xB], $0x100, $0x38;
	[tilespmem:$0x1A000] =	vst v63  }
0x1eb: {  	s10 =	sadd.s32 @!p1 $0x2000, s10;
	s12 =	simm.s32 @!p1 $0x13000;
	s11 =	simm.s32 @!p1 $0x64  }
0x1ec: {  	[tilespmem:s12], [sflag:$0x5] =	stream.indirect.gather @!p1 [hbm4b:s3+s11], $0x80, s10, s11, $0xb8;
	[tilespmem:$0x1A000] =	vst v63  }
0x1ed: {  	_ =	swait.ge [sflag:s21], $0x3200  }
0x1ee: {  	[sflag:s21] =	ssyncset.done $0x0  }
0x1ef: {  	s10 =	simm.s32 $0x0;
	[sflag:s21] =	ssyncadd.s32 $0xFFFFCE00  }
0x1f0: {  	v7 =	vld [tilespmem:s10+$0x16480]  }
0x1f1: {  	v8 =	vld [tilespmem:s10+$0x16490]  }
0x1f2: {  	v9 =	vld [tilespmem:s10+$0x164A0]  }
0x1f3: {  	v10 =	vld [tilespmem:s10+$0x164B0]  }
0x1f4: {  	v12 =	vld [tilespmem:s10+$0x164C0]  }
0x1f5: {  	v15 =	vld [tilespmem:s10+$0x164D0]  }
0x1f6: {  	v19 =	vld [tilespmem:s10+$0x164E0]  }
0x1f7: {  	v20 =	vld [tilespmem:s10+$0x164F0]  }
0x1f8: {  	v6 =	vld [tilespmem:s10+$0x17D80]  }
0x1f9: {  	v5 =	vld [tilespmem:s10+$0x17D90]  }
0x1fa: {  	v3 =	vld [tilespmem:s10+$0x17DA0]  }
0x1fb: {  	v2 =	vld [tilespmem:s10+$0x17DB0]  }
0x1fc: {  	v0 =	vld [tilespmem:s10+$0x16400]  }
0x1fd: {  	v1 =	vld [tilespmem:s10+$0x16410]  }
0x1fe: {  	v11 =	vld [tilespmem:s10+$0x16420]  }
0x1ff: {  	v13 =	vld [tilespmem:s10+$0x16430]  }
0x200: {  	v17 =	vld [tilespmem:s10+$0x16440]  }
0x201: {  	v18 =	vld [tilespmem:s10+$0x16450]  }
0x202: {  	v4 =	vimm.f32 $0.0e+00;
	v21 =	vld [tilespmem:s10+$0x16460]  }
0x203: {  	v23 =	vld [tilespmem:s10+$0x16470];
	v14 =	vadd.f32 v0, v4;
	v22 =	vadd.f32 v1, v4  }
0x204: {  	v24 =	vld [tilespmem:s10+$0x17D00];
	v11 =	vadd.f32 v11, v4;
	v25 =	vadd.f32 v13, v4  }
0x205: {  	v26 =	vld [tilespmem:s10+$0x17D10];
	v16 =	vadd.f32 v7, v14;
	v13 =	vadd.f32 v8, v22  }
0x206: {  	v27 =	vld [tilespmem:s10+$0x17D20];
	v14 =	vadd.f32 v9, v11;
	v11 =	vadd.f32 v10, v25  }
0x207: {  	v28 =	vld [tilespmem:s10+$0x17D30];
	v7 =	vadd.f32 v17, v4;
	v8 =	vadd.f32 v18, v4  }
0x208: {  	v0 =	vld [tilespmem:s10+$0x17DC0];
	v9 =	vadd.f32 v21, v4;
	v10 =	vadd.f32 v23, v4  }
0x209: {  	v1 =	vld [tilespmem:s10+$0x17DD0];
	v18 =	vadd.f32 v12, v7;
	v17 =	vadd.f32 v15, v8  }
0x20a: {  	v22 =	vld [tilespmem:s10+$0x17D40];
	v21 =	vimm.f32 $0.0e+00;
	v15 =	vadd.f32 v19, v9;
	v9 =	vadd.f32 v20, v10  }
0x20b: {  	v23 =	vld [tilespmem:s10+$0x17D50];
	v20 =	vimm.f32 $0.0e+00;
	v19 =	vimm.f32 $0.0e+00;
	v12 =	vimm.f32 $0.0e+00  }
0x20c: {  	s11 =	simm.s32 $0x400;
	v25 =	vld [tilespmem:s10+$0x17D60];
	v10 =	vimm.f32 $0.0e+00;
	v8 =	vimm.f32 $0.0e+00;
	v7 =	vimm.f32 $0.0e+00  }
.LBB2_13:
0x20d: {  	p1 =	sne.s32 s11, $0x6000;
	v4 =	vadd.f32 v24, v4;
	v20 =	vadd.f32 v26, v20;
	v24 =	vld [tilespmem:s10+$0x17D70]  }
0x20e: {  	v21 =	vadd.f32 v27, v21;
	v19 =	vadd.f32 v28, v19;
	v26 =	vld [tilespmem:s10+$0x17DE0]  }
0x20f: {  	v4 =	vadd.f32 v6, v4;
	v20 =	vadd.f32 v5, v20;
	v5 =	vld [tilespmem:s10+$0x17DF0];
	s10 =	sshra.s32 s11, $0x2  }
0x210: {  	v21 =	vadd.f32 v3, v21;
	v27 =	vld [tilespmem:s10+$0x16480];
	v19 =	vadd.f32 v2, v19  }
0x211: {  	v2 =	vadd.f32 v22, v12;
	v3 =	vadd.f32 v23, v10;
	v28 =	vld [tilespmem:s10+$0x16490]  }
0x212: {  	v6 =	vadd.f32 v25, v8;
	v22 =	vld [tilespmem:s10+$0x164A0];
	v7 =	vadd.f32 v24, v7  }
0x213: {  	v12 =	vadd.f32 v0, v2;
	v10 =	vadd.f32 v1, v3;
	v23 =	vld [tilespmem:s10+$0x164B0]  }
0x214: {  	v8 =	vadd.f32 v26, v6;
	v25 =	vld [tilespmem:s10+$0x164C0];
	v7 =	vadd.f32 v5, v7  }
0x215: {  	v29 =	vld [tilespmem:s10+$0x164D0]  }
0x216: {  	v30 =	vld [tilespmem:s10+$0x164E0]  }
0x217: {  	v31 =	vld [tilespmem:s10+$0x164F0]  }
0x218: {  	v6 =	vld [tilespmem:s10+$0x17D80]  }
0x219: {  	v5 =	vld [tilespmem:s10+$0x17D90]  }
0x21a: {  	v3 =	vld [tilespmem:s10+$0x17DA0]  }
0x21b: {  	v2 =	vld [tilespmem:s10+$0x17DB0]  }
0x21c: {  	v0 =	vld [tilespmem:s10+$0x17DC0]  }
0x21d: {  	v1 =	vld [tilespmem:s10+$0x17DD0]  }
0x21e: {  	v24 =	vld [tilespmem:s10+$0x16400]  }
0x21f: {  	v26 =	vld [tilespmem:s10+$0x16410]  }
0x220: {  	v32 =	vld [tilespmem:s10+$0x16420]  }
0x221: {  	v33 =	vld [tilespmem:s10+$0x16430]  }
0x222: {  	v34 =	vld [tilespmem:s10+$0x16440]  }
0x223: {  	v35 =	vld [tilespmem:s10+$0x16450]  }
0x224: {  	v36 =	vld [tilespmem:s10+$0x16460]  }
0x225: {  	v16 =	vadd.f32 v24, v16;
	v13 =	vadd.f32 v26, v13;
	v37 =	vld [tilespmem:s10+$0x16470]  }
0x226: {  	v14 =	vadd.f32 v32, v14;
	v11 =	vadd.f32 v33, v11;
	v24 =	vld [tilespmem:s10+$0x17D00]  }
0x227: {  	v16 =	vadd.f32 v27, v16;
	v13 =	vadd.f32 v28, v13;
	v26 =	vld [tilespmem:s10+$0x17D10]  }
.Ltmp5:
0x228: {  	v14 =	vadd.f32 v22, v14;
	v11 =	vadd.f32 v23, v11;
	v27 =	vld [tilespmem:s10+$0x17D20];
	(pc) =	sbr.rel @p1 .LBB2_13-.Ltmp5, $4  }
0x229: {  	v18 =	vadd.f32 v34, v18;
	v17 =	vadd.f32 v35, v17;
	v28 =	vld [tilespmem:s10+$0x17D30]  }
0x22a: {  	v15 =	vadd.f32 v36, v15;
	v9 =	vadd.f32 v37, v9;
	v22 =	vld [tilespmem:s10+$0x17D40]  }
0x22b: {  	v18 =	vadd.f32 v25, v18;
	v17 =	vadd.f32 v29, v17;
	v23 =	vld [tilespmem:s10+$0x17D50]  }
0x22c: {  	s11 =	sadd.s32 $0x400, s11;
	v15 =	vadd.f32 v30, v15;
	v9 =	vadd.f32 v31, v9;
	v25 =	vld [tilespmem:s10+$0x17D60]  }
0x22d: {  	v29 =	vld [tilespmem:s10+$0x17D70]  }
0x22e: {  	v30 =	vld [tilespmem:s10+$0x17DE0]  }
0x22f: {  	v31 =	vld [tilespmem:s10+$0x17DF0];
	s10 =	simm.s32 @!p0 $0xC  }
0x230: {  	_ =	swait.ge @!p0 [sflag:s10], $0x100  }
0x231: {  	v16 =	vmul.f32 $1.999999960e-02, v16;
	[sflag:s10] =	ssyncset.done @!p0 $0x0  }
0x232: {  	v13 =	vmul.f32 $1.999999960e-02, v13;
	[sflag:s10] =	ssyncadd.s32 @!p0 $0xFFFFFF00  }
0x233: {  	v14 =	vmul.f32 $1.999999960e-02, v14;
	[tilespmem:$0x19D00] =	vst v16  }
0x234: {  	v11 =	vmul.f32 $1.999999960e-02, v11;
	[tilespmem:$0x19D10] =	vst v13  }
0x235: {  	v4 =	vadd.f32 v24, v4;
	v51 =	vmul.f32 $1.999999960e-02, v18;
	[tilespmem:$0x19D20] =	vst v14  }
0x236: {  	v52 =	vadd.f32 v26, v20;
	v53 =	vmul.f32 $1.999999960e-02, v17;
	[tilespmem:$0x19D30] =	vst v11  }
0x237: {  	v54 =	vadd.f32 v27, v21;
	v55 =	vmul.f32 $1.999999960e-02, v15;
	v4 =	vadd.f32 v6, v4;
	[tilespmem:$0x19D40] =	vst v51  }
0x238: {  	v56 =	vadd.f32 v28, v19;
	v9 =	vmul.f32 $1.999999960e-02, v9;
	v5 =	vadd.f32 v5, v52;
	[tilespmem:$0x19D50] =	vst v53  }
0x239: {  	v3 =	vadd.f32 v3, v54;
	v57 =	vadd.f32 v22, v12;
	[tilespmem:$0x19D60] =	vst v55;
	v4 =	vmul.f32 $1.999999960e-02, v4  }
0x23a: {  	v2 =	vadd.f32 v2, v56;
	v58 =	vadd.f32 v23, v10;
	[tilespmem:$0x19D70] =	vst v9;
	v5 =	vmul.f32 $1.999999960e-02, v5  }
0x23b: {  	v8 =	vadd.f32 v25, v8;
	v0 =	vadd.f32 v0, v57;
	v3 =	vmul.f32 $1.999999960e-02, v3;
	[tilespmem:$0x19D80] =	vst v4  }
0x23c: {  	v59 =	vadd.f32 v29, v7;
	v1 =	vadd.f32 v1, v58;
	v2 =	vmul.f32 $1.999999960e-02, v2;
	[tilespmem:$0x19D90] =	vst v5  }
0x23d: {  	s8 =	sadd.s32 $0x1, s8;
	v60 =	vadd.f32 v30, v8;
	[tilespmem:$0x19DA0] =	vst v3;
	v0 =	vmul.f32 $1.999999960e-02, v0  }
0x23e: {  	p0 =	sne.s32 s8, $0x20;
	v61 =	vadd.f32 v31, v59;
	[tilespmem:$0x19DB0] =	vst v2;
	v1 =	vmul.f32 $1.999999960e-02, v1  }
.Ltmp6:
0x23f: {  	[tilespmem:$0x19DC0] =	vst v0;
	v62 =	vmul.f32 $1.999999960e-02, v60;
	(pc) =	sbr.rel @p0 .LBB2_2-.Ltmp6, $4  }
0x240: {  	s9 =	sor.u32 s9, s24;
	[tilespmem:$0x19DD0] =	vst v1;
	v63 =	vmul.f32 $1.999999960e-02, v61  }
0x241: {  	s9 =	sshrl.u32 s9, $0x3;
	[tilespmem:$0x19DE0] =	vst v62  }
0x242: {  	s9 =	sadd.s32 s6, s9;
	[tilespmem:$0x19DF0] =	vst v63  }
0x243: {  	[hbm4b:s9+s5] =	stream.linear.scatter [tilespmem:s22], [sflag:$0xC], $0x100, $0x38;
	[tilespmem:$0x1A000] =	vst v63  }
0x244: {  	s11 =	simm.s32 $0x7  }
0x245: {  	_ =	swait.ge [sflag:s11], $0x100  }
0x246: {  	[sflag:s11] =	ssyncset.done $0x0  }
0x247: {  	s12 =	simm.s32 $0x8;
	[sflag:s11] =	ssyncadd.s32 $0xFFFFFF00  }
0x248: {  	_ =	swait.ge [sflag:s12], $0x100  }
0x249: {  	[sflag:s12] =	ssyncset.done $0x0  }
0x24a: {  	s14 =	simm.s32 $0x9;
	[sflag:s12] =	ssyncadd.s32 $0xFFFFFF00  }
0x24b: {  	_ =	swait.ge [sflag:s14], $0x100  }
0x24c: {  	[sflag:s14] =	ssyncset.done $0x0  }
0x24d: {  	s8 =	simm.s32 $0xA;
	[sflag:s14] =	ssyncadd.s32 $0xFFFFFF00  }
0x24e: {  	_ =	swait.ge [sflag:s8], $0x100  }
0x24f: {  	[sflag:s8] =	ssyncset.done $0x0  }
0x250: {  	s23 =	simm.s32 $0xB;
	[sflag:s8] =	ssyncadd.s32 $0xFFFFFF00  }
0x251: {  	_ =	swait.ge [sflag:s23], $0x100  }
0x252: {  	[sflag:s23] =	ssyncset.done $0x0  }
0x253: {  	s9 =	simm.s32 $0xC;
	[sflag:s23] =	ssyncadd.s32 $0xFFFFFF00  }
0x254: {  	_ =	swait.ge [sflag:s9], $0x100  }
0x255: {  	s13 =	sadd.s32 $0x1, s13;
	s24 =	rddreg [dreg:$0x8]  }
0x256: {  	p0 =	sne.s32 s13, s24  }
.Ltmp7:
0x257: {  	_ = 	snop;
	(pc) =	sbr.rel @p0 .LBB2_1-.Ltmp7, $3  }
0x258: {  	_ =	sdelay $0x1  }
0x259: {  	[sflag:s9] =	ssyncset.done $0x0  }
0x25a: {  	[sflag:s9] =	ssyncadd.s32 $0xFFFFFF00  }
0x25b: {  	_ =	sfence.sel $0x180000  }
0x25c: {  	[bflag:$0x0] =	sbarrier.arrive $0xFFFF  }
0x25d: {  	_ =	strace $0x90000047  }
0x25e: {  	s0 =	stileid.u32;
	[bflag:$0x2] =	sbarrier.arrive $0xFFFF  }
0x25f: {  	p0 =	sne.s32 s0, $0x0;
	s0 =	rddreg [dreg:$0x4]  }
0x260: {  	s0 =	sadd.s32 @!p0 $0x100000, s0  }
0x261: {  	[sflag:s0] =	ssyncadd.tile.s32 @!p0 $0x1;
	_ =	shalt  }
.Lfunc_end2:
_tile_overlayer_lowered:
.L_overlay_start_2:
0x262: {  	(tag) =	ssettag $0x2  }
0x263: {  	s0 =	rddreg [dreg:$0x0];
	s2 =	stileid.u32  }
0x264: {  	s1 =	rddreg [dreg:$0x1];
	p0 =	sne.s32 s2, $0x0  }
0x265: {  	s3 =	rddreg [dreg:$0x2];
	[bflag:$0x3] =	sbarrier.arrive $0xFFFF;
	s2 =	simm.s32 @!p0 $0x1C0D  }
0x266: {  	[timem:s3], [sflag:s2] =	dma.local @!p0 [hbm:s0], s1  }
0x267: {  	s0 =	simm.s32 @!p0 $0xD  }
0x268: {  	_ =	swait.ge @!p0 [sflag:s0], s1  }
0x269: {  	s1 =	ssub.s32 @!p0 $0x0, s1;
	[sflag:s0] =	ssyncset.done @!p0 $0x0  }
0x26a: {  	[sflag:s0] =	ssyncadd.s32 @!p0 s1  }
0x26b: {  	[bflag:$0x3] =	sbarrier.arrive $0xFFFF  }
0x26c: {  	_ =	shalt  }

</sc_bundles>
